<compile_context>
chip_gen: v7x
topology: tpu7x:2x2x1
jax: 0.10.2.dev20260603
libtpu: 0.0.44.dev20260713+nightly
codegen_flags: <defaults>
</compile_context>

<pallas_src>
import functools

import jax
import jax.numpy as jnp
from jax import lax
from jax.experimental import pallas as pl
from jax.experimental.pallas import tpu as pltpu
from jax.experimental.pallas import tpu_sc as plsc

N = 10000
M = 10000
NNZ = 320000
D = 128

NC = 2
NS = 16
NW = NC * NS
CH = 80
CHH = 40
B = 128
NP = 10240
DUMMY = 10000
RPW = NP // NS
CW = 16



def _seg_body(src_hbm, gidx_hbm, sidx_hbm, part, acc,
              gidx_v, sidx_v, rows0, rows1, sem0, sem1):
  c = lax.axis_index("c")
  s = lax.axis_index("s")
  wid = s * NC + c

  zero16 = jnp.zeros((16,), jnp.float32)

  def _zrow(i, _):
    for k in range(D // 16):
      rows0[i, pl.ds(k * 16, 16)] = zero16
    return 0

  lax.fori_loop(0, B, _zrow, 0, unroll=False)

  r0 = s * RPW

  def _zslice(t, _):
    pltpu.sync_copy(rows0, acc.at[pl.ds(r0 + t * B, B)])
    return 0

  lax.fori_loop(0, RPW // B, _zslice, 0, unroll=False)

  plsc.subcore_barrier()

  def _chunk(j, rows, sem):
    pltpu.make_async_copy(src_hbm.at[gidx_v.at[j]], rows, sem).wait()
    pltpu.sync_copy(rows, acc.at[sidx_v.at[j]], add=True)

    @pl.when(j + 2 < CHH)
    def _():
      pltpu.async_copy(src_hbm.at[gidx_v.at[j + 2]], rows, sem)

  def _pair(k, _):
    _chunk(2 * k, rows0, sem0)
    _chunk(2 * k + 1, rows1, sem1)
    return 0

  for h in range(CH // CHH):
    pltpu.sync_copy(gidx_hbm.at[wid, pl.ds(h * CHH, CHH)], gidx_v)
    pltpu.sync_copy(sidx_hbm.at[wid, pl.ds(h * CHH, CHH)], sidx_v)
    pltpu.async_copy(src_hbm.at[gidx_v.at[0]], rows0, sem0)
    pltpu.async_copy(src_hbm.at[gidx_v.at[1]], rows1, sem1)
    lax.fori_loop(0, CHH // 2, _pair, 0, unroll=False)

  plsc.subcore_barrier()

  def _pslice(t, _):
    sl = pl.ds(r0 + t * B, B)
    pltpu.sync_copy(acc.at[sl], part.at[c, sl])
    return 0

  lax.fori_loop(0, RPW // B, _pslice, 0, unroll=False)


def _ones_body(sidx_hbm, part, acc, sidx_v, rows0, rows1):
  c = lax.axis_index("c")
  s = lax.axis_index("s")
  wid = s * NC + c

  zero16 = jnp.zeros((16,), jnp.float32)
  one16 = jnp.full((16,), 1.0, jnp.float32)

  def _frow(i, _):
    for k in range(D // 16):
      rows0[i, pl.ds(k * 16, 16)] = zero16
      rows1[i, pl.ds(k * 16, 16)] = one16
    return 0

  lax.fori_loop(0, B, _frow, 0, unroll=False)

  r0 = s * RPW

  def _zslice(t, _):
    pltpu.sync_copy(rows0, acc.at[pl.ds(r0 + t * B, B)])
    return 0

  lax.fori_loop(0, RPW // B, _zslice, 0, unroll=False)

  plsc.subcore_barrier()

  def _cchunk(j, _):
    pltpu.sync_copy(rows1, acc.at[sidx_v.at[j]], add=True)
    return 0

  for h in range(CH // CHH):
    pltpu.sync_copy(sidx_hbm.at[wid, pl.ds(h * CHH, CHH)], sidx_v)
    lax.fori_loop(0, CHH, _cchunk, 0, unroll=False)

  plsc.subcore_barrier()

  def _pslice(t, _):
    sl = pl.ds(r0 + t * B, B)
    pltpu.sync_copy(acc.at[sl], part.at[c, sl])
    return 0

  lax.fori_loop(0, RPW // B, _pslice, 0, unroll=False)


@functools.cache
def _sc_mesh():
  return plsc.VectorSubcoreMesh(
      core_axis_name="c", subcore_axis_name="s",
      num_cores=NC, num_subcores=NS)


@functools.cache
def _make_seg_kernel():
  return pl.kernel(
      _seg_body,
      out_type=jax.ShapeDtypeStruct((NC, NP, D), jnp.float32),
      mesh=_sc_mesh(),
      scratch_types=[
          pltpu.VMEM_SHARED((NP, D), jnp.float32),
          pltpu.VMEM((CHH, B), jnp.int32),
          pltpu.VMEM((CHH, B), jnp.int32),
          pltpu.VMEM((B, D), jnp.float32),
          pltpu.VMEM((B, D), jnp.float32),
          pltpu.SemaphoreType.DMA,
          pltpu.SemaphoreType.DMA,
      ],
  )


@functools.cache
def _make_ones_kernel():
  return pl.kernel(
      _ones_body,
      out_type=jax.ShapeDtypeStruct((NC, NP, D), jnp.float32),
      mesh=_sc_mesh(),
      scratch_types=[
          pltpu.VMEM_SHARED((NP, D), jnp.float32),
          pltpu.VMEM((CHH, B), jnp.int32),
          pltpu.VMEM((B, D), jnp.float32),
          pltpu.VMEM((B, D), jnp.float32),
      ],
  )


_ROWBLK = 1024
_GRID = NP // _ROWBLK


def _mm_body(x_ref, w_ref, b_ref, o_ref):
  o_ref[...] = (
      jnp.dot(x_ref[...], w_ref[...], preferred_element_type=jnp.float32)
      + b_ref[...]
  )


_matmul = pl.pallas_call(
    _mm_body,
    grid=(_GRID,),
    in_specs=[
        pl.BlockSpec((_ROWBLK, D), lambda i: (i, 0)),
        pl.BlockSpec((D, D), lambda i: (0, 0)),
        pl.BlockSpec((1, D), lambda i: (0, 0)),
    ],
    out_specs=pl.BlockSpec((_ROWBLK, D), lambda i: (i, 0)),
    out_shape=jax.ShapeDtypeStruct((NP, D), jnp.float32),
)


def _combine_body(p_ref, c_ref, o_ref):
  ssum = p_ref[0] + p_ref[1]
  cnt = c_ref[0, :, :1] + c_ref[1, :, :1]
  o_ref[...] = ssum / jnp.maximum(cnt, 1.0)


_combine = pl.pallas_call(
    _combine_body,
    grid=(_GRID,),
    in_specs=[
        pl.BlockSpec((NC, _ROWBLK, D), lambda i: (0, i, 0)),
        pl.BlockSpec((NC, _ROWBLK, D), lambda i: (0, i, 0)),
    ],
    out_specs=pl.BlockSpec((_ROWBLK, D), lambda i: (i, 0)),
    out_shape=jax.ShapeDtypeStruct((NP, D), jnp.float32),
)


def _combine_att_body(p_ref, c_ref, wa_ref, ba_ref, o_ref):
  ssum = p_ref[0] + p_ref[1]
  cnt = c_ref[0, :, :1] + c_ref[1, :, :1]
  ef = ssum / jnp.maximum(cnt, 1.0)
  z = jnp.dot(ef, wa_ref[...], preferred_element_type=jnp.float32) + ba_ref[...]
  ew = jax.nn.sigmoid(z)
  o_ref[...] = ew * ef


_combine_att = pl.pallas_call(
    _combine_att_body,
    grid=(_GRID,),
    in_specs=[
        pl.BlockSpec((NC, _ROWBLK, D), lambda i: (0, i, 0)),
        pl.BlockSpec((NC, _ROWBLK, D), lambda i: (0, i, 0)),
        pl.BlockSpec((D, 1), lambda i: (0, 0)),
        pl.BlockSpec((1, 1), lambda i: (0, 0)),
    ],
    out_specs=pl.BlockSpec((_ROWBLK, D), lambda i: (i, 0)),
    out_shape=jax.ShapeDtypeStruct((NP, D), jnp.float32),
)


def kernel(x, node_idx, edge_idx, W, b, w_att, b_att):
  pad = NW * CH * B - NNZ
  node_slab = jnp.concatenate(
      [node_idx.astype(jnp.int32),
       jnp.full((pad,), DUMMY, jnp.int32)]).reshape(NW, CH, B)
  edge_slab = jnp.concatenate(
      [edge_idx.astype(jnp.int32),
       jnp.full((pad,), DUMMY, jnp.int32)]).reshape(NW, CH, B)
  x_pad = jnp.zeros((NP, D), x.dtype).at[:N].set(x)

  x1 = _matmul(x_pad, W, b.reshape(1, D))

  seg_plain = _make_seg_kernel()
  ones_seg = _make_ones_kernel()

  ncnt = ones_seg(node_slab)
  ecnt = ones_seg(edge_slab)
  pa = seg_plain(x1, node_slab, edge_slab)
  e_feat = _combine(pa, ecnt)

  pb = seg_plain(e_feat, edge_slab, node_slab)
  x2 = _combine(pb, ncnt)

  pc = seg_plain(x2, node_slab, edge_slab)
  g = _combine_att(pc, ecnt, w_att, b_att.reshape(1, 1))

  pd = seg_plain(g, edge_slab, node_slab)
  x3 = _combine(pd, ncnt)

  return x3[:N]

# --- scband reference (transcript-rebuilt; emitter-appended) ---
"""Pipeline reference for scband-hyper-gatconv-34883724378624 (READ-ONLY COPY).

The authoritative reference and input builder live on the scoring server;
editing this copy changes nothing except your own understanding.
"""

import jax, jax.numpy as jnp
import numpy as np

N = 10000      # nodes
M = 10000      # hyperedges
NNZ = 320000   # incidence entries
D_IN = 128
D_OUT = 128


def setup_inputs(seed: int = 0) -> dict:
    key = jax.random.key(seed)
    ks = jax.random.split(key, 6)
    x = jax.random.normal(ks[0], (N, D_IN), dtype=jnp.float32)
    node_idx = jax.random.randint(ks[1], (NNZ,), 0, N, dtype=jnp.int64) if jax.config.jax_enable_x64 else jax.random.randint(ks[1], (NNZ,), 0, N).astype(jnp.int32)
    edge_idx = jax.random.randint(ks[2], (NNZ,), 0, M).astype(node_idx.dtype)
    W = jax.random.normal(ks[3], (D_IN, D_OUT), dtype=jnp.float32) * (1.0 / np.sqrt(D_IN))
    b = jnp.zeros((D_OUT,), dtype=jnp.float32)
    w_att = jax.random.normal(ks[4], (D_OUT, 1), dtype=jnp.float32) * (1.0 / np.sqrt(D_OUT))
    b_att = jnp.zeros((1,), dtype=jnp.float32)
    return {"x": x, "node_idx": node_idx, "edge_idx": edge_idx, "W": W, "b": b, "w_att": w_att, "b_att": b_att}


def _segment_mean(data, seg, num_segments):
    s = jax.ops.segment_sum(data, seg, num_segments=num_segments)
    c = jax.ops.segment_sum(jnp.ones((data.shape[0], 1), dtype=data.dtype), seg, num_segments=num_segments)
    return s / jnp.maximum(c, 1.0)


def reference(x, node_idx, edge_idx, W, b, w_att, b_att):
    # HGNNConv: linear transform then two-stage (v->e, e->v) mean smoothing
    x1 = x @ W + b                                   # [N, D_OUT]
    e_feat = _segment_mean(x1[node_idx], edge_idx, M)  # v2e mean  [M, D_OUT]
    x2 = _segment_mean(e_feat[edge_idx], node_idx, N)  # e2v mean  [N, D_OUT]
    # attention over hyperedge features
    ef = _segment_mean(x2[node_idx], edge_idx, M)      # hg.edge_features(x)  [M, D_OUT]
    ew = jax.nn.sigmoid(ef @ w_att + b_att)            # [M, 1]
    # hg.propagate(x, aggr='mean', edge_weight=ew): mean over incident edges of weighted edge features
    msg = (ew * ef)[edge_idx]                          # [NNZ, D_OUT]
    num = jax.ops.segment_sum(msg, node_idx, num_segments=N)
    cnt = jax.ops.segment_sum(jnp.ones((NNZ, 1), dtype=x.dtype), node_idx, num_segments=N)
    x3 = num / jnp.maximum(cnt, 1.0)                   # [N, D_OUT]
    return x3

if __name__ == "__main__":
    import jax
    _d = setup_inputs()
    print(jax.jit(kernel)(*tuple(_d.values())))

</pallas_src>

<mosaic_0001>
#map = affine_map<(d0, d1) -> (0, 0)>
#map1 = affine_map<(d0, d1) -> (0, 0, 0)>
module attributes {stable_mosaic.version = 14 : i64} {
  func.func @_seg_body(%arg0: i32, %arg1: i32, %arg2: memref<10240x128xf32, #tpu.memory_space<hbm>>, %arg3: memref<32x80x128xi32, #tpu.memory_space<hbm>>, %arg4: memref<32x80x128xi32, #tpu.memory_space<hbm>>, %arg5: memref<2x10240x128xf32, #tpu.memory_space<hbm>>, %arg6: memref<10240x128xf32, #tpu.memory_space<vmem_shared>>, %arg7: memref<40x128xi32, #tpu.memory_space<vmem>>, %arg8: memref<40x128xi32, #tpu.memory_space<vmem>>, %arg9: memref<128x128xf32, #tpu.memory_space<vmem>>, %arg10: memref<128x128xf32, #tpu.memory_space<vmem>>, %arg11: memref<!tpu.dma_semaphore, #tpu.memory_space<semaphore_mem>>, %arg12: memref<!tpu.dma_semaphore, #tpu.memory_space<semaphore_mem>>) attributes {dimension_semantics = [#tpu.dimension_semantics<core_parallel>, #tpu.dimension_semantics<subcore_parallel>], iteration_bounds = array<i64: 2, 16>, scalar_prefetch = 0 : i64, scratch_operands = 7 : i64, tpu.core_type = #tpu.core_type<sc_vector_subcore>, window_params = [{transform_indices = #map}, {transform_indices = #map1}, {transform_indices = #map1}, {transform_indices = #map1}]} {
    %mul3A = arith.constant 2 : i32
    %mul3A_0 = arith.muli %arg1, %mul3A : i32
    %add3A = arith.addi %mul3A_0, %arg0 : i32
    %broadcast_in_dim3A = arith.constant 0.000000e+00 : f32
    %broadcast_in_dim3A_1 = vector.broadcast %broadcast_in_dim3A : f32 to vector<16xf32>
    %scan3A = arith.constant 0 : i32
    %scan3A_2 = arith.constant 0 : i32
    %scan3A_3 = arith.constant 128 : i32
    %scan3A_4 = arith.addi %scan3A_2, %scan3A_3 : i32
    %scan3A_5 = arith.constant 1 : i32
    %scan3A_6 = scf.for %scan3A_66 = %scan3A_2 to %scan3A_4 step %scan3A_5 iter_args(%scan3A_67 = %scan3A) -> (i32)  : i32 {
      %swap3A = arith.index_cast %scan3A_66 : i32 to index
      %swap3A_68 = arith.constant 0 : index
      %swap3A_69 = tpu.vector_load %arg9[%swap3A, %swap3A_68] {strides = array<i32>} : memref<128x128xf32, #tpu.memory_space<vmem>>, vector<1x16xf32>,
      %swap3A_70 = vector.shape_cast %swap3A_69 : vector<1x16xf32> to vector<16xf32>
      %swap3A_71 = vector.shape_cast %broadcast_in_dim3A_1 : vector<16xf32> to vector<1x16xf32>
      tpu.vector_store %arg9[%swap3A, %swap3A_68], %swap3A_71 {strides = array<i32>} : memref<128x128xf32, #tpu.memory_space<vmem>>, vector<1x16xf32>,
      %swap3A_72 = arith.index_cast %scan3A_66 : i32 to index
      %swap3A_73 = arith.constant 16 : index
      %swap3A_74 = tpu.vector_load %arg9[%swap3A_72, %swap3A_73] {strides = array<i32>} : memref<128x128xf32, #tpu.memory_space<vmem>>, vector<1x16xf32>,
      %swap3A_75 = vector.shape_cast %swap3A_74 : vector<1x16xf32> to vector<16xf32>
      %swap3A_76 = vector.shape_cast %broadcast_in_dim3A_1 : vector<16xf32> to vector<1x16xf32>
      tpu.vector_store %arg9[%swap3A_72, %swap3A_73], %swap3A_76 {strides = array<i32>} : memref<128x128xf32, #tpu.memory_space<vmem>>, vector<1x16xf32>,
      %swap3A_77 = arith.index_cast %scan3A_66 : i32 to index
      %swap3A_78 = arith.constant 32 : index
      %swap3A_79 = tpu.vector_load %arg9[%swap3A_77, %swap3A_78] {strides = array<i32>} : memref<128x128xf32, #tpu.memory_space<vmem>>, vector<1x16xf32>,
      %swap3A_80 = vector.shape_cast %swap3A_79 : vector<1x16xf32> to vector<16xf32>
      %swap3A_81 = vector.shape_cast %broadcast_in_dim3A_1 : vector<16xf32> to vector<1x16xf32>
      tpu.vector_store %arg9[%swap3A_77, %swap3A_78], %swap3A_81 {strides = array<i32>} : memref<128x128xf32, #tpu.memory_space<vmem>>, vector<1x16xf32>,
      %swap3A_82 = arith.index_cast %scan3A_66 : i32 to index
      %swap3A_83 = arith.constant 48 : index
      %swap3A_84 = tpu.vector_load %arg9[%swap3A_82, %swap3A_83] {strides = array<i32>} : memref<128x128xf32, #tpu.memory_space<vmem>>, vector<1x16xf32>,
      %swap3A_85 = vector.shape_cast %swap3A_84 : vector<1x16xf32> to vector<16xf32>
      %swap3A_86 = vector.shape_cast %broadcast_in_dim3A_1 : vector<16xf32> to vector<1x16xf32>
      tpu.vector_store %arg9[%swap3A_82, %swap3A_83], %swap3A_86 {strides = array<i32>} : memref<128x128xf32, #tpu.memory_space<vmem>>, vector<1x16xf32>,
      %swap3A_87 = arith.index_cast %scan3A_66 : i32 to index
      %swap3A_88 = arith.constant 64 : index
      %swap3A_89 = tpu.vector_load %arg9[%swap3A_87, %swap3A_88] {strides = array<i32>} : memref<128x128xf32, #tpu.memory_space<vmem>>, vector<1x16xf32>,
      %swap3A_90 = vector.shape_cast %swap3A_89 : vector<1x16xf32> to vector<16xf32>
      %swap3A_91 = vector.shape_cast %broadcast_in_dim3A_1 : vector<16xf32> to vector<1x16xf32>
      tpu.vector_store %arg9[%swap3A_87, %swap3A_88], %swap3A_91 {strides = array<i32>} : memref<128x128xf32, #tpu.memory_space<vmem>>, vector<1x16xf32>,
      %swap3A_92 = arith.index_cast %scan3A_66 : i32 to index
      %swap3A_93 = arith.constant 80 : index
      %swap3A_94 = tpu.vector_load %arg9[%swap3A_92, %swap3A_93] {strides = array<i32>} : memref<128x128xf32, #tpu.memory_space<vmem>>, vector<1x16xf32>,
      %swap3A_95 = vector.shape_cast %swap3A_94 : vector<1x16xf32> to vector<16xf32>
      %swap3A_96 = vector.shape_cast %broadcast_in_dim3A_1 : vector<16xf32> to vector<1x16xf32>
      tpu.vector_store %arg9[%swap3A_92, %swap3A_93], %swap3A_96 {strides = array<i32>} : memref<128x128xf32, #tpu.memory_space<vmem>>, vector<1x16xf32>,
      %swap3A_97 = arith.index_cast %scan3A_66 : i32 to index
      %swap3A_98 = arith.constant 96 : index
      %swap3A_99 = tpu.vector_load %arg9[%swap3A_97, %swap3A_98] {strides = array<i32>} : memref<128x128xf32, #tpu.memory_space<vmem>>, vector<1x16xf32>,
      %swap3A_100 = vector.shape_cast %swap3A_99 : vector<1x16xf32> to vector<16xf32>
      %swap3A_101 = vector.shape_cast %broadcast_in_dim3A_1 : vector<16xf32> to vector<1x16xf32>
      tpu.vector_store %arg9[%swap3A_97, %swap3A_98], %swap3A_101 {strides = array<i32>} : memref<128x128xf32, #tpu.memory_space<vmem>>, vector<1x16xf32>,
      %swap3A_102 = arith.index_cast %scan3A_66 : i32 to index
      %swap3A_103 = arith.constant 112 : index
      %swap3A_104 = tpu.vector_load %arg9[%swap3A_102, %swap3A_103] {strides = array<i32>} : memref<128x128xf32, #tpu.memory_space<vmem>>, vector<1x16xf32>,
      %swap3A_105 = vector.shape_cast %swap3A_104 : vector<1x16xf32> to vector<16xf32>
      %swap3A_106 = vector.shape_cast %broadcast_in_dim3A_1 : vector<16xf32> to vector<1x16xf32>
      tpu.vector_store %arg9[%swap3A_102, %swap3A_103], %swap3A_106 {strides = array<i32>} : memref<128x128xf32, #tpu.memory_space<vmem>>, vector<1x16xf32>,
      %scan3A_107 = arith.constant 0 : i32
      scf.yield %scan3A_107 : i32
    }
    %scan3A_7 = arith.constant 128 : i32
    %mul3A_8 = arith.constant 640 : i32
    %mul3A_9 = arith.muli %arg1, %mul3A_8 : i32
    %scan3A_10 = arith.constant 0 : i32
    %scan3A_11 = arith.constant 0 : i32
    %scan3A_12 = arith.constant 5 : i32
    %scan3A_13 = arith.addi %scan3A_11, %scan3A_12 : i32
    %scan3A_14 = arith.constant 1 : i32
    %scan3A_15 = scf.for %scan3A_66 = %scan3A_11 to %scan3A_13 step %scan3A_14 iter_args(%scan3A_67 = %scan3A_10) -> (i32)  : i32 {
      %mul3A_68 = arith.constant 128 : i32
      %mul3A_69 = arith.muli %scan3A_66, %mul3A_68 : i32
      %add3A_70 = arith.addi %mul3A_9, %mul3A_69 : i32
      "tpu.region"() ({
        %run_scoped3A = tpu.sem_alloc : memref<!tpu.dma_semaphore, #tpu.memory_space<semaphore_mem>>
        %dma_start3A_72 = arith.constant 0 : i32
        %dma_start3A_73 = tpu.memref_slice %arg6[%add3A_70, %dma_start3A_72] : memref<10240x128xf32, #tpu.memory_space<vmem_shared>> -> memref<128x128xf32, #tpu.memory_space<vmem_shared>>
        %dma_start3A_74 = arith.constant 0 : i32
        %dma_start3A_75 = tpu.memref_slice %arg6[%add3A_70, %dma_start3A_74] : memref<10240x128xf32, #tpu.memory_space<vmem_shared>> -> memref<128x128xf32, #tpu.memory_space<vmem_shared>>
        tpu.enqueue_dma source(%arg9 : memref<128x128xf32, #tpu.memory_space<vmem>>) target(%dma_start3A_75 : memref<128x128xf32, #tpu.memory_space<vmem_shared>>) target_semaphore(%run_scoped3A : memref<!tpu.dma_semaphore, #tpu.memory_space<semaphore_mem>>)
        %dma_wait3A = arith.constant 0 : i32
        %dma_wait3A_76 = tpu.memref_slice %arg6[%add3A_70, %dma_wait3A] : memref<10240x128xf32, #tpu.memory_space<vmem_shared>> -> memref<128x128xf32, #tpu.memory_space<vmem_shared>>
        %dma_wait3A_77 = arith.constant 0 : i32
        %dma_wait3A_78 = tpu.memref_slice %arg6[%add3A_70, %dma_wait3A_77] : memref<10240x128xf32, #tpu.memory_space<vmem_shared>> -> memref<128x128xf32, #tpu.memory_space<vmem_shared>>
        tpu.wait_dma2 semaphore(%run_scoped3A : memref<!tpu.dma_semaphore, #tpu.memory_space<semaphore_mem>>) src(%arg9 : memref<128x128xf32, #tpu.memory_space<vmem>>) dst(%dma_wait3A_78 : memref<128x128xf32, #tpu.memory_space<vmem_shared>>)
        tpu.yield
      }) : () -> ()
      %scan3A_71 = arith.constant 0 : i32
      scf.yield %scan3A_71 : i32
    }
    %scan3A_16 = arith.constant 5 : i32
    %barrier3A = arith.constant 0 : index
    tpu.barrier barrier_id(%barrier3A)
    "tpu.region"() ({
      %run_scoped3A = tpu.sem_alloc : memref<!tpu.dma_semaphore, #tpu.memory_space<semaphore_mem>>
      %dma_start3A_66 = arith.constant 0 : i32
      %dma_start3A_67 = arith.constant 0 : i32
      %dma_start3A_68 = tpu.memref_slice %arg3[%add3A, %dma_start3A_66, %dma_start3A_67] : memref<32x80x128xi32, #tpu.memory_space<hbm>> -> memref<1x40x128xi32, #tpu.memory_space<hbm>>
      %dma_start3A_69 = tpu.memref_squeeze %dma_start3A_68 : memref<1x40x128xi32, #tpu.memory_space<hbm>> -> memref<40x128xi32, #tpu.memory_space<hbm>>
      %dma_start3A_70 = arith.constant 0 : i32
      %dma_start3A_71 = arith.constant 0 : i32
      %dma_start3A_72 = tpu.memref_slice %arg3[%add3A, %dma_start3A_70, %dma_start3A_71] : memref<32x80x128xi32, #tpu.memory_space<hbm>> -> memref<1x40x128xi32, #tpu.memory_space<hbm>>
      %dma_start3A_73 = tpu.memref_squeeze %dma_start3A_72 : memref<1x40x128xi32, #tpu.memory_space<hbm>> -> memref<40x128xi32, #tpu.memory_space<hbm>>
      tpu.enqueue_dma source(%dma_start3A_73 : memref<40x128xi32, #tpu.memory_space<hbm>>) target(%arg7 : memref<40x128xi32, #tpu.memory_space<vmem>>) target_semaphore(%run_scoped3A : memref<!tpu.dma_semaphore, #tpu.memory_space<semaphore_mem>>)
      %dma_wait3A = arith.constant 0 : i32
      %dma_wait3A_74 = arith.constant 0 : i32
      %dma_wait3A_75 = tpu.memref_slice %arg3[%add3A, %dma_wait3A, %dma_wait3A_74] : memref<32x80x128xi32, #tpu.memory_space<hbm>> -> memref<1x40x128xi32, #tpu.memory_space<hbm>>
      %dma_wait3A_76 = tpu.memref_squeeze %dma_wait3A_75 : memref<1x40x128xi32, #tpu.memory_space<hbm>> -> memref<40x128xi32, #tpu.memory_space<hbm>>
      %dma_wait3A_77 = arith.constant 0 : i32
      %dma_wait3A_78 = arith.constant 0 : i32
      %dma_wait3A_79 = tpu.memref_slice %arg3[%add3A, %dma_wait3A_77, %dma_wait3A_78] : memref<32x80x128xi32, #tpu.memory_space<hbm>> -> memref<1x40x128xi32, #tpu.memory_space<hbm>>
      %dma_wait3A_80 = tpu.memref_squeeze %dma_wait3A_79 : memref<1x40x128xi32, #tpu.memory_space<hbm>> -> memref<40x128xi32, #tpu.memory_space<hbm>>
      tpu.wait_dma2 semaphore(%run_scoped3A : memref<!tpu.dma_semaphore, #tpu.memory_space<semaphore_mem>>) src(%dma_wait3A_80 : memref<40x128xi32, #tpu.memory_space<hbm>>) dst(%arg7 : memref<40x128xi32, #tpu.memory_space<vmem>>)
      tpu.yield
    }) : () -> ()
    "tpu.region"() ({
      %run_scoped3A = tpu.sem_alloc : memref<!tpu.dma_semaphore, #tpu.memory_space<semaphore_mem>>
      %dma_start3A_66 = arith.constant 0 : i32
      %dma_start3A_67 = arith.constant 0 : i32
      %dma_start3A_68 = tpu.memref_slice %arg4[%add3A, %dma_start3A_66, %dma_start3A_67] : memref<32x80x128xi32, #tpu.memory_space<hbm>> -> memref<1x40x128xi32, #tpu.memory_space<hbm>>
      %dma_start3A_69 = tpu.memref_squeeze %dma_start3A_68 : memref<1x40x128xi32, #tpu.memory_space<hbm>> -> memref<40x128xi32, #tpu.memory_space<hbm>>
      %dma_start3A_70 = arith.constant 0 : i32
      %dma_start3A_71 = arith.constant 0 : i32
      %dma_start3A_72 = tpu.memref_slice %arg4[%add3A, %dma_start3A_70, %dma_start3A_71] : memref<32x80x128xi32, #tpu.memory_space<hbm>> -> memref<1x40x128xi32, #tpu.memory_space<hbm>>
      %dma_start3A_73 = tpu.memref_squeeze %dma_start3A_72 : memref<1x40x128xi32, #tpu.memory_space<hbm>> -> memref<40x128xi32, #tpu.memory_space<hbm>>
      tpu.enqueue_dma source(%dma_start3A_73 : memref<40x128xi32, #tpu.memory_space<hbm>>) target(%arg8 : memref<40x128xi32, #tpu.memory_space<vmem>>) target_semaphore(%run_scoped3A : memref<!tpu.dma_semaphore, #tpu.memory_space<semaphore_mem>>)
      %dma_wait3A = arith.constant 0 : i32
      %dma_wait3A_74 = arith.constant 0 : i32
      %dma_wait3A_75 = tpu.memref_slice %arg4[%add3A, %dma_wait3A, %dma_wait3A_74] : memref<32x80x128xi32, #tpu.memory_space<hbm>> -> memref<1x40x128xi32, #tpu.memory_space<hbm>>
      %dma_wait3A_76 = tpu.memref_squeeze %dma_wait3A_75 : memref<1x40x128xi32, #tpu.memory_space<hbm>> -> memref<40x128xi32, #tpu.memory_space<hbm>>
      %dma_wait3A_77 = arith.constant 0 : i32
      %dma_wait3A_78 = arith.constant 0 : i32
      %dma_wait3A_79 = tpu.memref_slice %arg4[%add3A, %dma_wait3A_77, %dma_wait3A_78] : memref<32x80x128xi32, #tpu.memory_space<hbm>> -> memref<1x40x128xi32, #tpu.memory_space<hbm>>
      %dma_wait3A_80 = tpu.memref_squeeze %dma_wait3A_79 : memref<1x40x128xi32, #tpu.memory_space<hbm>> -> memref<40x128xi32, #tpu.memory_space<hbm>>
      tpu.wait_dma2 semaphore(%run_scoped3A : memref<!tpu.dma_semaphore, #tpu.memory_space<semaphore_mem>>) src(%dma_wait3A_80 : memref<40x128xi32, #tpu.memory_space<hbm>>) dst(%arg8 : memref<40x128xi32, #tpu.memory_space<vmem>>)
      tpu.yield
    }) : () -> ()
    %dma_start3A = arith.constant 0 : i32
    %dma_start3A_17 = arith.constant 0 : i32
    %dma_start3A_18 = tpu.memref_slice %arg7[%dma_start3A, %dma_start3A_17] : memref<40x128xi32, #tpu.memory_space<vmem>> -> memref<1x128xi32, #tpu.memory_space<vmem>>
    %dma_start3A_19 = tpu.memref_squeeze %dma_start3A_18 : memref<1x128xi32, #tpu.memory_space<vmem>> -> memref<128xi32, #tpu.memory_space<vmem>>
    %dma_start3A_20 = arith.constant 0 : i32
    %dma_start3A_21 = arith.constant 0 : i32
    %dma_start3A_22 = tpu.memref_slice %arg2[%dma_start3A_20, %dma_start3A_21] : memref<10240x128xf32, #tpu.memory_space<hbm>> -> memref<10240x128xf32, #tpu.memory_space<hbm>>
    tpu.enqueue_indirect_dma source(%dma_start3A_22 : memref<10240x128xf32, #tpu.memory_space<hbm>>) target(%arg9 : memref<128x128xf32, #tpu.memory_space<vmem>>) offsets(%dma_start3A_19 : memref<128xi32, #tpu.memory_space<vmem>>) semaphore(%arg11 : memref<!tpu.dma_semaphore, #tpu.memory_space<semaphore_mem>>)
    %dma_start3A_23 = arith.constant 1 : i32
    %dma_start3A_24 = arith.constant 0 : i32
    %dma_start3A_25 = tpu.memref_slice %arg7[%dma_start3A_23, %dma_start3A_24] : memref<40x128xi32, #tpu.memory_space<vmem>> -> memref<1x128xi32, #tpu.memory_space<vmem>>
    %dma_start3A_26 = tpu.memref_squeeze %dma_start3A_25 : memref<1x128xi32, #tpu.memory_space<vmem>> -> memref<128xi32, #tpu.memory_space<vmem>>
    %dma_start3A_27 = arith.constant 0 : i32
    %dma_start3A_28 = arith.constant 0 : i32
    %dma_start3A_29 = tpu.memref_slice %arg2[%dma_start3A_27, %dma_start3A_28] : memref<10240x128xf32, #tpu.memory_space<hbm>> -> memref<10240x128xf32, #tpu.memory_space<hbm>>
    tpu.enqueue_indirect_dma source(%dma_start3A_29 : memref<10240x128xf32, #tpu.memory_space<hbm>>) target(%arg10 : memref<128x128xf32, #tpu.memory_space<vmem>>) offsets(%dma_start3A_26 : memref<128xi32, #tpu.memory_space<vmem>>) semaphore(%arg12 : memref<!tpu.dma_semaphore, #tpu.memory_space<semaphore_mem>>)
    %scan3A_30 = arith.constant 0 : i32
    %scan3A_31 = arith.constant 0 : i32
    %scan3A_32 = arith.constant 20 : i32
    %scan3A_33 = arith.addi %scan3A_31, %scan3A_32 : i32
    %scan3A_34 = arith.constant 1 : i32
    %scan3A_35 = scf.for %scan3A_66 = %scan3A_31 to %scan3A_33 step %scan3A_34 iter_args(%scan3A_67 = %scan3A_30) -> (i32)  : i32 {
      %mul3A_68 = arith.constant 2 : i32
      %mul3A_69 = arith.muli %mul3A_68, %scan3A_66 : i32
      %dma_wait3A = arith.constant 0 : i32
      %dma_wait3A_70 = tpu.memref_slice %arg7[%mul3A_69, %dma_wait3A] : memref<40x128xi32, #tpu.memory_space<vmem>> -> memref<1x128xi32, #tpu.memory_space<vmem>>
      %dma_wait3A_71 = tpu.memref_squeeze %dma_wait3A_70 : memref<1x128xi32, #tpu.memory_space<vmem>> -> memref<128xi32, #tpu.memory_space<vmem>>
      %dma_wait3A_72 = arith.constant 0 : i32
      %dma_wait3A_73 = arith.constant 0 : i32
      %dma_wait3A_74 = tpu.memref_slice %arg2[%dma_wait3A_72, %dma_wait3A_73] : memref<10240x128xf32, #tpu.memory_space<hbm>> -> memref<10240x128xf32, #tpu.memory_space<hbm>>
      tpu.wait_indirect_dma semaphore(%arg11 : memref<!tpu.dma_semaphore, #tpu.memory_space<semaphore_mem>>) src(%dma_wait3A_74 : memref<10240x128xf32, #tpu.memory_space<hbm>>) dst(%arg9 : memref<128x128xf32, #tpu.memory_space<vmem>>)
      "tpu.region"() ({
        %run_scoped3A = tpu.sem_alloc : memref<!tpu.dma_semaphore, #tpu.memory_space<semaphore_mem>>
        %dma_start3A_97 = arith.constant 0 : i32
        %dma_start3A_98 = tpu.memref_slice %arg8[%mul3A_69, %dma_start3A_97] : memref<40x128xi32, #tpu.memory_space<vmem>> -> memref<1x128xi32, #tpu.memory_space<vmem>>
        %dma_start3A_99 = tpu.memref_squeeze %dma_start3A_98 : memref<1x128xi32, #tpu.memory_space<vmem>> -> memref<128xi32, #tpu.memory_space<vmem>>
        %dma_start3A_100 = arith.constant 0 : i32
        %dma_start3A_101 = arith.constant 0 : i32
        %dma_start3A_102 = tpu.memref_slice %arg6[%dma_start3A_100, %dma_start3A_101] : memref<10240x128xf32, #tpu.memory_space<vmem_shared>> -> memref<10240x128xf32, #tpu.memory_space<vmem_shared>>
        tpu.enqueue_indirect_dma source(%arg9 : memref<128x128xf32, #tpu.memory_space<vmem>>) target(%dma_start3A_102 : memref<10240x128xf32, #tpu.memory_space<vmem_shared>>) offsets(%dma_start3A_99 : memref<128xi32, #tpu.memory_space<vmem>>) semaphore(%run_scoped3A : memref<!tpu.dma_semaphore, #tpu.memory_space<semaphore_mem>>) {add = true}
        %dma_wait3A_103 = arith.constant 0 : i32
        %dma_wait3A_104 = tpu.memref_slice %arg8[%mul3A_69, %dma_wait3A_103] : memref<40x128xi32, #tpu.memory_space<vmem>> -> memref<1x128xi32, #tpu.memory_space<vmem>>
        %dma_wait3A_105 = tpu.memref_squeeze %dma_wait3A_104 : memref<1x128xi32, #tpu.memory_space<vmem>> -> memref<128xi32, #tpu.memory_space<vmem>>
        %dma_wait3A_106 = arith.constant 0 : i32
        %dma_wait3A_107 = arith.constant 0 : i32
        %dma_wait3A_108 = tpu.memref_slice %arg6[%dma_wait3A_106, %dma_wait3A_107] : memref<10240x128xf32, #tpu.memory_space<vmem_shared>> -> memref<10240x128xf32, #tpu.memory_space<vmem_shared>>
        tpu.wait_indirect_dma semaphore(%run_scoped3A : memref<!tpu.dma_semaphore, #tpu.memory_space<semaphore_mem>>) src(%arg9 : memref<128x128xf32, #tpu.memory_space<vmem>>) dst(%dma_wait3A_108 : memref<10240x128xf32, #tpu.memory_space<vmem_shared>>)
        tpu.yield
      }) : () -> ()
      %add3A_75 = arith.constant 2 : i32
      %add3A_76 = arith.addi %mul3A_69, %add3A_75 : i32
      %lt3A = arith.constant 40 : i32
      %lt3A_77 = arith.cmpi slt, %add3A_76, %lt3A : i32
      %convert_element_type3A = arith.extui %lt3A_77 : i1 to i32
      %cond3A = arith.constant 0 : i32
      %cond3A_78 = arith.cmpi ne, %convert_element_type3A, %cond3A : i32
      scf.if %cond3A_78 {
        %add3A_97 = arith.constant 2 : i32
        %add3A_98 = arith.addi %mul3A_69, %add3A_97 : i32
        %dma_start3A_99 = arith.constant 0 : i32
        %dma_start3A_100 = tpu.memref_slice %arg7[%add3A_98, %dma_start3A_99] : memref<40x128xi32, #tpu.memory_space<vmem>> -> memref<1x128xi32, #tpu.memory_space<vmem>>
        %dma_start3A_101 = tpu.memref_squeeze %dma_start3A_100 : memref<1x128xi32, #tpu.memory_space<vmem>> -> memref<128xi32, #tpu.memory_space<vmem>>
        %dma_start3A_102 = arith.constant 0 : i32
        %dma_start3A_103 = arith.constant 0 : i32
        %dma_start3A_104 = tpu.memref_slice %arg2[%dma_start3A_102, %dma_start3A_103] : memref<10240x128xf32, #tpu.memory_space<hbm>> -> memref<10240x128xf32, #tpu.memory_space<hbm>>
        tpu.enqueue_indirect_dma source(%dma_start3A_104 : memref<10240x128xf32, #tpu.memory_space<hbm>>) target(%arg9 : memref<128x128xf32, #tpu.memory_space<vmem>>) offsets(%dma_start3A_101 : memref<128xi32, #tpu.memory_space<vmem>>) semaphore(%arg11 : memref<!tpu.dma_semaphore, #tpu.memory_space<semaphore_mem>>)
      } else {
      }
      %mul3A_79 = arith.constant 2 : i32
      %mul3A_80 = arith.muli %mul3A_79, %scan3A_66 : i32
      %add3A_81 = arith.constant 1 : i32
      %add3A_82 = arith.addi %mul3A_80, %add3A_81 : i32
      %dma_wait3A_83 = arith.constant 0 : i32
      %dma_wait3A_84 = tpu.memref_slice %arg7[%add3A_82, %dma_wait3A_83] : memref<40x128xi32, #tpu.memory_space<vmem>> -> memref<1x128xi32, #tpu.memory_space<vmem>>
      %dma_wait3A_85 = tpu.memref_squeeze %dma_wait3A_84 : memref<1x128xi32, #tpu.memory_space<vmem>> -> memref<128xi32, #tpu.memory_space<vmem>>
      %dma_wait3A_86 = arith.constant 0 : i32
      %dma_wait3A_87 = arith.constant 0 : i32
      %dma_wait3A_88 = tpu.memref_slice %arg2[%dma_wait3A_86, %dma_wait3A_87] : memref<10240x128xf32, #tpu.memory_space<hbm>> -> memref<10240x128xf32, #tpu.memory_space<hbm>>
      tpu.wait_indirect_dma semaphore(%arg12 : memref<!tpu.dma_semaphore, #tpu.memory_space<semaphore_mem>>) src(%dma_wait3A_88 : memref<10240x128xf32, #tpu.memory_space<hbm>>) dst(%arg10 : memref<128x128xf32, #tpu.memory_space<vmem>>)
      "tpu.region"() ({
        %run_scoped3A = tpu.sem_alloc : memref<!tpu.dma_semaphore, #tpu.memory_space<semaphore_mem>>
        %dma_start3A_97 = arith.constant 0 : i32
        %dma_start3A_98 = tpu.memref_slice %arg8[%add3A_82, %dma_start3A_97] : memref<40x128xi32, #tpu.memory_space<vmem>> -> memref<1x128xi32, #tpu.memory_space<vmem>>
        %dma_start3A_99 = tpu.memref_squeeze %dma_start3A_98 : memref<1x128xi32, #tpu.memory_space<vmem>> -> memref<128xi32, #tpu.memory_space<vmem>>
        %dma_start3A_100 = arith.constant 0 : i32
        %dma_start3A_101 = arith.constant 0 : i32
        %dma_start3A_102 = tpu.memref_slice %arg6[%dma_start3A_100, %dma_start3A_101] : memref<10240x128xf32, #tpu.memory_space<vmem_shared>> -> memref<10240x128xf32, #tpu.memory_space<vmem_shared>>
        tpu.enqueue_indirect_dma source(%arg10 : memref<128x128xf32, #tpu.memory_space<vmem>>) target(%dma_start3A_102 : memref<10240x128xf32, #tpu.memory_space<vmem_shared>>) offsets(%dma_start3A_99 : memref<128xi32, #tpu.memory_space<vmem>>) semaphore(%run_scoped3A : memref<!tpu.dma_semaphore, #tpu.memory_space<semaphore_mem>>) {add = true}
        %dma_wait3A_103 = arith.constant 0 : i32
        %dma_wait3A_104 = tpu.memref_slice %arg8[%add3A_82, %dma_wait3A_103] : memref<40x128xi32, #tpu.memory_space<vmem>> -> memref<1x128xi32, #tpu.memory_space<vmem>>
        %dma_wait3A_105 = tpu.memref_squeeze %dma_wait3A_104 : memref<1x128xi32, #tpu.memory_space<vmem>> -> memref<128xi32, #tpu.memory_space<vmem>>
        %dma_wait3A_106 = arith.constant 0 : i32
        %dma_wait3A_107 = arith.constant 0 : i32
        %dma_wait3A_108 = tpu.memref_slice %arg6[%dma_wait3A_106, %dma_wait3A_107] : memref<10240x128xf32, #tpu.memory_space<vmem_shared>> -> memref<10240x128xf32, #tpu.memory_space<vmem_shared>>
        tpu.wait_indirect_dma semaphore(%run_scoped3A : memref<!tpu.dma_semaphore, #tpu.memory_space<semaphore_mem>>) src(%arg10 : memref<128x128xf32, #tpu.memory_space<vmem>>) dst(%dma_wait3A_108 : memref<10240x128xf32, #tpu.memory_space<vmem_shared>>)
        tpu.yield
      }) : () -> ()
      %add3A_89 = arith.constant 2 : i32
      %add3A_90 = arith.addi %add3A_82, %add3A_89 : i32
      %lt3A_91 = arith.constant 40 : i32
      %lt3A_92 = arith.cmpi slt, %add3A_90, %lt3A_91 : i32
      %convert_element_type3A_93 = arith.extui %lt3A_92 : i1 to i32
      %cond3A_94 = arith.constant 0 : i32
      %cond3A_95 = arith.cmpi ne, %convert_element_type3A_93, %cond3A_94 : i32
      scf.if %cond3A_95 {
        %add3A_97 = arith.constant 2 : i32
        %add3A_98 = arith.addi %add3A_82, %add3A_97 : i32
        %dma_start3A_99 = arith.constant 0 : i32
        %dma_start3A_100 = tpu.memref_slice %arg7[%add3A_98, %dma_start3A_99] : memref<40x128xi32, #tpu.memory_space<vmem>> -> memref<1x128xi32, #tpu.memory_space<vmem>>
        %dma_start3A_101 = tpu.memref_squeeze %dma_start3A_100 : memref<1x128xi32, #tpu.memory_space<vmem>> -> memref<128xi32, #tpu.memory_space<vmem>>
        %dma_start3A_102 = arith.constant 0 : i32
        %dma_start3A_103 = arith.constant 0 : i32
        %dma_start3A_104 = tpu.memref_slice %arg2[%dma_start3A_102, %dma_start3A_103] : memref<10240x128xf32, #tpu.memory_space<hbm>> -> memref<10240x128xf32, #tpu.memory_space<hbm>>
        tpu.enqueue_indirect_dma source(%dma_start3A_104 : memref<10240x128xf32, #tpu.memory_space<hbm>>) target(%arg10 : memref<128x128xf32, #tpu.memory_space<vmem>>) offsets(%dma_start3A_101 : memref<128xi32, #tpu.memory_space<vmem>>) semaphore(%arg12 : memref<!tpu.dma_semaphore, #tpu.memory_space<semaphore_mem>>)
      } else {
      }
      %scan3A_96 = arith.constant 0 : i32
      scf.yield %scan3A_96 : i32
    }
    %scan3A_36 = arith.constant 20 : i32
    "tpu.region"() ({
      %run_scoped3A = tpu.sem_alloc : memref<!tpu.dma_semaphore, #tpu.memory_space<semaphore_mem>>
      %dma_start3A_66 = arith.constant 40 : i32
      %dma_start3A_67 = arith.constant 0 : i32
      %dma_start3A_68 = tpu.memref_slice %arg3[%add3A, %dma_start3A_66, %dma_start3A_67] : memref<32x80x128xi32, #tpu.memory_space<hbm>> -> memref<1x40x128xi32, #tpu.memory_space<hbm>>
      %dma_start3A_69 = tpu.memref_squeeze %dma_start3A_68 : memref<1x40x128xi32, #tpu.memory_space<hbm>> -> memref<40x128xi32, #tpu.memory_space<hbm>>
      %dma_start3A_70 = arith.constant 40 : i32
      %dma_start3A_71 = arith.constant 0 : i32
      %dma_start3A_72 = tpu.memref_slice %arg3[%add3A, %dma_start3A_70, %dma_start3A_71] : memref<32x80x128xi32, #tpu.memory_space<hbm>> -> memref<1x40x128xi32, #tpu.memory_space<hbm>>
      %dma_start3A_73 = tpu.memref_squeeze %dma_start3A_72 : memref<1x40x128xi32, #tpu.memory_space<hbm>> -> memref<40x128xi32, #tpu.memory_space<hbm>>
      tpu.enqueue_dma source(%dma_start3A_73 : memref<40x128xi32, #tpu.memory_space<hbm>>) target(%arg7 : memref<40x128xi32, #tpu.memory_space<vmem>>) target_semaphore(%run_scoped3A : memref<!tpu.dma_semaphore, #tpu.memory_space<semaphore_mem>>)
      %dma_wait3A = arith.constant 40 : i32
      %dma_wait3A_74 = arith.constant 0 : i32
      %dma_wait3A_75 = tpu.memref_slice %arg3[%add3A, %dma_wait3A, %dma_wait3A_74] : memref<32x80x128xi32, #tpu.memory_space<hbm>> -> memref<1x40x128xi32, #tpu.memory_space<hbm>>
      %dma_wait3A_76 = tpu.memref_squeeze %dma_wait3A_75 : memref<1x40x128xi32, #tpu.memory_space<hbm>> -> memref<40x128xi32, #tpu.memory_space<hbm>>
      %dma_wait3A_77 = arith.constant 40 : i32
      %dma_wait3A_78 = arith.constant 0 : i32
      %dma_wait3A_79 = tpu.memref_slice %arg3[%add3A, %dma_wait3A_77, %dma_wait3A_78] : memref<32x80x128xi32, #tpu.memory_space<hbm>> -> memref<1x40x128xi32, #tpu.memory_space<hbm>>
      %dma_wait3A_80 = tpu.memref_squeeze %dma_wait3A_79 : memref<1x40x128xi32, #tpu.memory_space<hbm>> -> memref<40x128xi32, #tpu.memory_space<hbm>>
      tpu.wait_dma2 semaphore(%run_scoped3A : memref<!tpu.dma_semaphore, #tpu.memory_space<semaphore_mem>>) src(%dma_wait3A_80 : memref<40x128xi32, #tpu.memory_space<hbm>>) dst(%arg7 : memref<40x128xi32, #tpu.memory_space<vmem>>)
      tpu.yield
    }) : () -> ()
    "tpu.region"() ({
      %run_scoped3A = tpu.sem_alloc : memref<!tpu.dma_semaphore, #tpu.memory_space<semaphore_mem>>
      %dma_start3A_66 = arith.constant 40 : i32
      %dma_start3A_67 = arith.constant 0 : i32
      %dma_start3A_68 = tpu.memref_slice %arg4[%add3A, %dma_start3A_66, %dma_start3A_67] : memref<32x80x128xi32, #tpu.memory_space<hbm>> -> memref<1x40x128xi32, #tpu.memory_space<hbm>>
      %dma_start3A_69 = tpu.memref_squeeze %dma_start3A_68 : memref<1x40x128xi32, #tpu.memory_space<hbm>> -> memref<40x128xi32, #tpu.memory_space<hbm>>
      %dma_start3A_70 = arith.constant 40 : i32
      %dma_start3A_71 = arith.constant 0 : i32
      %dma_start3A_72 = tpu.memref_slice %arg4[%add3A, %dma_start3A_70, %dma_start3A_71] : memref<32x80x128xi32, #tpu.memory_space<hbm>> -> memref<1x40x128xi32, #tpu.memory_space<hbm>>
      %dma_start3A_73 = tpu.memref_squeeze %dma_start3A_72 : memref<1x40x128xi32, #tpu.memory_space<hbm>> -> memref<40x128xi32, #tpu.memory_space<hbm>>
      tpu.enqueue_dma source(%dma_start3A_73 : memref<40x128xi32, #tpu.memory_space<hbm>>) target(%arg8 : memref<40x128xi32, #tpu.memory_space<vmem>>) target_semaphore(%run_scoped3A : memref<!tpu.dma_semaphore, #tpu.memory_space<semaphore_mem>>)
      %dma_wait3A = arith.constant 40 : i32
      %dma_wait3A_74 = arith.constant 0 : i32
      %dma_wait3A_75 = tpu.memref_slice %arg4[%add3A, %dma_wait3A, %dma_wait3A_74] : memref<32x80x128xi32, #tpu.memory_space<hbm>> -> memref<1x40x128xi32, #tpu.memory_space<hbm>>
      %dma_wait3A_76 = tpu.memref_squeeze %dma_wait3A_75 : memref<1x40x128xi32, #tpu.memory_space<hbm>> -> memref<40x128xi32, #tpu.memory_space<hbm>>
      %dma_wait3A_77 = arith.constant 40 : i32
      %dma_wait3A_78 = arith.constant 0 : i32
      %dma_wait3A_79 = tpu.memref_slice %arg4[%add3A, %dma_wait3A_77, %dma_wait3A_78] : memref<32x80x128xi32, #tpu.memory_space<hbm>> -> memref<1x40x128xi32, #tpu.memory_space<hbm>>
      %dma_wait3A_80 = tpu.memref_squeeze %dma_wait3A_79 : memref<1x40x128xi32, #tpu.memory_space<hbm>> -> memref<40x128xi32, #tpu.memory_space<hbm>>
      tpu.wait_dma2 semaphore(%run_scoped3A : memref<!tpu.dma_semaphore, #tpu.memory_space<semaphore_mem>>) src(%dma_wait3A_80 : memref<40x128xi32, #tpu.memory_space<hbm>>) dst(%arg8 : memref<40x128xi32, #tpu.memory_space<vmem>>)
      tpu.yield
    }) : () -> ()
    %dma_start3A_37 = arith.constant 0 : i32
    %dma_start3A_38 = arith.constant 0 : i32
    %dma_start3A_39 = tpu.memref_slice %arg7[%dma_start3A_37, %dma_start3A_38] : memref<40x128xi32, #tpu.memory_space<vmem>> -> memref<1x128xi32, #tpu.memory_space<vmem>>
    %dma_start3A_40 = tpu.memref_squeeze %dma_start3A_39 : memref<1x128xi32, #tpu.memory_space<vmem>> -> memref<128xi32, #tpu.memory_space<vmem>>
    %dma_start3A_41 = arith.constant 0 : i32
    %dma_start3A_42 = arith.constant 0 : i32
    %dma_start3A_43 = tpu.memref_slice %arg2[%dma_start3A_41, %dma_start3A_42] : memref<10240x128xf32, #tpu.memory_space<hbm>> -> memref<10240x128xf32, #tpu.memory_space<hbm>>
    tpu.enqueue_indirect_dma source(%dma_start3A_43 : memref<10240x128xf32, #tpu.memory_space<hbm>>) target(%arg9 : memref<128x128xf32, #tpu.memory_space<vmem>>) offsets(%dma_start3A_40 : memref<128xi32, #tpu.memory_space<vmem>>) semaphore(%arg11 : memref<!tpu.dma_semaphore, #tpu.memory_space<semaphore_mem>>)
    %dma_start3A_44 = arith.constant 1 : i32
    %dma_start3A_45 = arith.constant 0 : i32
    %dma_start3A_46 = tpu.memref_slice %arg7[%dma_start3A_44, %dma_start3A_45] : memref<40x128xi32, #tpu.memory_space<vmem>> -> memref<1x128xi32, #tpu.memory_space<vmem>>
    %dma_start3A_47 = tpu.memref_squeeze %dma_start3A_46 : memref<1x128xi32, #tpu.memory_space<vmem>> -> memref<128xi32, #tpu.memory_space<vmem>>
    %dma_start3A_48 = arith.constant 0 : i32
    %dma_start3A_49 = arith.constant 0 : i32
    %dma_start3A_50 = tpu.memref_slice %arg2[%dma_start3A_48, %dma_start3A_49] : memref<10240x128xf32, #tpu.memory_space<hbm>> -> memref<10240x128xf32, #tpu.memory_space<hbm>>
    tpu.enqueue_indirect_dma source(%dma_start3A_50 : memref<10240x128xf32, #tpu.memory_space<hbm>>) target(%arg10 : memref<128x128xf32, #tpu.memory_space<vmem>>) offsets(%dma_start3A_47 : memref<128xi32, #tpu.memory_space<vmem>>) semaphore(%arg12 : memref<!tpu.dma_semaphore, #tpu.memory_space<semaphore_mem>>)
    %scan3A_51 = arith.constant 0 : i32
    %scan3A_52 = arith.constant 0 : i32
    %scan3A_53 = arith.constant 20 : i32
    %scan3A_54 = arith.addi %scan3A_52, %scan3A_53 : i32
    %scan3A_55 = arith.constant 1 : i32
    %scan3A_56 = scf.for %scan3A_66 = %scan3A_52 to %scan3A_54 step %scan3A_55 iter_args(%scan3A_67 = %scan3A_51) -> (i32)  : i32 {
      %mul3A_68 = arith.constant 2 : i32
      %mul3A_69 = arith.muli %mul3A_68, %scan3A_66 : i32
      %dma_wait3A = arith.constant 0 : i32
      %dma_wait3A_70 = tpu.memref_slice %arg7[%mul3A_69, %dma_wait3A] : memref<40x128xi32, #tpu.memory_space<vmem>> -> memref<1x128xi32, #tpu.memory_space<vmem>>
      %dma_wait3A_71 = tpu.memref_squeeze %dma_wait3A_70 : memref<1x128xi32, #tpu.memory_space<vmem>> -> memref<128xi32, #tpu.memory_space<vmem>>
      %dma_wait3A_72 = arith.constant 0 : i32
      %dma_wait3A_73 = arith.constant 0 : i32
      %dma_wait3A_74 = tpu.memref_slice %arg2[%dma_wait3A_72, %dma_wait3A_73] : memref<10240x128xf32, #tpu.memory_space<hbm>> -> memref<10240x128xf32, #tpu.memory_space<hbm>>
      tpu.wait_indirect_dma semaphore(%arg11 : memref<!tpu.dma_semaphore, #tpu.memory_space<semaphore_mem>>) src(%dma_wait3A_74 : memref<10240x128xf32, #tpu.memory_space<hbm>>) dst(%arg9 : memref<128x128xf32, #tpu.memory_space<vmem>>)
      "tpu.region"() ({
        %run_scoped3A = tpu.sem_alloc : memref<!tpu.dma_semaphore, #tpu.memory_space<semaphore_mem>>
        %dma_start3A_97 = arith.constant 0 : i32
        %dma_start3A_98 = tpu.memref_slice %arg8[%mul3A_69, %dma_start3A_97] : memref<40x128xi32, #tpu.memory_space<vmem>> -> memref<1x128xi32, #tpu.memory_space<vmem>>
        %dma_start3A_99 = tpu.memref_squeeze %dma_start3A_98 : memref<1x128xi32, #tpu.memory_space<vmem>> -> memref<128xi32, #tpu.memory_space<vmem>>
        %dma_start3A_100 = arith.constant 0 : i32
        %dma_start3A_101 = arith.constant 0 : i32
        %dma_start3A_102 = tpu.memref_slice %arg6[%dma_start3A_100, %dma_start3A_101] : memref<10240x128xf32, #tpu.memory_space<vmem_shared>> -> memref<10240x128xf32, #tpu.memory_space<vmem_shared>>
        tpu.enqueue_indirect_dma source(%arg9 : memref<128x128xf32, #tpu.memory_space<vmem>>) target(%dma_start3A_102 : memref<10240x128xf32, #tpu.memory_space<vmem_shared>>) offsets(%dma_start3A_99 : memref<128xi32, #tpu.memory_space<vmem>>) semaphore(%run_scoped3A : memref<!tpu.dma_semaphore, #tpu.memory_space<semaphore_mem>>) {add = true}
        %dma_wait3A_103 = arith.constant 0 : i32
        %dma_wait3A_104 = tpu.memref_slice %arg8[%mul3A_69, %dma_wait3A_103] : memref<40x128xi32, #tpu.memory_space<vmem>> -> memref<1x128xi32, #tpu.memory_space<vmem>>
        %dma_wait3A_105 = tpu.memref_squeeze %dma_wait3A_104 : memref<1x128xi32, #tpu.memory_space<vmem>> -> memref<128xi32, #tpu.memory_space<vmem>>
        %dma_wait3A_106 = arith.constant 0 : i32
        %dma_wait3A_107 = arith.constant 0 : i32
        %dma_wait3A_108 = tpu.memref_slice %arg6[%dma_wait3A_106, %dma_wait3A_107] : memref<10240x128xf32, #tpu.memory_space<vmem_shared>> -> memref<10240x128xf32, #tpu.memory_space<vmem_shared>>
        tpu.wait_indirect_dma semaphore(%run_scoped3A : memref<!tpu.dma_semaphore, #tpu.memory_space<semaphore_mem>>) src(%arg9 : memref<128x128xf32, #tpu.memory_space<vmem>>) dst(%dma_wait3A_108 : memref<10240x128xf32, #tpu.memory_space<vmem_shared>>)
        tpu.yield
      }) : () -> ()
      %add3A_75 = arith.constant 2 : i32
      %add3A_76 = arith.addi %mul3A_69, %add3A_75 : i32
      %lt3A = arith.constant 40 : i32
      %lt3A_77 = arith.cmpi slt, %add3A_76, %lt3A : i32
      %convert_element_type3A = arith.extui %lt3A_77 : i1 to i32
      %cond3A = arith.constant 0 : i32
      %cond3A_78 = arith.cmpi ne, %convert_element_type3A, %cond3A : i32
      scf.if %cond3A_78 {
        %add3A_97 = arith.constant 2 : i32
        %add3A_98 = arith.addi %mul3A_69, %add3A_97 : i32
        %dma_start3A_99 = arith.constant 0 : i32
        %dma_start3A_100 = tpu.memref_slice %arg7[%add3A_98, %dma_start3A_99] : memref<40x128xi32, #tpu.memory_space<vmem>> -> memref<1x128xi32, #tpu.memory_space<vmem>>
        %dma_start3A_101 = tpu.memref_squeeze %dma_start3A_100 : memref<1x128xi32, #tpu.memory_space<vmem>> -> memref<128xi32, #tpu.memory_space<vmem>>
        %dma_start3A_102 = arith.constant 0 : i32
        %dma_start3A_103 = arith.constant 0 : i32
        %dma_start3A_104 = tpu.memref_slice %arg2[%dma_start3A_102, %dma_start3A_103] : memref<10240x128xf32, #tpu.memory_space<hbm>> -> memref<10240x128xf32, #tpu.memory_space<hbm>>
        tpu.enqueue_indirect_dma source(%dma_start3A_104 : memref<10240x128xf32, #tpu.memory_space<hbm>>) target(%arg9 : memref<128x128xf32, #tpu.memory_space<vmem>>) offsets(%dma_start3A_101 : memref<128xi32, #tpu.memory_space<vmem>>) semaphore(%arg11 : memref<!tpu.dma_semaphore, #tpu.memory_space<semaphore_mem>>)
      } else {
      }
      %mul3A_79 = arith.constant 2 : i32
      %mul3A_80 = arith.muli %mul3A_79, %scan3A_66 : i32
      %add3A_81 = arith.constant 1 : i32
      %add3A_82 = arith.addi %mul3A_80, %add3A_81 : i32
      %dma_wait3A_83 = arith.constant 0 : i32
      %dma_wait3A_84 = tpu.memref_slice %arg7[%add3A_82, %dma_wait3A_83] : memref<40x128xi32, #tpu.memory_space<vmem>> -> memref<1x128xi32, #tpu.memory_space<vmem>>
      %dma_wait3A_85 = tpu.memref_squeeze %dma_wait3A_84 : memref<1x128xi32, #tpu.memory_space<vmem>> -> memref<128xi32, #tpu.memory_space<vmem>>
      %dma_wait3A_86 = arith.constant 0 : i32
      %dma_wait3A_87 = arith.constant 0 : i32
      %dma_wait3A_88 = tpu.memref_slice %arg2[%dma_wait3A_86, %dma_wait3A_87] : memref<10240x128xf32, #tpu.memory_space<hbm>> -> memref<10240x128xf32, #tpu.memory_space<hbm>>
      tpu.wait_indirect_dma semaphore(%arg12 : memref<!tpu.dma_semaphore, #tpu.memory_space<semaphore_mem>>) src(%dma_wait3A_88 : memref<10240x128xf32, #tpu.memory_space<hbm>>) dst(%arg10 : memref<128x128xf32, #tpu.memory_space<vmem>>)
      "tpu.region"() ({
        %run_scoped3A = tpu.sem_alloc : memref<!tpu.dma_semaphore, #tpu.memory_space<semaphore_mem>>
        %dma_start3A_97 = arith.constant 0 : i32
        %dma_start3A_98 = tpu.memref_slice %arg8[%add3A_82, %dma_start3A_97] : memref<40x128xi32, #tpu.memory_space<vmem>> -> memref<1x128xi32, #tpu.memory_space<vmem>>
        %dma_start3A_99 = tpu.memref_squeeze %dma_start3A_98 : memref<1x128xi32, #tpu.memory_space<vmem>> -> memref<128xi32, #tpu.memory_space<vmem>>
        %dma_start3A_100 = arith.constant 0 : i32
        %dma_start3A_101 = arith.constant 0 : i32
        %dma_start3A_102 = tpu.memref_slice %arg6[%dma_start3A_100, %dma_start3A_101] : memref<10240x128xf32, #tpu.memory_space<vmem_shared>> -> memref<10240x128xf32, #tpu.memory_space<vmem_shared>>
        tpu.enqueue_indirect_dma source(%arg10 : memref<128x128xf32, #tpu.memory_space<vmem>>) target(%dma_start3A_102 : memref<10240x128xf32, #tpu.memory_space<vmem_shared>>) offsets(%dma_start3A_99 : memref<128xi32, #tpu.memory_space<vmem>>) semaphore(%run_scoped3A : memref<!tpu.dma_semaphore, #tpu.memory_space<semaphore_mem>>) {add = true}
        %dma_wait3A_103 = arith.constant 0 : i32
        %dma_wait3A_104 = tpu.memref_slice %arg8[%add3A_82, %dma_wait3A_103] : memref<40x128xi32, #tpu.memory_space<vmem>> -> memref<1x128xi32, #tpu.memory_space<vmem>>
        %dma_wait3A_105 = tpu.memref_squeeze %dma_wait3A_104 : memref<1x128xi32, #tpu.memory_space<vmem>> -> memref<128xi32, #tpu.memory_space<vmem>>
        %dma_wait3A_106 = arith.constant 0 : i32
        %dma_wait3A_107 = arith.constant 0 : i32
        %dma_wait3A_108 = tpu.memref_slice %arg6[%dma_wait3A_106, %dma_wait3A_107] : memref<10240x128xf32, #tpu.memory_space<vmem_shared>> -> memref<10240x128xf32, #tpu.memory_space<vmem_shared>>
        tpu.wait_indirect_dma semaphore(%run_scoped3A : memref<!tpu.dma_semaphore, #tpu.memory_space<semaphore_mem>>) src(%arg10 : memref<128x128xf32, #tpu.memory_space<vmem>>) dst(%dma_wait3A_108 : memref<10240x128xf32, #tpu.memory_space<vmem_shared>>)
        tpu.yield
      }) : () -> ()
      %add3A_89 = arith.constant 2 : i32
      %add3A_90 = arith.addi %add3A_82, %add3A_89 : i32
      %lt3A_91 = arith.constant 40 : i32
      %lt3A_92 = arith.cmpi slt, %add3A_90, %lt3A_91 : i32
      %convert_element_type3A_93 = arith.extui %lt3A_92 : i1 to i32
      %cond3A_94 = arith.constant 0 : i32
      %cond3A_95 = arith.cmpi ne, %convert_element_type3A_93, %cond3A_94 : i32
      scf.if %cond3A_95 {
        %add3A_97 = arith.constant 2 : i32
        %add3A_98 = arith.addi %add3A_82, %add3A_97 : i32
        %dma_start3A_99 = arith.constant 0 : i32
        %dma_start3A_100 = tpu.memref_slice %arg7[%add3A_98, %dma_start3A_99] : memref<40x128xi32, #tpu.memory_space<vmem>> -> memref<1x128xi32, #tpu.memory_space<vmem>>
        %dma_start3A_101 = tpu.memref_squeeze %dma_start3A_100 : memref<1x128xi32, #tpu.memory_space<vmem>> -> memref<128xi32, #tpu.memory_space<vmem>>
        %dma_start3A_102 = arith.constant 0 : i32
        %dma_start3A_103 = arith.constant 0 : i32
        %dma_start3A_104 = tpu.memref_slice %arg2[%dma_start3A_102, %dma_start3A_103] : memref<10240x128xf32, #tpu.memory_space<hbm>> -> memref<10240x128xf32, #tpu.memory_space<hbm>>
        tpu.enqueue_indirect_dma source(%dma_start3A_104 : memref<10240x128xf32, #tpu.memory_space<hbm>>) target(%arg10 : memref<128x128xf32, #tpu.memory_space<vmem>>) offsets(%dma_start3A_101 : memref<128xi32, #tpu.memory_space<vmem>>) semaphore(%arg12 : memref<!tpu.dma_semaphore, #tpu.memory_space<semaphore_mem>>)
      } else {
      }
      %scan3A_96 = arith.constant 0 : i32
      scf.yield %scan3A_96 : i32
    }
    %scan3A_57 = arith.constant 20 : i32
    %barrier3A_58 = arith.constant 0 : index
    tpu.barrier barrier_id(%barrier3A_58)
    %scan3A_59 = arith.constant 0 : i32
    %scan3A_60 = arith.constant 0 : i32
    %scan3A_61 = arith.constant 5 : i32
    %scan3A_62 = arith.addi %scan3A_60, %scan3A_61 : i32
    %scan3A_63 = arith.constant 1 : i32
    %scan3A_64 = scf.for %scan3A_66 = %scan3A_60 to %scan3A_62 step %scan3A_63 iter_args(%scan3A_67 = %scan3A_59) -> (i32)  : i32 {
      %mul3A_68 = arith.constant 128 : i32
      %mul3A_69 = arith.muli %scan3A_66, %mul3A_68 : i32
      %add3A_70 = arith.addi %mul3A_9, %mul3A_69 : i32
      "tpu.region"() ({
        %run_scoped3A = tpu.sem_alloc : memref<!tpu.dma_semaphore, #tpu.memory_space<semaphore_mem>>
        %dma_start3A_72 = arith.constant 0 : i32
        %dma_start3A_73 = tpu.memref_slice %arg5[%arg0, %add3A_70, %dma_start3A_72] : memref<2x10240x128xf32, #tpu.memory_space<hbm>> -> memref<1x128x128xf32, #tpu.memory_space<hbm>>
        %dma_start3A_74 = tpu.memref_squeeze %dma_start3A_73 : memref<1x128x128xf32, #tpu.memory_space<hbm>> -> memref<128x128xf32, #tpu.memory_space<hbm>>
        %dma_start3A_75 = arith.constant 0 : i32
        %dma_start3A_76 = tpu.memref_slice %arg6[%add3A_70, %dma_start3A_75] : memref<10240x128xf32, #tpu.memory_space<vmem_shared>> -> memref<128x128xf32, #tpu.memory_space<vmem_shared>>
        tpu.enqueue_dma source(%dma_start3A_76 : memref<128x128xf32, #tpu.memory_space<vmem_shared>>) target(%dma_start3A_74 : memref<128x128xf32, #tpu.memory_space<hbm>>) target_semaphore(%run_scoped3A : memref<!tpu.dma_semaphore, #tpu.memory_space<semaphore_mem>>)
        %dma_wait3A = arith.constant 0 : i32
        %dma_wait3A_77 = tpu.memref_slice %arg5[%arg0, %add3A_70, %dma_wait3A] : memref<2x10240x128xf32, #tpu.memory_space<hbm>> -> memref<1x128x128xf32, #tpu.memory_space<hbm>>
        %dma_wait3A_78 = tpu.memref_squeeze %dma_wait3A_77 : memref<1x128x128xf32, #tpu.memory_space<hbm>> -> memref<128x128xf32, #tpu.memory_space<hbm>>
        %dma_wait3A_79 = arith.constant 0 : i32
        %dma_wait3A_80 = tpu.memref_slice %arg6[%add3A_70, %dma_wait3A_79] : memref<10240x128xf32, #tpu.memory_space<vmem_shared>> -> memref<128x128xf32, #tpu.memory_space<vmem_shared>>
        tpu.wait_dma2 semaphore(%run_scoped3A : memref<!tpu.dma_semaphore, #tpu.memory_space<semaphore_mem>>) src(%dma_wait3A_80 : memref<128x128xf32, #tpu.memory_space<vmem_shared>>) dst(%dma_wait3A_78 : memref<128x128xf32, #tpu.memory_space<hbm>>)
        tpu.yield
      }) : () -> ()
      %scan3A_71 = arith.constant 0 : i32
      scf.yield %scan3A_71 : i32
    }
    %scan3A_65 = arith.constant 5 : i32
    return
  }
}

#map = affine_map<(d0, d1) -> (0, 0)>
#map1 = affine_map<(d0, d1) -> (0, 0, 0)>
module attributes {stable_mosaic.version = 14 : i64} {
  func.func @_seg_body(%arg0: i32, %arg1: i32, %arg2: memref<10240x128xf32, #tpu.memory_space<hbm>>, %arg3: memref<32x80x128xi32, #tpu.memory_space<hbm>>, %arg4: memref<32x80x128xi32, #tpu.memory_space<hbm>>, %arg5: memref<2x10240x128xf32, #tpu.memory_space<hbm>>, %arg6: memref<10240x128xf32, #tpu.memory_space<vmem_shared>>, %arg7: memref<40x128xi32, #tpu.memory_space<vmem>>, %arg8: memref<40x128xi32, #tpu.memory_space<vmem>>, %arg9: memref<128x128xf32, #tpu.memory_space<vmem>>, %arg10: memref<128x128xf32, #tpu.memory_space<vmem>>, %arg11: memref<!tpu.dma_semaphore, #tpu.memory_space<semaphore_mem>>, %arg12: memref<!tpu.dma_semaphore, #tpu.memory_space<semaphore_mem>>) attributes {dimension_semantics = [#tpu.dimension_semantics<core_parallel>, #tpu.dimension_semantics<subcore_parallel>], iteration_bounds = array<i64: 2, 16>, scalar_prefetch = 0 : i64, scratch_operands = 7 : i64, tpu.core_type = #tpu.core_type<sc_vector_subcore>, window_params = [{transform_indices = #map}, {transform_indices = #map1}, {transform_indices = #map1}, {transform_indices = #map1}]} {
    %mul3A = arith.constant 2 : i32
    %mul3A_0 = arith.muli %arg1, %mul3A : i32
    %add3A = arith.addi %mul3A_0, %arg0 : i32
    %broadcast_in_dim3A = arith.constant 0.000000e+00 : f32
    %broadcast_in_dim3A_1 = vector.broadcast %broadcast_in_dim3A : f32 to vector<16xf32>
    %scan3A = arith.constant 0 : i32
    %scan3A_2 = arith.constant 0 : i32
    %scan3A_3 = arith.constant 128 : i32
    %scan3A_4 = arith.addi %scan3A_2, %scan3A_3 : i32
    %scan3A_5 = arith.constant 1 : i32
    %scan3A_6 = scf.for %scan3A_66 = %scan3A_2 to %scan3A_4 step %scan3A_5 iter_args(%scan3A_67 = %scan3A) -> (i32)  : i32 {
      %swap3A = arith.index_cast %scan3A_66 : i32 to index
      %swap3A_68 = arith.constant 0 : index
      %swap3A_69 = tpu.vector_load %arg9[%swap3A, %swap3A_68] {strides = array<i32>} : memref<128x128xf32, #tpu.memory_space<vmem>>, vector<1x16xf32>,
      %swap3A_70 = vector.shape_cast %swap3A_69 : vector<1x16xf32> to vector<16xf32>
      %swap3A_71 = vector.shape_cast %broadcast_in_dim3A_1 : vector<16xf32> to vector<1x16xf32>
      tpu.vector_store %arg9[%swap3A, %swap3A_68], %swap3A_71 {strides = array<i32>} : memref<128x128xf32, #tpu.memory_space<vmem>>, vector<1x16xf32>,
      %swap3A_72 = arith.index_cast %scan3A_66 : i32 to index
      %swap3A_73 = arith.constant 16 : index
      %swap3A_74 = tpu.vector_load %arg9[%swap3A_72, %swap3A_73] {strides = array<i32>} : memref<128x128xf32, #tpu.memory_space<vmem>>, vector<1x16xf32>,
      %swap3A_75 = vector.shape_cast %swap3A_74 : vector<1x16xf32> to vector<16xf32>
      %swap3A_76 = vector.shape_cast %broadcast_in_dim3A_1 : vector<16xf32> to vector<1x16xf32>
      tpu.vector_store %arg9[%swap3A_72, %swap3A_73], %swap3A_76 {strides = array<i32>} : memref<128x128xf32, #tpu.memory_space<vmem>>, vector<1x16xf32>,
      %swap3A_77 = arith.index_cast %scan3A_66 : i32 to index
      %swap3A_78 = arith.constant 32 : index
      %swap3A_79 = tpu.vector_load %arg9[%swap3A_77, %swap3A_78] {strides = array<i32>} : memref<128x128xf32, #tpu.memory_space<vmem>>, vector<1x16xf32>,
      %swap3A_80 = vector.shape_cast %swap3A_79 : vector<1x16xf32> to vector<16xf32>
      %swap3A_81 = vector.shape_cast %broadcast_in_dim3A_1 : vector<16xf32> to vector<1x16xf32>
      tpu.vector_store %arg9[%swap3A_77, %swap3A_78], %swap3A_81 {strides = array<i32>} : memref<128x128xf32, #tpu.memory_space<vmem>>, vector<1x16xf32>,
      %swap3A_82 = arith.index_cast %scan3A_66 : i32 to index
      %swap3A_83 = arith.constant 48 : index
      %swap3A_84 = tpu.vector_load %arg9[%swap3A_82, %swap3A_83] {strides = array<i32>} : memref<128x128xf32, #tpu.memory_space<vmem>>, vector<1x16xf32>,
      %swap3A_85 = vector.shape_cast %swap3A_84 : vector<1x16xf32> to vector<16xf32>
      %swap3A_86 = vector.shape_cast %broadcast_in_dim3A_1 : vector<16xf32> to vector<1x16xf32>
      tpu.vector_store %arg9[%swap3A_82, %swap3A_83], %swap3A_86 {strides = array<i32>} : memref<128x128xf32, #tpu.memory_space<vmem>>, vector<1x16xf32>,
      %swap3A_87 = arith.index_cast %scan3A_66 : i32 to index
      %swap3A_88 = arith.constant 64 : index
      %swap3A_89 = tpu.vector_load %arg9[%swap3A_87, %swap3A_88] {strides = array<i32>} : memref<128x128xf32, #tpu.memory_space<vmem>>, vector<1x16xf32>,
      %swap3A_90 = vector.shape_cast %swap3A_89 : vector<1x16xf32> to vector<16xf32>
      %swap3A_91 = vector.shape_cast %broadcast_in_dim3A_1 : vector<16xf32> to vector<1x16xf32>
      tpu.vector_store %arg9[%swap3A_87, %swap3A_88], %swap3A_91 {strides = array<i32>} : memref<128x128xf32, #tpu.memory_space<vmem>>, vector<1x16xf32>,
      %swap3A_92 = arith.index_cast %scan3A_66 : i32 to index
      %swap3A_93 = arith.constant 80 : index
      %swap3A_94 = tpu.vector_load %arg9[%swap3A_92, %swap3A_93] {strides = array<i32>} : memref<128x128xf32, #tpu.memory_space<vmem>>, vector<1x16xf32>,
      %swap3A_95 = vector.shape_cast %swap3A_94 : vector<1x16xf32> to vector<16xf32>
      %swap3A_96 = vector.shape_cast %broadcast_in_dim3A_1 : vector<16xf32> to vector<1x16xf32>
      tpu.vector_store %arg9[%swap3A_92, %swap3A_93], %swap3A_96 {strides = array<i32>} : memref<128x128xf32, #tpu.memory_space<vmem>>, vector<1x16xf32>,
      %swap3A_97 = arith.index_cast %scan3A_66 : i32 to index
      %swap3A_98 = arith.constant 96 : index
      %swap3A_99 = tpu.vector_load %arg9[%swap3A_97, %swap3A_98] {strides = array<i32>} : memref<128x128xf32, #tpu.memory_space<vmem>>, vector<1x16xf32>,
      %swap3A_100 = vector.shape_cast %swap3A_99 : vector<1x16xf32> to vector<16xf32>
      %swap3A_101 = vector.shape_cast %broadcast_in_dim3A_1 : vector<16xf32> to vector<1x16xf32>
      tpu.vector_store %arg9[%swap3A_97, %swap3A_98], %swap3A_101 {strides = array<i32>} : memref<128x128xf32, #tpu.memory_space<vmem>>, vector<1x16xf32>,
      %swap3A_102 = arith.index_cast %scan3A_66 : i32 to index
      %swap3A_103 = arith.constant 112 : index
      %swap3A_104 = tpu.vector_load %arg9[%swap3A_102, %swap3A_103] {strides = array<i32>} : memref<128x128xf32, #tpu.memory_space<vmem>>, vector<1x16xf32>,
      %swap3A_105 = vector.shape_cast %swap3A_104 : vector<1x16xf32> to vector<16xf32>
      %swap3A_106 = vector.shape_cast %broadcast_in_dim3A_1 : vector<16xf32> to vector<1x16xf32>
      tpu.vector_store %arg9[%swap3A_102, %swap3A_103], %swap3A_106 {strides = array<i32>} : memref<128x128xf32, #tpu.memory_space<vmem>>, vector<1x16xf32>,
      %scan3A_107 = arith.constant 0 : i32
      scf.yield %scan3A_107 : i32
    }
    %scan3A_7 = arith.constant 128 : i32
    %mul3A_8 = arith.constant 640 : i32
    %mul3A_9 = arith.muli %arg1, %mul3A_8 : i32
    %scan3A_10 = arith.constant 0 : i32
    %scan3A_11 = arith.constant 0 : i32
    %scan3A_12 = arith.constant 5 : i32
    %scan3A_13 = arith.addi %scan3A_11, %scan3A_12 : i32
    %scan3A_14 = arith.constant 1 : i32
    %scan3A_15 = scf.for %scan3A_66 = %scan3A_11 to %scan3A_13 step %scan3A_14 iter_args(%scan3A_67 = %scan3A_10) -> (i32)  : i32 {
      %mul3A_68 = arith.constant 128 : i32
      %mul3A_69 = arith.muli %scan3A_66, %mul3A_68 : i32
      %add3A_70 = arith.addi %mul3A_9, %mul3A_69 : i32
      "tpu.region"() ({
        %run_scoped3A = tpu.sem_alloc : memref<!tpu.dma_semaphore, #tpu.memory_space<semaphore_mem>>
        %dma_start3A_72 = arith.constant 0 : i32
        %dma_start3A_73 = tpu.memref_slice %arg6[%add3A_70, %dma_start3A_72] : memref<10240x128xf32, #tpu.memory_space<vmem_shared>> -> memref<128x128xf32, #tpu.memory_space<vmem_shared>>
        %dma_start3A_74 = arith.constant 0 : i32
        %dma_start3A_75 = tpu.memref_slice %arg6[%add3A_70, %dma_start3A_74] : memref<10240x128xf32, #tpu.memory_space<vmem_shared>> -> memref<128x128xf32, #tpu.memory_space<vmem_shared>>
        tpu.enqueue_dma source(%arg9 : memref<128x128xf32, #tpu.memory_space<vmem>>) target(%dma_start3A_75 : memref<128x128xf32, #tpu.memory_space<vmem_shared>>) target_semaphore(%run_scoped3A : memref<!tpu.dma_semaphore, #tpu.memory_space<semaphore_mem>>)
        %dma_wait3A = arith.constant 0 : i32
        %dma_wait3A_76 = tpu.memref_slice %arg6[%add3A_70, %dma_wait3A] : memref<10240x128xf32, #tpu.memory_space<vmem_shared>> -> memref<128x128xf32, #tpu.memory_space<vmem_shared>>
        %dma_wait3A_77 = arith.constant 0 : i32
        %dma_wait3A_78 = tpu.memref_slice %arg6[%add3A_70, %dma_wait3A_77] : memref<10240x128xf32, #tpu.memory_space<vmem_shared>> -> memref<128x128xf32, #tpu.memory_space<vmem_shared>>
        tpu.wait_dma2 semaphore(%run_scoped3A : memref<!tpu.dma_semaphore, #tpu.memory_space<semaphore_mem>>) src(%arg9 : memref<128x128xf32, #tpu.memory_space<vmem>>) dst(%dma_wait3A_78 : memref<128x128xf32, #tpu.memory_space<vmem_shared>>)
        tpu.yield
      }) : () -> ()
      %scan3A_71 = arith.constant 0 : i32
      scf.yield %scan3A_71 : i32
    }
    %scan3A_16 = arith.constant 5 : i32
    %barrier3A = arith.constant 0 : index
    tpu.barrier barrier_id(%barrier3A)
    "tpu.region"() ({
      %run_scoped3A = tpu.sem_alloc : memref<!tpu.dma_semaphore, #tpu.memory_space<semaphore_mem>>
      %dma_start3A_66 = arith.constant 0 : i32
      %dma_start3A_67 = arith.constant 0 : i32
      %dma_start3A_68 = tpu.memref_slice %arg3[%add3A, %dma_start3A_66, %dma_start3A_67] : memref<32x80x128xi32, #tpu.memory_space<hbm>> -> memref<1x40x128xi32, #tpu.memory_space<hbm>>
      %dma_start3A_69 = tpu.memref_squeeze %dma_start3A_68 : memref<1x40x128xi32, #tpu.memory_space<hbm>> -> memref<40x128xi32, #tpu.memory_space<hbm>>
      %dma_start3A_70 = arith.constant 0 : i32
      %dma_start3A_71 = arith.constant 0 : i32
      %dma_start3A_72 = tpu.memref_slice %arg3[%add3A, %dma_start3A_70, %dma_start3A_71] : memref<32x80x128xi32, #tpu.memory_space<hbm>> -> memref<1x40x128xi32, #tpu.memory_space<hbm>>
      %dma_start3A_73 = tpu.memref_squeeze %dma_start3A_72 : memref<1x40x128xi32, #tpu.memory_space<hbm>> -> memref<40x128xi32, #tpu.memory_space<hbm>>
      tpu.enqueue_dma source(%dma_start3A_73 : memref<40x128xi32, #tpu.memory_space<hbm>>) target(%arg7 : memref<40x128xi32, #tpu.memory_space<vmem>>) target_semaphore(%run_scoped3A : memref<!tpu.dma_semaphore, #tpu.memory_space<semaphore_mem>>)
      %dma_wait3A = arith.constant 0 : i32
      %dma_wait3A_74 = arith.constant 0 : i32
      %dma_wait3A_75 = tpu.memref_slice %arg3[%add3A, %dma_wait3A, %dma_wait3A_74] : memref<32x80x128xi32, #tpu.memory_space<hbm>> -> memref<1x40x128xi32, #tpu.memory_space<hbm>>
      %dma_wait3A_76 = tpu.memref_squeeze %dma_wait3A_75 : memref<1x40x128xi32, #tpu.memory_space<hbm>> -> memref<40x128xi32, #tpu.memory_space<hbm>>
      %dma_wait3A_77 = arith.constant 0 : i32
      %dma_wait3A_78 = arith.constant 0 : i32
      %dma_wait3A_79 = tpu.memref_slice %arg3[%add3A, %dma_wait3A_77, %dma_wait3A_78] : memref<32x80x128xi32, #tpu.memory_space<hbm>> -> memref<1x40x128xi32, #tpu.memory_space<hbm>>
      %dma_wait3A_80 = tpu.memref_squeeze %dma_wait3A_79 : memref<1x40x128xi32, #tpu.memory_space<hbm>> -> memref<40x128xi32, #tpu.memory_space<hbm>>
      tpu.wait_dma2 semaphore(%run_scoped3A : memref<!tpu.dma_semaphore, #tpu.memory_space<semaphore_mem>>) src(%dma_wait3A_80 : memref<40x128xi32, #tpu.memory_space<hbm>>) dst(%arg7 : memref<40x128xi32, #tpu.memory_space<vmem>>)
      tpu.yield
    }) : () -> ()
    "tpu.region"() ({
      %run_scoped3A = tpu.sem_alloc : memref<!tpu.dma_semaphore, #tpu.memory_space<semaphore_mem>>
      %dma_start3A_66 = arith.constant 0 : i32
      %dma_start3A_67 = arith.constant 0 : i32
      %dma_start3A_68 = tpu.memref_slice %arg4[%add3A, %dma_start3A_66, %dma_start3A_67] : memref<32x80x128xi32, #tpu.memory_space<hbm>> -> memref<1x40x128xi32, #tpu.memory_space<hbm>>
      %dma_start3A_69 = tpu.memref_squeeze %dma_start3A_68 : memref<1x40x128xi32, #tpu.memory_space<hbm>> -> memref<40x128xi32, #tpu.memory_space<hbm>>
      %dma_start3A_70 = arith.constant 0 : i32
      %dma_start3A_71 = arith.constant 0 : i32
      %dma_start3A_72 = tpu.memref_slice %arg4[%add3A, %dma_start3A_70, %dma_start3A_71] : memref<32x80x128xi32, #tpu.memory_space<hbm>> -> memref<1x40x128xi32, #tpu.memory_space<hbm>>
      %dma_start3A_73 = tpu.memref_squeeze %dma_start3A_72 : memref<1x40x128xi32, #tpu.memory_space<hbm>> -> memref<40x128xi32, #tpu.memory_space<hbm>>
      tpu.enqueue_dma source(%dma_start3A_73 : memref<40x128xi32, #tpu.memory_space<hbm>>) target(%arg8 : memref<40x128xi32, #tpu.memory_space<vmem>>) target_semaphore(%run_scoped3A : memref<!tpu.dma_semaphore, #tpu.memory_space<semaphore_mem>>)
      %dma_wait3A = arith.constant 0 : i32
      %dma_wait3A_74 = arith.constant 0 : i32
      %dma_wait3A_75 = tpu.memref_slice %arg4[%add3A, %dma_wait3A, %dma_wait3A_74] : memref<32x80x128xi32, #tpu.memory_space<hbm>> -> memref<1x40x128xi32, #tpu.memory_space<hbm>>
      %dma_wait3A_76 = tpu.memref_squeeze %dma_wait3A_75 : memref<1x40x128xi32, #tpu.memory_space<hbm>> -> memref<40x128xi32, #tpu.memory_space<hbm>>
      %dma_wait3A_77 = arith.constant 0 : i32
      %dma_wait3A_78 = arith.constant 0 : i32
      %dma_wait3A_79 = tpu.memref_slice %arg4[%add3A, %dma_wait3A_77, %dma_wait3A_78] : memref<32x80x128xi32, #tpu.memory_space<hbm>> -> memref<1x40x128xi32, #tpu.memory_space<hbm>>
      %dma_wait3A_80 = tpu.memref_squeeze %dma_wait3A_79 : memref<1x40x128xi32, #tpu.memory_space<hbm>> -> memref<40x128xi32, #tpu.memory_space<hbm>>
      tpu.wait_dma2 semaphore(%run_scoped3A : memref<!tpu.dma_semaphore, #tpu.memory_space<semaphore_mem>>) src(%dma_wait3A_80 : memref<40x128xi32, #tpu.memory_space<hbm>>) dst(%arg8 : memref<40x128xi32, #tpu.memory_space<vmem>>)
      tpu.yield
    }) : () -> ()
    %dma_start3A = arith.constant 0 : i32
    %dma_start3A_17 = arith.constant 0 : i32
    %dma_start3A_18 = tpu.memref_slice %arg7[%dma_start3A, %dma_start3A_17] : memref<40x128xi32, #tpu.memory_space<vmem>> -> memref<1x128xi32, #tpu.memory_space<vmem>>
    %dma_start3A_19 = tpu.memref_squeeze %dma_start3A_18 : memref<1x128xi32, #tpu.memory_space<vmem>> -> memref<128xi32, #tpu.memory_space<vmem>>
    %dma_start3A_20 = arith.constant 0 : i32
    %dma_start3A_21 = arith.constant 0 : i32
    %dma_start3A_22 = tpu.memref_slice %arg2[%dma_start3A_20, %dma_start3A_21] : memref<10240x128xf32, #tpu.memory_space<hbm>> -> memref<10240x128xf32, #tpu.memory_space<hbm>>
    tpu.enqueue_indirect_dma source(%dma_start3A_22 : memref<10240x128xf32, #tpu.memory_space<hbm>>) target(%arg9 : memref<128x128xf32, #tpu.memory_space<vmem>>) offsets(%dma_start3A_19 : memref<128xi32, #tpu.memory_space<vmem>>) semaphore(%arg11 : memref<!tpu.dma_semaphore, #tpu.memory_space<semaphore_mem>>)
    %dma_start3A_23 = arith.constant 1 : i32
    %dma_start3A_24 = arith.constant 0 : i32
    %dma_start3A_25 = tpu.memref_slice %arg7[%dma_start3A_23, %dma_start3A_24] : memref<40x128xi32, #tpu.memory_space<vmem>> -> memref<1x128xi32, #tpu.memory_space<vmem>>
    %dma_start3A_26 = tpu.memref_squeeze %dma_start3A_25 : memref<1x128xi32, #tpu.memory_space<vmem>> -> memref<128xi32, #tpu.memory_space<vmem>>
    %dma_start3A_27 = arith.constant 0 : i32
    %dma_start3A_28 = arith.constant 0 : i32
    %dma_start3A_29 = tpu.memref_slice %arg2[%dma_start3A_27, %dma_start3A_28] : memref<10240x128xf32, #tpu.memory_space<hbm>> -> memref<10240x128xf32, #tpu.memory_space<hbm>>
    tpu.enqueue_indirect_dma source(%dma_start3A_29 : memref<10240x128xf32, #tpu.memory_space<hbm>>) target(%arg10 : memref<128x128xf32, #tpu.memory_space<vmem>>) offsets(%dma_start3A_26 : memref<128xi32, #tpu.memory_space<vmem>>) semaphore(%arg12 : memref<!tpu.dma_semaphore, #tpu.memory_space<semaphore_mem>>)
    %scan3A_30 = arith.constant 0 : i32
    %scan3A_31 = arith.constant 0 : i32
    %scan3A_32 = arith.constant 20 : i32
    %scan3A_33 = arith.addi %scan3A_31, %scan3A_32 : i32
    %scan3A_34 = arith.constant 1 : i32
    %scan3A_35 = scf.for %scan3A_66 = %scan3A_31 to %scan3A_33 step %scan3A_34 iter_args(%scan3A_67 = %scan3A_30) -> (i32)  : i32 {
      %mul3A_68 = arith.constant 2 : i32
      %mul3A_69 = arith.muli %mul3A_68, %scan3A_66 : i32
      %dma_wait3A = arith.constant 0 : i32
      %dma_wait3A_70 = tpu.memref_slice %arg7[%mul3A_69, %dma_wait3A] : memref<40x128xi32, #tpu.memory_space<vmem>> -> memref<1x128xi32, #tpu.memory_space<vmem>>
      %dma_wait3A_71 = tpu.memref_squeeze %dma_wait3A_70 : memref<1x128xi32, #tpu.memory_space<vmem>> -> memref<128xi32, #tpu.memory_space<vmem>>
      %dma_wait3A_72 = arith.constant 0 : i32
      %dma_wait3A_73 = arith.constant 0 : i32
      %dma_wait3A_74 = tpu.memref_slice %arg2[%dma_wait3A_72, %dma_wait3A_73] : memref<10240x128xf32, #tpu.memory_space<hbm>> -> memref<10240x128xf32, #tpu.memory_space<hbm>>
      tpu.wait_indirect_dma semaphore(%arg11 : memref<!tpu.dma_semaphore, #tpu.memory_space<semaphore_mem>>) src(%dma_wait3A_74 : memref<10240x128xf32, #tpu.memory_space<hbm>>) dst(%arg9 : memref<128x128xf32, #tpu.memory_space<vmem>>)
      "tpu.region"() ({
        %run_scoped3A = tpu.sem_alloc : memref<!tpu.dma_semaphore, #tpu.memory_space<semaphore_mem>>
        %dma_start3A_97 = arith.constant 0 : i32
        %dma_start3A_98 = tpu.memref_slice %arg8[%mul3A_69, %dma_start3A_97] : memref<40x128xi32, #tpu.memory_space<vmem>> -> memref<1x128xi32, #tpu.memory_space<vmem>>
        %dma_start3A_99 = tpu.memref_squeeze %dma_start3A_98 : memref<1x128xi32, #tpu.memory_space<vmem>> -> memref<128xi32, #tpu.memory_space<vmem>>
        %dma_start3A_100 = arith.constant 0 : i32
        %dma_start3A_101 = arith.constant 0 : i32
        %dma_start3A_102 = tpu.memref_slice %arg6[%dma_start3A_100, %dma_start3A_101] : memref<10240x128xf32, #tpu.memory_space<vmem_shared>> -> memref<10240x128xf32, #tpu.memory_space<vmem_shared>>
        tpu.enqueue_indirect_dma source(%arg9 : memref<128x128xf32, #tpu.memory_space<vmem>>) target(%dma_start3A_102 : memref<10240x128xf32, #tpu.memory_space<vmem_shared>>) offsets(%dma_start3A_99 : memref<128xi32, #tpu.memory_space<vmem>>) semaphore(%run_scoped3A : memref<!tpu.dma_semaphore, #tpu.memory_space<semaphore_mem>>) {add = true}
        %dma_wait3A_103 = arith.constant 0 : i32
        %dma_wait3A_104 = tpu.memref_slice %arg8[%mul3A_69, %dma_wait3A_103] : memref<40x128xi32, #tpu.memory_space<vmem>> -> memref<1x128xi32, #tpu.memory_space<vmem>>
        %dma_wait3A_105 = tpu.memref_squeeze %dma_wait3A_104 : memref<1x128xi32, #tpu.memory_space<vmem>> -> memref<128xi32, #tpu.memory_space<vmem>>
        %dma_wait3A_106 = arith.constant 0 : i32
        %dma_wait3A_107 = arith.constant 0 : i32
        %dma_wait3A_108 = tpu.memref_slice %arg6[%dma_wait3A_106, %dma_wait3A_107] : memref<10240x128xf32, #tpu.memory_space<vmem_shared>> -> memref<10240x128xf32, #tpu.memory_space<vmem_shared>>
        tpu.wait_indirect_dma semaphore(%run_scoped3A : memref<!tpu.dma_semaphore, #tpu.memory_space<semaphore_mem>>) src(%arg9 : memref<128x128xf32, #tpu.memory_space<vmem>>) dst(%dma_wait3A_108 : memref<10240x128xf32, #tpu.memory_space<vmem_shared>>)
        tpu.yield
      }) : () -> ()
      %add3A_75 = arith.constant 2 : i32
      %add3A_76 = arith.addi %mul3A_69, %add3A_75 : i32
      %lt3A = arith.constant 40 : i32
      %lt3A_77 = arith.cmpi slt, %add3A_76, %lt3A : i32
      %convert_element_type3A = arith.extui %lt3A_77 : i1 to i32
      %cond3A = arith.constant 0 : i32
      %cond3A_78 = arith.cmpi ne, %convert_element_type3A, %cond3A : i32
      scf.if %cond3A_78 {
        %add3A_97 = arith.constant 2 : i32
        %add3A_98 = arith.addi %mul3A_69, %add3A_97 : i32
        %dma_start3A_99 = arith.constant 0 : i32
        %dma_start3A_100 = tpu.memref_slice %arg7[%add3A_98, %dma_start3A_99] : memref<40x128xi32, #tpu.memory_space<vmem>> -> memref<1x128xi32, #tpu.memory_space<vmem>>
        %dma_start3A_101 = tpu.memref_squeeze %dma_start3A_100 : memref<1x128xi32, #tpu.memory_space<vmem>> -> memref<128xi32, #tpu.memory_space<vmem>>
        %dma_start3A_102 = arith.constant 0 : i32
        %dma_start3A_103 = arith.constant 0 : i32
        %dma_start3A_104 = tpu.memref_slice %arg2[%dma_start3A_102, %dma_start3A_103] : memref<10240x128xf32, #tpu.memory_space<hbm>> -> memref<10240x128xf32, #tpu.memory_space<hbm>>
        tpu.enqueue_indirect_dma source(%dma_start3A_104 : memref<10240x128xf32, #tpu.memory_space<hbm>>) target(%arg9 : memref<128x128xf32, #tpu.memory_space<vmem>>) offsets(%dma_start3A_101 : memref<128xi32, #tpu.memory_space<vmem>>) semaphore(%arg11 : memref<!tpu.dma_semaphore, #tpu.memory_space<semaphore_mem>>)
      } else {
      }
      %mul3A_79 = arith.constant 2 : i32
      %mul3A_80 = arith.muli %mul3A_79, %scan3A_66 : i32
      %add3A_81 = arith.constant 1 : i32
      %add3A_82 = arith.addi %mul3A_80, %add3A_81 : i32
      %dma_wait3A_83 = arith.constant 0 : i32
      %dma_wait3A_84 = tpu.memref_slice %arg7[%add3A_82, %dma_wait3A_83] : memref<40x128xi32, #tpu.memory_space<vmem>> -> memref<1x128xi32, #tpu.memory_space<vmem>>
      %dma_wait3A_85 = tpu.memref_squeeze %dma_wait3A_84 : memref<1x128xi32, #tpu.memory_space<vmem>> -> memref<128xi32, #tpu.memory_space<vmem>>
      %dma_wait3A_86 = arith.constant 0 : i32
      %dma_wait3A_87 = arith.constant 0 : i32
      %dma_wait3A_88 = tpu.memref_slice %arg2[%dma_wait3A_86, %dma_wait3A_87] : memref<10240x128xf32, #tpu.memory_space<hbm>> -> memref<10240x128xf32, #tpu.memory_space<hbm>>
      tpu.wait_indirect_dma semaphore(%arg12 : memref<!tpu.dma_semaphore, #tpu.memory_space<semaphore_mem>>) src(%dma_wait3A_88 : memref<10240x128xf32, #tpu.memory_space<hbm>>) dst(%arg10 : memref<128x128xf32, #tpu.memory_space<vmem>>)
      "tpu.region"() ({
        %run_scoped3A = tpu.sem_alloc : memref<!tpu.dma_semaphore, #tpu.memory_space<semaphore_mem>>
        %dma_start3A_97 = arith.constant 0 : i32
        %dma_start3A_98 = tpu.memref_slice %arg8[%add3A_82, %dma_start3A_97] : memref<40x128xi32, #tpu.memory_space<vmem>> -> memref<1x128xi32, #tpu.memory_space<vmem>>
        %dma_start3A_99 = tpu.memref_squeeze %dma_start3A_98 : memref<1x128xi32, #tpu.memory_space<vmem>> -> memref<128xi32, #tpu.memory_space<vmem>>
        %dma_start3A_100 = arith.constant 0 : i32
        %dma_start3A_101 = arith.constant 0 : i32
        %dma_start3A_102 = tpu.memref_slice %arg6[%dma_start3A_100, %dma_start3A_101] : memref<10240x128xf32, #tpu.memory_space<vmem_shared>> -> memref<10240x128xf32, #tpu.memory_space<vmem_shared>>
        tpu.enqueue_indirect_dma source(%arg10 : memref<128x128xf32, #tpu.memory_space<vmem>>) target(%dma_start3A_102 : memref<10240x128xf32, #tpu.memory_space<vmem_shared>>) offsets(%dma_start3A_99 : memref<128xi32, #tpu.memory_space<vmem>>) semaphore(%run_scoped3A : memref<!tpu.dma_semaphore, #tpu.memory_space<semaphore_mem>>) {add = true}
        %dma_wait3A_103 = arith.constant 0 : i32
        %dma_wait3A_104 = tpu.memref_slice %arg8[%add3A_82, %dma_wait3A_103] : memref<40x128xi32, #tpu.memory_space<vmem>> -> memref<1x128xi32, #tpu.memory_space<vmem>>
        %dma_wait3A_105 = tpu.memref_squeeze %dma_wait3A_104 : memref<1x128xi32, #tpu.memory_space<vmem>> -> memref<128xi32, #tpu.memory_space<vmem>>
        %dma_wait3A_106 = arith.constant 0 : i32
        %dma_wait3A_107 = arith.constant 0 : i32
        %dma_wait3A_108 = tpu.memref_slice %arg6[%dma_wait3A_106, %dma_wait3A_107] : memref<10240x128xf32, #tpu.memory_space<vmem_shared>> -> memref<10240x128xf32, #tpu.memory_space<vmem_shared>>
        tpu.wait_indirect_dma semaphore(%run_scoped3A : memref<!tpu.dma_semaphore, #tpu.memory_space<semaphore_mem>>) src(%arg10 : memref<128x128xf32, #tpu.memory_space<vmem>>) dst(%dma_wait3A_108 : memref<10240x128xf32, #tpu.memory_space<vmem_shared>>)
        tpu.yield
      }) : () -> ()
      %add3A_89 = arith.constant 2 : i32
      %add3A_90 = arith.addi %add3A_82, %add3A_89 : i32
      %lt3A_91 = arith.constant 40 : i32
      %lt3A_92 = arith.cmpi slt, %add3A_90, %lt3A_91 : i32
      %convert_element_type3A_93 = arith.extui %lt3A_92 : i1 to i32
      %cond3A_94 = arith.constant 0 : i32
      %cond3A_95 = arith.cmpi ne, %convert_element_type3A_93, %cond3A_94 : i32
      scf.if %cond3A_95 {
        %add3A_97 = arith.constant 2 : i32
        %add3A_98 = arith.addi %add3A_82, %add3A_97 : i32
        %dma_start3A_99 = arith.constant 0 : i32
        %dma_start3A_100 = tpu.memref_slice %arg7[%add3A_98, %dma_start3A_99] : memref<40x128xi32, #tpu.memory_space<vmem>> -> memref<1x128xi32, #tpu.memory_space<vmem>>
        %dma_start3A_101 = tpu.memref_squeeze %dma_start3A_100 : memref<1x128xi32, #tpu.memory_space<vmem>> -> memref<128xi32, #tpu.memory_space<vmem>>
        %dma_start3A_102 = arith.constant 0 : i32
        %dma_start3A_103 = arith.constant 0 : i32
        %dma_start3A_104 = tpu.memref_slice %arg2[%dma_start3A_102, %dma_start3A_103] : memref<10240x128xf32, #tpu.memory_space<hbm>> -> memref<10240x128xf32, #tpu.memory_space<hbm>>
        tpu.enqueue_indirect_dma source(%dma_start3A_104 : memref<10240x128xf32, #tpu.memory_space<hbm>>) target(%arg10 : memref<128x128xf32, #tpu.memory_space<vmem>>) offsets(%dma_start3A_101 : memref<128xi32, #tpu.memory_space<vmem>>) semaphore(%arg12 : memref<!tpu.dma_semaphore, #tpu.memory_space<semaphore_mem>>)
      } else {
      }
      %scan3A_96 = arith.constant 0 : i32
      scf.yield %scan3A_96 : i32
    }
    %scan3A_36 = arith.constant 20 : i32
    "tpu.region"() ({
      %run_scoped3A = tpu.sem_alloc : memref<!tpu.dma_semaphore, #tpu.memory_space<semaphore_mem>>
      %dma_start3A_66 = arith.constant 40 : i32
      %dma_start3A_67 = arith.constant 0 : i32
      %dma_start3A_68 = tpu.memref_slice %arg3[%add3A, %dma_start3A_66, %dma_start3A_67] : memref<32x80x128xi32, #tpu.memory_space<hbm>> -> memref<1x40x128xi32, #tpu.memory_space<hbm>>
      %dma_start3A_69 = tpu.memref_squeeze %dma_start3A_68 : memref<1x40x128xi32, #tpu.memory_space<hbm>> -> memref<40x128xi32, #tpu.memory_space<hbm>>
      %dma_start3A_70 = arith.constant 40 : i32
      %dma_start3A_71 = arith.constant 0 : i32
      %dma_start3A_72 = tpu.memref_slice %arg3[%add3A, %dma_start3A_70, %dma_start3A_71] : memref<32x80x128xi32, #tpu.memory_space<hbm>> -> memref<1x40x128xi32, #tpu.memory_space<hbm>>
      %dma_start3A_73 = tpu.memref_squeeze %dma_start3A_72 : memref<1x40x128xi32, #tpu.memory_space<hbm>> -> memref<40x128xi32, #tpu.memory_space<hbm>>
      tpu.enqueue_dma source(%dma_start3A_73 : memref<40x128xi32, #tpu.memory_space<hbm>>) target(%arg7 : memref<40x128xi32, #tpu.memory_space<vmem>>) target_semaphore(%run_scoped3A : memref<!tpu.dma_semaphore, #tpu.memory_space<semaphore_mem>>)
      %dma_wait3A = arith.constant 40 : i32
      %dma_wait3A_74 = arith.constant 0 : i32
      %dma_wait3A_75 = tpu.memref_slice %arg3[%add3A, %dma_wait3A, %dma_wait3A_74] : memref<32x80x128xi32, #tpu.memory_space<hbm>> -> memref<1x40x128xi32, #tpu.memory_space<hbm>>
      %dma_wait3A_76 = tpu.memref_squeeze %dma_wait3A_75 : memref<1x40x128xi32, #tpu.memory_space<hbm>> -> memref<40x128xi32, #tpu.memory_space<hbm>>
      %dma_wait3A_77 = arith.constant 40 : i32
      %dma_wait3A_78 = arith.constant 0 : i32
      %dma_wait3A_79 = tpu.memref_slice %arg3[%add3A, %dma_wait3A_77, %dma_wait3A_78] : memref<32x80x128xi32, #tpu.memory_space<hbm>> -> memref<1x40x128xi32, #tpu.memory_space<hbm>>
      %dma_wait3A_80 = tpu.memref_squeeze %dma_wait3A_79 : memref<1x40x128xi32, #tpu.memory_space<hbm>> -> memref<40x128xi32, #tpu.memory_space<hbm>>
      tpu.wait_dma2 semaphore(%run_scoped3A : memref<!tpu.dma_semaphore, #tpu.memory_space<semaphore_mem>>) src(%dma_wait3A_80 : memref<40x128xi32, #tpu.memory_space<hbm>>) dst(%arg7 : memref<40x128xi32, #tpu.memory_space<vmem>>)
      tpu.yield
    }) : () -> ()
    "tpu.region"() ({
      %run_scoped3A = tpu.sem_alloc : memref<!tpu.dma_semaphore, #tpu.memory_space<semaphore_mem>>
      %dma_start3A_66 = arith.constant 40 : i32
      %dma_start3A_67 = arith.constant 0 : i32
      %dma_start3A_68 = tpu.memref_slice %arg4[%add3A, %dma_start3A_66, %dma_start3A_67] : memref<32x80x128xi32, #tpu.memory_space<hbm>> -> memref<1x40x128xi32, #tpu.memory_space<hbm>>
      %dma_start3A_69 = tpu.memref_squeeze %dma_start3A_68 : memref<1x40x128xi32, #tpu.memory_space<hbm>> -> memref<40x128xi32, #tpu.memory_space<hbm>>
      %dma_start3A_70 = arith.constant 40 : i32
      %dma_start3A_71 = arith.constant 0 : i32
      %dma_start3A_72 = tpu.memref_slice %arg4[%add3A, %dma_start3A_70, %dma_start3A_71] : memref<32x80x128xi32, #tpu.memory_space<hbm>> -> memref<1x40x128xi32, #tpu.memory_space<hbm>>
      %dma_start3A_73 = tpu.memref_squeeze %dma_start3A_72 : memref<1x40x128xi32, #tpu.memory_space<hbm>> -> memref<40x128xi32, #tpu.memory_space<hbm>>
      tpu.enqueue_dma source(%dma_start3A_73 : memref<40x128xi32, #tpu.memory_space<hbm>>) target(%arg8 : memref<40x128xi32, #tpu.memory_space<vmem>>) target_semaphore(%run_scoped3A : memref<!tpu.dma_semaphore, #tpu.memory_space<semaphore_mem>>)
      %dma_wait3A = arith.constant 40 : i32
      %dma_wait3A_74 = arith.constant 0 : i32
      %dma_wait3A_75 = tpu.memref_slice %arg4[%add3A, %dma_wait3A, %dma_wait3A_74] : memref<32x80x128xi32, #tpu.memory_space<hbm>> -> memref<1x40x128xi32, #tpu.memory_space<hbm>>
      %dma_wait3A_76 = tpu.memref_squeeze %dma_wait3A_75 : memref<1x40x128xi32, #tpu.memory_space<hbm>> -> memref<40x128xi32, #tpu.memory_space<hbm>>
      %dma_wait3A_77 = arith.constant 40 : i32
      %dma_wait3A_78 = arith.constant 0 : i32
      %dma_wait3A_79 = tpu.memref_slice %arg4[%add3A, %dma_wait3A_77, %dma_wait3A_78] : memref<32x80x128xi32, #tpu.memory_space<hbm>> -> memref<1x40x128xi32, #tpu.memory_space<hbm>>
      %dma_wait3A_80 = tpu.memref_squeeze %dma_wait3A_79 : memref<1x40x128xi32, #tpu.memory_space<hbm>> -> memref<40x128xi32, #tpu.memory_space<hbm>>
      tpu.wait_dma2 semaphore(%run_scoped3A : memref<!tpu.dma_semaphore, #tpu.memory_space<semaphore_mem>>) src(%dma_wait3A_80 : memref<40x128xi32, #tpu.memory_space<hbm>>) dst(%arg8 : memref<40x128xi32, #tpu.memory_space<vmem>>)
      tpu.yield
    }) : () -> ()
    %dma_start3A_37 = arith.constant 0 : i32
    %dma_start3A_38 = arith.constant 0 : i32
    %dma_start3A_39 = tpu.memref_slice %arg7[%dma_start3A_37, %dma_start3A_38] : memref<40x128xi32, #tpu.memory_space<vmem>> -> memref<1x128xi32, #tpu.memory_space<vmem>>
    %dma_start3A_40 = tpu.memref_squeeze %dma_start3A_39 : memref<1x128xi32, #tpu.memory_space<vmem>> -> memref<128xi32, #tpu.memory_space<vmem>>
    %dma_start3A_41 = arith.constant 0 : i32
    %dma_start3A_42 = arith.constant 0 : i32
    %dma_start3A_43 = tpu.memref_slice %arg2[%dma_start3A_41, %dma_start3A_42] : memref<10240x128xf32, #tpu.memory_space<hbm>> -> memref<10240x128xf32, #tpu.memory_space<hbm>>
    tpu.enqueue_indirect_dma source(%dma_start3A_43 : memref<10240x128xf32, #tpu.memory_space<hbm>>) target(%arg9 : memref<128x128xf32, #tpu.memory_space<vmem>>) offsets(%dma_start3A_40 : memref<128xi32, #tpu.memory_space<vmem>>) semaphore(%arg11 : memref<!tpu.dma_semaphore, #tpu.memory_space<semaphore_mem>>)
    %dma_start3A_44 = arith.constant 1 : i32
    %dma_start3A_45 = arith.constant 0 : i32
    %dma_start3A_46 = tpu.memref_slice %arg7[%dma_start3A_44, %dma_start3A_45] : memref<40x128xi32, #tpu.memory_space<vmem>> -> memref<1x128xi32, #tpu.memory_space<vmem>>
    %dma_start3A_47 = tpu.memref_squeeze %dma_start3A_46 : memref<1x128xi32, #tpu.memory_space<vmem>> -> memref<128xi32, #tpu.memory_space<vmem>>
    %dma_start3A_48 = arith.constant 0 : i32
    %dma_start3A_49 = arith.constant 0 : i32
    %dma_start3A_50 = tpu.memref_slice %arg2[%dma_start3A_48, %dma_start3A_49] : memref<10240x128xf32, #tpu.memory_space<hbm>> -> memref<10240x128xf32, #tpu.memory_space<hbm>>
    tpu.enqueue_indirect_dma source(%dma_start3A_50 : memref<10240x128xf32, #tpu.memory_space<hbm>>) target(%arg10 : memref<128x128xf32, #tpu.memory_space<vmem>>) offsets(%dma_start3A_47 : memref<128xi32, #tpu.memory_space<vmem>>) semaphore(%arg12 : memref<!tpu.dma_semaphore, #tpu.memory_space<semaphore_mem>>)
    %scan3A_51 = arith.constant 0 : i32
    %scan3A_52 = arith.constant 0 : i32
    %scan3A_53 = arith.constant 20 : i32
    %scan3A_54 = arith.addi %scan3A_52, %scan3A_53 : i32
    %scan3A_55 = arith.constant 1 : i32
    %scan3A_56 = scf.for %scan3A_66 = %scan3A_52 to %scan3A_54 step %scan3A_55 iter_args(%scan3A_67 = %scan3A_51) -> (i32)  : i32 {
      %mul3A_68 = arith.constant 2 : i32
      %mul3A_69 = arith.muli %mul3A_68, %scan3A_66 : i32
      %dma_wait3A = arith.constant 0 : i32
      %dma_wait3A_70 = tpu.memref_slice %arg7[%mul3A_69, %dma_wait3A] : memref<40x128xi32, #tpu.memory_space<vmem>> -> memref<1x128xi32, #tpu.memory_space<vmem>>
      %dma_wait3A_71 = tpu.memref_squeeze %dma_wait3A_70 : memref<1x128xi32, #tpu.memory_space<vmem>> -> memref<128xi32, #tpu.memory_space<vmem>>
      %dma_wait3A_72 = arith.constant 0 : i32
      %dma_wait3A_73 = arith.constant 0 : i32
      %dma_wait3A_74 = tpu.memref_slice %arg2[%dma_wait3A_72, %dma_wait3A_73] : memref<10240x128xf32, #tpu.memory_space<hbm>> -> memref<10240x128xf32, #tpu.memory_space<hbm>>
      tpu.wait_indirect_dma semaphore(%arg11 : memref<!tpu.dma_semaphore, #tpu.memory_space<semaphore_mem>>) src(%dma_wait3A_74 : memref<10240x128xf32, #tpu.memory_space<hbm>>) dst(%arg9 : memref<128x128xf32, #tpu.memory_space<vmem>>)
      "tpu.region"() ({
        %run_scoped3A = tpu.sem_alloc : memref<!tpu.dma_semaphore, #tpu.memory_space<semaphore_mem>>
        %dma_start3A_97 = arith.constant 0 : i32
        %dma_start3A_98 = tpu.memref_slice %arg8[%mul3A_69, %dma_start3A_97] : memref<40x128xi32, #tpu.memory_space<vmem>> -> memref<1x128xi32, #tpu.memory_space<vmem>>
        %dma_start3A_99 = tpu.memref_squeeze %dma_start3A_98 : memref<1x128xi32, #tpu.memory_space<vmem>> -> memref<128xi32, #tpu.memory_space<vmem>>
        %dma_start3A_100 = arith.constant 0 : i32
        %dma_start3A_101 = arith.constant 0 : i32
        %dma_start3A_102 = tpu.memref_slice %arg6[%dma_start3A_100, %dma_start3A_101] : memref<10240x128xf32, #tpu.memory_space<vmem_shared>> -> memref<10240x128xf32, #tpu.memory_space<vmem_shared>>
        tpu.enqueue_indirect_dma source(%arg9 : memref<128x128xf32, #tpu.memory_space<vmem>>) target(%dma_start3A_102 : memref<10240x128xf32, #tpu.memory_space<vmem_shared>>) offsets(%dma_start3A_99 : memref<128xi32, #tpu.memory_space<vmem>>) semaphore(%run_scoped3A : memref<!tpu.dma_semaphore, #tpu.memory_space<semaphore_mem>>) {add = true}
        %dma_wait3A_103 = arith.constant 0 : i32
        %dma_wait3A_104 = tpu.memref_slice %arg8[%mul3A_69, %dma_wait3A_103] : memref<40x128xi32, #tpu.memory_space<vmem>> -> memref<1x128xi32, #tpu.memory_space<vmem>>
        %dma_wait3A_105 = tpu.memref_squeeze %dma_wait3A_104 : memref<1x128xi32, #tpu.memory_space<vmem>> -> memref<128xi32, #tpu.memory_space<vmem>>
        %dma_wait3A_106 = arith.constant 0 : i32
        %dma_wait3A_107 = arith.constant 0 : i32
        %dma_wait3A_108 = tpu.memref_slice %arg6[%dma_wait3A_106, %dma_wait3A_107] : memref<10240x128xf32, #tpu.memory_space<vmem_shared>> -> memref<10240x128xf32, #tpu.memory_space<vmem_shared>>
        tpu.wait_indirect_dma semaphore(%run_scoped3A : memref<!tpu.dma_semaphore, #tpu.memory_space<semaphore_mem>>) src(%arg9 : memref<128x128xf32, #tpu.memory_space<vmem>>) dst(%dma_wait3A_108 : memref<10240x128xf32, #tpu.memory_space<vmem_shared>>)
        tpu.yield
      }) : () -> ()
      %add3A_75 = arith.constant 2 : i32
      %add3A_76 = arith.addi %mul3A_69, %add3A_75 : i32
      %lt3A = arith.constant 40 : i32
      %lt3A_77 = arith.cmpi slt, %add3A_76, %lt3A : i32
      %convert_element_type3A = arith.extui %lt3A_77 : i1 to i32
      %cond3A = arith.constant 0 : i32
      %cond3A_78 = arith.cmpi ne, %convert_element_type3A, %cond3A : i32
      scf.if %cond3A_78 {
        %add3A_97 = arith.constant 2 : i32
        %add3A_98 = arith.addi %mul3A_69, %add3A_97 : i32
        %dma_start3A_99 = arith.constant 0 : i32
        %dma_start3A_100 = tpu.memref_slice %arg7[%add3A_98, %dma_start3A_99] : memref<40x128xi32, #tpu.memory_space<vmem>> -> memref<1x128xi32, #tpu.memory_space<vmem>>
        %dma_start3A_101 = tpu.memref_squeeze %dma_start3A_100 : memref<1x128xi32, #tpu.memory_space<vmem>> -> memref<128xi32, #tpu.memory_space<vmem>>
        %dma_start3A_102 = arith.constant 0 : i32
        %dma_start3A_103 = arith.constant 0 : i32
        %dma_start3A_104 = tpu.memref_slice %arg2[%dma_start3A_102, %dma_start3A_103] : memref<10240x128xf32, #tpu.memory_space<hbm>> -> memref<10240x128xf32, #tpu.memory_space<hbm>>
        tpu.enqueue_indirect_dma source(%dma_start3A_104 : memref<10240x128xf32, #tpu.memory_space<hbm>>) target(%arg9 : memref<128x128xf32, #tpu.memory_space<vmem>>) offsets(%dma_start3A_101 : memref<128xi32, #tpu.memory_space<vmem>>) semaphore(%arg11 : memref<!tpu.dma_semaphore, #tpu.memory_space<semaphore_mem>>)
      } else {
      }
      %mul3A_79 = arith.constant 2 : i32
      %mul3A_80 = arith.muli %mul3A_79, %scan3A_66 : i32
      %add3A_81 = arith.constant 1 : i32
      %add3A_82 = arith.addi %mul3A_80, %add3A_81 : i32
      %dma_wait3A_83 = arith.constant 0 : i32
      %dma_wait3A_84 = tpu.memref_slice %arg7[%add3A_82, %dma_wait3A_83] : memref<40x128xi32, #tpu.memory_space<vmem>> -> memref<1x128xi32, #tpu.memory_space<vmem>>
      %dma_wait3A_85 = tpu.memref_squeeze %dma_wait3A_84 : memref<1x128xi32, #tpu.memory_space<vmem>> -> memref<128xi32, #tpu.memory_space<vmem>>
      %dma_wait3A_86 = arith.constant 0 : i32
      %dma_wait3A_87 = arith.constant 0 : i32
      %dma_wait3A_88 = tpu.memref_slice %arg2[%dma_wait3A_86, %dma_wait3A_87] : memref<10240x128xf32, #tpu.memory_space<hbm>> -> memref<10240x128xf32, #tpu.memory_space<hbm>>
      tpu.wait_indirect_dma semaphore(%arg12 : memref<!tpu.dma_semaphore, #tpu.memory_space<semaphore_mem>>) src(%dma_wait3A_88 : memref<10240x128xf32, #tpu.memory_space<hbm>>) dst(%arg10 : memref<128x128xf32, #tpu.memory_space<vmem>>)
      "tpu.region"() ({
        %run_scoped3A = tpu.sem_alloc : memref<!tpu.dma_semaphore, #tpu.memory_space<semaphore_mem>>
        %dma_start3A_97 = arith.constant 0 : i32
        %dma_start3A_98 = tpu.memref_slice %arg8[%add3A_82, %dma_start3A_97] : memref<40x128xi32, #tpu.memory_space<vmem>> -> memref<1x128xi32, #tpu.memory_space<vmem>>
        %dma_start3A_99 = tpu.memref_squeeze %dma_start3A_98 : memref<1x128xi32, #tpu.memory_space<vmem>> -> memref<128xi32, #tpu.memory_space<vmem>>
        %dma_start3A_100 = arith.constant 0 : i32
        %dma_start3A_101 = arith.constant 0 : i32
        %dma_start3A_102 = tpu.memref_slice %arg6[%dma_start3A_100, %dma_start3A_101] : memref<10240x128xf32, #tpu.memory_space<vmem_shared>> -> memref<10240x128xf32, #tpu.memory_space<vmem_shared>>
        tpu.enqueue_indirect_dma source(%arg10 : memref<128x128xf32, #tpu.memory_space<vmem>>) target(%dma_start3A_102 : memref<10240x128xf32, #tpu.memory_space<vmem_shared>>) offsets(%dma_start3A_99 : memref<128xi32, #tpu.memory_space<vmem>>) semaphore(%run_scoped3A : memref<!tpu.dma_semaphore, #tpu.memory_space<semaphore_mem>>) {add = true}
        %dma_wait3A_103 = arith.constant 0 : i32
        %dma_wait3A_104 = tpu.memref_slice %arg8[%add3A_82, %dma_wait3A_103] : memref<40x128xi32, #tpu.memory_space<vmem>> -> memref<1x128xi32, #tpu.memory_space<vmem>>
        %dma_wait3A_105 = tpu.memref_squeeze %dma_wait3A_104 : memref<1x128xi32, #tpu.memory_space<vmem>> -> memref<128xi32, #tpu.memory_space<vmem>>
        %dma_wait3A_106 = arith.constant 0 : i32
        %dma_wait3A_107 = arith.constant 0 : i32
        %dma_wait3A_108 = tpu.memref_slice %arg6[%dma_wait3A_106, %dma_wait3A_107] : memref<10240x128xf32, #tpu.memory_space<vmem_shared>> -> memref<10240x128xf32, #tpu.memory_space<vmem_shared>>
        tpu.wait_indirect_dma semaphore(%run_scoped3A : memref<!tpu.dma_semaphore, #tpu.memory_space<semaphore_mem>>) src(%arg10 : memref<128x128xf32, #tpu.memory_space<vmem>>) dst(%dma_wait3A_108 : memref<10240x128xf32, #tpu.memory_space<vmem_shared>>)
        tpu.yield
      }) : () -> ()
      %add3A_89 = arith.constant 2 : i32
      %add3A_90 = arith.addi %add3A_82, %add3A_89 : i32
      %lt3A_91 = arith.constant 40 : i32
      %lt3A_92 = arith.cmpi slt, %add3A_90, %lt3A_91 : i32
      %convert_element_type3A_93 = arith.extui %lt3A_92 : i1 to i32
      %cond3A_94 = arith.constant 0 : i32
      %cond3A_95 = arith.cmpi ne, %convert_element_type3A_93, %cond3A_94 : i32
      scf.if %cond3A_95 {
        %add3A_97 = arith.constant 2 : i32
        %add3A_98 = arith.addi %add3A_82, %add3A_97 : i32
        %dma_start3A_99 = arith.constant 0 : i32
        %dma_start3A_100 = tpu.memref_slice %arg7[%add3A_98, %dma_start3A_99] : memref<40x128xi32, #tpu.memory_space<vmem>> -> memref<1x128xi32, #tpu.memory_space<vmem>>
        %dma_start3A_101 = tpu.memref_squeeze %dma_start3A_100 : memref<1x128xi32, #tpu.memory_space<vmem>> -> memref<128xi32, #tpu.memory_space<vmem>>
        %dma_start3A_102 = arith.constant 0 : i32
        %dma_start3A_103 = arith.constant 0 : i32
        %dma_start3A_104 = tpu.memref_slice %arg2[%dma_start3A_102, %dma_start3A_103] : memref<10240x128xf32, #tpu.memory_space<hbm>> -> memref<10240x128xf32, #tpu.memory_space<hbm>>
        tpu.enqueue_indirect_dma source(%dma_start3A_104 : memref<10240x128xf32, #tpu.memory_space<hbm>>) target(%arg10 : memref<128x128xf32, #tpu.memory_space<vmem>>) offsets(%dma_start3A_101 : memref<128xi32, #tpu.memory_space<vmem>>) semaphore(%arg12 : memref<!tpu.dma_semaphore, #tpu.memory_space<semaphore_mem>>)
      } else {
      }
      %scan3A_96 = arith.constant 0 : i32
      scf.yield %scan3A_96 : i32
    }
    %scan3A_57 = arith.constant 20 : i32
    %barrier3A_58 = arith.constant 0 : index
    tpu.barrier barrier_id(%barrier3A_58)
    %scan3A_59 = arith.constant 0 : i32
    %scan3A_60 = arith.constant 0 : i32
    %scan3A_61 = arith.constant 5 : i32
    %scan3A_62 = arith.addi %scan3A_60, %scan3A_61 : i32
    %scan3A_63 = arith.constant 1 : i32
    %scan3A_64 = scf.for %scan3A_66 = %scan3A_60 to %scan3A_62 step %scan3A_63 iter_args(%scan3A_67 = %scan3A_59) -> (i32)  : i32 {
      %mul3A_68 = arith.constant 128 : i32
      %mul3A_69 = arith.muli %scan3A_66, %mul3A_68 : i32
      %add3A_70 = arith.addi %mul3A_9, %mul3A_69 : i32
      "tpu.region"() ({
        %run_scoped3A = tpu.sem_alloc : memref<!tpu.dma_semaphore, #tpu.memory_space<semaphore_mem>>
        %dma_start3A_72 = arith.constant 0 : i32
        %dma_start3A_73 = tpu.memref_slice %arg5[%arg0, %add3A_70, %dma_start3A_72] : memref<2x10240x128xf32, #tpu.memory_space<hbm>> -> memref<1x128x128xf32, #tpu.memory_space<hbm>>
        %dma_start3A_74 = tpu.memref_squeeze %dma_start3A_73 : memref<1x128x128xf32, #tpu.memory_space<hbm>> -> memref<128x128xf32, #tpu.memory_space<hbm>>
        %dma_start3A_75 = arith.constant 0 : i32
        %dma_start3A_76 = tpu.memref_slice %arg6[%add3A_70, %dma_start3A_75] : memref<10240x128xf32, #tpu.memory_space<vmem_shared>> -> memref<128x128xf32, #tpu.memory_space<vmem_shared>>
        tpu.enqueue_dma source(%dma_start3A_76 : memref<128x128xf32, #tpu.memory_space<vmem_shared>>) target(%dma_start3A_74 : memref<128x128xf32, #tpu.memory_space<hbm>>) target_semaphore(%run_scoped3A : memref<!tpu.dma_semaphore, #tpu.memory_space<semaphore_mem>>)
        %dma_wait3A = arith.constant 0 : i32
        %dma_wait3A_77 = tpu.memref_slice %arg5[%arg0, %add3A_70, %dma_wait3A] : memref<2x10240x128xf32, #tpu.memory_space<hbm>> -> memref<1x128x128xf32, #tpu.memory_space<hbm>>
        %dma_wait3A_78 = tpu.memref_squeeze %dma_wait3A_77 : memref<1x128x128xf32, #tpu.memory_space<hbm>> -> memref<128x128xf32, #tpu.memory_space<hbm>>
        %dma_wait3A_79 = arith.constant 0 : i32
        %dma_wait3A_80 = tpu.memref_slice %arg6[%add3A_70, %dma_wait3A_79] : memref<10240x128xf32, #tpu.memory_space<vmem_shared>> -> memref<128x128xf32, #tpu.memory_space<vmem_shared>>
        tpu.wait_dma2 semaphore(%run_scoped3A : memref<!tpu.dma_semaphore, #tpu.memory_space<semaphore_mem>>) src(%dma_wait3A_80 : memref<128x128xf32, #tpu.memory_space<vmem_shared>>) dst(%dma_wait3A_78 : memref<128x128xf32, #tpu.memory_space<hbm>>)
        tpu.yield
      }) : () -> ()
      %scan3A_71 = arith.constant 0 : i32
      scf.yield %scan3A_71 : i32
    }
    %scan3A_65 = arith.constant 5 : i32
    return
  }
}

#map = affine_map<(d0, d1) -> (0, 0, 0)>
module attributes {stable_mosaic.version = 14 : i64} {
  func.func @_ones_body(%arg0: i32, %arg1: i32, %arg2: memref<32x80x128xi32, #tpu.memory_space<hbm>>, %arg3: memref<2x10240x128xf32, #tpu.memory_space<hbm>>, %arg4: memref<10240x128xf32, #tpu.memory_space<vmem_shared>>, %arg5: memref<40x128xi32, #tpu.memory_space<vmem>>, %arg6: memref<128x128xf32, #tpu.memory_space<vmem>>, %arg7: memref<128x128xf32, #tpu.memory_space<vmem>>) attributes {dimension_semantics = [#tpu.dimension_semantics<core_parallel>, #tpu.dimension_semantics<subcore_parallel>], iteration_bounds = array<i64: 2, 16>, scalar_prefetch = 0 : i64, scratch_operands = 4 : i64, tpu.core_type = #tpu.core_type<sc_vector_subcore>, window_params = [{transform_indices = #map}, {transform_indices = #map}]} {
    %mul3A = arith.constant 2 : i32
    %mul3A_0 = arith.muli %arg1, %mul3A : i32
    %add3A = arith.addi %mul3A_0, %arg0 : i32
    %broadcast_in_dim3A = arith.constant 0.000000e+00 : f32
    %broadcast_in_dim3A_1 = vector.broadcast %broadcast_in_dim3A : f32 to vector<16xf32>
    %broadcast_in_dim3A_2 = arith.constant 1.000000e+00 : f32
    %broadcast_in_dim3A_3 = vector.broadcast %broadcast_in_dim3A_2 : f32 to vector<16xf32>
    %scan3A = arith.constant 0 : i32
    %scan3A_4 = arith.constant 0 : i32
    %scan3A_5 = arith.constant 128 : i32
    %scan3A_6 = arith.addi %scan3A_4, %scan3A_5 : i32
    %scan3A_7 = arith.constant 1 : i32
    %scan3A_8 = scf.for %scan3A_41 = %scan3A_4 to %scan3A_6 step %scan3A_7 iter_args(%scan3A_42 = %scan3A) -> (i32)  : i32 {
      %swap3A = arith.index_cast %scan3A_41 : i32 to index
      %swap3A_43 = arith.constant 0 : index
      %swap3A_44 = tpu.vector_load %arg6[%swap3A, %swap3A_43] {strides = array<i32>} : memref<128x128xf32, #tpu.memory_space<vmem>>, vector<1x16xf32>,
      %swap3A_45 = vector.shape_cast %swap3A_44 : vector<1x16xf32> to vector<16xf32>
      %swap3A_46 = vector.shape_cast %broadcast_in_dim3A_1 : vector<16xf32> to vector<1x16xf32>
      tpu.vector_store %arg6[%swap3A, %swap3A_43], %swap3A_46 {strides = array<i32>} : memref<128x128xf32, #tpu.memory_space<vmem>>, vector<1x16xf32>,
      %swap3A_47 = arith.index_cast %scan3A_41 : i32 to index
      %swap3A_48 = arith.constant 0 : index
      %swap3A_49 = tpu.vector_load %arg7[%swap3A_47, %swap3A_48] {strides = array<i32>} : memref<128x128xf32, #tpu.memory_space<vmem>>, vector<1x16xf32>,
      %swap3A_50 = vector.shape_cast %swap3A_49 : vector<1x16xf32> to vector<16xf32>
      %swap3A_51 = vector.shape_cast %broadcast_in_dim3A_3 : vector<16xf32> to vector<1x16xf32>
      tpu.vector_store %arg7[%swap3A_47, %swap3A_48], %swap3A_51 {strides = array<i32>} : memref<128x128xf32, #tpu.memory_space<vmem>>, vector<1x16xf32>,
      %swap3A_52 = arith.index_cast %scan3A_41 : i32 to index
      %swap3A_53 = arith.constant 16 : index
      %swap3A_54 = tpu.vector_load %arg6[%swap3A_52, %swap3A_53] {strides = array<i32>} : memref<128x128xf32, #tpu.memory_space<vmem>>, vector<1x16xf32>,
      %swap3A_55 = vector.shape_cast %swap3A_54 : vector<1x16xf32> to vector<16xf32>
      %swap3A_56 = vector.shape_cast %broadcast_in_dim3A_1 : vector<16xf32> to vector<1x16xf32>
      tpu.vector_store %arg6[%swap3A_52, %swap3A_53], %swap3A_56 {strides = array<i32>} : memref<128x128xf32, #tpu.memory_space<vmem>>, vector<1x16xf32>,
      %swap3A_57 = arith.index_cast %scan3A_41 : i32 to index
      %swap3A_58 = arith.constant 16 : index
      %swap3A_59 = tpu.vector_load %arg7[%swap3A_57, %swap3A_58] {strides = array<i32>} : memref<128x128xf32, #tpu.memory_space<vmem>>, vector<1x16xf32>,
      %swap3A_60 = vector.shape_cast %swap3A_59 : vector<1x16xf32> to vector<16xf32>
      %swap3A_61 = vector.shape_cast %broadcast_in_dim3A_3 : vector<16xf32> to vector<1x16xf32>
      tpu.vector_store %arg7[%swap3A_57, %swap3A_58], %swap3A_61 {strides = array<i32>} : memref<128x128xf32, #tpu.memory_space<vmem>>, vector<1x16xf32>,
      %swap3A_62 = arith.index_cast %scan3A_41 : i32 to index
      %swap3A_63 = arith.constant 32 : index
      %swap3A_64 = tpu.vector_load %arg6[%swap3A_62, %swap3A_63] {strides = array<i32>} : memref<128x128xf32, #tpu.memory_space<vmem>>, vector<1x16xf32>,
      %swap3A_65 = vector.shape_cast %swap3A_64 : vector<1x16xf32> to vector<16xf32>
      %swap3A_66 = vector.shape_cast %broadcast_in_dim3A_1 : vector<16xf32> to vector<1x16xf32>
      tpu.vector_store %arg6[%swap3A_62, %swap3A_63], %swap3A_66 {strides = array<i32>} : memref<128x128xf32, #tpu.memory_space<vmem>>, vector<1x16xf32>,
      %swap3A_67 = arith.index_cast %scan3A_41 : i32 to index
      %swap3A_68 = arith.constant 32 : index
      %swap3A_69 = tpu.vector_load %arg7[%swap3A_67, %swap3A_68] {strides = array<i32>} : memref<128x128xf32, #tpu.memory_space<vmem>>, vector<1x16xf32>,
      %swap3A_70 = vector.shape_cast %swap3A_69 : vector<1x16xf32> to vector<16xf32>
      %swap3A_71 = vector.shape_cast %broadcast_in_dim3A_3 : vector<16xf32> to vector<1x16xf32>
      tpu.vector_store %arg7[%swap3A_67, %swap3A_68], %swap3A_71 {strides = array<i32>} : memref<128x128xf32, #tpu.memory_space<vmem>>, vector<1x16xf32>,
      %swap3A_72 = arith.index_cast %scan3A_41 : i32 to index
      %swap3A_73 = arith.constant 48 : index
      %swap3A_74 = tpu.vector_load %arg6[%swap3A_72, %swap3A_73] {strides = array<i32>} : memref<128x128xf32, #tpu.memory_space<vmem>>, vector<1x16xf32>,
      %swap3A_75 = vector.shape_cast %swap3A_74 : vector<1x16xf32> to vector<16xf32>
      %swap3A_76 = vector.shape_cast %broadcast_in_dim3A_1 : vector<16xf32> to vector<1x16xf32>
      tpu.vector_store %arg6[%swap3A_72, %swap3A_73], %swap3A_76 {strides = array<i32>} : memref<128x128xf32, #tpu.memory_space<vmem>>, vector<1x16xf32>,
      %swap3A_77 = arith.index_cast %scan3A_41 : i32 to index
      %swap3A_78 = arith.constant 48 : index
      %swap3A_79 = tpu.vector_load %arg7[%swap3A_77, %swap3A_78] {strides = array<i32>} : memref<128x128xf32, #tpu.memory_space<vmem>>, vector<1x16xf32>,
      %swap3A_80 = vector.shape_cast %swap3A_79 : vector<1x16xf32> to vector<16xf32>
      %swap3A_81 = vector.shape_cast %broadcast_in_dim3A_3 : vector<16xf32> to vector<1x16xf32>
      tpu.vector_store %arg7[%swap3A_77, %swap3A_78], %swap3A_81 {strides = array<i32>} : memref<128x128xf32, #tpu.memory_space<vmem>>, vector<1x16xf32>,
      %swap3A_82 = arith.index_cast %scan3A_41 : i32 to index
      %swap3A_83 = arith.constant 64 : index
      %swap3A_84 = tpu.vector_load %arg6[%swap3A_82, %swap3A_83] {strides = array<i32>} : memref<128x128xf32, #tpu.memory_space<vmem>>, vector<1x16xf32>,
      %swap3A_85 = vector.shape_cast %swap3A_84 : vector<1x16xf32> to vector<16xf32>
      %swap3A_86 = vector.shape_cast %broadcast_in_dim3A_1 : vector<16xf32> to vector<1x16xf32>
      tpu.vector_store %arg6[%swap3A_82, %swap3A_83], %swap3A_86 {strides = array<i32>} : memref<128x128xf32, #tpu.memory_space<vmem>>, vector<1x16xf32>,
      %swap3A_87 = arith.index_cast %scan3A_41 : i32 to index
      %swap3A_88 = arith.constant 64 : index
      %swap3A_89 = tpu.vector_load %arg7[%swap3A_87, %swap3A_88] {strides = array<i32>} : memref<128x128xf32, #tpu.memory_space<vmem>>, vector<1x16xf32>,
      %swap3A_90 = vector.shape_cast %swap3A_89 : vector<1x16xf32> to vector<16xf32>
      %swap3A_91 = vector.shape_cast %broadcast_in_dim3A_3 : vector<16xf32> to vector<1x16xf32>
      tpu.vector_store %arg7[%swap3A_87, %swap3A_88], %swap3A_91 {strides = array<i32>} : memref<128x128xf32, #tpu.memory_space<vmem>>, vector<1x16xf32>,
      %swap3A_92 = arith.index_cast %scan3A_41 : i32 to index
      %swap3A_93 = arith.constant 80 : index
      %swap3A_94 = tpu.vector_load %arg6[%swap3A_92, %swap3A_93] {strides = array<i32>} : memref<128x128xf32, #tpu.memory_space<vmem>>, vector<1x16xf32>,
      %swap3A_95 = vector.shape_cast %swap3A_94 : vector<1x16xf32> to vector<16xf32>
      %swap3A_96 = vector.shape_cast %broadcast_in_dim3A_1 : vector<16xf32> to vector<1x16xf32>
      tpu.vector_store %arg6[%swap3A_92, %swap3A_93], %swap3A_96 {strides = array<i32>} : memref<128x128xf32, #tpu.memory_space<vmem>>, vector<1x16xf32>,
      %swap3A_97 = arith.index_cast %scan3A_41 : i32 to index
      %swap3A_98 = arith.constant 80 : index
      %swap3A_99 = tpu.vector_load %arg7[%swap3A_97, %swap3A_98] {strides = array<i32>} : memref<128x128xf32, #tpu.memory_space<vmem>>, vector<1x16xf32>,
      %swap3A_100 = vector.shape_cast %swap3A_99 : vector<1x16xf32> to vector<16xf32>
      %swap3A_101 = vector.shape_cast %broadcast_in_dim3A_3 : vector<16xf32> to vector<1x16xf32>
      tpu.vector_store %arg7[%swap3A_97, %swap3A_98], %swap3A_101 {strides = array<i32>} : memref<128x128xf32, #tpu.memory_space<vmem>>, vector<1x16xf32>,
      %swap3A_102 = arith.index_cast %scan3A_41 : i32 to index
      %swap3A_103 = arith.constant 96 : index
      %swap3A_104 = tpu.vector_load %arg6[%swap3A_102, %swap3A_103] {strides = array<i32>} : memref<128x128xf32, #tpu.memory_space<vmem>>, vector<1x16xf32>,
      %swap3A_105 = vector.shape_cast %swap3A_104 : vector<1x16xf32> to vector<16xf32>
      %swap3A_106 = vector.shape_cast %broadcast_in_dim3A_1 : vector<16xf32> to vector<1x16xf32>
      tpu.vector_store %arg6[%swap3A_102, %swap3A_103], %swap3A_106 {strides = array<i32>} : memref<128x128xf32, #tpu.memory_space<vmem>>, vector<1x16xf32>,
      %swap3A_107 = arith.index_cast %scan3A_41 : i32 to index
      %swap3A_108 = arith.constant 96 : index
      %swap3A_109 = tpu.vector_load %arg7[%swap3A_107, %swap3A_108] {strides = array<i32>} : memref<128x128xf32, #tpu.memory_space<vmem>>, vector<1x16xf32>,
      %swap3A_110 = vector.shape_cast %swap3A_109 : vector<1x16xf32> to vector<16xf32>
      %swap3A_111 = vector.shape_cast %broadcast_in_dim3A_3 : vector<16xf32> to vector<1x16xf32>
      tpu.vector_store %arg7[%swap3A_107, %swap3A_108], %swap3A_111 {strides = array<i32>} : memref<128x128xf32, #tpu.memory_space<vmem>>, vector<1x16xf32>,
      %swap3A_112 = arith.index_cast %scan3A_41 : i32 to index
      %swap3A_113 = arith.constant 112 : index
      %swap3A_114 = tpu.vector_load %arg6[%swap3A_112, %swap3A_113] {strides = array<i32>} : memref<128x128xf32, #tpu.memory_space<vmem>>, vector<1x16xf32>,
      %swap3A_115 = vector.shape_cast %swap3A_114 : vector<1x16xf32> to vector<16xf32>
      %swap3A_116 = vector.shape_cast %broadcast_in_dim3A_1 : vector<16xf32> to vector<1x16xf32>
      tpu.vector_store %arg6[%swap3A_112, %swap3A_113], %swap3A_116 {strides = array<i32>} : memref<128x128xf32, #tpu.memory_space<vmem>>, vector<1x16xf32>,
      %swap3A_117 = arith.index_cast %scan3A_41 : i32 to index
      %swap3A_118 = arith.constant 112 : index
      %swap3A_119 = tpu.vector_load %arg7[%swap3A_117, %swap3A_118] {strides = array<i32>} : memref<128x128xf32, #tpu.memory_space<vmem>>, vector<1x16xf32>,
      %swap3A_120 = vector.shape_cast %swap3A_119 : vector<1x16xf32> to vector<16xf32>
      %swap3A_121 = vector.shape_cast %broadcast_in_dim3A_3 : vector<16xf32> to vector<1x16xf32>
      tpu.vector_store %arg7[%swap3A_117, %swap3A_118], %swap3A_121 {strides = array<i32>} : memref<128x128xf32, #tpu.memory_space<vmem>>, vector<1x16xf32>,
      %scan3A_122 = arith.constant 0 : i32
      scf.yield %scan3A_122 : i32
    }
    %scan3A_9 = arith.constant 128 : i32
    %mul3A_10 = arith.constant 640 : i32
    %mul3A_11 = arith.muli %arg1, %mul3A_10 : i32
    %scan3A_12 = arith.constant 0 : i32
    %scan3A_13 = arith.constant 0 : i32
    %scan3A_14 = arith.constant 5 : i32
    %scan3A_15 = arith.addi %scan3A_13, %scan3A_14 : i32
    %scan3A_16 = arith.constant 1 : i32
    %scan3A_17 = scf.for %scan3A_41 = %scan3A_13 to %scan3A_15 step %scan3A_16 iter_args(%scan3A_42 = %scan3A_12) -> (i32)  : i32 {
      %mul3A_43 = arith.constant 128 : i32
      %mul3A_44 = arith.muli %scan3A_41, %mul3A_43 : i32
      %add3A_45 = arith.addi %mul3A_11, %mul3A_44 : i32
      "tpu.region"() ({
        %run_scoped3A = tpu.sem_alloc : memref<!tpu.dma_semaphore, #tpu.memory_space<semaphore_mem>>
        %dma_start3A = arith.constant 0 : i32
        %dma_start3A_47 = tpu.memref_slice %arg4[%add3A_45, %dma_start3A] : memref<10240x128xf32, #tpu.memory_space<vmem_shared>> -> memref<128x128xf32, #tpu.memory_space<vmem_shared>>
        %dma_start3A_48 = arith.constant 0 : i32
        %dma_start3A_49 = tpu.memref_slice %arg4[%add3A_45, %dma_start3A_48] : memref<10240x128xf32, #tpu.memory_space<vmem_shared>> -> memref<128x128xf32, #tpu.memory_space<vmem_shared>>
        tpu.enqueue_dma source(%arg6 : memref<128x128xf32, #tpu.memory_space<vmem>>) target(%dma_start3A_49 : memref<128x128xf32, #tpu.memory_space<vmem_shared>>) target_semaphore(%run_scoped3A : memref<!tpu.dma_semaphore, #tpu.memory_space<semaphore_mem>>)
        %dma_wait3A = arith.constant 0 : i32
        %dma_wait3A_50 = tpu.memref_slice %arg4[%add3A_45, %dma_wait3A] : memref<10240x128xf32, #tpu.memory_space<vmem_shared>> -> memref<128x128xf32, #tpu.memory_space<vmem_shared>>
        %dma_wait3A_51 = arith.constant 0 : i32
        %dma_wait3A_52 = tpu.memref_slice %arg4[%add3A_45, %dma_wait3A_51] : memref<10240x128xf32, #tpu.memory_space<vmem_shared>> -> memref<128x128xf32, #tpu.memory_space<vmem_shared>>
        tpu.wait_dma2 semaphore(%run_scoped3A : memref<!tpu.dma_semaphore, #tpu.memory_space<semaphore_mem>>) src(%arg6 : memref<128x128xf32, #tpu.memory_space<vmem>>) dst(%dma_wait3A_52 : memref<128x128xf32, #tpu.memory_space<vmem_shared>>)
        tpu.yield
      }) : () -> ()
      %scan3A_46 = arith.constant 0 : i32
      scf.yield %scan3A_46 : i32
    }
    %scan3A_18 = arith.constant 5 : i32
    %barrier3A = arith.constant 0 : index
    tpu.barrier barrier_id(%barrier3A)
    "tpu.region"() ({
      %run_scoped3A = tpu.sem_alloc : memref<!tpu.dma_semaphore, #tpu.memory_space<semaphore_mem>>
      %dma_start3A = arith.constant 0 : i32
      %dma_start3A_41 = arith.constant 0 : i32
      %dma_start3A_42 = tpu.memref_slice %arg2[%add3A, %dma_start3A, %dma_start3A_41] : memref<32x80x128xi32, #tpu.memory_space<hbm>> -> memref<1x40x128xi32, #tpu.memory_space<hbm>>
      %dma_start3A_43 = tpu.memref_squeeze %dma_start3A_42 : memref<1x40x128xi32, #tpu.memory_space<hbm>> -> memref<40x128xi32, #tpu.memory_space<hbm>>
      %dma_start3A_44 = arith.constant 0 : i32
      %dma_start3A_45 = arith.constant 0 : i32
      %dma_start3A_46 = tpu.memref_slice %arg2[%add3A, %dma_start3A_44, %dma_start3A_45] : memref<32x80x128xi32, #tpu.memory_space<hbm>> -> memref<1x40x128xi32, #tpu.memory_space<hbm>>
      %dma_start3A_47 = tpu.memref_squeeze %dma_start3A_46 : memref<1x40x128xi32, #tpu.memory_space<hbm>> -> memref<40x128xi32, #tpu.memory_space<hbm>>
      tpu.enqueue_dma source(%dma_start3A_47 : memref<40x128xi32, #tpu.memory_space<hbm>>) target(%arg5 : memref<40x128xi32, #tpu.memory_space<vmem>>) target_semaphore(%run_scoped3A : memref<!tpu.dma_semaphore, #tpu.memory_space<semaphore_mem>>)
      %dma_wait3A = arith.constant 0 : i32
      %dma_wait3A_48 = arith.constant 0 : i32
      %dma_wait3A_49 = tpu.memref_slice %arg2[%add3A, %dma_wait3A, %dma_wait3A_48] : memref<32x80x128xi32, #tpu.memory_space<hbm>> -> memref<1x40x128xi32, #tpu.memory_space<hbm>>
      %dma_wait3A_50 = tpu.memref_squeeze %dma_wait3A_49 : memref<1x40x128xi32, #tpu.memory_space<hbm>> -> memref<40x128xi32, #tpu.memory_space<hbm>>
      %dma_wait3A_51 = arith.constant 0 : i32
      %dma_wait3A_52 = arith.constant 0 : i32
      %dma_wait3A_53 = tpu.memref_slice %arg2[%add3A, %dma_wait3A_51, %dma_wait3A_52] : memref<32x80x128xi32, #tpu.memory_space<hbm>> -> memref<1x40x128xi32, #tpu.memory_space<hbm>>
      %dma_wait3A_54 = tpu.memref_squeeze %dma_wait3A_53 : memref<1x40x128xi32, #tpu.memory_space<hbm>> -> memref<40x128xi32, #tpu.memory_space<hbm>>
      tpu.wait_dma2 semaphore(%run_scoped3A : memref<!tpu.dma_semaphore, #tpu.memory_space<semaphore_mem>>) src(%dma_wait3A_54 : memref<40x128xi32, #tpu.memory_space<hbm>>) dst(%arg5 : memref<40x128xi32, #tpu.memory_space<vmem>>)
      tpu.yield
    }) : () -> ()
    %scan3A_19 = arith.constant 0 : i32
    %scan3A_20 = arith.constant 0 : i32
    %scan3A_21 = arith.constant 40 : i32
    %scan3A_22 = arith.addi %scan3A_20, %scan3A_21 : i32
    %scan3A_23 = arith.constant 1 : i32
    %scan3A_24 = scf.for %scan3A_41 = %scan3A_20 to %scan3A_22 step %scan3A_23 iter_args(%scan3A_42 = %scan3A_19) -> (i32)  : i32 {
      "tpu.region"() ({
        %run_scoped3A = tpu.sem_alloc : memref<!tpu.dma_semaphore, #tpu.memory_space<semaphore_mem>>
        %dma_start3A = arith.constant 0 : i32
        %dma_start3A_44 = tpu.memref_slice %arg5[%scan3A_41, %dma_start3A] : memref<40x128xi32, #tpu.memory_space<vmem>> -> memref<1x128xi32, #tpu.memory_space<vmem>>
        %dma_start3A_45 = tpu.memref_squeeze %dma_start3A_44 : memref<1x128xi32, #tpu.memory_space<vmem>> -> memref<128xi32, #tpu.memory_space<vmem>>
        %dma_start3A_46 = arith.constant 0 : i32
        %dma_start3A_47 = arith.constant 0 : i32
        %dma_start3A_48 = tpu.memref_slice %arg4[%dma_start3A_46, %dma_start3A_47] : memref<10240x128xf32, #tpu.memory_space<vmem_shared>> -> memref<10240x128xf32, #tpu.memory_space<vmem_shared>>
        tpu.enqueue_indirect_dma source(%arg7 : memref<128x128xf32, #tpu.memory_space<vmem>>) target(%dma_start3A_48 : memref<10240x128xf32, #tpu.memory_space<vmem_shared>>) offsets(%dma_start3A_45 : memref<128xi32, #tpu.memory_space<vmem>>) semaphore(%run_scoped3A : memref<!tpu.dma_semaphore, #tpu.memory_space<semaphore_mem>>) {add = true}
        %dma_wait3A = arith.constant 0 : i32
        %dma_wait3A_49 = tpu.memref_slice %arg5[%scan3A_41, %dma_wait3A] : memref<40x128xi32, #tpu.memory_space<vmem>> -> memref<1x128xi32, #tpu.memory_space<vmem>>
        %dma_wait3A_50 = tpu.memref_squeeze %dma_wait3A_49 : memref<1x128xi32, #tpu.memory_space<vmem>> -> memref<128xi32, #tpu.memory_space<vmem>>
        %dma_wait3A_51 = arith.constant 0 : i32
        %dma_wait3A_52 = arith.constant 0 : i32
        %dma_wait3A_53 = tpu.memref_slice %arg4[%dma_wait3A_51, %dma_wait3A_52] : memref<10240x128xf32, #tpu.memory_space<vmem_shared>> -> memref<10240x128xf32, #tpu.memory_space<vmem_shared>>
        tpu.wait_indirect_dma semaphore(%run_scoped3A : memref<!tpu.dma_semaphore, #tpu.memory_space<semaphore_mem>>) src(%arg7 : memref<128x128xf32, #tpu.memory_space<vmem>>) dst(%dma_wait3A_53 : memref<10240x128xf32, #tpu.memory_space<vmem_shared>>)
        tpu.yield
      }) : () -> ()
      %scan3A_43 = arith.constant 0 : i32
      scf.yield %scan3A_43 : i32
    }
    %scan3A_25 = arith.constant 40 : i32
    "tpu.region"() ({
      %run_scoped3A = tpu.sem_alloc : memref<!tpu.dma_semaphore, #tpu.memory_space<semaphore_mem>>
      %dma_start3A = arith.constant 40 : i32
      %dma_start3A_41 = arith.constant 0 : i32
      %dma_start3A_42 = tpu.memref_slice %arg2[%add3A, %dma_start3A, %dma_start3A_41] : memref<32x80x128xi32, #tpu.memory_space<hbm>> -> memref<1x40x128xi32, #tpu.memory_space<hbm>>
      %dma_start3A_43 = tpu.memref_squeeze %dma_start3A_42 : memref<1x40x128xi32, #tpu.memory_space<hbm>> -> memref<40x128xi32, #tpu.memory_space<hbm>>
      %dma_start3A_44 = arith.constant 40 : i32
      %dma_start3A_45 = arith.constant 0 : i32
      %dma_start3A_46 = tpu.memref_slice %arg2[%add3A, %dma_start3A_44, %dma_start3A_45] : memref<32x80x128xi32, #tpu.memory_space<hbm>> -> memref<1x40x128xi32, #tpu.memory_space<hbm>>
      %dma_start3A_47 = tpu.memref_squeeze %dma_start3A_46 : memref<1x40x128xi32, #tpu.memory_space<hbm>> -> memref<40x128xi32, #tpu.memory_space<hbm>>
      tpu.enqueue_dma source(%dma_start3A_47 : memref<40x128xi32, #tpu.memory_space<hbm>>) target(%arg5 : memref<40x128xi32, #tpu.memory_space<vmem>>) target_semaphore(%run_scoped3A : memref<!tpu.dma_semaphore, #tpu.memory_space<semaphore_mem>>)
      %dma_wait3A = arith.constant 40 : i32
      %dma_wait3A_48 = arith.constant 0 : i32
      %dma_wait3A_49 = tpu.memref_slice %arg2[%add3A, %dma_wait3A, %dma_wait3A_48] : memref<32x80x128xi32, #tpu.memory_space<hbm>> -> memref<1x40x128xi32, #tpu.memory_space<hbm>>
      %dma_wait3A_50 = tpu.memref_squeeze %dma_wait3A_49 : memref<1x40x128xi32, #tpu.memory_space<hbm>> -> memref<40x128xi32, #tpu.memory_space<hbm>>
      %dma_wait3A_51 = arith.constant 40 : i32
      %dma_wait3A_52 = arith.constant 0 : i32
      %dma_wait3A_53 = tpu.memref_slice %arg2[%add3A, %dma_wait3A_51, %dma_wait3A_52] : memref<32x80x128xi32, #tpu.memory_space<hbm>> -> memref<1x40x128xi32, #tpu.memory_space<hbm>>
      %dma_wait3A_54 = tpu.memref_squeeze %dma_wait3A_53 : memref<1x40x128xi32, #tpu.memory_space<hbm>> -> memref<40x128xi32, #tpu.memory_space<hbm>>
      tpu.wait_dma2 semaphore(%run_scoped3A : memref<!tpu.dma_semaphore, #tpu.memory_space<semaphore_mem>>) src(%dma_wait3A_54 : memref<40x128xi32, #tpu.memory_space<hbm>>) dst(%arg5 : memref<40x128xi32, #tpu.memory_space<vmem>>)
      tpu.yield
    }) : () -> ()
    %scan3A_26 = arith.constant 0 : i32
    %scan3A_27 = arith.constant 0 : i32
    %scan3A_28 = arith.constant 40 : i32
    %scan3A_29 = arith.addi %scan3A_27, %scan3A_28 : i32
    %scan3A_30 = arith.constant 1 : i32
    %scan3A_31 = scf.for %scan3A_41 = %scan3A_27 to %scan3A_29 step %scan3A_30 iter_args(%scan3A_42 = %scan3A_26) -> (i32)  : i32 {
      "tpu.region"() ({
        %run_scoped3A = tpu.sem_alloc : memref<!tpu.dma_semaphore, #tpu.memory_space<semaphore_mem>>
        %dma_start3A = arith.constant 0 : i32
        %dma_start3A_44 = tpu.memref_slice %arg5[%scan3A_41, %dma_start3A] : memref<40x128xi32, #tpu.memory_space<vmem>> -> memref<1x128xi32, #tpu.memory_space<vmem>>
        %dma_start3A_45 = tpu.memref_squeeze %dma_start3A_44 : memref<1x128xi32, #tpu.memory_space<vmem>> -> memref<128xi32, #tpu.memory_space<vmem>>
        %dma_start3A_46 = arith.constant 0 : i32
        %dma_start3A_47 = arith.constant 0 : i32
        %dma_start3A_48 = tpu.memref_slice %arg4[%dma_start3A_46, %dma_start3A_47] : memref<10240x128xf32, #tpu.memory_space<vmem_shared>> -> memref<10240x128xf32, #tpu.memory_space<vmem_shared>>
        tpu.enqueue_indirect_dma source(%arg7 : memref<128x128xf32, #tpu.memory_space<vmem>>) target(%dma_start3A_48 : memref<10240x128xf32, #tpu.memory_space<vmem_shared>>) offsets(%dma_start3A_45 : memref<128xi32, #tpu.memory_space<vmem>>) semaphore(%run_scoped3A : memref<!tpu.dma_semaphore, #tpu.memory_space<semaphore_mem>>) {add = true}
        %dma_wait3A = arith.constant 0 : i32
        %dma_wait3A_49 = tpu.memref_slice %arg5[%scan3A_41, %dma_wait3A] : memref<40x128xi32, #tpu.memory_space<vmem>> -> memref<1x128xi32, #tpu.memory_space<vmem>>
        %dma_wait3A_50 = tpu.memref_squeeze %dma_wait3A_49 : memref<1x128xi32, #tpu.memory_space<vmem>> -> memref<128xi32, #tpu.memory_space<vmem>>
        %dma_wait3A_51 = arith.constant 0 : i32
        %dma_wait3A_52 = arith.constant 0 : i32
        %dma_wait3A_53 = tpu.memref_slice %arg4[%dma_wait3A_51, %dma_wait3A_52] : memref<10240x128xf32, #tpu.memory_space<vmem_shared>> -> memref<10240x128xf32, #tpu.memory_space<vmem_shared>>
        tpu.wait_indirect_dma semaphore(%run_scoped3A : memref<!tpu.dma_semaphore, #tpu.memory_space<semaphore_mem>>) src(%arg7 : memref<128x128xf32, #tpu.memory_space<vmem>>) dst(%dma_wait3A_53 : memref<10240x128xf32, #tpu.memory_space<vmem_shared>>)
        tpu.yield
      }) : () -> ()
      %scan3A_43 = arith.constant 0 : i32
      scf.yield %scan3A_43 : i32
    }
    %scan3A_32 = arith.constant 40 : i32
    %barrier3A_33 = arith.constant 0 : index
    tpu.barrier barrier_id(%barrier3A_33)
    %scan3A_34 = arith.constant 0 : i32
    %scan3A_35 = arith.constant 0 : i32
    %scan3A_36 = arith.constant 5 : i32
    %scan3A_37 = arith.addi %scan3A_35, %scan3A_36 : i32
    %scan3A_38 = arith.constant 1 : i32
    %scan3A_39 = scf.for %scan3A_41 = %scan3A_35 to %scan3A_37 step %scan3A_38 iter_args(%scan3A_42 = %scan3A_34) -> (i32)  : i32 {
      %mul3A_43 = arith.constant 128 : i32
      %mul3A_44 = arith.muli %scan3A_41, %mul3A_43 : i32
      %add3A_45 = arith.addi %mul3A_11, %mul3A_44 : i32
      "tpu.region"() ({
        %run_scoped3A = tpu.sem_alloc : memref<!tpu.dma_semaphore, #tpu.memory_space<semaphore_mem>>
        %dma_start3A = arith.constant 0 : i32
        %dma_start3A_47 = tpu.memref_slice %arg3[%arg0, %add3A_45, %dma_start3A] : memref<2x10240x128xf32, #tpu.memory_space<hbm>> -> memref<1x128x128xf32, #tpu.memory_space<hbm>>
        %dma_start3A_48 = tpu.memref_squeeze %dma_start3A_47 : memref<1x128x128xf32, #tpu.memory_space<hbm>> -> memref<128x128xf32, #tpu.memory_space<hbm>>
        %dma_start3A_49 = arith.constant 0 : i32
        %dma_start3A_50 = tpu.memref_slice %arg4[%add3A_45, %dma_start3A_49] : memref<10240x128xf32, #tpu.memory_space<vmem_shared>> -> memref<128x128xf32, #tpu.memory_space<vmem_shared>>
        tpu.enqueue_dma source(%dma_start3A_50 : memref<128x128xf32, #tpu.memory_space<vmem_shared>>) target(%dma_start3A_48 : memref<128x128xf32, #tpu.memory_space<hbm>>) target_semaphore(%run_scoped3A : memref<!tpu.dma_semaphore, #tpu.memory_space<semaphore_mem>>)
        %dma_wait3A = arith.constant 0 : i32
        %dma_wait3A_51 = tpu.memref_slice %arg3[%arg0, %add3A_45, %dma_wait3A] : memref<2x10240x128xf32, #tpu.memory_space<hbm>> -> memref<1x128x128xf32, #tpu.memory_space<hbm>>
        %dma_wait3A_52 = tpu.memref_squeeze %dma_wait3A_51 : memref<1x128x128xf32, #tpu.memory_space<hbm>> -> memref<128x128xf32, #tpu.memory_space<hbm>>
        %dma_wait3A_53 = arith.constant 0 : i32
        %dma_wait3A_54 = tpu.memref_slice %arg4[%add3A_45, %dma_wait3A_53] : memref<10240x128xf32, #tpu.memory_space<vmem_shared>> -> memref<128x128xf32, #tpu.memory_space<vmem_shared>>
        tpu.wait_dma2 semaphore(%run_scoped3A : memref<!tpu.dma_semaphore, #tpu.memory_space<semaphore_mem>>) src(%dma_wait3A_54 : memref<128x128xf32, #tpu.memory_space<vmem_shared>>) dst(%dma_wait3A_52 : memref<128x128xf32, #tpu.memory_space<hbm>>)
        tpu.yield
      }) : () -> ()
      %scan3A_46 = arith.constant 0 : i32
      scf.yield %scan3A_46 : i32
    }
    %scan3A_40 = arith.constant 5 : i32
    return
  }
}

#map = affine_map<(d0, d1) -> (0, 0, 0)>
module attributes {stable_mosaic.version = 14 : i64} {
  func.func @_ones_body(%arg0: i32, %arg1: i32, %arg2: memref<32x80x128xi32, #tpu.memory_space<hbm>>, %arg3: memref<2x10240x128xf32, #tpu.memory_space<hbm>>, %arg4: memref<10240x128xf32, #tpu.memory_space<vmem_shared>>, %arg5: memref<40x128xi32, #tpu.memory_space<vmem>>, %arg6: memref<128x128xf32, #tpu.memory_space<vmem>>, %arg7: memref<128x128xf32, #tpu.memory_space<vmem>>) attributes {dimension_semantics = [#tpu.dimension_semantics<core_parallel>, #tpu.dimension_semantics<subcore_parallel>], iteration_bounds = array<i64: 2, 16>, scalar_prefetch = 0 : i64, scratch_operands = 4 : i64, tpu.core_type = #tpu.core_type<sc_vector_subcore>, window_params = [{transform_indices = #map}, {transform_indices = #map}]} {
    %mul3A = arith.constant 2 : i32
    %mul3A_0 = arith.muli %arg1, %mul3A : i32
    %add3A = arith.addi %mul3A_0, %arg0 : i32
    %broadcast_in_dim3A = arith.constant 0.000000e+00 : f32
    %broadcast_in_dim3A_1 = vector.broadcast %broadcast_in_dim3A : f32 to vector<16xf32>
    %broadcast_in_dim3A_2 = arith.constant 1.000000e+00 : f32
    %broadcast_in_dim3A_3 = vector.broadcast %broadcast_in_dim3A_2 : f32 to vector<16xf32>
    %scan3A = arith.constant 0 : i32
    %scan3A_4 = arith.constant 0 : i32
    %scan3A_5 = arith.constant 128 : i32
    %scan3A_6 = arith.addi %scan3A_4, %scan3A_5 : i32
    %scan3A_7 = arith.constant 1 : i32
    %scan3A_8 = scf.for %scan3A_41 = %scan3A_4 to %scan3A_6 step %scan3A_7 iter_args(%scan3A_42 = %scan3A) -> (i32)  : i32 {
      %swap3A = arith.index_cast %scan3A_41 : i32 to index
      %swap3A_43 = arith.constant 0 : index
      %swap3A_44 = tpu.vector_load %arg6[%swap3A, %swap3A_43] {strides = array<i32>} : memref<128x128xf32, #tpu.memory_space<vmem>>, vector<1x16xf32>,
      %swap3A_45 = vector.shape_cast %swap3A_44 : vector<1x16xf32> to vector<16xf32>
      %swap3A_46 = vector.shape_cast %broadcast_in_dim3A_1 : vector<16xf32> to vector<1x16xf32>
      tpu.vector_store %arg6[%swap3A, %swap3A_43], %swap3A_46 {strides = array<i32>} : memref<128x128xf32, #tpu.memory_space<vmem>>, vector<1x16xf32>,
      %swap3A_47 = arith.index_cast %scan3A_41 : i32 to index
      %swap3A_48 = arith.constant 0 : index
      %swap3A_49 = tpu.vector_load %arg7[%swap3A_47, %swap3A_48] {strides = array<i32>} : memref<128x128xf32, #tpu.memory_space<vmem>>, vector<1x16xf32>,
      %swap3A_50 = vector.shape_cast %swap3A_49 : vector<1x16xf32> to vector<16xf32>
      %swap3A_51 = vector.shape_cast %broadcast_in_dim3A_3 : vector<16xf32> to vector<1x16xf32>
      tpu.vector_store %arg7[%swap3A_47, %swap3A_48], %swap3A_51 {strides = array<i32>} : memref<128x128xf32, #tpu.memory_space<vmem>>, vector<1x16xf32>,
      %swap3A_52 = arith.index_cast %scan3A_41 : i32 to index
      %swap3A_53 = arith.constant 16 : index
      %swap3A_54 = tpu.vector_load %arg6[%swap3A_52, %swap3A_53] {strides = array<i32>} : memref<128x128xf32, #tpu.memory_space<vmem>>, vector<1x16xf32>,
      %swap3A_55 = vector.shape_cast %swap3A_54 : vector<1x16xf32> to vector<16xf32>
      %swap3A_56 = vector.shape_cast %broadcast_in_dim3A_1 : vector<16xf32> to vector<1x16xf32>
      tpu.vector_store %arg6[%swap3A_52, %swap3A_53], %swap3A_56 {strides = array<i32>} : memref<128x128xf32, #tpu.memory_space<vmem>>, vector<1x16xf32>,
      %swap3A_57 = arith.index_cast %scan3A_41 : i32 to index
      %swap3A_58 = arith.constant 16 : index
      %swap3A_59 = tpu.vector_load %arg7[%swap3A_57, %swap3A_58] {strides = array<i32>} : memref<128x128xf32, #tpu.memory_space<vmem>>, vector<1x16xf32>,
      %swap3A_60 = vector.shape_cast %swap3A_59 : vector<1x16xf32> to vector<16xf32>
      %swap3A_61 = vector.shape_cast %broadcast_in_dim3A_3 : vector<16xf32> to vector<1x16xf32>
      tpu.vector_store %arg7[%swap3A_57, %swap3A_58], %swap3A_61 {strides = array<i32>} : memref<128x128xf32, #tpu.memory_space<vmem>>, vector<1x16xf32>,
      %swap3A_62 = arith.index_cast %scan3A_41 : i32 to index
      %swap3A_63 = arith.constant 32 : index
      %swap3A_64 = tpu.vector_load %arg6[%swap3A_62, %swap3A_63] {strides = array<i32>} : memref<128x128xf32, #tpu.memory_space<vmem>>, vector<1x16xf32>,
      %swap3A_65 = vector.shape_cast %swap3A_64 : vector<1x16xf32> to vector<16xf32>
      %swap3A_66 = vector.shape_cast %broadcast_in_dim3A_1 : vector<16xf32> to vector<1x16xf32>
      tpu.vector_store %arg6[%swap3A_62, %swap3A_63], %swap3A_66 {strides = array<i32>} : memref<128x128xf32, #tpu.memory_space<vmem>>, vector<1x16xf32>,
      %swap3A_67 = arith.index_cast %scan3A_41 : i32 to index
      %swap3A_68 = arith.constant 32 : index
      %swap3A_69 = tpu.vector_load %arg7[%swap3A_67, %swap3A_68] {strides = array<i32>} : memref<128x128xf32, #tpu.memory_space<vmem>>, vector<1x16xf32>,
      %swap3A_70 = vector.shape_cast %swap3A_69 : vector<1x16xf32> to vector<16xf32>
      %swap3A_71 = vector.shape_cast %broadcast_in_dim3A_3 : vector<16xf32> to vector<1x16xf32>
      tpu.vector_store %arg7[%swap3A_67, %swap3A_68], %swap3A_71 {strides = array<i32>} : memref<128x128xf32, #tpu.memory_space<vmem>>, vector<1x16xf32>,
      %swap3A_72 = arith.index_cast %scan3A_41 : i32 to index
      %swap3A_73 = arith.constant 48 : index
      %swap3A_74 = tpu.vector_load %arg6[%swap3A_72, %swap3A_73] {strides = array<i32>} : memref<128x128xf32, #tpu.memory_space<vmem>>, vector<1x16xf32>,
      %swap3A_75 = vector.shape_cast %swap3A_74 : vector<1x16xf32> to vector<16xf32>
      %swap3A_76 = vector.shape_cast %broadcast_in_dim3A_1 : vector<16xf32> to vector<1x16xf32>
      tpu.vector_store %arg6[%swap3A_72, %swap3A_73], %swap3A_76 {strides = array<i32>} : memref<128x128xf32, #tpu.memory_space<vmem>>, vector<1x16xf32>,
      %swap3A_77 = arith.index_cast %scan3A_41 : i32 to index
      %swap3A_78 = arith.constant 48 : index
      %swap3A_79 = tpu.vector_load %arg7[%swap3A_77, %swap3A_78] {strides = array<i32>} : memref<128x128xf32, #tpu.memory_space<vmem>>, vector<1x16xf32>,
      %swap3A_80 = vector.shape_cast %swap3A_79 : vector<1x16xf32> to vector<16xf32>
      %swap3A_81 = vector.shape_cast %broadcast_in_dim3A_3 : vector<16xf32> to vector<1x16xf32>
      tpu.vector_store %arg7[%swap3A_77, %swap3A_78], %swap3A_81 {strides = array<i32>} : memref<128x128xf32, #tpu.memory_space<vmem>>, vector<1x16xf32>,
      %swap3A_82 = arith.index_cast %scan3A_41 : i32 to index
      %swap3A_83 = arith.constant 64 : index
      %swap3A_84 = tpu.vector_load %arg6[%swap3A_82, %swap3A_83] {strides = array<i32>} : memref<128x128xf32, #tpu.memory_space<vmem>>, vector<1x16xf32>,
      %swap3A_85 = vector.shape_cast %swap3A_84 : vector<1x16xf32> to vector<16xf32>
      %swap3A_86 = vector.shape_cast %broadcast_in_dim3A_1 : vector<16xf32> to vector<1x16xf32>
      tpu.vector_store %arg6[%swap3A_82, %swap3A_83], %swap3A_86 {strides = array<i32>} : memref<128x128xf32, #tpu.memory_space<vmem>>, vector<1x16xf32>,
      %swap3A_87 = arith.index_cast %scan3A_41 : i32 to index
      %swap3A_88 = arith.constant 64 : index
      %swap3A_89 = tpu.vector_load %arg7[%swap3A_87, %swap3A_88] {strides = array<i32>} : memref<128x128xf32, #tpu.memory_space<vmem>>, vector<1x16xf32>,
      %swap3A_90 = vector.shape_cast %swap3A_89 : vector<1x16xf32> to vector<16xf32>
      %swap3A_91 = vector.shape_cast %broadcast_in_dim3A_3 : vector<16xf32> to vector<1x16xf32>
      tpu.vector_store %arg7[%swap3A_87, %swap3A_88], %swap3A_91 {strides = array<i32>} : memref<128x128xf32, #tpu.memory_space<vmem>>, vector<1x16xf32>,
      %swap3A_92 = arith.index_cast %scan3A_41 : i32 to index
      %swap3A_93 = arith.constant 80 : index
      %swap3A_94 = tpu.vector_load %arg6[%swap3A_92, %swap3A_93] {strides = array<i32>} : memref<128x128xf32, #tpu.memory_space<vmem>>, vector<1x16xf32>,
      %swap3A_95 = vector.shape_cast %swap3A_94 : vector<1x16xf32> to vector<16xf32>
      %swap3A_96 = vector.shape_cast %broadcast_in_dim3A_1 : vector<16xf32> to vector<1x16xf32>
      tpu.vector_store %arg6[%swap3A_92, %swap3A_93], %swap3A_96 {strides = array<i32>} : memref<128x128xf32, #tpu.memory_space<vmem>>, vector<1x16xf32>,
      %swap3A_97 = arith.index_cast %scan3A_41 : i32 to index
      %swap3A_98 = arith.constant 80 : index
      %swap3A_99 = tpu.vector_load %arg7[%swap3A_97, %swap3A_98] {strides = array<i32>} : memref<128x128xf32, #tpu.memory_space<vmem>>, vector<1x16xf32>,
      %swap3A_100 = vector.shape_cast %swap3A_99 : vector<1x16xf32> to vector<16xf32>
      %swap3A_101 = vector.shape_cast %broadcast_in_dim3A_3 : vector<16xf32> to vector<1x16xf32>
      tpu.vector_store %arg7[%swap3A_97, %swap3A_98], %swap3A_101 {strides = array<i32>} : memref<128x128xf32, #tpu.memory_space<vmem>>, vector<1x16xf32>,
      %swap3A_102 = arith.index_cast %scan3A_41 : i32 to index
      %swap3A_103 = arith.constant 96 : index
      %swap3A_104 = tpu.vector_load %arg6[%swap3A_102, %swap3A_103] {strides = array<i32>} : memref<128x128xf32, #tpu.memory_space<vmem>>, vector<1x16xf32>,
      %swap3A_105 = vector.shape_cast %swap3A_104 : vector<1x16xf32> to vector<16xf32>
      %swap3A_106 = vector.shape_cast %broadcast_in_dim3A_1 : vector<16xf32> to vector<1x16xf32>
      tpu.vector_store %arg6[%swap3A_102, %swap3A_103], %swap3A_106 {strides = array<i32>} : memref<128x128xf32, #tpu.memory_space<vmem>>, vector<1x16xf32>,
      %swap3A_107 = arith.index_cast %scan3A_41 : i32 to index
      %swap3A_108 = arith.constant 96 : index
      %swap3A_109 = tpu.vector_load %arg7[%swap3A_107, %swap3A_108] {strides = array<i32>} : memref<128x128xf32, #tpu.memory_space<vmem>>, vector<1x16xf32>,
      %swap3A_110 = vector.shape_cast %swap3A_109 : vector<1x16xf32> to vector<16xf32>
      %swap3A_111 = vector.shape_cast %broadcast_in_dim3A_3 : vector<16xf32> to vector<1x16xf32>
      tpu.vector_store %arg7[%swap3A_107, %swap3A_108], %swap3A_111 {strides = array<i32>} : memref<128x128xf32, #tpu.memory_space<vmem>>, vector<1x16xf32>,
      %swap3A_112 = arith.index_cast %scan3A_41 : i32 to index
      %swap3A_113 = arith.constant 112 : index
      %swap3A_114 = tpu.vector_load %arg6[%swap3A_112, %swap3A_113] {strides = array<i32>} : memref<128x128xf32, #tpu.memory_space<vmem>>, vector<1x16xf32>,
      %swap3A_115 = vector.shape_cast %swap3A_114 : vector<1x16xf32> to vector<16xf32>
      %swap3A_116 = vector.shape_cast %broadcast_in_dim3A_1 : vector<16xf32> to vector<1x16xf32>
      tpu.vector_store %arg6[%swap3A_112, %swap3A_113], %swap3A_116 {strides = array<i32>} : memref<128x128xf32, #tpu.memory_space<vmem>>, vector<1x16xf32>,
      %swap3A_117 = arith.index_cast %scan3A_41 : i32 to index
      %swap3A_118 = arith.constant 112 : index
      %swap3A_119 = tpu.vector_load %arg7[%swap3A_117, %swap3A_118] {strides = array<i32>} : memref<128x128xf32, #tpu.memory_space<vmem>>, vector<1x16xf32>,
      %swap3A_120 = vector.shape_cast %swap3A_119 : vector<1x16xf32> to vector<16xf32>
      %swap3A_121 = vector.shape_cast %broadcast_in_dim3A_3 : vector<16xf32> to vector<1x16xf32>
      tpu.vector_store %arg7[%swap3A_117, %swap3A_118], %swap3A_121 {strides = array<i32>} : memref<128x128xf32, #tpu.memory_space<vmem>>, vector<1x16xf32>,
      %scan3A_122 = arith.constant 0 : i32
      scf.yield %scan3A_122 : i32
    }
    %scan3A_9 = arith.constant 128 : i32
    %mul3A_10 = arith.constant 640 : i32
    %mul3A_11 = arith.muli %arg1, %mul3A_10 : i32
    %scan3A_12 = arith.constant 0 : i32
    %scan3A_13 = arith.constant 0 : i32
    %scan3A_14 = arith.constant 5 : i32
    %scan3A_15 = arith.addi %scan3A_13, %scan3A_14 : i32
    %scan3A_16 = arith.constant 1 : i32
    %scan3A_17 = scf.for %scan3A_41 = %scan3A_13 to %scan3A_15 step %scan3A_16 iter_args(%scan3A_42 = %scan3A_12) -> (i32)  : i32 {
      %mul3A_43 = arith.constant 128 : i32
      %mul3A_44 = arith.muli %scan3A_41, %mul3A_43 : i32
      %add3A_45 = arith.addi %mul3A_11, %mul3A_44 : i32
      "tpu.region"() ({
        %run_scoped3A = tpu.sem_alloc : memref<!tpu.dma_semaphore, #tpu.memory_space<semaphore_mem>>
        %dma_start3A = arith.constant 0 : i32
        %dma_start3A_47 = tpu.memref_slice %arg4[%add3A_45, %dma_start3A] : memref<10240x128xf32, #tpu.memory_space<vmem_shared>> -> memref<128x128xf32, #tpu.memory_space<vmem_shared>>
        %dma_start3A_48 = arith.constant 0 : i32
        %dma_start3A_49 = tpu.memref_slice %arg4[%add3A_45, %dma_start3A_48] : memref<10240x128xf32, #tpu.memory_space<vmem_shared>> -> memref<128x128xf32, #tpu.memory_space<vmem_shared>>
        tpu.enqueue_dma source(%arg6 : memref<128x128xf32, #tpu.memory_space<vmem>>) target(%dma_start3A_49 : memref<128x128xf32, #tpu.memory_space<vmem_shared>>) target_semaphore(%run_scoped3A : memref<!tpu.dma_semaphore, #tpu.memory_space<semaphore_mem>>)
        %dma_wait3A = arith.constant 0 : i32
        %dma_wait3A_50 = tpu.memref_slice %arg4[%add3A_45, %dma_wait3A] : memref<10240x128xf32, #tpu.memory_space<vmem_shared>> -> memref<128x128xf32, #tpu.memory_space<vmem_shared>>
        %dma_wait3A_51 = arith.constant 0 : i32
        %dma_wait3A_52 = tpu.memref_slice %arg4[%add3A_45, %dma_wait3A_51] : memref<10240x128xf32, #tpu.memory_space<vmem_shared>> -> memref<128x128xf32, #tpu.memory_space<vmem_shared>>
        tpu.wait_dma2 semaphore(%run_scoped3A : memref<!tpu.dma_semaphore, #tpu.memory_space<semaphore_mem>>) src(%arg6 : memref<128x128xf32, #tpu.memory_space<vmem>>) dst(%dma_wait3A_52 : memref<128x128xf32, #tpu.memory_space<vmem_shared>>)
        tpu.yield
      }) : () -> ()
      %scan3A_46 = arith.constant 0 : i32
      scf.yield %scan3A_46 : i32
    }
    %scan3A_18 = arith.constant 5 : i32
    %barrier3A = arith.constant 0 : index
    tpu.barrier barrier_id(%barrier3A)
    "tpu.region"() ({
      %run_scoped3A = tpu.sem_alloc : memref<!tpu.dma_semaphore, #tpu.memory_space<semaphore_mem>>
      %dma_start3A = arith.constant 0 : i32
      %dma_start3A_41 = arith.constant 0 : i32
      %dma_start3A_42 = tpu.memref_slice %arg2[%add3A, %dma_start3A, %dma_start3A_41] : memref<32x80x128xi32, #tpu.memory_space<hbm>> -> memref<1x40x128xi32, #tpu.memory_space<hbm>>
      %dma_start3A_43 = tpu.memref_squeeze %dma_start3A_42 : memref<1x40x128xi32, #tpu.memory_space<hbm>> -> memref<40x128xi32, #tpu.memory_space<hbm>>
      %dma_start3A_44 = arith.constant 0 : i32
      %dma_start3A_45 = arith.constant 0 : i32
      %dma_start3A_46 = tpu.memref_slice %arg2[%add3A, %dma_start3A_44, %dma_start3A_45] : memref<32x80x128xi32, #tpu.memory_space<hbm>> -> memref<1x40x128xi32, #tpu.memory_space<hbm>>
      %dma_start3A_47 = tpu.memref_squeeze %dma_start3A_46 : memref<1x40x128xi32, #tpu.memory_space<hbm>> -> memref<40x128xi32, #tpu.memory_space<hbm>>
      tpu.enqueue_dma source(%dma_start3A_47 : memref<40x128xi32, #tpu.memory_space<hbm>>) target(%arg5 : memref<40x128xi32, #tpu.memory_space<vmem>>) target_semaphore(%run_scoped3A : memref<!tpu.dma_semaphore, #tpu.memory_space<semaphore_mem>>)
      %dma_wait3A = arith.constant 0 : i32
      %dma_wait3A_48 = arith.constant 0 : i32
      %dma_wait3A_49 = tpu.memref_slice %arg2[%add3A, %dma_wait3A, %dma_wait3A_48] : memref<32x80x128xi32, #tpu.memory_space<hbm>> -> memref<1x40x128xi32, #tpu.memory_space<hbm>>
      %dma_wait3A_50 = tpu.memref_squeeze %dma_wait3A_49 : memref<1x40x128xi32, #tpu.memory_space<hbm>> -> memref<40x128xi32, #tpu.memory_space<hbm>>
      %dma_wait3A_51 = arith.constant 0 : i32
      %dma_wait3A_52 = arith.constant 0 : i32
      %dma_wait3A_53 = tpu.memref_slice %arg2[%add3A, %dma_wait3A_51, %dma_wait3A_52] : memref<32x80x128xi32, #tpu.memory_space<hbm>> -> memref<1x40x128xi32, #tpu.memory_space<hbm>>
      %dma_wait3A_54 = tpu.memref_squeeze %dma_wait3A_53 : memref<1x40x128xi32, #tpu.memory_space<hbm>> -> memref<40x128xi32, #tpu.memory_space<hbm>>
      tpu.wait_dma2 semaphore(%run_scoped3A : memref<!tpu.dma_semaphore, #tpu.memory_space<semaphore_mem>>) src(%dma_wait3A_54 : memref<40x128xi32, #tpu.memory_space<hbm>>) dst(%arg5 : memref<40x128xi32, #tpu.memory_space<vmem>>)
      tpu.yield
    }) : () -> ()
    %scan3A_19 = arith.constant 0 : i32
    %scan3A_20 = arith.constant 0 : i32
    %scan3A_21 = arith.constant 40 : i32
    %scan3A_22 = arith.addi %scan3A_20, %scan3A_21 : i32
    %scan3A_23 = arith.constant 1 : i32
    %scan3A_24 = scf.for %scan3A_41 = %scan3A_20 to %scan3A_22 step %scan3A_23 iter_args(%scan3A_42 = %scan3A_19) -> (i32)  : i32 {
      "tpu.region"() ({
        %run_scoped3A = tpu.sem_alloc : memref<!tpu.dma_semaphore, #tpu.memory_space<semaphore_mem>>
        %dma_start3A = arith.constant 0 : i32
        %dma_start3A_44 = tpu.memref_slice %arg5[%scan3A_41, %dma_start3A] : memref<40x128xi32, #tpu.memory_space<vmem>> -> memref<1x128xi32, #tpu.memory_space<vmem>>
        %dma_start3A_45 = tpu.memref_squeeze %dma_start3A_44 : memref<1x128xi32, #tpu.memory_space<vmem>> -> memref<128xi32, #tpu.memory_space<vmem>>
        %dma_start3A_46 = arith.constant 0 : i32
        %dma_start3A_47 = arith.constant 0 : i32
        %dma_start3A_48 = tpu.memref_slice %arg4[%dma_start3A_46, %dma_start3A_47] : memref<10240x128xf32, #tpu.memory_space<vmem_shared>> -> memref<10240x128xf32, #tpu.memory_space<vmem_shared>>
        tpu.enqueue_indirect_dma source(%arg7 : memref<128x128xf32, #tpu.memory_space<vmem>>) target(%dma_start3A_48 : memref<10240x128xf32, #tpu.memory_space<vmem_shared>>) offsets(%dma_start3A_45 : memref<128xi32, #tpu.memory_space<vmem>>) semaphore(%run_scoped3A : memref<!tpu.dma_semaphore, #tpu.memory_space<semaphore_mem>>) {add = true}
        %dma_wait3A = arith.constant 0 : i32
        %dma_wait3A_49 = tpu.memref_slice %arg5[%scan3A_41, %dma_wait3A] : memref<40x128xi32, #tpu.memory_space<vmem>> -> memref<1x128xi32, #tpu.memory_space<vmem>>
        %dma_wait3A_50 = tpu.memref_squeeze %dma_wait3A_49 : memref<1x128xi32, #tpu.memory_space<vmem>> -> memref<128xi32, #tpu.memory_space<vmem>>
        %dma_wait3A_51 = arith.constant 0 : i32
        %dma_wait3A_52 = arith.constant 0 : i32
        %dma_wait3A_53 = tpu.memref_slice %arg4[%dma_wait3A_51, %dma_wait3A_52] : memref<10240x128xf32, #tpu.memory_space<vmem_shared>> -> memref<10240x128xf32, #tpu.memory_space<vmem_shared>>
        tpu.wait_indirect_dma semaphore(%run_scoped3A : memref<!tpu.dma_semaphore, #tpu.memory_space<semaphore_mem>>) src(%arg7 : memref<128x128xf32, #tpu.memory_space<vmem>>) dst(%dma_wait3A_53 : memref<10240x128xf32, #tpu.memory_space<vmem_shared>>)
        tpu.yield
      }) : () -> ()
      %scan3A_43 = arith.constant 0 : i32
      scf.yield %scan3A_43 : i32
    }
    %scan3A_25 = arith.constant 40 : i32
    "tpu.region"() ({
      %run_scoped3A = tpu.sem_alloc : memref<!tpu.dma_semaphore, #tpu.memory_space<semaphore_mem>>
      %dma_start3A = arith.constant 40 : i32
      %dma_start3A_41 = arith.constant 0 : i32
      %dma_start3A_42 = tpu.memref_slice %arg2[%add3A, %dma_start3A, %dma_start3A_41] : memref<32x80x128xi32, #tpu.memory_space<hbm>> -> memref<1x40x128xi32, #tpu.memory_space<hbm>>
      %dma_start3A_43 = tpu.memref_squeeze %dma_start3A_42 : memref<1x40x128xi32, #tpu.memory_space<hbm>> -> memref<40x128xi32, #tpu.memory_space<hbm>>
      %dma_start3A_44 = arith.constant 40 : i32
      %dma_start3A_45 = arith.constant 0 : i32
      %dma_start3A_46 = tpu.memref_slice %arg2[%add3A, %dma_start3A_44, %dma_start3A_45] : memref<32x80x128xi32, #tpu.memory_space<hbm>> -> memref<1x40x128xi32, #tpu.memory_space<hbm>>
      %dma_start3A_47 = tpu.memref_squeeze %dma_start3A_46 : memref<1x40x128xi32, #tpu.memory_space<hbm>> -> memref<40x128xi32, #tpu.memory_space<hbm>>
      tpu.enqueue_dma source(%dma_start3A_47 : memref<40x128xi32, #tpu.memory_space<hbm>>) target(%arg5 : memref<40x128xi32, #tpu.memory_space<vmem>>) target_semaphore(%run_scoped3A : memref<!tpu.dma_semaphore, #tpu.memory_space<semaphore_mem>>)
      %dma_wait3A = arith.constant 40 : i32
      %dma_wait3A_48 = arith.constant 0 : i32
      %dma_wait3A_49 = tpu.memref_slice %arg2[%add3A, %dma_wait3A, %dma_wait3A_48] : memref<32x80x128xi32, #tpu.memory_space<hbm>> -> memref<1x40x128xi32, #tpu.memory_space<hbm>>
      %dma_wait3A_50 = tpu.memref_squeeze %dma_wait3A_49 : memref<1x40x128xi32, #tpu.memory_space<hbm>> -> memref<40x128xi32, #tpu.memory_space<hbm>>
      %dma_wait3A_51 = arith.constant 40 : i32
      %dma_wait3A_52 = arith.constant 0 : i32
      %dma_wait3A_53 = tpu.memref_slice %arg2[%add3A, %dma_wait3A_51, %dma_wait3A_52] : memref<32x80x128xi32, #tpu.memory_space<hbm>> -> memref<1x40x128xi32, #tpu.memory_space<hbm>>
      %dma_wait3A_54 = tpu.memref_squeeze %dma_wait3A_53 : memref<1x40x128xi32, #tpu.memory_space<hbm>> -> memref<40x128xi32, #tpu.memory_space<hbm>>
      tpu.wait_dma2 semaphore(%run_scoped3A : memref<!tpu.dma_semaphore, #tpu.memory_space<semaphore_mem>>) src(%dma_wait3A_54 : memref<40x128xi32, #tpu.memory_space<hbm>>) dst(%arg5 : memref<40x128xi32, #tpu.memory_space<vmem>>)
      tpu.yield
    }) : () -> ()
    %scan3A_26 = arith.constant 0 : i32
    %scan3A_27 = arith.constant 0 : i32
    %scan3A_28 = arith.constant 40 : i32
    %scan3A_29 = arith.addi %scan3A_27, %scan3A_28 : i32
    %scan3A_30 = arith.constant 1 : i32
    %scan3A_31 = scf.for %scan3A_41 = %scan3A_27 to %scan3A_29 step %scan3A_30 iter_args(%scan3A_42 = %scan3A_26) -> (i32)  : i32 {
      "tpu.region"() ({
        %run_scoped3A = tpu.sem_alloc : memref<!tpu.dma_semaphore, #tpu.memory_space<semaphore_mem>>
        %dma_start3A = arith.constant 0 : i32
        %dma_start3A_44 = tpu.memref_slice %arg5[%scan3A_41, %dma_start3A] : memref<40x128xi32, #tpu.memory_space<vmem>> -> memref<1x128xi32, #tpu.memory_space<vmem>>
        %dma_start3A_45 = tpu.memref_squeeze %dma_start3A_44 : memref<1x128xi32, #tpu.memory_space<vmem>> -> memref<128xi32, #tpu.memory_space<vmem>>
        %dma_start3A_46 = arith.constant 0 : i32
        %dma_start3A_47 = arith.constant 0 : i32
        %dma_start3A_48 = tpu.memref_slice %arg4[%dma_start3A_46, %dma_start3A_47] : memref<10240x128xf32, #tpu.memory_space<vmem_shared>> -> memref<10240x128xf32, #tpu.memory_space<vmem_shared>>
        tpu.enqueue_indirect_dma source(%arg7 : memref<128x128xf32, #tpu.memory_space<vmem>>) target(%dma_start3A_48 : memref<10240x128xf32, #tpu.memory_space<vmem_shared>>) offsets(%dma_start3A_45 : memref<128xi32, #tpu.memory_space<vmem>>) semaphore(%run_scoped3A : memref<!tpu.dma_semaphore, #tpu.memory_space<semaphore_mem>>) {add = true}
        %dma_wait3A = arith.constant 0 : i32
        %dma_wait3A_49 = tpu.memref_slice %arg5[%scan3A_41, %dma_wait3A] : memref<40x128xi32, #tpu.memory_space<vmem>> -> memref<1x128xi32, #tpu.memory_space<vmem>>
        %dma_wait3A_50 = tpu.memref_squeeze %dma_wait3A_49 : memref<1x128xi32, #tpu.memory_space<vmem>> -> memref<128xi32, #tpu.memory_space<vmem>>
        %dma_wait3A_51 = arith.constant 0 : i32
        %dma_wait3A_52 = arith.constant 0 : i32
        %dma_wait3A_53 = tpu.memref_slice %arg4[%dma_wait3A_51, %dma_wait3A_52] : memref<10240x128xf32, #tpu.memory_space<vmem_shared>> -> memref<10240x128xf32, #tpu.memory_space<vmem_shared>>
        tpu.wait_indirect_dma semaphore(%run_scoped3A : memref<!tpu.dma_semaphore, #tpu.memory_space<semaphore_mem>>) src(%arg7 : memref<128x128xf32, #tpu.memory_space<vmem>>) dst(%dma_wait3A_53 : memref<10240x128xf32, #tpu.memory_space<vmem_shared>>)
        tpu.yield
      }) : () -> ()
      %scan3A_43 = arith.constant 0 : i32
      scf.yield %scan3A_43 : i32
    }
    %scan3A_32 = arith.constant 40 : i32
    %barrier3A_33 = arith.constant 0 : index
    tpu.barrier barrier_id(%barrier3A_33)
    %scan3A_34 = arith.constant 0 : i32
    %scan3A_35 = arith.constant 0 : i32
    %scan3A_36 = arith.constant 5 : i32
    %scan3A_37 = arith.addi %scan3A_35, %scan3A_36 : i32
    %scan3A_38 = arith.constant 1 : i32
    %scan3A_39 = scf.for %scan3A_41 = %scan3A_35 to %scan3A_37 step %scan3A_38 iter_args(%scan3A_42 = %scan3A_34) -> (i32)  : i32 {
      %mul3A_43 = arith.constant 128 : i32
      %mul3A_44 = arith.muli %scan3A_41, %mul3A_43 : i32
      %add3A_45 = arith.addi %mul3A_11, %mul3A_44 : i32
      "tpu.region"() ({
        %run_scoped3A = tpu.sem_alloc : memref<!tpu.dma_semaphore, #tpu.memory_space<semaphore_mem>>
        %dma_start3A = arith.constant 0 : i32
        %dma_start3A_47 = tpu.memref_slice %arg3[%arg0, %add3A_45, %dma_start3A] : memref<2x10240x128xf32, #tpu.memory_space<hbm>> -> memref<1x128x128xf32, #tpu.memory_space<hbm>>
        %dma_start3A_48 = tpu.memref_squeeze %dma_start3A_47 : memref<1x128x128xf32, #tpu.memory_space<hbm>> -> memref<128x128xf32, #tpu.memory_space<hbm>>
        %dma_start3A_49 = arith.constant 0 : i32
        %dma_start3A_50 = tpu.memref_slice %arg4[%add3A_45, %dma_start3A_49] : memref<10240x128xf32, #tpu.memory_space<vmem_shared>> -> memref<128x128xf32, #tpu.memory_space<vmem_shared>>
        tpu.enqueue_dma source(%dma_start3A_50 : memref<128x128xf32, #tpu.memory_space<vmem_shared>>) target(%dma_start3A_48 : memref<128x128xf32, #tpu.memory_space<hbm>>) target_semaphore(%run_scoped3A : memref<!tpu.dma_semaphore, #tpu.memory_space<semaphore_mem>>)
        %dma_wait3A = arith.constant 0 : i32
        %dma_wait3A_51 = tpu.memref_slice %arg3[%arg0, %add3A_45, %dma_wait3A] : memref<2x10240x128xf32, #tpu.memory_space<hbm>> -> memref<1x128x128xf32, #tpu.memory_space<hbm>>
        %dma_wait3A_52 = tpu.memref_squeeze %dma_wait3A_51 : memref<1x128x128xf32, #tpu.memory_space<hbm>> -> memref<128x128xf32, #tpu.memory_space<hbm>>
        %dma_wait3A_53 = arith.constant 0 : i32
        %dma_wait3A_54 = tpu.memref_slice %arg4[%add3A_45, %dma_wait3A_53] : memref<10240x128xf32, #tpu.memory_space<vmem_shared>> -> memref<128x128xf32, #tpu.memory_space<vmem_shared>>
        tpu.wait_dma2 semaphore(%run_scoped3A : memref<!tpu.dma_semaphore, #tpu.memory_space<semaphore_mem>>) src(%dma_wait3A_54 : memref<128x128xf32, #tpu.memory_space<vmem_shared>>) dst(%dma_wait3A_52 : memref<128x128xf32, #tpu.memory_space<hbm>>)
        tpu.yield
      }) : () -> ()
      %scan3A_46 = arith.constant 0 : i32
      scf.yield %scan3A_46 : i32
    }
    %scan3A_40 = arith.constant 5 : i32
    return
  }
}

#map = affine_map<(d0, d1) -> (0, 0)>
#map1 = affine_map<(d0, d1) -> (0, 0, 0)>
module attributes {stable_mosaic.version = 14 : i64} {
  func.func @_seg_body(%arg0: i32, %arg1: i32, %arg2: memref<10240x128xf32, #tpu.memory_space<hbm>>, %arg3: memref<32x80x128xi32, #tpu.memory_space<hbm>>, %arg4: memref<32x80x128xi32, #tpu.memory_space<hbm>>, %arg5: memref<2x10240x128xf32, #tpu.memory_space<hbm>>, %arg6: memref<10240x128xf32, #tpu.memory_space<vmem_shared>>, %arg7: memref<40x128xi32, #tpu.memory_space<vmem>>, %arg8: memref<40x128xi32, #tpu.memory_space<vmem>>, %arg9: memref<128x128xf32, #tpu.memory_space<vmem>>, %arg10: memref<128x128xf32, #tpu.memory_space<vmem>>, %arg11: memref<!tpu.dma_semaphore, #tpu.memory_space<semaphore_mem>>, %arg12: memref<!tpu.dma_semaphore, #tpu.memory_space<semaphore_mem>>) attributes {dimension_semantics = [#tpu.dimension_semantics<core_parallel>, #tpu.dimension_semantics<subcore_parallel>], iteration_bounds = array<i64: 2, 16>, scalar_prefetch = 0 : i64, scratch_operands = 7 : i64, tpu.core_type = #tpu.core_type<sc_vector_subcore>, window_params = [{transform_indices = #map}, {transform_indices = #map1}, {transform_indices = #map1}, {transform_indices = #map1}]} {
    %mul3A = arith.constant 2 : i32
    %mul3A_0 = arith.muli %arg1, %mul3A : i32
    %add3A = arith.addi %mul3A_0, %arg0 : i32
    %broadcast_in_dim3A = arith.constant 0.000000e+00 : f32
    %broadcast_in_dim3A_1 = vector.broadcast %broadcast_in_dim3A : f32 to vector<16xf32>
    %scan3A = arith.constant 0 : i32
    %scan3A_2 = arith.constant 0 : i32
    %scan3A_3 = arith.constant 128 : i32
    %scan3A_4 = arith.addi %scan3A_2, %scan3A_3 : i32
    %scan3A_5 = arith.constant 1 : i32
    %scan3A_6 = scf.for %scan3A_66 = %scan3A_2 to %scan3A_4 step %scan3A_5 iter_args(%scan3A_67 = %scan3A) -> (i32)  : i32 {
      %swap3A = arith.index_cast %scan3A_66 : i32 to index
      %swap3A_68 = arith.constant 0 : index
      %swap3A_69 = tpu.vector_load %arg9[%swap3A, %swap3A_68] {strides = array<i32>} : memref<128x128xf32, #tpu.memory_space<vmem>>, vector<1x16xf32>,
      %swap3A_70 = vector.shape_cast %swap3A_69 : vector<1x16xf32> to vector<16xf32>
      %swap3A_71 = vector.shape_cast %broadcast_in_dim3A_1 : vector<16xf32> to vector<1x16xf32>
      tpu.vector_store %arg9[%swap3A, %swap3A_68], %swap3A_71 {strides = array<i32>} : memref<128x128xf32, #tpu.memory_space<vmem>>, vector<1x16xf32>,
      %swap3A_72 = arith.index_cast %scan3A_66 : i32 to index
      %swap3A_73 = arith.constant 16 : index
      %swap3A_74 = tpu.vector_load %arg9[%swap3A_72, %swap3A_73] {strides = array<i32>} : memref<128x128xf32, #tpu.memory_space<vmem>>, vector<1x16xf32>,
      %swap3A_75 = vector.shape_cast %swap3A_74 : vector<1x16xf32> to vector<16xf32>
      %swap3A_76 = vector.shape_cast %broadcast_in_dim3A_1 : vector<16xf32> to vector<1x16xf32>
      tpu.vector_store %arg9[%swap3A_72, %swap3A_73], %swap3A_76 {strides = array<i32>} : memref<128x128xf32, #tpu.memory_space<vmem>>, vector<1x16xf32>,
      %swap3A_77 = arith.index_cast %scan3A_66 : i32 to index
      %swap3A_78 = arith.constant 32 : index
      %swap3A_79 = tpu.vector_load %arg9[%swap3A_77, %swap3A_78] {strides = array<i32>} : memref<128x128xf32, #tpu.memory_space<vmem>>, vector<1x16xf32>,
      %swap3A_80 = vector.shape_cast %swap3A_79 : vector<1x16xf32> to vector<16xf32>
      %swap3A_81 = vector.shape_cast %broadcast_in_dim3A_1 : vector<16xf32> to vector<1x16xf32>
      tpu.vector_store %arg9[%swap3A_77, %swap3A_78], %swap3A_81 {strides = array<i32>} : memref<128x128xf32, #tpu.memory_space<vmem>>, vector<1x16xf32>,
      %swap3A_82 = arith.index_cast %scan3A_66 : i32 to index
      %swap3A_83 = arith.constant 48 : index
      %swap3A_84 = tpu.vector_load %arg9[%swap3A_82, %swap3A_83] {strides = array<i32>} : memref<128x128xf32, #tpu.memory_space<vmem>>, vector<1x16xf32>,
      %swap3A_85 = vector.shape_cast %swap3A_84 : vector<1x16xf32> to vector<16xf32>
      %swap3A_86 = vector.shape_cast %broadcast_in_dim3A_1 : vector<16xf32> to vector<1x16xf32>
      tpu.vector_store %arg9[%swap3A_82, %swap3A_83], %swap3A_86 {strides = array<i32>} : memref<128x128xf32, #tpu.memory_space<vmem>>, vector<1x16xf32>,
      %swap3A_87 = arith.index_cast %scan3A_66 : i32 to index
      %swap3A_88 = arith.constant 64 : index
      %swap3A_89 = tpu.vector_load %arg9[%swap3A_87, %swap3A_88] {strides = array<i32>} : memref<128x128xf32, #tpu.memory_space<vmem>>, vector<1x16xf32>,
      %swap3A_90 = vector.shape_cast %swap3A_89 : vector<1x16xf32> to vector<16xf32>
      %swap3A_91 = vector.shape_cast %broadcast_in_dim3A_1 : vector<16xf32> to vector<1x16xf32>
      tpu.vector_store %arg9[%swap3A_87, %swap3A_88], %swap3A_91 {strides = array<i32>} : memref<128x128xf32, #tpu.memory_space<vmem>>, vector<1x16xf32>,
      %swap3A_92 = arith.index_cast %scan3A_66 : i32 to index
      %swap3A_93 = arith.constant 80 : index
      %swap3A_94 = tpu.vector_load %arg9[%swap3A_92, %swap3A_93] {strides = array<i32>} : memref<128x128xf32, #tpu.memory_space<vmem>>, vector<1x16xf32>,
      %swap3A_95 = vector.shape_cast %swap3A_94 : vector<1x16xf32> to vector<16xf32>
      %swap3A_96 = vector.shape_cast %broadcast_in_dim3A_1 : vector<16xf32> to vector<1x16xf32>
      tpu.vector_store %arg9[%swap3A_92, %swap3A_93], %swap3A_96 {strides = array<i32>} : memref<128x128xf32, #tpu.memory_space<vmem>>, vector<1x16xf32>,
      %swap3A_97 = arith.index_cast %scan3A_66 : i32 to index
      %swap3A_98 = arith.constant 96 : index
      %swap3A_99 = tpu.vector_load %arg9[%swap3A_97, %swap3A_98] {strides = array<i32>} : memref<128x128xf32, #tpu.memory_space<vmem>>, vector<1x16xf32>,
      %swap3A_100 = vector.shape_cast %swap3A_99 : vector<1x16xf32> to vector<16xf32>
      %swap3A_101 = vector.shape_cast %broadcast_in_dim3A_1 : vector<16xf32> to vector<1x16xf32>
      tpu.vector_store %arg9[%swap3A_97, %swap3A_98], %swap3A_101 {strides = array<i32>} : memref<128x128xf32, #tpu.memory_space<vmem>>, vector<1x16xf32>,
      %swap3A_102 = arith.index_cast %scan3A_66 : i32 to index
      %swap3A_103 = arith.constant 112 : index
      %swap3A_104 = tpu.vector_load %arg9[%swap3A_102, %swap3A_103] {strides = array<i32>} : memref<128x128xf32, #tpu.memory_space<vmem>>, vector<1x16xf32>,
      %swap3A_105 = vector.shape_cast %swap3A_104 : vector<1x16xf32> to vector<16xf32>
      %swap3A_106 = vector.shape_cast %broadcast_in_dim3A_1 : vector<16xf32> to vector<1x16xf32>
      tpu.vector_store %arg9[%swap3A_102, %swap3A_103], %swap3A_106 {strides = array<i32>} : memref<128x128xf32, #tpu.memory_space<vmem>>, vector<1x16xf32>,
      %scan3A_107 = arith.constant 0 : i32
      scf.yield %scan3A_107 : i32
    }
    %scan3A_7 = arith.constant 128 : i32
    %mul3A_8 = arith.constant 640 : i32
    %mul3A_9 = arith.muli %arg1, %mul3A_8 : i32
    %scan3A_10 = arith.constant 0 : i32
    %scan3A_11 = arith.constant 0 : i32
    %scan3A_12 = arith.constant 5 : i32
    %scan3A_13 = arith.addi %scan3A_11, %scan3A_12 : i32
    %scan3A_14 = arith.constant 1 : i32
    %scan3A_15 = scf.for %scan3A_66 = %scan3A_11 to %scan3A_13 step %scan3A_14 iter_args(%scan3A_67 = %scan3A_10) -> (i32)  : i32 {
      %mul3A_68 = arith.constant 128 : i32
      %mul3A_69 = arith.muli %scan3A_66, %mul3A_68 : i32
      %add3A_70 = arith.addi %mul3A_9, %mul3A_69 : i32
      "tpu.region"() ({
        %run_scoped3A = tpu.sem_alloc : memref<!tpu.dma_semaphore, #tpu.memory_space<semaphore_mem>>
        %dma_start3A_72 = arith.constant 0 : i32
        %dma_start3A_73 = tpu.memref_slice %arg6[%add3A_70, %dma_start3A_72] : memref<10240x128xf32, #tpu.memory_space<vmem_shared>> -> memref<128x128xf32, #tpu.memory_space<vmem_shared>>
        %dma_start3A_74 = arith.constant 0 : i32
        %dma_start3A_75 = tpu.memref_slice %arg6[%add3A_70, %dma_start3A_74] : memref<10240x128xf32, #tpu.memory_space<vmem_shared>> -> memref<128x128xf32, #tpu.memory_space<vmem_shared>>
        tpu.enqueue_dma source(%arg9 : memref<128x128xf32, #tpu.memory_space<vmem>>) target(%dma_start3A_75 : memref<128x128xf32, #tpu.memory_space<vmem_shared>>) target_semaphore(%run_scoped3A : memref<!tpu.dma_semaphore, #tpu.memory_space<semaphore_mem>>)
        %dma_wait3A = arith.constant 0 : i32
        %dma_wait3A_76 = tpu.memref_slice %arg6[%add3A_70, %dma_wait3A] : memref<10240x128xf32, #tpu.memory_space<vmem_shared>> -> memref<128x128xf32, #tpu.memory_space<vmem_shared>>
        %dma_wait3A_77 = arith.constant 0 : i32
        %dma_wait3A_78 = tpu.memref_slice %arg6[%add3A_70, %dma_wait3A_77] : memref<10240x128xf32, #tpu.memory_space<vmem_shared>> -> memref<128x128xf32, #tpu.memory_space<vmem_shared>>
        tpu.wait_dma2 semaphore(%run_scoped3A : memref<!tpu.dma_semaphore, #tpu.memory_space<semaphore_mem>>) src(%arg9 : memref<128x128xf32, #tpu.memory_space<vmem>>) dst(%dma_wait3A_78 : memref<128x128xf32, #tpu.memory_space<vmem_shared>>)
        tpu.yield
      }) : () -> ()
      %scan3A_71 = arith.constant 0 : i32
      scf.yield %scan3A_71 : i32
    }
    %scan3A_16 = arith.constant 5 : i32
    %barrier3A = arith.constant 0 : index
    tpu.barrier barrier_id(%barrier3A)
    "tpu.region"() ({
      %run_scoped3A = tpu.sem_alloc : memref<!tpu.dma_semaphore, #tpu.memory_space<semaphore_mem>>
      %dma_start3A_66 = arith.constant 0 : i32
      %dma_start3A_67 = arith.constant 0 : i32
      %dma_start3A_68 = tpu.memref_slice %arg3[%add3A, %dma_start3A_66, %dma_start3A_67] : memref<32x80x128xi32, #tpu.memory_space<hbm>> -> memref<1x40x128xi32, #tpu.memory_space<hbm>>
      %dma_start3A_69 = tpu.memref_squeeze %dma_start3A_68 : memref<1x40x128xi32, #tpu.memory_space<hbm>> -> memref<40x128xi32, #tpu.memory_space<hbm>>
      %dma_start3A_70 = arith.constant 0 : i32
      %dma_start3A_71 = arith.constant 0 : i32
      %dma_start3A_72 = tpu.memref_slice %arg3[%add3A, %dma_start3A_70, %dma_start3A_71] : memref<32x80x128xi32, #tpu.memory_space<hbm>> -> memref<1x40x128xi32, #tpu.memory_space<hbm>>
      %dma_start3A_73 = tpu.memref_squeeze %dma_start3A_72 : memref<1x40x128xi32, #tpu.memory_space<hbm>> -> memref<40x128xi32, #tpu.memory_space<hbm>>
      tpu.enqueue_dma source(%dma_start3A_73 : memref<40x128xi32, #tpu.memory_space<hbm>>) target(%arg7 : memref<40x128xi32, #tpu.memory_space<vmem>>) target_semaphore(%run_scoped3A : memref<!tpu.dma_semaphore, #tpu.memory_space<semaphore_mem>>)
      %dma_wait3A = arith.constant 0 : i32
      %dma_wait3A_74 = arith.constant 0 : i32
      %dma_wait3A_75 = tpu.memref_slice %arg3[%add3A, %dma_wait3A, %dma_wait3A_74] : memref<32x80x128xi32, #tpu.memory_space<hbm>> -> memref<1x40x128xi32, #tpu.memory_space<hbm>>
      %dma_wait3A_76 = tpu.memref_squeeze %dma_wait3A_75 : memref<1x40x128xi32, #tpu.memory_space<hbm>> -> memref<40x128xi32, #tpu.memory_space<hbm>>
      %dma_wait3A_77 = arith.constant 0 : i32
      %dma_wait3A_78 = arith.constant 0 : i32
      %dma_wait3A_79 = tpu.memref_slice %arg3[%add3A, %dma_wait3A_77, %dma_wait3A_78] : memref<32x80x128xi32, #tpu.memory_space<hbm>> -> memref<1x40x128xi32, #tpu.memory_space<hbm>>
      %dma_wait3A_80 = tpu.memref_squeeze %dma_wait3A_79 : memref<1x40x128xi32, #tpu.memory_space<hbm>> -> memref<40x128xi32, #tpu.memory_space<hbm>>
      tpu.wait_dma2 semaphore(%run_scoped3A : memref<!tpu.dma_semaphore, #tpu.memory_space<semaphore_mem>>) src(%dma_wait3A_80 : memref<40x128xi32, #tpu.memory_space<hbm>>) dst(%arg7 : memref<40x128xi32, #tpu.memory_space<vmem>>)
      tpu.yield
    }) : () -> ()
    "tpu.region"() ({
      %run_scoped3A = tpu.sem_alloc : memref<!tpu.dma_semaphore, #tpu.memory_space<semaphore_mem>>
      %dma_start3A_66 = arith.constant 0 : i32
      %dma_start3A_67 = arith.constant 0 : i32
      %dma_start3A_68 = tpu.memref_slice %arg4[%add3A, %dma_start3A_66, %dma_start3A_67] : memref<32x80x128xi32, #tpu.memory_space<hbm>> -> memref<1x40x128xi32, #tpu.memory_space<hbm>>
      %dma_start3A_69 = tpu.memref_squeeze %dma_start3A_68 : memref<1x40x128xi32, #tpu.memory_space<hbm>> -> memref<40x128xi32, #tpu.memory_space<hbm>>
      %dma_start3A_70 = arith.constant 0 : i32
      %dma_start3A_71 = arith.constant 0 : i32
      %dma_start3A_72 = tpu.memref_slice %arg4[%add3A, %dma_start3A_70, %dma_start3A_71] : memref<32x80x128xi32, #tpu.memory_space<hbm>> -> memref<1x40x128xi32, #tpu.memory_space<hbm>>
      %dma_start3A_73 = tpu.memref_squeeze %dma_start3A_72 : memref<1x40x128xi32, #tpu.memory_space<hbm>> -> memref<40x128xi32, #tpu.memory_space<hbm>>
      tpu.enqueue_dma source(%dma_start3A_73 : memref<40x128xi32, #tpu.memory_space<hbm>>) target(%arg8 : memref<40x128xi32, #tpu.memory_space<vmem>>) target_semaphore(%run_scoped3A : memref<!tpu.dma_semaphore, #tpu.memory_space<semaphore_mem>>)
      %dma_wait3A = arith.constant 0 : i32
      %dma_wait3A_74 = arith.constant 0 : i32
      %dma_wait3A_75 = tpu.memref_slice %arg4[%add3A, %dma_wait3A, %dma_wait3A_74] : memref<32x80x128xi32, #tpu.memory_space<hbm>> -> memref<1x40x128xi32, #tpu.memory_space<hbm>>
      %dma_wait3A_76 = tpu.memref_squeeze %dma_wait3A_75 : memref<1x40x128xi32, #tpu.memory_space<hbm>> -> memref<40x128xi32, #tpu.memory_space<hbm>>
      %dma_wait3A_77 = arith.constant 0 : i32
      %dma_wait3A_78 = arith.constant 0 : i32
      %dma_wait3A_79 = tpu.memref_slice %arg4[%add3A, %dma_wait3A_77, %dma_wait3A_78] : memref<32x80x128xi32, #tpu.memory_space<hbm>> -> memref<1x40x128xi32, #tpu.memory_space<hbm>>
      %dma_wait3A_80 = tpu.memref_squeeze %dma_wait3A_79 : memref<1x40x128xi32, #tpu.memory_space<hbm>> -> memref<40x128xi32, #tpu.memory_space<hbm>>
      tpu.wait_dma2 semaphore(%run_scoped3A : memref<!tpu.dma_semaphore, #tpu.memory_space<semaphore_mem>>) src(%dma_wait3A_80 : memref<40x128xi32, #tpu.memory_space<hbm>>) dst(%arg8 : memref<40x128xi32, #tpu.memory_space<vmem>>)
      tpu.yield
    }) : () -> ()
    %dma_start3A = arith.constant 0 : i32
    %dma_start3A_17 = arith.constant 0 : i32
    %dma_start3A_18 = tpu.memref_slice %arg7[%dma_start3A, %dma_start3A_17] : memref<40x128xi32, #tpu.memory_space<vmem>> -> memref<1x128xi32, #tpu.memory_space<vmem>>
    %dma_start3A_19 = tpu.memref_squeeze %dma_start3A_18 : memref<1x128xi32, #tpu.memory_space<vmem>> -> memref<128xi32, #tpu.memory_space<vmem>>
    %dma_start3A_20 = arith.constant 0 : i32
    %dma_start3A_21 = arith.constant 0 : i32
    %dma_start3A_22 = tpu.memref_slice %arg2[%dma_start3A_20, %dma_start3A_21] : memref<10240x128xf32, #tpu.memory_space<hbm>> -> memref<10240x128xf32, #tpu.memory_space<hbm>>
    tpu.enqueue_indirect_dma source(%dma_start3A_22 : memref<10240x128xf32, #tpu.memory_space<hbm>>) target(%arg9 : memref<128x128xf32, #tpu.memory_space<vmem>>) offsets(%dma_start3A_19 : memref<128xi32, #tpu.memory_space<vmem>>) semaphore(%arg11 : memref<!tpu.dma_semaphore, #tpu.memory_space<semaphore_mem>>)
    %dma_start3A_23 = arith.constant 1 : i32
    %dma_start3A_24 = arith.constant 0 : i32
    %dma_start3A_25 = tpu.memref_slice %arg7[%dma_start3A_23, %dma_start3A_24] : memref<40x128xi32, #tpu.memory_space<vmem>> -> memref<1x128xi32, #tpu.memory_space<vmem>>
    %dma_start3A_26 = tpu.memref_squeeze %dma_start3A_25 : memref<1x128xi32, #tpu.memory_space<vmem>> -> memref<128xi32, #tpu.memory_space<vmem>>
    %dma_start3A_27 = arith.constant 0 : i32
    %dma_start3A_28 = arith.constant 0 : i32
    %dma_start3A_29 = tpu.memref_slice %arg2[%dma_start3A_27, %dma_start3A_28] : memref<10240x128xf32, #tpu.memory_space<hbm>> -> memref<10240x128xf32, #tpu.memory_space<hbm>>
    tpu.enqueue_indirect_dma source(%dma_start3A_29 : memref<10240x128xf32, #tpu.memory_space<hbm>>) target(%arg10 : memref<128x128xf32, #tpu.memory_space<vmem>>) offsets(%dma_start3A_26 : memref<128xi32, #tpu.memory_space<vmem>>) semaphore(%arg12 : memref<!tpu.dma_semaphore, #tpu.memory_space<semaphore_mem>>)
    %scan3A_30 = arith.constant 0 : i32
    %scan3A_31 = arith.constant 0 : i32
    %scan3A_32 = arith.constant 20 : i32
    %scan3A_33 = arith.addi %scan3A_31, %scan3A_32 : i32
    %scan3A_34 = arith.constant 1 : i32
    %scan3A_35 = scf.for %scan3A_66 = %scan3A_31 to %scan3A_33 step %scan3A_34 iter_args(%scan3A_67 = %scan3A_30) -> (i32)  : i32 {
      %mul3A_68 = arith.constant 2 : i32
      %mul3A_69 = arith.muli %mul3A_68, %scan3A_66 : i32
      %dma_wait3A = arith.constant 0 : i32
      %dma_wait3A_70 = tpu.memref_slice %arg7[%mul3A_69, %dma_wait3A] : memref<40x128xi32, #tpu.memory_space<vmem>> -> memref<1x128xi32, #tpu.memory_space<vmem>>
      %dma_wait3A_71 = tpu.memref_squeeze %dma_wait3A_70 : memref<1x128xi32, #tpu.memory_space<vmem>> -> memref<128xi32, #tpu.memory_space<vmem>>
      %dma_wait3A_72 = arith.constant 0 : i32
      %dma_wait3A_73 = arith.constant 0 : i32
      %dma_wait3A_74 = tpu.memref_slice %arg2[%dma_wait3A_72, %dma_wait3A_73] : memref<10240x128xf32, #tpu.memory_space<hbm>> -> memref<10240x128xf32, #tpu.memory_space<hbm>>
      tpu.wait_indirect_dma semaphore(%arg11 : memref<!tpu.dma_semaphore, #tpu.memory_space<semaphore_mem>>) src(%dma_wait3A_74 : memref<10240x128xf32, #tpu.memory_space<hbm>>) dst(%arg9 : memref<128x128xf32, #tpu.memory_space<vmem>>)
      "tpu.region"() ({
        %run_scoped3A = tpu.sem_alloc : memref<!tpu.dma_semaphore, #tpu.memory_space<semaphore_mem>>
        %dma_start3A_97 = arith.constant 0 : i32
        %dma_start3A_98 = tpu.memref_slice %arg8[%mul3A_69, %dma_start3A_97] : memref<40x128xi32, #tpu.memory_space<vmem>> -> memref<1x128xi32, #tpu.memory_space<vmem>>
        %dma_start3A_99 = tpu.memref_squeeze %dma_start3A_98 : memref<1x128xi32, #tpu.memory_space<vmem>> -> memref<128xi32, #tpu.memory_space<vmem>>
        %dma_start3A_100 = arith.constant 0 : i32
        %dma_start3A_101 = arith.constant 0 : i32
        %dma_start3A_102 = tpu.memref_slice %arg6[%dma_start3A_100, %dma_start3A_101] : memref<10240x128xf32, #tpu.memory_space<vmem_shared>> -> memref<10240x128xf32, #tpu.memory_space<vmem_shared>>
        tpu.enqueue_indirect_dma source(%arg9 : memref<128x128xf32, #tpu.memory_space<vmem>>) target(%dma_start3A_102 : memref<10240x128xf32, #tpu.memory_space<vmem_shared>>) offsets(%dma_start3A_99 : memref<128xi32, #tpu.memory_space<vmem>>) semaphore(%run_scoped3A : memref<!tpu.dma_semaphore, #tpu.memory_space<semaphore_mem>>) {add = true}
        %dma_wait3A_103 = arith.constant 0 : i32
        %dma_wait3A_104 = tpu.memref_slice %arg8[%mul3A_69, %dma_wait3A_103] : memref<40x128xi32, #tpu.memory_space<vmem>> -> memref<1x128xi32, #tpu.memory_space<vmem>>
        %dma_wait3A_105 = tpu.memref_squeeze %dma_wait3A_104 : memref<1x128xi32, #tpu.memory_space<vmem>> -> memref<128xi32, #tpu.memory_space<vmem>>
        %dma_wait3A_106 = arith.constant 0 : i32
        %dma_wait3A_107 = arith.constant 0 : i32
        %dma_wait3A_108 = tpu.memref_slice %arg6[%dma_wait3A_106, %dma_wait3A_107] : memref<10240x128xf32, #tpu.memory_space<vmem_shared>> -> memref<10240x128xf32, #tpu.memory_space<vmem_shared>>
        tpu.wait_indirect_dma semaphore(%run_scoped3A : memref<!tpu.dma_semaphore, #tpu.memory_space<semaphore_mem>>) src(%arg9 : memref<128x128xf32, #tpu.memory_space<vmem>>) dst(%dma_wait3A_108 : memref<10240x128xf32, #tpu.memory_space<vmem_shared>>)
        tpu.yield
      }) : () -> ()
      %add3A_75 = arith.constant 2 : i32
      %add3A_76 = arith.addi %mul3A_69, %add3A_75 : i32
      %lt3A = arith.constant 40 : i32
      %lt3A_77 = arith.cmpi slt, %add3A_76, %lt3A : i32
      %convert_element_type3A = arith.extui %lt3A_77 : i1 to i32
      %cond3A = arith.constant 0 : i32
      %cond3A_78 = arith.cmpi ne, %convert_element_type3A, %cond3A : i32
      scf.if %cond3A_78 {
        %add3A_97 = arith.constant 2 : i32
        %add3A_98 = arith.addi %mul3A_69, %add3A_97 : i32
        %dma_start3A_99 = arith.constant 0 : i32
        %dma_start3A_100 = tpu.memref_slice %arg7[%add3A_98, %dma_start3A_99] : memref<40x128xi32, #tpu.memory_space<vmem>> -> memref<1x128xi32, #tpu.memory_space<vmem>>
        %dma_start3A_101 = tpu.memref_squeeze %dma_start3A_100 : memref<1x128xi32, #tpu.memory_space<vmem>> -> memref<128xi32, #tpu.memory_space<vmem>>
        %dma_start3A_102 = arith.constant 0 : i32
        %dma_start3A_103 = arith.constant 0 : i32
        %dma_start3A_104 = tpu.memref_slice %arg2[%dma_start3A_102, %dma_start3A_103] : memref<10240x128xf32, #tpu.memory_space<hbm>> -> memref<10240x128xf32, #tpu.memory_space<hbm>>
        tpu.enqueue_indirect_dma source(%dma_start3A_104 : memref<10240x128xf32, #tpu.memory_space<hbm>>) target(%arg9 : memref<128x128xf32, #tpu.memory_space<vmem>>) offsets(%dma_start3A_101 : memref<128xi32, #tpu.memory_space<vmem>>) semaphore(%arg11 : memref<!tpu.dma_semaphore, #tpu.memory_space<semaphore_mem>>)
      } else {
      }
      %mul3A_79 = arith.constant 2 : i32
      %mul3A_80 = arith.muli %mul3A_79, %scan3A_66 : i32
      %add3A_81 = arith.constant 1 : i32
      %add3A_82 = arith.addi %mul3A_80, %add3A_81 : i32
      %dma_wait3A_83 = arith.constant 0 : i32
      %dma_wait3A_84 = tpu.memref_slice %arg7[%add3A_82, %dma_wait3A_83] : memref<40x128xi32, #tpu.memory_space<vmem>> -> memref<1x128xi32, #tpu.memory_space<vmem>>
      %dma_wait3A_85 = tpu.memref_squeeze %dma_wait3A_84 : memref<1x128xi32, #tpu.memory_space<vmem>> -> memref<128xi32, #tpu.memory_space<vmem>>
      %dma_wait3A_86 = arith.constant 0 : i32
      %dma_wait3A_87 = arith.constant 0 : i32
      %dma_wait3A_88 = tpu.memref_slice %arg2[%dma_wait3A_86, %dma_wait3A_87] : memref<10240x128xf32, #tpu.memory_space<hbm>> -> memref<10240x128xf32, #tpu.memory_space<hbm>>
      tpu.wait_indirect_dma semaphore(%arg12 : memref<!tpu.dma_semaphore, #tpu.memory_space<semaphore_mem>>) src(%dma_wait3A_88 : memref<10240x128xf32, #tpu.memory_space<hbm>>) dst(%arg10 : memref<128x128xf32, #tpu.memory_space<vmem>>)
      "tpu.region"() ({
        %run_scoped3A = tpu.sem_alloc : memref<!tpu.dma_semaphore, #tpu.memory_space<semaphore_mem>>
        %dma_start3A_97 = arith.constant 0 : i32
        %dma_start3A_98 = tpu.memref_slice %arg8[%add3A_82, %dma_start3A_97] : memref<40x128xi32, #tpu.memory_space<vmem>> -> memref<1x128xi32, #tpu.memory_space<vmem>>
        %dma_start3A_99 = tpu.memref_squeeze %dma_start3A_98 : memref<1x128xi32, #tpu.memory_space<vmem>> -> memref<128xi32, #tpu.memory_space<vmem>>
        %dma_start3A_100 = arith.constant 0 : i32
        %dma_start3A_101 = arith.constant 0 : i32
        %dma_start3A_102 = tpu.memref_slice %arg6[%dma_start3A_100, %dma_start3A_101] : memref<10240x128xf32, #tpu.memory_space<vmem_shared>> -> memref<10240x128xf32, #tpu.memory_space<vmem_shared>>
        tpu.enqueue_indirect_dma source(%arg10 : memref<128x128xf32, #tpu.memory_space<vmem>>) target(%dma_start3A_102 : memref<10240x128xf32, #tpu.memory_space<vmem_shared>>) offsets(%dma_start3A_99 : memref<128xi32, #tpu.memory_space<vmem>>) semaphore(%run_scoped3A : memref<!tpu.dma_semaphore, #tpu.memory_space<semaphore_mem>>) {add = true}
        %dma_wait3A_103 = arith.constant 0 : i32
        %dma_wait3A_104 = tpu.memref_slice %arg8[%add3A_82, %dma_wait3A_103] : memref<40x128xi32, #tpu.memory_space<vmem>> -> memref<1x128xi32, #tpu.memory_space<vmem>>
        %dma_wait3A_105 = tpu.memref_squeeze %dma_wait3A_104 : memref<1x128xi32, #tpu.memory_space<vmem>> -> memref<128xi32, #tpu.memory_space<vmem>>
        %dma_wait3A_106 = arith.constant 0 : i32
        %dma_wait3A_107 = arith.constant 0 : i32
        %dma_wait3A_108 = tpu.memref_slice %arg6[%dma_wait3A_106, %dma_wait3A_107] : memref<10240x128xf32, #tpu.memory_space<vmem_shared>> -> memref<10240x128xf32, #tpu.memory_space<vmem_shared>>
        tpu.wait_indirect_dma semaphore(%run_scoped3A : memref<!tpu.dma_semaphore, #tpu.memory_space<semaphore_mem>>) src(%arg10 : memref<128x128xf32, #tpu.memory_space<vmem>>) dst(%dma_wait3A_108 : memref<10240x128xf32, #tpu.memory_space<vmem_shared>>)
        tpu.yield
      }) : () -> ()
      %add3A_89 = arith.constant 2 : i32
      %add3A_90 = arith.addi %add3A_82, %add3A_89 : i32
      %lt3A_91 = arith.constant 40 : i32
      %lt3A_92 = arith.cmpi slt, %add3A_90, %lt3A_91 : i32
      %convert_element_type3A_93 = arith.extui %lt3A_92 : i1 to i32
      %cond3A_94 = arith.constant 0 : i32
      %cond3A_95 = arith.cmpi ne, %convert_element_type3A_93, %cond3A_94 : i32
      scf.if %cond3A_95 {
        %add3A_97 = arith.constant 2 : i32
        %add3A_98 = arith.addi %add3A_82, %add3A_97 : i32
        %dma_start3A_99 = arith.constant 0 : i32
        %dma_start3A_100 = tpu.memref_slice %arg7[%add3A_98, %dma_start3A_99] : memref<40x128xi32, #tpu.memory_space<vmem>> -> memref<1x128xi32, #tpu.memory_space<vmem>>
        %dma_start3A_101 = tpu.memref_squeeze %dma_start3A_100 : memref<1x128xi32, #tpu.memory_space<vmem>> -> memref<128xi32, #tpu.memory_space<vmem>>
        %dma_start3A_102 = arith.constant 0 : i32
        %dma_start3A_103 = arith.constant 0 : i32
        %dma_start3A_104 = tpu.memref_slice %arg2[%dma_start3A_102, %dma_start3A_103] : memref<10240x128xf32, #tpu.memory_space<hbm>> -> memref<10240x128xf32, #tpu.memory_space<hbm>>
        tpu.enqueue_indirect_dma source(%dma_start3A_104 : memref<10240x128xf32, #tpu.memory_space<hbm>>) target(%arg10 : memref<128x128xf32, #tpu.memory_space<vmem>>) offsets(%dma_start3A_101 : memref<128xi32, #tpu.memory_space<vmem>>) semaphore(%arg12 : memref<!tpu.dma_semaphore, #tpu.memory_space<semaphore_mem>>)
      } else {
      }
      %scan3A_96 = arith.constant 0 : i32
      scf.yield %scan3A_96 : i32
    }
    %scan3A_36 = arith.constant 20 : i32
    "tpu.region"() ({
      %run_scoped3A = tpu.sem_alloc : memref<!tpu.dma_semaphore, #tpu.memory_space<semaphore_mem>>
      %dma_start3A_66 = arith.constant 40 : i32
      %dma_start3A_67 = arith.constant 0 : i32
      %dma_start3A_68 = tpu.memref_slice %arg3[%add3A, %dma_start3A_66, %dma_start3A_67] : memref<32x80x128xi32, #tpu.memory_space<hbm>> -> memref<1x40x128xi32, #tpu.memory_space<hbm>>
      %dma_start3A_69 = tpu.memref_squeeze %dma_start3A_68 : memref<1x40x128xi32, #tpu.memory_space<hbm>> -> memref<40x128xi32, #tpu.memory_space<hbm>>
      %dma_start3A_70 = arith.constant 40 : i32
      %dma_start3A_71 = arith.constant 0 : i32
      %dma_start3A_72 = tpu.memref_slice %arg3[%add3A, %dma_start3A_70, %dma_start3A_71] : memref<32x80x128xi32, #tpu.memory_space<hbm>> -> memref<1x40x128xi32, #tpu.memory_space<hbm>>
      %dma_start3A_73 = tpu.memref_squeeze %dma_start3A_72 : memref<1x40x128xi32, #tpu.memory_space<hbm>> -> memref<40x128xi32, #tpu.memory_space<hbm>>
      tpu.enqueue_dma source(%dma_start3A_73 : memref<40x128xi32, #tpu.memory_space<hbm>>) target(%arg7 : memref<40x128xi32, #tpu.memory_space<vmem>>) target_semaphore(%run_scoped3A : memref<!tpu.dma_semaphore, #tpu.memory_space<semaphore_mem>>)
      %dma_wait3A = arith.constant 40 : i32
      %dma_wait3A_74 = arith.constant 0 : i32
      %dma_wait3A_75 = tpu.memref_slice %arg3[%add3A, %dma_wait3A, %dma_wait3A_74] : memref<32x80x128xi32, #tpu.memory_space<hbm>> -> memref<1x40x128xi32, #tpu.memory_space<hbm>>
      %dma_wait3A_76 = tpu.memref_squeeze %dma_wait3A_75 : memref<1x40x128xi32, #tpu.memory_space<hbm>> -> memref<40x128xi32, #tpu.memory_space<hbm>>
      %dma_wait3A_77 = arith.constant 40 : i32
      %dma_wait3A_78 = arith.constant 0 : i32
      %dma_wait3A_79 = tpu.memref_slice %arg3[%add3A, %dma_wait3A_77, %dma_wait3A_78] : memref<32x80x128xi32, #tpu.memory_space<hbm>> -> memref<1x40x128xi32, #tpu.memory_space<hbm>>
      %dma_wait3A_80 = tpu.memref_squeeze %dma_wait3A_79 : memref<1x40x128xi32, #tpu.memory_space<hbm>> -> memref<40x128xi32, #tpu.memory_space<hbm>>
      tpu.wait_dma2 semaphore(%run_scoped3A : memref<!tpu.dma_semaphore, #tpu.memory_space<semaphore_mem>>) src(%dma_wait3A_80 : memref<40x128xi32, #tpu.memory_space<hbm>>) dst(%arg7 : memref<40x128xi32, #tpu.memory_space<vmem>>)
      tpu.yield
    }) : () -> ()
    "tpu.region"() ({
      %run_scoped3A = tpu.sem_alloc : memref<!tpu.dma_semaphore, #tpu.memory_space<semaphore_mem>>
      %dma_start3A_66 = arith.constant 40 : i32
      %dma_start3A_67 = arith.constant 0 : i32
      %dma_start3A_68 = tpu.memref_slice %arg4[%add3A, %dma_start3A_66, %dma_start3A_67] : memref<32x80x128xi32, #tpu.memory_space<hbm>> -> memref<1x40x128xi32, #tpu.memory_space<hbm>>
      %dma_start3A_69 = tpu.memref_squeeze %dma_start3A_68 : memref<1x40x128xi32, #tpu.memory_space<hbm>> -> memref<40x128xi32, #tpu.memory_space<hbm>>
      %dma_start3A_70 = arith.constant 40 : i32
      %dma_start3A_71 = arith.constant 0 : i32
      %dma_start3A_72 = tpu.memref_slice %arg4[%add3A, %dma_start3A_70, %dma_start3A_71] : memref<32x80x128xi32, #tpu.memory_space<hbm>> -> memref<1x40x128xi32, #tpu.memory_space<hbm>>
      %dma_start3A_73 = tpu.memref_squeeze %dma_start3A_72 : memref<1x40x128xi32, #tpu.memory_space<hbm>> -> memref<40x128xi32, #tpu.memory_space<hbm>>
      tpu.enqueue_dma source(%dma_start3A_73 : memref<40x128xi32, #tpu.memory_space<hbm>>) target(%arg8 : memref<40x128xi32, #tpu.memory_space<vmem>>) target_semaphore(%run_scoped3A : memref<!tpu.dma_semaphore, #tpu.memory_space<semaphore_mem>>)
      %dma_wait3A = arith.constant 40 : i32
      %dma_wait3A_74 = arith.constant 0 : i32
      %dma_wait3A_75 = tpu.memref_slice %arg4[%add3A, %dma_wait3A, %dma_wait3A_74] : memref<32x80x128xi32, #tpu.memory_space<hbm>> -> memref<1x40x128xi32, #tpu.memory_space<hbm>>
      %dma_wait3A_76 = tpu.memref_squeeze %dma_wait3A_75 : memref<1x40x128xi32, #tpu.memory_space<hbm>> -> memref<40x128xi32, #tpu.memory_space<hbm>>
      %dma_wait3A_77 = arith.constant 40 : i32
      %dma_wait3A_78 = arith.constant 0 : i32
      %dma_wait3A_79 = tpu.memref_slice %arg4[%add3A, %dma_wait3A_77, %dma_wait3A_78] : memref<32x80x128xi32, #tpu.memory_space<hbm>> -> memref<1x40x128xi32, #tpu.memory_space<hbm>>
      %dma_wait3A_80 = tpu.memref_squeeze %dma_wait3A_79 : memref<1x40x128xi32, #tpu.memory_space<hbm>> -> memref<40x128xi32, #tpu.memory_space<hbm>>
      tpu.wait_dma2 semaphore(%run_scoped3A : memref<!tpu.dma_semaphore, #tpu.memory_space<semaphore_mem>>) src(%dma_wait3A_80 : memref<40x128xi32, #tpu.memory_space<hbm>>) dst(%arg8 : memref<40x128xi32, #tpu.memory_space<vmem>>)
      tpu.yield
    }) : () -> ()
    %dma_start3A_37 = arith.constant 0 : i32
    %dma_start3A_38 = arith.constant 0 : i32
    %dma_start3A_39 = tpu.memref_slice %arg7[%dma_start3A_37, %dma_start3A_38] : memref<40x128xi32, #tpu.memory_space<vmem>> -> memref<1x128xi32, #tpu.memory_space<vmem>>
    %dma_start3A_40 = tpu.memref_squeeze %dma_start3A_39 : memref<1x128xi32, #tpu.memory_space<vmem>> -> memref<128xi32, #tpu.memory_space<vmem>>
    %dma_start3A_41 = arith.constant 0 : i32
    %dma_start3A_42 = arith.constant 0 : i32
    %dma_start3A_43 = tpu.memref_slice %arg2[%dma_start3A_41, %dma_start3A_42] : memref<10240x128xf32, #tpu.memory_space<hbm>> -> memref<10240x128xf32, #tpu.memory_space<hbm>>
    tpu.enqueue_indirect_dma source(%dma_start3A_43 : memref<10240x128xf32, #tpu.memory_space<hbm>>) target(%arg9 : memref<128x128xf32, #tpu.memory_space<vmem>>) offsets(%dma_start3A_40 : memref<128xi32, #tpu.memory_space<vmem>>) semaphore(%arg11 : memref<!tpu.dma_semaphore, #tpu.memory_space<semaphore_mem>>)
    %dma_start3A_44 = arith.constant 1 : i32
    %dma_start3A_45 = arith.constant 0 : i32
    %dma_start3A_46 = tpu.memref_slice %arg7[%dma_start3A_44, %dma_start3A_45] : memref<40x128xi32, #tpu.memory_space<vmem>> -> memref<1x128xi32, #tpu.memory_space<vmem>>
    %dma_start3A_47 = tpu.memref_squeeze %dma_start3A_46 : memref<1x128xi32, #tpu.memory_space<vmem>> -> memref<128xi32, #tpu.memory_space<vmem>>
    %dma_start3A_48 = arith.constant 0 : i32
    %dma_start3A_49 = arith.constant 0 : i32
    %dma_start3A_50 = tpu.memref_slice %arg2[%dma_start3A_48, %dma_start3A_49] : memref<10240x128xf32, #tpu.memory_space<hbm>> -> memref<10240x128xf32, #tpu.memory_space<hbm>>
    tpu.enqueue_indirect_dma source(%dma_start3A_50 : memref<10240x128xf32, #tpu.memory_space<hbm>>) target(%arg10 : memref<128x128xf32, #tpu.memory_space<vmem>>) offsets(%dma_start3A_47 : memref<128xi32, #tpu.memory_space<vmem>>) semaphore(%arg12 : memref<!tpu.dma_semaphore, #tpu.memory_space<semaphore_mem>>)
    %scan3A_51 = arith.constant 0 : i32
    %scan3A_52 = arith.constant 0 : i32
    %scan3A_53 = arith.constant 20 : i32
    %scan3A_54 = arith.addi %scan3A_52, %scan3A_53 : i32
    %scan3A_55 = arith.constant 1 : i32
    %scan3A_56 = scf.for %scan3A_66 = %scan3A_52 to %scan3A_54 step %scan3A_55 iter_args(%scan3A_67 = %scan3A_51) -> (i32)  : i32 {
      %mul3A_68 = arith.constant 2 : i32
      %mul3A_69 = arith.muli %mul3A_68, %scan3A_66 : i32
      %dma_wait3A = arith.constant 0 : i32
      %dma_wait3A_70 = tpu.memref_slice %arg7[%mul3A_69, %dma_wait3A] : memref<40x128xi32, #tpu.memory_space<vmem>> -> memref<1x128xi32, #tpu.memory_space<vmem>>
      %dma_wait3A_71 = tpu.memref_squeeze %dma_wait3A_70 : memref<1x128xi32, #tpu.memory_space<vmem>> -> memref<128xi32, #tpu.memory_space<vmem>>
      %dma_wait3A_72 = arith.constant 0 : i32
      %dma_wait3A_73 = arith.constant 0 : i32
      %dma_wait3A_74 = tpu.memref_slice %arg2[%dma_wait3A_72, %dma_wait3A_73] : memref<10240x128xf32, #tpu.memory_space<hbm>> -> memref<10240x128xf32, #tpu.memory_space<hbm>>
      tpu.wait_indirect_dma semaphore(%arg11 : memref<!tpu.dma_semaphore, #tpu.memory_space<semaphore_mem>>) src(%dma_wait3A_74 : memref<10240x128xf32, #tpu.memory_space<hbm>>) dst(%arg9 : memref<128x128xf32, #tpu.memory_space<vmem>>)
      "tpu.region"() ({
        %run_scoped3A = tpu.sem_alloc : memref<!tpu.dma_semaphore, #tpu.memory_space<semaphore_mem>>
        %dma_start3A_97 = arith.constant 0 : i32
        %dma_start3A_98 = tpu.memref_slice %arg8[%mul3A_69, %dma_start3A_97] : memref<40x128xi32, #tpu.memory_space<vmem>> -> memref<1x128xi32, #tpu.memory_space<vmem>>
        %dma_start3A_99 = tpu.memref_squeeze %dma_start3A_98 : memref<1x128xi32, #tpu.memory_space<vmem>> -> memref<128xi32, #tpu.memory_space<vmem>>
        %dma_start3A_100 = arith.constant 0 : i32
        %dma_start3A_101 = arith.constant 0 : i32
        %dma_start3A_102 = tpu.memref_slice %arg6[%dma_start3A_100, %dma_start3A_101] : memref<10240x128xf32, #tpu.memory_space<vmem_shared>> -> memref<10240x128xf32, #tpu.memory_space<vmem_shared>>
        tpu.enqueue_indirect_dma source(%arg9 : memref<128x128xf32, #tpu.memory_space<vmem>>) target(%dma_start3A_102 : memref<10240x128xf32, #tpu.memory_space<vmem_shared>>) offsets(%dma_start3A_99 : memref<128xi32, #tpu.memory_space<vmem>>) semaphore(%run_scoped3A : memref<!tpu.dma_semaphore, #tpu.memory_space<semaphore_mem>>) {add = true}
        %dma_wait3A_103 = arith.constant 0 : i32
        %dma_wait3A_104 = tpu.memref_slice %arg8[%mul3A_69, %dma_wait3A_103] : memref<40x128xi32, #tpu.memory_space<vmem>> -> memref<1x128xi32, #tpu.memory_space<vmem>>
        %dma_wait3A_105 = tpu.memref_squeeze %dma_wait3A_104 : memref<1x128xi32, #tpu.memory_space<vmem>> -> memref<128xi32, #tpu.memory_space<vmem>>
        %dma_wait3A_106 = arith.constant 0 : i32
        %dma_wait3A_107 = arith.constant 0 : i32
        %dma_wait3A_108 = tpu.memref_slice %arg6[%dma_wait3A_106, %dma_wait3A_107] : memref<10240x128xf32, #tpu.memory_space<vmem_shared>> -> memref<10240x128xf32, #tpu.memory_space<vmem_shared>>
        tpu.wait_indirect_dma semaphore(%run_scoped3A : memref<!tpu.dma_semaphore, #tpu.memory_space<semaphore_mem>>) src(%arg9 : memref<128x128xf32, #tpu.memory_space<vmem>>) dst(%dma_wait3A_108 : memref<10240x128xf32, #tpu.memory_space<vmem_shared>>)
        tpu.yield
      }) : () -> ()
      %add3A_75 = arith.constant 2 : i32
      %add3A_76 = arith.addi %mul3A_69, %add3A_75 : i32
      %lt3A = arith.constant 40 : i32
      %lt3A_77 = arith.cmpi slt, %add3A_76, %lt3A : i32
      %convert_element_type3A = arith.extui %lt3A_77 : i1 to i32
      %cond3A = arith.constant 0 : i32
      %cond3A_78 = arith.cmpi ne, %convert_element_type3A, %cond3A : i32
      scf.if %cond3A_78 {
        %add3A_97 = arith.constant 2 : i32
        %add3A_98 = arith.addi %mul3A_69, %add3A_97 : i32
        %dma_start3A_99 = arith.constant 0 : i32
        %dma_start3A_100 = tpu.memref_slice %arg7[%add3A_98, %dma_start3A_99] : memref<40x128xi32, #tpu.memory_space<vmem>> -> memref<1x128xi32, #tpu.memory_space<vmem>>
        %dma_start3A_101 = tpu.memref_squeeze %dma_start3A_100 : memref<1x128xi32, #tpu.memory_space<vmem>> -> memref<128xi32, #tpu.memory_space<vmem>>
        %dma_start3A_102 = arith.constant 0 : i32
        %dma_start3A_103 = arith.constant 0 : i32
        %dma_start3A_104 = tpu.memref_slice %arg2[%dma_start3A_102, %dma_start3A_103] : memref<10240x128xf32, #tpu.memory_space<hbm>> -> memref<10240x128xf32, #tpu.memory_space<hbm>>
        tpu.enqueue_indirect_dma source(%dma_start3A_104 : memref<10240x128xf32, #tpu.memory_space<hbm>>) target(%arg9 : memref<128x128xf32, #tpu.memory_space<vmem>>) offsets(%dma_start3A_101 : memref<128xi32, #tpu.memory_space<vmem>>) semaphore(%arg11 : memref<!tpu.dma_semaphore, #tpu.memory_space<semaphore_mem>>)
      } else {
      }
      %mul3A_79 = arith.constant 2 : i32
      %mul3A_80 = arith.muli %mul3A_79, %scan3A_66 : i32
      %add3A_81 = arith.constant 1 : i32
      %add3A_82 = arith.addi %mul3A_80, %add3A_81 : i32
      %dma_wait3A_83 = arith.constant 0 : i32
      %dma_wait3A_84 = tpu.memref_slice %arg7[%add3A_82, %dma_wait3A_83] : memref<40x128xi32, #tpu.memory_space<vmem>> -> memref<1x128xi32, #tpu.memory_space<vmem>>
      %dma_wait3A_85 = tpu.memref_squeeze %dma_wait3A_84 : memref<1x128xi32, #tpu.memory_space<vmem>> -> memref<128xi32, #tpu.memory_space<vmem>>
      %dma_wait3A_86 = arith.constant 0 : i32
      %dma_wait3A_87 = arith.constant 0 : i32
      %dma_wait3A_88 = tpu.memref_slice %arg2[%dma_wait3A_86, %dma_wait3A_87] : memref<10240x128xf32, #tpu.memory_space<hbm>> -> memref<10240x128xf32, #tpu.memory_space<hbm>>
      tpu.wait_indirect_dma semaphore(%arg12 : memref<!tpu.dma_semaphore, #tpu.memory_space<semaphore_mem>>) src(%dma_wait3A_88 : memref<10240x128xf32, #tpu.memory_space<hbm>>) dst(%arg10 : memref<128x128xf32, #tpu.memory_space<vmem>>)
      "tpu.region"() ({
        %run_scoped3A = tpu.sem_alloc : memref<!tpu.dma_semaphore, #tpu.memory_space<semaphore_mem>>
        %dma_start3A_97 = arith.constant 0 : i32
        %dma_start3A_98 = tpu.memref_slice %arg8[%add3A_82, %dma_start3A_97] : memref<40x128xi32, #tpu.memory_space<vmem>> -> memref<1x128xi32, #tpu.memory_space<vmem>>
        %dma_start3A_99 = tpu.memref_squeeze %dma_start3A_98 : memref<1x128xi32, #tpu.memory_space<vmem>> -> memref<128xi32, #tpu.memory_space<vmem>>
        %dma_start3A_100 = arith.constant 0 : i32
        %dma_start3A_101 = arith.constant 0 : i32
        %dma_start3A_102 = tpu.memref_slice %arg6[%dma_start3A_100, %dma_start3A_101] : memref<10240x128xf32, #tpu.memory_space<vmem_shared>> -> memref<10240x128xf32, #tpu.memory_space<vmem_shared>>
        tpu.enqueue_indirect_dma source(%arg10 : memref<128x128xf32, #tpu.memory_space<vmem>>) target(%dma_start3A_102 : memref<10240x128xf32, #tpu.memory_space<vmem_shared>>) offsets(%dma_start3A_99 : memref<128xi32, #tpu.memory_space<vmem>>) semaphore(%run_scoped3A : memref<!tpu.dma_semaphore, #tpu.memory_space<semaphore_mem>>) {add = true}
        %dma_wait3A_103 = arith.constant 0 : i32
        %dma_wait3A_104 = tpu.memref_slice %arg8[%add3A_82, %dma_wait3A_103] : memref<40x128xi32, #tpu.memory_space<vmem>> -> memref<1x128xi32, #tpu.memory_space<vmem>>
        %dma_wait3A_105 = tpu.memref_squeeze %dma_wait3A_104 : memref<1x128xi32, #tpu.memory_space<vmem>> -> memref<128xi32, #tpu.memory_space<vmem>>
        %dma_wait3A_106 = arith.constant 0 : i32
        %dma_wait3A_107 = arith.constant 0 : i32
        %dma_wait3A_108 = tpu.memref_slice %arg6[%dma_wait3A_106, %dma_wait3A_107] : memref<10240x128xf32, #tpu.memory_space<vmem_shared>> -> memref<10240x128xf32, #tpu.memory_space<vmem_shared>>
        tpu.wait_indirect_dma semaphore(%run_scoped3A : memref<!tpu.dma_semaphore, #tpu.memory_space<semaphore_mem>>) src(%arg10 : memref<128x128xf32, #tpu.memory_space<vmem>>) dst(%dma_wait3A_108 : memref<10240x128xf32, #tpu.memory_space<vmem_shared>>)
        tpu.yield
      }) : () -> ()
      %add3A_89 = arith.constant 2 : i32
      %add3A_90 = arith.addi %add3A_82, %add3A_89 : i32
      %lt3A_91 = arith.constant 40 : i32
      %lt3A_92 = arith.cmpi slt, %add3A_90, %lt3A_91 : i32
      %convert_element_type3A_93 = arith.extui %lt3A_92 : i1 to i32
      %cond3A_94 = arith.constant 0 : i32
      %cond3A_95 = arith.cmpi ne, %convert_element_type3A_93, %cond3A_94 : i32
      scf.if %cond3A_95 {
        %add3A_97 = arith.constant 2 : i32
        %add3A_98 = arith.addi %add3A_82, %add3A_97 : i32
        %dma_start3A_99 = arith.constant 0 : i32
        %dma_start3A_100 = tpu.memref_slice %arg7[%add3A_98, %dma_start3A_99] : memref<40x128xi32, #tpu.memory_space<vmem>> -> memref<1x128xi32, #tpu.memory_space<vmem>>
        %dma_start3A_101 = tpu.memref_squeeze %dma_start3A_100 : memref<1x128xi32, #tpu.memory_space<vmem>> -> memref<128xi32, #tpu.memory_space<vmem>>
        %dma_start3A_102 = arith.constant 0 : i32
        %dma_start3A_103 = arith.constant 0 : i32
        %dma_start3A_104 = tpu.memref_slice %arg2[%dma_start3A_102, %dma_start3A_103] : memref<10240x128xf32, #tpu.memory_space<hbm>> -> memref<10240x128xf32, #tpu.memory_space<hbm>>
        tpu.enqueue_indirect_dma source(%dma_start3A_104 : memref<10240x128xf32, #tpu.memory_space<hbm>>) target(%arg10 : memref<128x128xf32, #tpu.memory_space<vmem>>) offsets(%dma_start3A_101 : memref<128xi32, #tpu.memory_space<vmem>>) semaphore(%arg12 : memref<!tpu.dma_semaphore, #tpu.memory_space<semaphore_mem>>)
      } else {
      }
      %scan3A_96 = arith.constant 0 : i32
      scf.yield %scan3A_96 : i32
    }
    %scan3A_57 = arith.constant 20 : i32
    %barrier3A_58 = arith.constant 0 : index
    tpu.barrier barrier_id(%barrier3A_58)
    %scan3A_59 = arith.constant 0 : i32
    %scan3A_60 = arith.constant 0 : i32
    %scan3A_61 = arith.constant 5 : i32
    %scan3A_62 = arith.addi %scan3A_60, %scan3A_61 : i32
    %scan3A_63 = arith.constant 1 : i32
    %scan3A_64 = scf.for %scan3A_66 = %scan3A_60 to %scan3A_62 step %scan3A_63 iter_args(%scan3A_67 = %scan3A_59) -> (i32)  : i32 {
      %mul3A_68 = arith.constant 128 : i32
      %mul3A_69 = arith.muli %scan3A_66, %mul3A_68 : i32
      %add3A_70 = arith.addi %mul3A_9, %mul3A_69 : i32
      "tpu.region"() ({
        %run_scoped3A = tpu.sem_alloc : memref<!tpu.dma_semaphore, #tpu.memory_space<semaphore_mem>>
        %dma_start3A_72 = arith.constant 0 : i32
        %dma_start3A_73 = tpu.memref_slice %arg5[%arg0, %add3A_70, %dma_start3A_72] : memref<2x10240x128xf32, #tpu.memory_space<hbm>> -> memref<1x128x128xf32, #tpu.memory_space<hbm>>
        %dma_start3A_74 = tpu.memref_squeeze %dma_start3A_73 : memref<1x128x128xf32, #tpu.memory_space<hbm>> -> memref<128x128xf32, #tpu.memory_space<hbm>>
        %dma_start3A_75 = arith.constant 0 : i32
        %dma_start3A_76 = tpu.memref_slice %arg6[%add3A_70, %dma_start3A_75] : memref<10240x128xf32, #tpu.memory_space<vmem_shared>> -> memref<128x128xf32, #tpu.memory_space<vmem_shared>>
        tpu.enqueue_dma source(%dma_start3A_76 : memref<128x128xf32, #tpu.memory_space<vmem_shared>>) target(%dma_start3A_74 : memref<128x128xf32, #tpu.memory_space<hbm>>) target_semaphore(%run_scoped3A : memref<!tpu.dma_semaphore, #tpu.memory_space<semaphore_mem>>)
        %dma_wait3A = arith.constant 0 : i32
        %dma_wait3A_77 = tpu.memref_slice %arg5[%arg0, %add3A_70, %dma_wait3A] : memref<2x10240x128xf32, #tpu.memory_space<hbm>> -> memref<1x128x128xf32, #tpu.memory_space<hbm>>
        %dma_wait3A_78 = tpu.memref_squeeze %dma_wait3A_77 : memref<1x128x128xf32, #tpu.memory_space<hbm>> -> memref<128x128xf32, #tpu.memory_space<hbm>>
        %dma_wait3A_79 = arith.constant 0 : i32
        %dma_wait3A_80 = tpu.memref_slice %arg6[%add3A_70, %dma_wait3A_79] : memref<10240x128xf32, #tpu.memory_space<vmem_shared>> -> memref<128x128xf32, #tpu.memory_space<vmem_shared>>
        tpu.wait_dma2 semaphore(%run_scoped3A : memref<!tpu.dma_semaphore, #tpu.memory_space<semaphore_mem>>) src(%dma_wait3A_80 : memref<128x128xf32, #tpu.memory_space<vmem_shared>>) dst(%dma_wait3A_78 : memref<128x128xf32, #tpu.memory_space<hbm>>)
        tpu.yield
      }) : () -> ()
      %scan3A_71 = arith.constant 0 : i32
      scf.yield %scan3A_71 : i32
    }
    %scan3A_65 = arith.constant 5 : i32
    return
  }
}

#map = affine_map<(d0, d1) -> (0, 0)>
#map1 = affine_map<(d0, d1) -> (0, 0, 0)>
module attributes {stable_mosaic.version = 14 : i64} {
  func.func @_seg_body(%arg0: i32, %arg1: i32, %arg2: memref<10240x128xf32, #tpu.memory_space<hbm>>, %arg3: memref<32x80x128xi32, #tpu.memory_space<hbm>>, %arg4: memref<32x80x128xi32, #tpu.memory_space<hbm>>, %arg5: memref<2x10240x128xf32, #tpu.memory_space<hbm>>, %arg6: memref<10240x128xf32, #tpu.memory_space<vmem_shared>>, %arg7: memref<40x128xi32, #tpu.memory_space<vmem>>, %arg8: memref<40x128xi32, #tpu.memory_space<vmem>>, %arg9: memref<128x128xf32, #tpu.memory_space<vmem>>, %arg10: memref<128x128xf32, #tpu.memory_space<vmem>>, %arg11: memref<!tpu.dma_semaphore, #tpu.memory_space<semaphore_mem>>, %arg12: memref<!tpu.dma_semaphore, #tpu.memory_space<semaphore_mem>>) attributes {dimension_semantics = [#tpu.dimension_semantics<core_parallel>, #tpu.dimension_semantics<subcore_parallel>], iteration_bounds = array<i64: 2, 16>, scalar_prefetch = 0 : i64, scratch_operands = 7 : i64, tpu.core_type = #tpu.core_type<sc_vector_subcore>, window_params = [{transform_indices = #map}, {transform_indices = #map1}, {transform_indices = #map1}, {transform_indices = #map1}]} {
    %mul3A = arith.constant 2 : i32
    %mul3A_0 = arith.muli %arg1, %mul3A : i32
    %add3A = arith.addi %mul3A_0, %arg0 : i32
    %broadcast_in_dim3A = arith.constant 0.000000e+00 : f32
    %broadcast_in_dim3A_1 = vector.broadcast %broadcast_in_dim3A : f32 to vector<16xf32>
    %scan3A = arith.constant 0 : i32
    %scan3A_2 = arith.constant 0 : i32
    %scan3A_3 = arith.constant 128 : i32
    %scan3A_4 = arith.addi %scan3A_2, %scan3A_3 : i32
    %scan3A_5 = arith.constant 1 : i32
    %scan3A_6 = scf.for %scan3A_66 = %scan3A_2 to %scan3A_4 step %scan3A_5 iter_args(%scan3A_67 = %scan3A) -> (i32)  : i32 {
      %swap3A = arith.index_cast %scan3A_66 : i32 to index
      %swap3A_68 = arith.constant 0 : index
      %swap3A_69 = tpu.vector_load %arg9[%swap3A, %swap3A_68] {strides = array<i32>} : memref<128x128xf32, #tpu.memory_space<vmem>>, vector<1x16xf32>,
      %swap3A_70 = vector.shape_cast %swap3A_69 : vector<1x16xf32> to vector<16xf32>
      %swap3A_71 = vector.shape_cast %broadcast_in_dim3A_1 : vector<16xf32> to vector<1x16xf32>
      tpu.vector_store %arg9[%swap3A, %swap3A_68], %swap3A_71 {strides = array<i32>} : memref<128x128xf32, #tpu.memory_space<vmem>>, vector<1x16xf32>,
      %swap3A_72 = arith.index_cast %scan3A_66 : i32 to index
      %swap3A_73 = arith.constant 16 : index
      %swap3A_74 = tpu.vector_load %arg9[%swap3A_72, %swap3A_73] {strides = array<i32>} : memref<128x128xf32, #tpu.memory_space<vmem>>, vector<1x16xf32>,
      %swap3A_75 = vector.shape_cast %swap3A_74 : vector<1x16xf32> to vector<16xf32>
      %swap3A_76 = vector.shape_cast %broadcast_in_dim3A_1 : vector<16xf32> to vector<1x16xf32>
      tpu.vector_store %arg9[%swap3A_72, %swap3A_73], %swap3A_76 {strides = array<i32>} : memref<128x128xf32, #tpu.memory_space<vmem>>, vector<1x16xf32>,
      %swap3A_77 = arith.index_cast %scan3A_66 : i32 to index
      %swap3A_78 = arith.constant 32 : index
      %swap3A_79 = tpu.vector_load %arg9[%swap3A_77, %swap3A_78] {strides = array<i32>} : memref<128x128xf32, #tpu.memory_space<vmem>>, vector<1x16xf32>,
      %swap3A_80 = vector.shape_cast %swap3A_79 : vector<1x16xf32> to vector<16xf32>
      %swap3A_81 = vector.shape_cast %broadcast_in_dim3A_1 : vector<16xf32> to vector<1x16xf32>
      tpu.vector_store %arg9[%swap3A_77, %swap3A_78], %swap3A_81 {strides = array<i32>} : memref<128x128xf32, #tpu.memory_space<vmem>>, vector<1x16xf32>,
      %swap3A_82 = arith.index_cast %scan3A_66 : i32 to index
      %swap3A_83 = arith.constant 48 : index
      %swap3A_84 = tpu.vector_load %arg9[%swap3A_82, %swap3A_83] {strides = array<i32>} : memref<128x128xf32, #tpu.memory_space<vmem>>, vector<1x16xf32>,
      %swap3A_85 = vector.shape_cast %swap3A_84 : vector<1x16xf32> to vector<16xf32>
      %swap3A_86 = vector.shape_cast %broadcast_in_dim3A_1 : vector<16xf32> to vector<1x16xf32>
      tpu.vector_store %arg9[%swap3A_82, %swap3A_83], %swap3A_86 {strides = array<i32>} : memref<128x128xf32, #tpu.memory_space<vmem>>, vector<1x16xf32>,
      %swap3A_87 = arith.index_cast %scan3A_66 : i32 to index
      %swap3A_88 = arith.constant 64 : index
      %swap3A_89 = tpu.vector_load %arg9[%swap3A_87, %swap3A_88] {strides = array<i32>} : memref<128x128xf32, #tpu.memory_space<vmem>>, vector<1x16xf32>,
      %swap3A_90 = vector.shape_cast %swap3A_89 : vector<1x16xf32> to vector<16xf32>
      %swap3A_91 = vector.shape_cast %broadcast_in_dim3A_1 : vector<16xf32> to vector<1x16xf32>
      tpu.vector_store %arg9[%swap3A_87, %swap3A_88], %swap3A_91 {strides = array<i32>} : memref<128x128xf32, #tpu.memory_space<vmem>>, vector<1x16xf32>,
      %swap3A_92 = arith.index_cast %scan3A_66 : i32 to index
      %swap3A_93 = arith.constant 80 : index
      %swap3A_94 = tpu.vector_load %arg9[%swap3A_92, %swap3A_93] {strides = array<i32>} : memref<128x128xf32, #tpu.memory_space<vmem>>, vector<1x16xf32>,
      %swap3A_95 = vector.shape_cast %swap3A_94 : vector<1x16xf32> to vector<16xf32>
      %swap3A_96 = vector.shape_cast %broadcast_in_dim3A_1 : vector<16xf32> to vector<1x16xf32>
      tpu.vector_store %arg9[%swap3A_92, %swap3A_93], %swap3A_96 {strides = array<i32>} : memref<128x128xf32, #tpu.memory_space<vmem>>, vector<1x16xf32>,
      %swap3A_97 = arith.index_cast %scan3A_66 : i32 to index
      %swap3A_98 = arith.constant 96 : index
      %swap3A_99 = tpu.vector_load %arg9[%swap3A_97, %swap3A_98] {strides = array<i32>} : memref<128x128xf32, #tpu.memory_space<vmem>>, vector<1x16xf32>,
      %swap3A_100 = vector.shape_cast %swap3A_99 : vector<1x16xf32> to vector<16xf32>
      %swap3A_101 = vector.shape_cast %broadcast_in_dim3A_1 : vector<16xf32> to vector<1x16xf32>
      tpu.vector_store %arg9[%swap3A_97, %swap3A_98], %swap3A_101 {strides = array<i32>} : memref<128x128xf32, #tpu.memory_space<vmem>>, vector<1x16xf32>,
      %swap3A_102 = arith.index_cast %scan3A_66 : i32 to index
      %swap3A_103 = arith.constant 112 : index
      %swap3A_104 = tpu.vector_load %arg9[%swap3A_102, %swap3A_103] {strides = array<i32>} : memref<128x128xf32, #tpu.memory_space<vmem>>, vector<1x16xf32>,
      %swap3A_105 = vector.shape_cast %swap3A_104 : vector<1x16xf32> to vector<16xf32>
      %swap3A_106 = vector.shape_cast %broadcast_in_dim3A_1 : vector<16xf32> to vector<1x16xf32>
      tpu.vector_store %arg9[%swap3A_102, %swap3A_103], %swap3A_106 {strides = array<i32>} : memref<128x128xf32, #tpu.memory_space<vmem>>, vector<1x16xf32>,
      %scan3A_107 = arith.constant 0 : i32
      scf.yield %scan3A_107 : i32
    }
    %scan3A_7 = arith.constant 128 : i32
    %mul3A_8 = arith.constant 640 : i32
    %mul3A_9 = arith.muli %arg1, %mul3A_8 : i32
    %scan3A_10 = arith.constant 0 : i32
    %scan3A_11 = arith.constant 0 : i32
    %scan3A_12 = arith.constant 5 : i32
    %scan3A_13 = arith.addi %scan3A_11, %scan3A_12 : i32
    %scan3A_14 = arith.constant 1 : i32
    %scan3A_15 = scf.for %scan3A_66 = %scan3A_11 to %scan3A_13 step %scan3A_14 iter_args(%scan3A_67 = %scan3A_10) -> (i32)  : i32 {
      %mul3A_68 = arith.constant 128 : i32
      %mul3A_69 = arith.muli %scan3A_66, %mul3A_68 : i32
      %add3A_70 = arith.addi %mul3A_9, %mul3A_69 : i32
      "tpu.region"() ({
        %run_scoped3A = tpu.sem_alloc : memref<!tpu.dma_semaphore, #tpu.memory_space<semaphore_mem>>
        %dma_start3A_72 = arith.constant 0 : i32
        %dma_start3A_73 = tpu.memref_slice %arg6[%add3A_70, %dma_start3A_72] : memref<10240x128xf32, #tpu.memory_space<vmem_shared>> -> memref<128x128xf32, #tpu.memory_space<vmem_shared>>
        %dma_start3A_74 = arith.constant 0 : i32
        %dma_start3A_75 = tpu.memref_slice %arg6[%add3A_70, %dma_start3A_74] : memref<10240x128xf32, #tpu.memory_space<vmem_shared>> -> memref<128x128xf32, #tpu.memory_space<vmem_shared>>
        tpu.enqueue_dma source(%arg9 : memref<128x128xf32, #tpu.memory_space<vmem>>) target(%dma_start3A_75 : memref<128x128xf32, #tpu.memory_space<vmem_shared>>) target_semaphore(%run_scoped3A : memref<!tpu.dma_semaphore, #tpu.memory_space<semaphore_mem>>)
        %dma_wait3A = arith.constant 0 : i32
        %dma_wait3A_76 = tpu.memref_slice %arg6[%add3A_70, %dma_wait3A] : memref<10240x128xf32, #tpu.memory_space<vmem_shared>> -> memref<128x128xf32, #tpu.memory_space<vmem_shared>>
        %dma_wait3A_77 = arith.constant 0 : i32
        %dma_wait3A_78 = tpu.memref_slice %arg6[%add3A_70, %dma_wait3A_77] : memref<10240x128xf32, #tpu.memory_space<vmem_shared>> -> memref<128x128xf32, #tpu.memory_space<vmem_shared>>
        tpu.wait_dma2 semaphore(%run_scoped3A : memref<!tpu.dma_semaphore, #tpu.memory_space<semaphore_mem>>) src(%arg9 : memref<128x128xf32, #tpu.memory_space<vmem>>) dst(%dma_wait3A_78 : memref<128x128xf32, #tpu.memory_space<vmem_shared>>)
        tpu.yield
      }) : () -> ()
      %scan3A_71 = arith.constant 0 : i32
      scf.yield %scan3A_71 : i32
    }
    %scan3A_16 = arith.constant 5 : i32
    %barrier3A = arith.constant 0 : index
    tpu.barrier barrier_id(%barrier3A)
    "tpu.region"() ({
      %run_scoped3A = tpu.sem_alloc : memref<!tpu.dma_semaphore, #tpu.memory_space<semaphore_mem>>
      %dma_start3A_66 = arith.constant 0 : i32
      %dma_start3A_67 = arith.constant 0 : i32
      %dma_start3A_68 = tpu.memref_slice %arg3[%add3A, %dma_start3A_66, %dma_start3A_67] : memref<32x80x128xi32, #tpu.memory_space<hbm>> -> memref<1x40x128xi32, #tpu.memory_space<hbm>>
      %dma_start3A_69 = tpu.memref_squeeze %dma_start3A_68 : memref<1x40x128xi32, #tpu.memory_space<hbm>> -> memref<40x128xi32, #tpu.memory_space<hbm>>
      %dma_start3A_70 = arith.constant 0 : i32
      %dma_start3A_71 = arith.constant 0 : i32
      %dma_start3A_72 = tpu.memref_slice %arg3[%add3A, %dma_start3A_70, %dma_start3A_71] : memref<32x80x128xi32, #tpu.memory_space<hbm>> -> memref<1x40x128xi32, #tpu.memory_space<hbm>>
      %dma_start3A_73 = tpu.memref_squeeze %dma_start3A_72 : memref<1x40x128xi32, #tpu.memory_space<hbm>> -> memref<40x128xi32, #tpu.memory_space<hbm>>
      tpu.enqueue_dma source(%dma_start3A_73 : memref<40x128xi32, #tpu.memory_space<hbm>>) target(%arg7 : memref<40x128xi32, #tpu.memory_space<vmem>>) target_semaphore(%run_scoped3A : memref<!tpu.dma_semaphore, #tpu.memory_space<semaphore_mem>>)
      %dma_wait3A = arith.constant 0 : i32
      %dma_wait3A_74 = arith.constant 0 : i32
      %dma_wait3A_75 = tpu.memref_slice %arg3[%add3A, %dma_wait3A, %dma_wait3A_74] : memref<32x80x128xi32, #tpu.memory_space<hbm>> -> memref<1x40x128xi32, #tpu.memory_space<hbm>>
      %dma_wait3A_76 = tpu.memref_squeeze %dma_wait3A_75 : memref<1x40x128xi32, #tpu.memory_space<hbm>> -> memref<40x128xi32, #tpu.memory_space<hbm>>
      %dma_wait3A_77 = arith.constant 0 : i32
      %dma_wait3A_78 = arith.constant 0 : i32
      %dma_wait3A_79 = tpu.memref_slice %arg3[%add3A, %dma_wait3A_77, %dma_wait3A_78] : memref<32x80x128xi32, #tpu.memory_space<hbm>> -> memref<1x40x128xi32, #tpu.memory_space<hbm>>
      %dma_wait3A_80 = tpu.memref_squeeze %dma_wait3A_79 : memref<1x40x128xi32, #tpu.memory_space<hbm>> -> memref<40x128xi32, #tpu.memory_space<hbm>>
      tpu.wait_dma2 semaphore(%run_scoped3A : memref<!tpu.dma_semaphore, #tpu.memory_space<semaphore_mem>>) src(%dma_wait3A_80 : memref<40x128xi32, #tpu.memory_space<hbm>>) dst(%arg7 : memref<40x128xi32, #tpu.memory_space<vmem>>)
      tpu.yield
    }) : () -> ()
    "tpu.region"() ({
      %run_scoped3A = tpu.sem_alloc : memref<!tpu.dma_semaphore, #tpu.memory_space<semaphore_mem>>
      %dma_start3A_66 = arith.constant 0 : i32
      %dma_start3A_67 = arith.constant 0 : i32
      %dma_start3A_68 = tpu.memref_slice %arg4[%add3A, %dma_start3A_66, %dma_start3A_67] : memref<32x80x128xi32, #tpu.memory_space<hbm>> -> memref<1x40x128xi32, #tpu.memory_space<hbm>>
      %dma_start3A_69 = tpu.memref_squeeze %dma_start3A_68 : memref<1x40x128xi32, #tpu.memory_space<hbm>> -> memref<40x128xi32, #tpu.memory_space<hbm>>
      %dma_start3A_70 = arith.constant 0 : i32
      %dma_start3A_71 = arith.constant 0 : i32
      %dma_start3A_72 = tpu.memref_slice %arg4[%add3A, %dma_start3A_70, %dma_start3A_71] : memref<32x80x128xi32, #tpu.memory_space<hbm>> -> memref<1x40x128xi32, #tpu.memory_space<hbm>>
      %dma_start3A_73 = tpu.memref_squeeze %dma_start3A_72 : memref<1x40x128xi32, #tpu.memory_space<hbm>> -> memref<40x128xi32, #tpu.memory_space<hbm>>
      tpu.enqueue_dma source(%dma_start3A_73 : memref<40x128xi32, #tpu.memory_space<hbm>>) target(%arg8 : memref<40x128xi32, #tpu.memory_space<vmem>>) target_semaphore(%run_scoped3A : memref<!tpu.dma_semaphore, #tpu.memory_space<semaphore_mem>>)
      %dma_wait3A = arith.constant 0 : i32
      %dma_wait3A_74 = arith.constant 0 : i32
      %dma_wait3A_75 = tpu.memref_slice %arg4[%add3A, %dma_wait3A, %dma_wait3A_74] : memref<32x80x128xi32, #tpu.memory_space<hbm>> -> memref<1x40x128xi32, #tpu.memory_space<hbm>>
      %dma_wait3A_76 = tpu.memref_squeeze %dma_wait3A_75 : memref<1x40x128xi32, #tpu.memory_space<hbm>> -> memref<40x128xi32, #tpu.memory_space<hbm>>
      %dma_wait3A_77 = arith.constant 0 : i32
      %dma_wait3A_78 = arith.constant 0 : i32
      %dma_wait3A_79 = tpu.memref_slice %arg4[%add3A, %dma_wait3A_77, %dma_wait3A_78] : memref<32x80x128xi32, #tpu.memory_space<hbm>> -> memref<1x40x128xi32, #tpu.memory_space<hbm>>
      %dma_wait3A_80 = tpu.memref_squeeze %dma_wait3A_79 : memref<1x40x128xi32, #tpu.memory_space<hbm>> -> memref<40x128xi32, #tpu.memory_space<hbm>>
      tpu.wait_dma2 semaphore(%run_scoped3A : memref<!tpu.dma_semaphore, #tpu.memory_space<semaphore_mem>>) src(%dma_wait3A_80 : memref<40x128xi32, #tpu.memory_space<hbm>>) dst(%arg8 : memref<40x128xi32, #tpu.memory_space<vmem>>)
      tpu.yield
    }) : () -> ()
    %dma_start3A = arith.constant 0 : i32
    %dma_start3A_17 = arith.constant 0 : i32
    %dma_start3A_18 = tpu.memref_slice %arg7[%dma_start3A, %dma_start3A_17] : memref<40x128xi32, #tpu.memory_space<vmem>> -> memref<1x128xi32, #tpu.memory_space<vmem>>
    %dma_start3A_19 = tpu.memref_squeeze %dma_start3A_18 : memref<1x128xi32, #tpu.memory_space<vmem>> -> memref<128xi32, #tpu.memory_space<vmem>>
    %dma_start3A_20 = arith.constant 0 : i32
    %dma_start3A_21 = arith.constant 0 : i32
    %dma_start3A_22 = tpu.memref_slice %arg2[%dma_start3A_20, %dma_start3A_21] : memref<10240x128xf32, #tpu.memory_space<hbm>> -> memref<10240x128xf32, #tpu.memory_space<hbm>>
    tpu.enqueue_indirect_dma source(%dma_start3A_22 : memref<10240x128xf32, #tpu.memory_space<hbm>>) target(%arg9 : memref<128x128xf32, #tpu.memory_space<vmem>>) offsets(%dma_start3A_19 : memref<128xi32, #tpu.memory_space<vmem>>) semaphore(%arg11 : memref<!tpu.dma_semaphore, #tpu.memory_space<semaphore_mem>>)
    %dma_start3A_23 = arith.constant 1 : i32
    %dma_start3A_24 = arith.constant 0 : i32
    %dma_start3A_25 = tpu.memref_slice %arg7[%dma_start3A_23, %dma_start3A_24] : memref<40x128xi32, #tpu.memory_space<vmem>> -> memref<1x128xi32, #tpu.memory_space<vmem>>
    %dma_start3A_26 = tpu.memref_squeeze %dma_start3A_25 : memref<1x128xi32, #tpu.memory_space<vmem>> -> memref<128xi32, #tpu.memory_space<vmem>>
    %dma_start3A_27 = arith.constant 0 : i32
    %dma_start3A_28 = arith.constant 0 : i32
    %dma_start3A_29 = tpu.memref_slice %arg2[%dma_start3A_27, %dma_start3A_28] : memref<10240x128xf32, #tpu.memory_space<hbm>> -> memref<10240x128xf32, #tpu.memory_space<hbm>>
    tpu.enqueue_indirect_dma source(%dma_start3A_29 : memref<10240x128xf32, #tpu.memory_space<hbm>>) target(%arg10 : memref<128x128xf32, #tpu.memory_space<vmem>>) offsets(%dma_start3A_26 : memref<128xi32, #tpu.memory_space<vmem>>) semaphore(%arg12 : memref<!tpu.dma_semaphore, #tpu.memory_space<semaphore_mem>>)
    %scan3A_30 = arith.constant 0 : i32
    %scan3A_31 = arith.constant 0 : i32
    %scan3A_32 = arith.constant 20 : i32
    %scan3A_33 = arith.addi %scan3A_31, %scan3A_32 : i32
    %scan3A_34 = arith.constant 1 : i32
    %scan3A_35 = scf.for %scan3A_66 = %scan3A_31 to %scan3A_33 step %scan3A_34 iter_args(%scan3A_67 = %scan3A_30) -> (i32)  : i32 {
      %mul3A_68 = arith.constant 2 : i32
      %mul3A_69 = arith.muli %mul3A_68, %scan3A_66 : i32
      %dma_wait3A = arith.constant 0 : i32
      %dma_wait3A_70 = tpu.memref_slice %arg7[%mul3A_69, %dma_wait3A] : memref<40x128xi32, #tpu.memory_space<vmem>> -> memref<1x128xi32, #tpu.memory_space<vmem>>
      %dma_wait3A_71 = tpu.memref_squeeze %dma_wait3A_70 : memref<1x128xi32, #tpu.memory_space<vmem>> -> memref<128xi32, #tpu.memory_space<vmem>>
      %dma_wait3A_72 = arith.constant 0 : i32
      %dma_wait3A_73 = arith.constant 0 : i32
      %dma_wait3A_74 = tpu.memref_slice %arg2[%dma_wait3A_72, %dma_wait3A_73] : memref<10240x128xf32, #tpu.memory_space<hbm>> -> memref<10240x128xf32, #tpu.memory_space<hbm>>
      tpu.wait_indirect_dma semaphore(%arg11 : memref<!tpu.dma_semaphore, #tpu.memory_space<semaphore_mem>>) src(%dma_wait3A_74 : memref<10240x128xf32, #tpu.memory_space<hbm>>) dst(%arg9 : memref<128x128xf32, #tpu.memory_space<vmem>>)
      "tpu.region"() ({
        %run_scoped3A = tpu.sem_alloc : memref<!tpu.dma_semaphore, #tpu.memory_space<semaphore_mem>>
        %dma_start3A_97 = arith.constant 0 : i32
        %dma_start3A_98 = tpu.memref_slice %arg8[%mul3A_69, %dma_start3A_97] : memref<40x128xi32, #tpu.memory_space<vmem>> -> memref<1x128xi32, #tpu.memory_space<vmem>>
        %dma_start3A_99 = tpu.memref_squeeze %dma_start3A_98 : memref<1x128xi32, #tpu.memory_space<vmem>> -> memref<128xi32, #tpu.memory_space<vmem>>
        %dma_start3A_100 = arith.constant 0 : i32
        %dma_start3A_101 = arith.constant 0 : i32
        %dma_start3A_102 = tpu.memref_slice %arg6[%dma_start3A_100, %dma_start3A_101] : memref<10240x128xf32, #tpu.memory_space<vmem_shared>> -> memref<10240x128xf32, #tpu.memory_space<vmem_shared>>
        tpu.enqueue_indirect_dma source(%arg9 : memref<128x128xf32, #tpu.memory_space<vmem>>) target(%dma_start3A_102 : memref<10240x128xf32, #tpu.memory_space<vmem_shared>>) offsets(%dma_start3A_99 : memref<128xi32, #tpu.memory_space<vmem>>) semaphore(%run_scoped3A : memref<!tpu.dma_semaphore, #tpu.memory_space<semaphore_mem>>) {add = true}
        %dma_wait3A_103 = arith.constant 0 : i32
        %dma_wait3A_104 = tpu.memref_slice %arg8[%mul3A_69, %dma_wait3A_103] : memref<40x128xi32, #tpu.memory_space<vmem>> -> memref<1x128xi32, #tpu.memory_space<vmem>>
        %dma_wait3A_105 = tpu.memref_squeeze %dma_wait3A_104 : memref<1x128xi32, #tpu.memory_space<vmem>> -> memref<128xi32, #tpu.memory_space<vmem>>
        %dma_wait3A_106 = arith.constant 0 : i32
        %dma_wait3A_107 = arith.constant 0 : i32
        %dma_wait3A_108 = tpu.memref_slice %arg6[%dma_wait3A_106, %dma_wait3A_107] : memref<10240x128xf32, #tpu.memory_space<vmem_shared>> -> memref<10240x128xf32, #tpu.memory_space<vmem_shared>>
        tpu.wait_indirect_dma semaphore(%run_scoped3A : memref<!tpu.dma_semaphore, #tpu.memory_space<semaphore_mem>>) src(%arg9 : memref<128x128xf32, #tpu.memory_space<vmem>>) dst(%dma_wait3A_108 : memref<10240x128xf32, #tpu.memory_space<vmem_shared>>)
        tpu.yield
      }) : () -> ()
      %add3A_75 = arith.constant 2 : i32
      %add3A_76 = arith.addi %mul3A_69, %add3A_75 : i32
      %lt3A = arith.constant 40 : i32
      %lt3A_77 = arith.cmpi slt, %add3A_76, %lt3A : i32
      %convert_element_type3A = arith.extui %lt3A_77 : i1 to i32
      %cond3A = arith.constant 0 : i32
      %cond3A_78 = arith.cmpi ne, %convert_element_type3A, %cond3A : i32
      scf.if %cond3A_78 {
        %add3A_97 = arith.constant 2 : i32
        %add3A_98 = arith.addi %mul3A_69, %add3A_97 : i32
        %dma_start3A_99 = arith.constant 0 : i32
        %dma_start3A_100 = tpu.memref_slice %arg7[%add3A_98, %dma_start3A_99] : memref<40x128xi32, #tpu.memory_space<vmem>> -> memref<1x128xi32, #tpu.memory_space<vmem>>
        %dma_start3A_101 = tpu.memref_squeeze %dma_start3A_100 : memref<1x128xi32, #tpu.memory_space<vmem>> -> memref<128xi32, #tpu.memory_space<vmem>>
        %dma_start3A_102 = arith.constant 0 : i32
        %dma_start3A_103 = arith.constant 0 : i32
        %dma_start3A_104 = tpu.memref_slice %arg2[%dma_start3A_102, %dma_start3A_103] : memref<10240x128xf32, #tpu.memory_space<hbm>> -> memref<10240x128xf32, #tpu.memory_space<hbm>>
        tpu.enqueue_indirect_dma source(%dma_start3A_104 : memref<10240x128xf32, #tpu.memory_space<hbm>>) target(%arg9 : memref<128x128xf32, #tpu.memory_space<vmem>>) offsets(%dma_start3A_101 : memref<128xi32, #tpu.memory_space<vmem>>) semaphore(%arg11 : memref<!tpu.dma_semaphore, #tpu.memory_space<semaphore_mem>>)
      } else {
      }
      %mul3A_79 = arith.constant 2 : i32
      %mul3A_80 = arith.muli %mul3A_79, %scan3A_66 : i32
      %add3A_81 = arith.constant 1 : i32
      %add3A_82 = arith.addi %mul3A_80, %add3A_81 : i32
      %dma_wait3A_83 = arith.constant 0 : i32
      %dma_wait3A_84 = tpu.memref_slice %arg7[%add3A_82, %dma_wait3A_83] : memref<40x128xi32, #tpu.memory_space<vmem>> -> memref<1x128xi32, #tpu.memory_space<vmem>>
      %dma_wait3A_85 = tpu.memref_squeeze %dma_wait3A_84 : memref<1x128xi32, #tpu.memory_space<vmem>> -> memref<128xi32, #tpu.memory_space<vmem>>
      %dma_wait3A_86 = arith.constant 0 : i32
      %dma_wait3A_87 = arith.constant 0 : i32
      %dma_wait3A_88 = tpu.memref_slice %arg2[%dma_wait3A_86, %dma_wait3A_87] : memref<10240x128xf32, #tpu.memory_space<hbm>> -> memref<10240x128xf32, #tpu.memory_space<hbm>>
      tpu.wait_indirect_dma semaphore(%arg12 : memref<!tpu.dma_semaphore, #tpu.memory_space<semaphore_mem>>) src(%dma_wait3A_88 : memref<10240x128xf32, #tpu.memory_space<hbm>>) dst(%arg10 : memref<128x128xf32, #tpu.memory_space<vmem>>)
      "tpu.region"() ({
        %run_scoped3A = tpu.sem_alloc : memref<!tpu.dma_semaphore, #tpu.memory_space<semaphore_mem>>
        %dma_start3A_97 = arith.constant 0 : i32
        %dma_start3A_98 = tpu.memref_slice %arg8[%add3A_82, %dma_start3A_97] : memref<40x128xi32, #tpu.memory_space<vmem>> -> memref<1x128xi32, #tpu.memory_space<vmem>>
        %dma_start3A_99 = tpu.memref_squeeze %dma_start3A_98 : memref<1x128xi32, #tpu.memory_space<vmem>> -> memref<128xi32, #tpu.memory_space<vmem>>
        %dma_start3A_100 = arith.constant 0 : i32
        %dma_start3A_101 = arith.constant 0 : i32
        %dma_start3A_102 = tpu.memref_slice %arg6[%dma_start3A_100, %dma_start3A_101] : memref<10240x128xf32, #tpu.memory_space<vmem_shared>> -> memref<10240x128xf32, #tpu.memory_space<vmem_shared>>
        tpu.enqueue_indirect_dma source(%arg10 : memref<128x128xf32, #tpu.memory_space<vmem>>) target(%dma_start3A_102 : memref<10240x128xf32, #tpu.memory_space<vmem_shared>>) offsets(%dma_start3A_99 : memref<128xi32, #tpu.memory_space<vmem>>) semaphore(%run_scoped3A : memref<!tpu.dma_semaphore, #tpu.memory_space<semaphore_mem>>) {add = true}
        %dma_wait3A_103 = arith.constant 0 : i32
        %dma_wait3A_104 = tpu.memref_slice %arg8[%add3A_82, %dma_wait3A_103] : memref<40x128xi32, #tpu.memory_space<vmem>> -> memref<1x128xi32, #tpu.memory_space<vmem>>
        %dma_wait3A_105 = tpu.memref_squeeze %dma_wait3A_104 : memref<1x128xi32, #tpu.memory_space<vmem>> -> memref<128xi32, #tpu.memory_space<vmem>>
        %dma_wait3A_106 = arith.constant 0 : i32
        %dma_wait3A_107 = arith.constant 0 : i32
        %dma_wait3A_108 = tpu.memref_slice %arg6[%dma_wait3A_106, %dma_wait3A_107] : memref<10240x128xf32, #tpu.memory_space<vmem_shared>> -> memref<10240x128xf32, #tpu.memory_space<vmem_shared>>
        tpu.wait_indirect_dma semaphore(%run_scoped3A : memref<!tpu.dma_semaphore, #tpu.memory_space<semaphore_mem>>) src(%arg10 : memref<128x128xf32, #tpu.memory_space<vmem>>) dst(%dma_wait3A_108 : memref<10240x128xf32, #tpu.memory_space<vmem_shared>>)
        tpu.yield
      }) : () -> ()
      %add3A_89 = arith.constant 2 : i32
      %add3A_90 = arith.addi %add3A_82, %add3A_89 : i32
      %lt3A_91 = arith.constant 40 : i32
      %lt3A_92 = arith.cmpi slt, %add3A_90, %lt3A_91 : i32
      %convert_element_type3A_93 = arith.extui %lt3A_92 : i1 to i32
      %cond3A_94 = arith.constant 0 : i32
      %cond3A_95 = arith.cmpi ne, %convert_element_type3A_93, %cond3A_94 : i32
      scf.if %cond3A_95 {
        %add3A_97 = arith.constant 2 : i32
        %add3A_98 = arith.addi %add3A_82, %add3A_97 : i32
        %dma_start3A_99 = arith.constant 0 : i32
        %dma_start3A_100 = tpu.memref_slice %arg7[%add3A_98, %dma_start3A_99] : memref<40x128xi32, #tpu.memory_space<vmem>> -> memref<1x128xi32, #tpu.memory_space<vmem>>
        %dma_start3A_101 = tpu.memref_squeeze %dma_start3A_100 : memref<1x128xi32, #tpu.memory_space<vmem>> -> memref<128xi32, #tpu.memory_space<vmem>>
        %dma_start3A_102 = arith.constant 0 : i32
        %dma_start3A_103 = arith.constant 0 : i32
        %dma_start3A_104 = tpu.memref_slice %arg2[%dma_start3A_102, %dma_start3A_103] : memref<10240x128xf32, #tpu.memory_space<hbm>> -> memref<10240x128xf32, #tpu.memory_space<hbm>>
        tpu.enqueue_indirect_dma source(%dma_start3A_104 : memref<10240x128xf32, #tpu.memory_space<hbm>>) target(%arg10 : memref<128x128xf32, #tpu.memory_space<vmem>>) offsets(%dma_start3A_101 : memref<128xi32, #tpu.memory_space<vmem>>) semaphore(%arg12 : memref<!tpu.dma_semaphore, #tpu.memory_space<semaphore_mem>>)
      } else {
      }
      %scan3A_96 = arith.constant 0 : i32
      scf.yield %scan3A_96 : i32
    }
    %scan3A_36 = arith.constant 20 : i32
    "tpu.region"() ({
      %run_scoped3A = tpu.sem_alloc : memref<!tpu.dma_semaphore, #tpu.memory_space<semaphore_mem>>
      %dma_start3A_66 = arith.constant 40 : i32
      %dma_start3A_67 = arith.constant 0 : i32
      %dma_start3A_68 = tpu.memref_slice %arg3[%add3A, %dma_start3A_66, %dma_start3A_67] : memref<32x80x128xi32, #tpu.memory_space<hbm>> -> memref<1x40x128xi32, #tpu.memory_space<hbm>>
      %dma_start3A_69 = tpu.memref_squeeze %dma_start3A_68 : memref<1x40x128xi32, #tpu.memory_space<hbm>> -> memref<40x128xi32, #tpu.memory_space<hbm>>
      %dma_start3A_70 = arith.constant 40 : i32
      %dma_start3A_71 = arith.constant 0 : i32
      %dma_start3A_72 = tpu.memref_slice %arg3[%add3A, %dma_start3A_70, %dma_start3A_71] : memref<32x80x128xi32, #tpu.memory_space<hbm>> -> memref<1x40x128xi32, #tpu.memory_space<hbm>>
      %dma_start3A_73 = tpu.memref_squeeze %dma_start3A_72 : memref<1x40x128xi32, #tpu.memory_space<hbm>> -> memref<40x128xi32, #tpu.memory_space<hbm>>
      tpu.enqueue_dma source(%dma_start3A_73 : memref<40x128xi32, #tpu.memory_space<hbm>>) target(%arg7 : memref<40x128xi32, #tpu.memory_space<vmem>>) target_semaphore(%run_scoped3A : memref<!tpu.dma_semaphore, #tpu.memory_space<semaphore_mem>>)
      %dma_wait3A = arith.constant 40 : i32
      %dma_wait3A_74 = arith.constant 0 : i32
      %dma_wait3A_75 = tpu.memref_slice %arg3[%add3A, %dma_wait3A, %dma_wait3A_74] : memref<32x80x128xi32, #tpu.memory_space<hbm>> -> memref<1x40x128xi32, #tpu.memory_space<hbm>>
      %dma_wait3A_76 = tpu.memref_squeeze %dma_wait3A_75 : memref<1x40x128xi32, #tpu.memory_space<hbm>> -> memref<40x128xi32, #tpu.memory_space<hbm>>
      %dma_wait3A_77 = arith.constant 40 : i32
      %dma_wait3A_78 = arith.constant 0 : i32
      %dma_wait3A_79 = tpu.memref_slice %arg3[%add3A, %dma_wait3A_77, %dma_wait3A_78] : memref<32x80x128xi32, #tpu.memory_space<hbm>> -> memref<1x40x128xi32, #tpu.memory_space<hbm>>
      %dma_wait3A_80 = tpu.memref_squeeze %dma_wait3A_79 : memref<1x40x128xi32, #tpu.memory_space<hbm>> -> memref<40x128xi32, #tpu.memory_space<hbm>>
      tpu.wait_dma2 semaphore(%run_scoped3A : memref<!tpu.dma_semaphore, #tpu.memory_space<semaphore_mem>>) src(%dma_wait3A_80 : memref<40x128xi32, #tpu.memory_space<hbm>>) dst(%arg7 : memref<40x128xi32, #tpu.memory_space<vmem>>)
      tpu.yield
    }) : () -> ()
    "tpu.region"() ({
      %run_scoped3A = tpu.sem_alloc : memref<!tpu.dma_semaphore, #tpu.memory_space<semaphore_mem>>
      %dma_start3A_66 = arith.constant 40 : i32
      %dma_start3A_67 = arith.constant 0 : i32
      %dma_start3A_68 = tpu.memref_slice %arg4[%add3A, %dma_start3A_66, %dma_start3A_67] : memref<32x80x128xi32, #tpu.memory_space<hbm>> -> memref<1x40x128xi32, #tpu.memory_space<hbm>>
      %dma_start3A_69 = tpu.memref_squeeze %dma_start3A_68 : memref<1x40x128xi32, #tpu.memory_space<hbm>> -> memref<40x128xi32, #tpu.memory_space<hbm>>
      %dma_start3A_70 = arith.constant 40 : i32
      %dma_start3A_71 = arith.constant 0 : i32
      %dma_start3A_72 = tpu.memref_slice %arg4[%add3A, %dma_start3A_70, %dma_start3A_71] : memref<32x80x128xi32, #tpu.memory_space<hbm>> -> memref<1x40x128xi32, #tpu.memory_space<hbm>>
      %dma_start3A_73 = tpu.memref_squeeze %dma_start3A_72 : memref<1x40x128xi32, #tpu.memory_space<hbm>> -> memref<40x128xi32, #tpu.memory_space<hbm>>
      tpu.enqueue_dma source(%dma_start3A_73 : memref<40x128xi32, #tpu.memory_space<hbm>>) target(%arg8 : memref<40x128xi32, #tpu.memory_space<vmem>>) target_semaphore(%run_scoped3A : memref<!tpu.dma_semaphore, #tpu.memory_space<semaphore_mem>>)
      %dma_wait3A = arith.constant 40 : i32
      %dma_wait3A_74 = arith.constant 0 : i32
      %dma_wait3A_75 = tpu.memref_slice %arg4[%add3A, %dma_wait3A, %dma_wait3A_74] : memref<32x80x128xi32, #tpu.memory_space<hbm>> -> memref<1x40x128xi32, #tpu.memory_space<hbm>>
      %dma_wait3A_76 = tpu.memref_squeeze %dma_wait3A_75 : memref<1x40x128xi32, #tpu.memory_space<hbm>> -> memref<40x128xi32, #tpu.memory_space<hbm>>
      %dma_wait3A_77 = arith.constant 40 : i32
      %dma_wait3A_78 = arith.constant 0 : i32
      %dma_wait3A_79 = tpu.memref_slice %arg4[%add3A, %dma_wait3A_77, %dma_wait3A_78] : memref<32x80x128xi32, #tpu.memory_space<hbm>> -> memref<1x40x128xi32, #tpu.memory_space<hbm>>
      %dma_wait3A_80 = tpu.memref_squeeze %dma_wait3A_79 : memref<1x40x128xi32, #tpu.memory_space<hbm>> -> memref<40x128xi32, #tpu.memory_space<hbm>>
      tpu.wait_dma2 semaphore(%run_scoped3A : memref<!tpu.dma_semaphore, #tpu.memory_space<semaphore_mem>>) src(%dma_wait3A_80 : memref<40x128xi32, #tpu.memory_space<hbm>>) dst(%arg8 : memref<40x128xi32, #tpu.memory_space<vmem>>)
      tpu.yield
    }) : () -> ()
    %dma_start3A_37 = arith.constant 0 : i32
    %dma_start3A_38 = arith.constant 0 : i32
    %dma_start3A_39 = tpu.memref_slice %arg7[%dma_start3A_37, %dma_start3A_38] : memref<40x128xi32, #tpu.memory_space<vmem>> -> memref<1x128xi32, #tpu.memory_space<vmem>>
    %dma_start3A_40 = tpu.memref_squeeze %dma_start3A_39 : memref<1x128xi32, #tpu.memory_space<vmem>> -> memref<128xi32, #tpu.memory_space<vmem>>
    %dma_start3A_41 = arith.constant 0 : i32
    %dma_start3A_42 = arith.constant 0 : i32
    %dma_start3A_43 = tpu.memref_slice %arg2[%dma_start3A_41, %dma_start3A_42] : memref<10240x128xf32, #tpu.memory_space<hbm>> -> memref<10240x128xf32, #tpu.memory_space<hbm>>
    tpu.enqueue_indirect_dma source(%dma_start3A_43 : memref<10240x128xf32, #tpu.memory_space<hbm>>) target(%arg9 : memref<128x128xf32, #tpu.memory_space<vmem>>) offsets(%dma_start3A_40 : memref<128xi32, #tpu.memory_space<vmem>>) semaphore(%arg11 : memref<!tpu.dma_semaphore, #tpu.memory_space<semaphore_mem>>)
    %dma_start3A_44 = arith.constant 1 : i32
    %dma_start3A_45 = arith.constant 0 : i32
    %dma_start3A_46 = tpu.memref_slice %arg7[%dma_start3A_44, %dma_start3A_45] : memref<40x128xi32, #tpu.memory_space<vmem>> -> memref<1x128xi32, #tpu.memory_space<vmem>>
    %dma_start3A_47 = tpu.memref_squeeze %dma_start3A_46 : memref<1x128xi32, #tpu.memory_space<vmem>> -> memref<128xi32, #tpu.memory_space<vmem>>
    %dma_start3A_48 = arith.constant 0 : i32
    %dma_start3A_49 = arith.constant 0 : i32
    %dma_start3A_50 = tpu.memref_slice %arg2[%dma_start3A_48, %dma_start3A_49] : memref<10240x128xf32, #tpu.memory_space<hbm>> -> memref<10240x128xf32, #tpu.memory_space<hbm>>
    tpu.enqueue_indirect_dma source(%dma_start3A_50 : memref<10240x128xf32, #tpu.memory_space<hbm>>) target(%arg10 : memref<128x128xf32, #tpu.memory_space<vmem>>) offsets(%dma_start3A_47 : memref<128xi32, #tpu.memory_space<vmem>>) semaphore(%arg12 : memref<!tpu.dma_semaphore, #tpu.memory_space<semaphore_mem>>)
    %scan3A_51 = arith.constant 0 : i32
    %scan3A_52 = arith.constant 0 : i32
    %scan3A_53 = arith.constant 20 : i32
    %scan3A_54 = arith.addi %scan3A_52, %scan3A_53 : i32
    %scan3A_55 = arith.constant 1 : i32
    %scan3A_56 = scf.for %scan3A_66 = %scan3A_52 to %scan3A_54 step %scan3A_55 iter_args(%scan3A_67 = %scan3A_51) -> (i32)  : i32 {
      %mul3A_68 = arith.constant 2 : i32
      %mul3A_69 = arith.muli %mul3A_68, %scan3A_66 : i32
      %dma_wait3A = arith.constant 0 : i32
      %dma_wait3A_70 = tpu.memref_slice %arg7[%mul3A_69, %dma_wait3A] : memref<40x128xi32, #tpu.memory_space<vmem>> -> memref<1x128xi32, #tpu.memory_space<vmem>>
      %dma_wait3A_71 = tpu.memref_squeeze %dma_wait3A_70 : memref<1x128xi32, #tpu.memory_space<vmem>> -> memref<128xi32, #tpu.memory_space<vmem>>
      %dma_wait3A_72 = arith.constant 0 : i32
      %dma_wait3A_73 = arith.constant 0 : i32
      %dma_wait3A_74 = tpu.memref_slice %arg2[%dma_wait3A_72, %dma_wait3A_73] : memref<10240x128xf32, #tpu.memory_space<hbm>> -> memref<10240x128xf32, #tpu.memory_space<hbm>>
      tpu.wait_indirect_dma semaphore(%arg11 : memref<!tpu.dma_semaphore, #tpu.memory_space<semaphore_mem>>) src(%dma_wait3A_74 : memref<10240x128xf32, #tpu.memory_space<hbm>>) dst(%arg9 : memref<128x128xf32, #tpu.memory_space<vmem>>)
      "tpu.region"() ({
        %run_scoped3A = tpu.sem_alloc : memref<!tpu.dma_semaphore, #tpu.memory_space<semaphore_mem>>
        %dma_start3A_97 = arith.constant 0 : i32
        %dma_start3A_98 = tpu.memref_slice %arg8[%mul3A_69, %dma_start3A_97] : memref<40x128xi32, #tpu.memory_space<vmem>> -> memref<1x128xi32, #tpu.memory_space<vmem>>
        %dma_start3A_99 = tpu.memref_squeeze %dma_start3A_98 : memref<1x128xi32, #tpu.memory_space<vmem>> -> memref<128xi32, #tpu.memory_space<vmem>>
        %dma_start3A_100 = arith.constant 0 : i32
        %dma_start3A_101 = arith.constant 0 : i32
        %dma_start3A_102 = tpu.memref_slice %arg6[%dma_start3A_100, %dma_start3A_101] : memref<10240x128xf32, #tpu.memory_space<vmem_shared>> -> memref<10240x128xf32, #tpu.memory_space<vmem_shared>>
        tpu.enqueue_indirect_dma source(%arg9 : memref<128x128xf32, #tpu.memory_space<vmem>>) target(%dma_start3A_102 : memref<10240x128xf32, #tpu.memory_space<vmem_shared>>) offsets(%dma_start3A_99 : memref<128xi32, #tpu.memory_space<vmem>>) semaphore(%run_scoped3A : memref<!tpu.dma_semaphore, #tpu.memory_space<semaphore_mem>>) {add = true}
        %dma_wait3A_103 = arith.constant 0 : i32
        %dma_wait3A_104 = tpu.memref_slice %arg8[%mul3A_69, %dma_wait3A_103] : memref<40x128xi32, #tpu.memory_space<vmem>> -> memref<1x128xi32, #tpu.memory_space<vmem>>
        %dma_wait3A_105 = tpu.memref_squeeze %dma_wait3A_104 : memref<1x128xi32, #tpu.memory_space<vmem>> -> memref<128xi32, #tpu.memory_space<vmem>>
        %dma_wait3A_106 = arith.constant 0 : i32
        %dma_wait3A_107 = arith.constant 0 : i32
        %dma_wait3A_108 = tpu.memref_slice %arg6[%dma_wait3A_106, %dma_wait3A_107] : memref<10240x128xf32, #tpu.memory_space<vmem_shared>> -> memref<10240x128xf32, #tpu.memory_space<vmem_shared>>
        tpu.wait_indirect_dma semaphore(%run_scoped3A : memref<!tpu.dma_semaphore, #tpu.memory_space<semaphore_mem>>) src(%arg9 : memref<128x128xf32, #tpu.memory_space<vmem>>) dst(%dma_wait3A_108 : memref<10240x128xf32, #tpu.memory_space<vmem_shared>>)
        tpu.yield
      }) : () -> ()
      %add3A_75 = arith.constant 2 : i32
      %add3A_76 = arith.addi %mul3A_69, %add3A_75 : i32
      %lt3A = arith.constant 40 : i32
      %lt3A_77 = arith.cmpi slt, %add3A_76, %lt3A : i32
      %convert_element_type3A = arith.extui %lt3A_77 : i1 to i32
      %cond3A = arith.constant 0 : i32
      %cond3A_78 = arith.cmpi ne, %convert_element_type3A, %cond3A : i32
      scf.if %cond3A_78 {
        %add3A_97 = arith.constant 2 : i32
        %add3A_98 = arith.addi %mul3A_69, %add3A_97 : i32
        %dma_start3A_99 = arith.constant 0 : i32
        %dma_start3A_100 = tpu.memref_slice %arg7[%add3A_98, %dma_start3A_99] : memref<40x128xi32, #tpu.memory_space<vmem>> -> memref<1x128xi32, #tpu.memory_space<vmem>>
        %dma_start3A_101 = tpu.memref_squeeze %dma_start3A_100 : memref<1x128xi32, #tpu.memory_space<vmem>> -> memref<128xi32, #tpu.memory_space<vmem>>
        %dma_start3A_102 = arith.constant 0 : i32
        %dma_start3A_103 = arith.constant 0 : i32
        %dma_start3A_104 = tpu.memref_slice %arg2[%dma_start3A_102, %dma_start3A_103] : memref<10240x128xf32, #tpu.memory_space<hbm>> -> memref<10240x128xf32, #tpu.memory_space<hbm>>
        tpu.enqueue_indirect_dma source(%dma_start3A_104 : memref<10240x128xf32, #tpu.memory_space<hbm>>) target(%arg9 : memref<128x128xf32, #tpu.memory_space<vmem>>) offsets(%dma_start3A_101 : memref<128xi32, #tpu.memory_space<vmem>>) semaphore(%arg11 : memref<!tpu.dma_semaphore, #tpu.memory_space<semaphore_mem>>)
      } else {
      }
      %mul3A_79 = arith.constant 2 : i32
      %mul3A_80 = arith.muli %mul3A_79, %scan3A_66 : i32
      %add3A_81 = arith.constant 1 : i32
      %add3A_82 = arith.addi %mul3A_80, %add3A_81 : i32
      %dma_wait3A_83 = arith.constant 0 : i32
      %dma_wait3A_84 = tpu.memref_slice %arg7[%add3A_82, %dma_wait3A_83] : memref<40x128xi32, #tpu.memory_space<vmem>> -> memref<1x128xi32, #tpu.memory_space<vmem>>
      %dma_wait3A_85 = tpu.memref_squeeze %dma_wait3A_84 : memref<1x128xi32, #tpu.memory_space<vmem>> -> memref<128xi32, #tpu.memory_space<vmem>>
      %dma_wait3A_86 = arith.constant 0 : i32
      %dma_wait3A_87 = arith.constant 0 : i32
      %dma_wait3A_88 = tpu.memref_slice %arg2[%dma_wait3A_86, %dma_wait3A_87] : memref<10240x128xf32, #tpu.memory_space<hbm>> -> memref<10240x128xf32, #tpu.memory_space<hbm>>
      tpu.wait_indirect_dma semaphore(%arg12 : memref<!tpu.dma_semaphore, #tpu.memory_space<semaphore_mem>>) src(%dma_wait3A_88 : memref<10240x128xf32, #tpu.memory_space<hbm>>) dst(%arg10 : memref<128x128xf32, #tpu.memory_space<vmem>>)
      "tpu.region"() ({
        %run_scoped3A = tpu.sem_alloc : memref<!tpu.dma_semaphore, #tpu.memory_space<semaphore_mem>>
        %dma_start3A_97 = arith.constant 0 : i32
        %dma_start3A_98 = tpu.memref_slice %arg8[%add3A_82, %dma_start3A_97] : memref<40x128xi32, #tpu.memory_space<vmem>> -> memref<1x128xi32, #tpu.memory_space<vmem>>
        %dma_start3A_99 = tpu.memref_squeeze %dma_start3A_98 : memref<1x128xi32, #tpu.memory_space<vmem>> -> memref<128xi32, #tpu.memory_space<vmem>>
        %dma_start3A_100 = arith.constant 0 : i32
        %dma_start3A_101 = arith.constant 0 : i32
        %dma_start3A_102 = tpu.memref_slice %arg6[%dma_start3A_100, %dma_start3A_101] : memref<10240x128xf32, #tpu.memory_space<vmem_shared>> -> memref<10240x128xf32, #tpu.memory_space<vmem_shared>>
        tpu.enqueue_indirect_dma source(%arg10 : memref<128x128xf32, #tpu.memory_space<vmem>>) target(%dma_start3A_102 : memref<10240x128xf32, #tpu.memory_space<vmem_shared>>) offsets(%dma_start3A_99 : memref<128xi32, #tpu.memory_space<vmem>>) semaphore(%run_scoped3A : memref<!tpu.dma_semaphore, #tpu.memory_space<semaphore_mem>>) {add = true}
        %dma_wait3A_103 = arith.constant 0 : i32
        %dma_wait3A_104 = tpu.memref_slice %arg8[%add3A_82, %dma_wait3A_103] : memref<40x128xi32, #tpu.memory_space<vmem>> -> memref<1x128xi32, #tpu.memory_space<vmem>>
        %dma_wait3A_105 = tpu.memref_squeeze %dma_wait3A_104 : memref<1x128xi32, #tpu.memory_space<vmem>> -> memref<128xi32, #tpu.memory_space<vmem>>
        %dma_wait3A_106 = arith.constant 0 : i32
        %dma_wait3A_107 = arith.constant 0 : i32
        %dma_wait3A_108 = tpu.memref_slice %arg6[%dma_wait3A_106, %dma_wait3A_107] : memref<10240x128xf32, #tpu.memory_space<vmem_shared>> -> memref<10240x128xf32, #tpu.memory_space<vmem_shared>>
        tpu.wait_indirect_dma semaphore(%run_scoped3A : memref<!tpu.dma_semaphore, #tpu.memory_space<semaphore_mem>>) src(%arg10 : memref<128x128xf32, #tpu.memory_space<vmem>>) dst(%dma_wait3A_108 : memref<10240x128xf32, #tpu.memory_space<vmem_shared>>)
        tpu.yield
      }) : () -> ()
      %add3A_89 = arith.constant 2 : i32
      %add3A_90 = arith.addi %add3A_82, %add3A_89 : i32
      %lt3A_91 = arith.constant 40 : i32
      %lt3A_92 = arith.cmpi slt, %add3A_90, %lt3A_91 : i32
      %convert_element_type3A_93 = arith.extui %lt3A_92 : i1 to i32
      %cond3A_94 = arith.constant 0 : i32
      %cond3A_95 = arith.cmpi ne, %convert_element_type3A_93, %cond3A_94 : i32
      scf.if %cond3A_95 {
        %add3A_97 = arith.constant 2 : i32
        %add3A_98 = arith.addi %add3A_82, %add3A_97 : i32
        %dma_start3A_99 = arith.constant 0 : i32
        %dma_start3A_100 = tpu.memref_slice %arg7[%add3A_98, %dma_start3A_99] : memref<40x128xi32, #tpu.memory_space<vmem>> -> memref<1x128xi32, #tpu.memory_space<vmem>>
        %dma_start3A_101 = tpu.memref_squeeze %dma_start3A_100 : memref<1x128xi32, #tpu.memory_space<vmem>> -> memref<128xi32, #tpu.memory_space<vmem>>
        %dma_start3A_102 = arith.constant 0 : i32
        %dma_start3A_103 = arith.constant 0 : i32
        %dma_start3A_104 = tpu.memref_slice %arg2[%dma_start3A_102, %dma_start3A_103] : memref<10240x128xf32, #tpu.memory_space<hbm>> -> memref<10240x128xf32, #tpu.memory_space<hbm>>
        tpu.enqueue_indirect_dma source(%dma_start3A_104 : memref<10240x128xf32, #tpu.memory_space<hbm>>) target(%arg10 : memref<128x128xf32, #tpu.memory_space<vmem>>) offsets(%dma_start3A_101 : memref<128xi32, #tpu.memory_space<vmem>>) semaphore(%arg12 : memref<!tpu.dma_semaphore, #tpu.memory_space<semaphore_mem>>)
      } else {
      }
      %scan3A_96 = arith.constant 0 : i32
      scf.yield %scan3A_96 : i32
    }
    %scan3A_57 = arith.constant 20 : i32
    %barrier3A_58 = arith.constant 0 : index
    tpu.barrier barrier_id(%barrier3A_58)
    %scan3A_59 = arith.constant 0 : i32
    %scan3A_60 = arith.constant 0 : i32
    %scan3A_61 = arith.constant 5 : i32
    %scan3A_62 = arith.addi %scan3A_60, %scan3A_61 : i32
    %scan3A_63 = arith.constant 1 : i32
    %scan3A_64 = scf.for %scan3A_66 = %scan3A_60 to %scan3A_62 step %scan3A_63 iter_args(%scan3A_67 = %scan3A_59) -> (i32)  : i32 {
      %mul3A_68 = arith.constant 128 : i32
      %mul3A_69 = arith.muli %scan3A_66, %mul3A_68 : i32
      %add3A_70 = arith.addi %mul3A_9, %mul3A_69 : i32
      "tpu.region"() ({
        %run_scoped3A = tpu.sem_alloc : memref<!tpu.dma_semaphore, #tpu.memory_space<semaphore_mem>>
        %dma_start3A_72 = arith.constant 0 : i32
        %dma_start3A_73 = tpu.memref_slice %arg5[%arg0, %add3A_70, %dma_start3A_72] : memref<2x10240x128xf32, #tpu.memory_space<hbm>> -> memref<1x128x128xf32, #tpu.memory_space<hbm>>
        %dma_start3A_74 = tpu.memref_squeeze %dma_start3A_73 : memref<1x128x128xf32, #tpu.memory_space<hbm>> -> memref<128x128xf32, #tpu.memory_space<hbm>>
        %dma_start3A_75 = arith.constant 0 : i32
        %dma_start3A_76 = tpu.memref_slice %arg6[%add3A_70, %dma_start3A_75] : memref<10240x128xf32, #tpu.memory_space<vmem_shared>> -> memref<128x128xf32, #tpu.memory_space<vmem_shared>>
        tpu.enqueue_dma source(%dma_start3A_76 : memref<128x128xf32, #tpu.memory_space<vmem_shared>>) target(%dma_start3A_74 : memref<128x128xf32, #tpu.memory_space<hbm>>) target_semaphore(%run_scoped3A : memref<!tpu.dma_semaphore, #tpu.memory_space<semaphore_mem>>)
        %dma_wait3A = arith.constant 0 : i32
        %dma_wait3A_77 = tpu.memref_slice %arg5[%arg0, %add3A_70, %dma_wait3A] : memref<2x10240x128xf32, #tpu.memory_space<hbm>> -> memref<1x128x128xf32, #tpu.memory_space<hbm>>
        %dma_wait3A_78 = tpu.memref_squeeze %dma_wait3A_77 : memref<1x128x128xf32, #tpu.memory_space<hbm>> -> memref<128x128xf32, #tpu.memory_space<hbm>>
        %dma_wait3A_79 = arith.constant 0 : i32
        %dma_wait3A_80 = tpu.memref_slice %arg6[%add3A_70, %dma_wait3A_79] : memref<10240x128xf32, #tpu.memory_space<vmem_shared>> -> memref<128x128xf32, #tpu.memory_space<vmem_shared>>
        tpu.wait_dma2 semaphore(%run_scoped3A : memref<!tpu.dma_semaphore, #tpu.memory_space<semaphore_mem>>) src(%dma_wait3A_80 : memref<128x128xf32, #tpu.memory_space<vmem_shared>>) dst(%dma_wait3A_78 : memref<128x128xf32, #tpu.memory_space<hbm>>)
        tpu.yield
      }) : () -> ()
      %scan3A_71 = arith.constant 0 : i32
      scf.yield %scan3A_71 : i32
    }
    %scan3A_65 = arith.constant 5 : i32
    return
  }
}

module attributes {stable_mosaic.version = 14 : i64} {
  func.func @_mm_body(%arg0: i32, %arg1: memref<1024x128xf32, #tpu.memory_space<vmem>>, %arg2: memref<128x128xf32, #tpu.memory_space<vmem>>, %arg3: memref<1x128xf32, #tpu.memory_space<vmem>>, %arg4: memref<1024x128xf32, #tpu.memory_space<vmem>>) attributes {dimension_semantics = [#tpu.dimension_semantics<arbitrary>], iteration_bounds = array<i64: 10>, scalar_prefetch = 0 : i64, scratch_operands = 0 : i64, tpu.core_type = #tpu.core_type<tc>, window_params = [{transform_indices = @transform_0, window_bounds = array<i64: 1024, 128>}, {pipeline_mode = #tpu.pipeline_mode<synchronous>, transform_indices = @transform_1, window_bounds = array<i64: 128, 128>}, {pipeline_mode = #tpu.pipeline_mode<synchronous>, transform_indices = @transform_2, window_bounds = array<i64: 1, 128>}, {transform_indices = @transform_3, window_bounds = array<i64: 1024, 128>}]} {
    %get3A = arith.constant 0 : index
    %get3A_0 = arith.constant 0 : index
    %get3A_1 = vector.load %arg1[%get3A, %get3A_0] : memref<1024x128xf32, #tpu.memory_space<vmem>>, vector<1024x128xf32>
    %get3A_2 = arith.constant 0 : index
    %get3A_3 = arith.constant 0 : index
    %get3A_4 = vector.load %arg2[%get3A_2, %get3A_3] : memref<128x128xf32, #tpu.memory_space<vmem>>, vector<128x128xf32>
    %dot_general3A = arith.constant dense<0.000000e+00> : vector<1024x128xf32>
    %dot_general3A_5 = tpu.matmul %get3A_1, %get3A_4, %dot_general3A {dimension_numbers = #tpu.dot_dimension_numbers<[1], [0], [0], [1], [0, 0, 1, 1], [], []>, transpose_lhs_hint = false} : vector<1024x128xf32>, vector<128x128xf32>, vector<1024x128xf32> -> vector<1024x128xf32>
    %get3A_6 = arith.constant 0 : index
    %get3A_7 = arith.constant 0 : index
    %get3A_8 = vector.load %arg3[%get3A_6, %get3A_7] : memref<1x128xf32, #tpu.memory_space<vmem>>, vector<1x128xf32>
    %add3A = vector.broadcast %get3A_8 : vector<1x128xf32> to vector<1024x128xf32>
    %add3A_9 = arith.addf %dot_general3A_5, %add3A : vector<1024x128xf32>
    %swap3A = arith.constant 0 : index
    %swap3A_10 = arith.constant 0 : index
    %swap3A_11 = vector.load %arg4[%swap3A, %swap3A_10] : memref<1024x128xf32, #tpu.memory_space<vmem>>, vector<1024x128xf32>
    tpu.vector_store %arg4[%swap3A, %swap3A_10], %add3A_9 {strides = array<i32>} : memref<1024x128xf32, #tpu.memory_space<vmem>>, vector<1024x128xf32>,
    return
  }
  func.func @transform_0(%arg0: i32) -> (i32, i32) {
    %c0_i32 = arith.constant 0 : i32
    %c0_i32_0 = arith.constant 0 : i32
    return %arg0, %c0_i32 : i32, i32
  }
  func.func @transform_1(%arg0: i32) -> (i32, i32) {
    %c0_i32 = arith.constant 0 : i32
    %c0_i32_0 = arith.constant 0 : i32
    %c0_i32_1 = arith.constant 0 : i32
    return %c0_i32, %c0_i32_0 : i32, i32
  }
  func.func @transform_2(%arg0: i32) -> (i32, i32) {
    %c0_i32 = arith.constant 0 : i32
    %c0_i32_0 = arith.constant 0 : i32
    %c0_i32_1 = arith.constant 0 : i32
    return %c0_i32, %c0_i32_0 : i32, i32
  }
  func.func @transform_3(%arg0: i32) -> (i32, i32) {
    %c0_i32 = arith.constant 0 : i32
    %c0_i32_0 = arith.constant 0 : i32
    return %arg0, %c0_i32 : i32, i32
  }
}

module attributes {stable_mosaic.version = 14 : i64} {
  func.func @_combine_body(%arg0: i32, %arg1: memref<2x1024x128xf32, #tpu.memory_space<vmem>>, %arg2: memref<2x1024x128xf32, #tpu.memory_space<vmem>>, %arg3: memref<1024x128xf32, #tpu.memory_space<vmem>>) attributes {dimension_semantics = [#tpu.dimension_semantics<arbitrary>], iteration_bounds = array<i64: 10>, scalar_prefetch = 0 : i64, scratch_operands = 0 : i64, tpu.core_type = #tpu.core_type<tc>, window_params = [{transform_indices = @transform_0, window_bounds = array<i64: 2, 1024, 128>}, {transform_indices = @transform_1, window_bounds = array<i64: 2, 1024, 128>}, {transform_indices = @transform_2, window_bounds = array<i64: 1024, 128>}]} {
    %get3A = arith.constant 0 : index
    %get3A_0 = arith.constant 0 : index
    %get3A_1 = arith.constant 0 : index
    %get3A_2 = vector.load %arg1[%get3A, %get3A_0, %get3A_1] : memref<2x1024x128xf32, #tpu.memory_space<vmem>>, vector<1x1024x128xf32>
    %get3A_3 = vector.shape_cast %get3A_2 : vector<1x1024x128xf32> to vector<1024x128xf32>
    %get3A_4 = arith.constant 1 : index
    %get3A_5 = arith.constant 0 : index
    %get3A_6 = arith.constant 0 : index
    %get3A_7 = vector.load %arg1[%get3A_4, %get3A_5, %get3A_6] : memref<2x1024x128xf32, #tpu.memory_space<vmem>>, vector<1x1024x128xf32>
    %get3A_8 = vector.shape_cast %get3A_7 : vector<1x1024x128xf32> to vector<1024x128xf32>
    %add3A = arith.addf %get3A_3, %get3A_8 : vector<1024x128xf32>
    %get3A_9 = arith.constant 0 : index
    %get3A_10 = arith.constant 0 : index
    %get3A_11 = arith.constant 0 : index
    %get3A_12 = vector.load %arg2[%get3A_9, %get3A_10, %get3A_11] : memref<2x1024x128xf32, #tpu.memory_space<vmem>>, vector<1x1024x1xf32>
    %get3A_13 = vector.shape_cast %get3A_12 : vector<1x1024x1xf32> to vector<1024x1xf32>
    %get3A_14 = arith.constant 1 : index
    %get3A_15 = arith.constant 0 : index
    %get3A_16 = arith.constant 0 : index
    %get3A_17 = vector.load %arg2[%get3A_14, %get3A_15, %get3A_16] : memref<2x1024x128xf32, #tpu.memory_space<vmem>>, vector<1x1024x1xf32>
    %get3A_18 = vector.shape_cast %get3A_17 : vector<1x1024x1xf32> to vector<1024x1xf32>
    %add3A_19 = arith.addf %get3A_13, %get3A_18 : vector<1024x1xf32>
    %max3A = arith.constant 1.000000e+00 : f32
    %max3A_20 = vector.broadcast %max3A : f32 to vector<1024x1xf32>
    %max3A_21 = arith.maximumf %add3A_19, %max3A_20 : vector<1024x1xf32>
    %div3A = vector.broadcast %max3A_21 : vector<1024x1xf32> to vector<1024x128xf32>
    %div3A_22 = arith.divf %add3A, %div3A : vector<1024x128xf32>
    %swap3A = arith.constant 0 : index
    %swap3A_23 = arith.constant 0 : index
    %swap3A_24 = vector.load %arg3[%swap3A, %swap3A_23] : memref<1024x128xf32, #tpu.memory_space<vmem>>, vector<1024x128xf32>
    tpu.vector_store %arg3[%swap3A, %swap3A_23], %div3A_22 {strides = array<i32>} : memref<1024x128xf32, #tpu.memory_space<vmem>>, vector<1024x128xf32>,
    return
  }
  func.func @transform_0(%arg0: i32) -> (i32, i32, i32) {
    %c0_i32 = arith.constant 0 : i32
    %c0_i32_0 = arith.constant 0 : i32
    %c0_i32_1 = arith.constant 0 : i32
    return %c0_i32, %arg0, %c0_i32_0 : i32, i32, i32
  }
  func.func @transform_1(%arg0: i32) -> (i32, i32, i32) {
    %c0_i32 = arith.constant 0 : i32
    %c0_i32_0 = arith.constant 0 : i32
    %c0_i32_1 = arith.constant 0 : i32
    return %c0_i32, %arg0, %c0_i32_0 : i32, i32, i32
  }
  func.func @transform_2(%arg0: i32) -> (i32, i32) {
    %c0_i32 = arith.constant 0 : i32
    %c0_i32_0 = arith.constant 0 : i32
    return %arg0, %c0_i32 : i32, i32
  }
}

module attributes {stable_mosaic.version = 14 : i64} {
  func.func @_combine_att_body(%arg0: i32, %arg1: memref<2x1024x128xf32, #tpu.memory_space<vmem>>, %arg2: memref<2x1024x128xf32, #tpu.memory_space<vmem>>, %arg3: memref<128x1xf32, #tpu.memory_space<vmem>>, %arg4: memref<1x1xf32, #tpu.memory_space<vmem>>, %arg5: memref<1024x128xf32, #tpu.memory_space<vmem>>) attributes {dimension_semantics = [#tpu.dimension_semantics<arbitrary>], iteration_bounds = array<i64: 10>, scalar_prefetch = 0 : i64, scratch_operands = 0 : i64, tpu.core_type = #tpu.core_type<tc>, window_params = [{transform_indices = @transform_0, window_bounds = array<i64: 2, 1024, 128>}, {transform_indices = @transform_1, window_bounds = array<i64: 2, 1024, 128>}, {pipeline_mode = #tpu.pipeline_mode<synchronous>, transform_indices = @transform_2, window_bounds = array<i64: 128, 1>}, {pipeline_mode = #tpu.pipeline_mode<synchronous>, transform_indices = @transform_3, window_bounds = array<i64: 1, 1>}, {transform_indices = @transform_4, window_bounds = array<i64: 1024, 128>}]} {
    %get3A = arith.constant 0 : index
    %get3A_0 = arith.constant 0 : index
    %get3A_1 = arith.constant 0 : index
    %get3A_2 = vector.load %arg1[%get3A, %get3A_0, %get3A_1] : memref<2x1024x128xf32, #tpu.memory_space<vmem>>, vector<1x1024x128xf32>
    %get3A_3 = vector.shape_cast %get3A_2 : vector<1x1024x128xf32> to vector<1024x128xf32>
    %get3A_4 = arith.constant 1 : index
    %get3A_5 = arith.constant 0 : index
    %get3A_6 = arith.constant 0 : index
    %get3A_7 = vector.load %arg1[%get3A_4, %get3A_5, %get3A_6] : memref<2x1024x128xf32, #tpu.memory_space<vmem>>, vector<1x1024x128xf32>
    %get3A_8 = vector.shape_cast %get3A_7 : vector<1x1024x128xf32> to vector<1024x128xf32>
    %add3A = arith.addf %get3A_3, %get3A_8 : vector<1024x128xf32>
    %get3A_9 = arith.constant 0 : index
    %get3A_10 = arith.constant 0 : index
    %get3A_11 = arith.constant 0 : index
    %get3A_12 = vector.load %arg2[%get3A_9, %get3A_10, %get3A_11] : memref<2x1024x128xf32, #tpu.memory_space<vmem>>, vector<1x1024x1xf32>
    %get3A_13 = vector.shape_cast %get3A_12 : vector<1x1024x1xf32> to vector<1024x1xf32>
    %get3A_14 = arith.constant 1 : index
    %get3A_15 = arith.constant 0 : index
    %get3A_16 = arith.constant 0 : index
    %get3A_17 = vector.load %arg2[%get3A_14, %get3A_15, %get3A_16] : memref<2x1024x128xf32, #tpu.memory_space<vmem>>, vector<1x1024x1xf32>
    %get3A_18 = vector.shape_cast %get3A_17 : vector<1x1024x1xf32> to vector<1024x1xf32>
    %add3A_19 = arith.addf %get3A_13, %get3A_18 : vector<1024x1xf32>
    %max3A = arith.constant 1.000000e+00 : f32
    %max3A_20 = vector.broadcast %max3A : f32 to vector<1024x1xf32>
    %max3A_21 = arith.maximumf %add3A_19, %max3A_20 : vector<1024x1xf32>
    %div3A = vector.broadcast %max3A_21 : vector<1024x1xf32> to vector<1024x128xf32>
    %div3A_22 = arith.divf %add3A, %div3A : vector<1024x128xf32>
    %get3A_23 = arith.constant 0 : index
    %get3A_24 = arith.constant 0 : index
    %get3A_25 = vector.load %arg3[%get3A_23, %get3A_24] : memref<128x1xf32, #tpu.memory_space<vmem>>, vector<128x1xf32>
    %dot_general3A = arith.constant dense<0.000000e+00> : vector<1024x1xf32>
    %dot_general3A_26 = tpu.matmul %div3A_22, %get3A_25, %dot_general3A {dimension_numbers = #tpu.dot_dimension_numbers<[1], [0], [0], [1], [0, 0, 1, 1], [], []>, transpose_lhs_hint = false} : vector<1024x128xf32>, vector<128x1xf32>, vector<1024x1xf32> -> vector<1024x1xf32>
    %get3A_27 = arith.constant 0 : index
    %get3A_28 = arith.constant 0 : index
    %get3A_29 = vector.load %arg4[%get3A_27, %get3A_28] : memref<1x1xf32, #tpu.memory_space<vmem>>, vector<1x1xf32>
    %add3A_30 = vector.broadcast %get3A_29 : vector<1x1xf32> to vector<1024x1xf32>
    %add3A_31 = arith.addf %dot_general3A_26, %add3A_30 : vector<1024x1xf32>
    %logistic3A = arith.negf %add3A_31 : vector<1024x1xf32>
    %logistic3A_32 = math.exp %logistic3A : vector<1024x1xf32>
    %logistic3A_33 = arith.constant 1.000000e+00 : f32
    %logistic3A_34 = vector.broadcast %logistic3A_33 : f32 to vector<1024x1xf32>
    %logistic3A_35 = arith.addf %logistic3A_34, %logistic3A_32 : vector<1024x1xf32>
    %logistic3A_36 = arith.divf %logistic3A_34, %logistic3A_35 : vector<1024x1xf32>
    %mul3A = vector.broadcast %logistic3A_36 : vector<1024x1xf32> to vector<1024x128xf32>
    %mul3A_37 = arith.mulf %mul3A, %div3A_22 : vector<1024x128xf32>
    %swap3A = arith.constant 0 : index
    %swap3A_38 = arith.constant 0 : index
    %swap3A_39 = vector.load %arg5[%swap3A, %swap3A_38] : memref<1024x128xf32, #tpu.memory_space<vmem>>, vector<1024x128xf32>
    tpu.vector_store %arg5[%swap3A, %swap3A_38], %mul3A_37 {strides = array<i32>} : memref<1024x128xf32, #tpu.memory_space<vmem>>, vector<1024x128xf32>,
    return
  }
  func.func @transform_0(%arg0: i32) -> (i32, i32, i32) {
    %c0_i32 = arith.constant 0 : i32
    %c0_i32_0 = arith.constant 0 : i32
    %c0_i32_1 = arith.constant 0 : i32
    return %c0_i32, %arg0, %c0_i32_0 : i32, i32, i32
  }
  func.func @transform_1(%arg0: i32) -> (i32, i32, i32) {
    %c0_i32 = arith.constant 0 : i32
    %c0_i32_0 = arith.constant 0 : i32
    %c0_i32_1 = arith.constant 0 : i32
    return %c0_i32, %arg0, %c0_i32_0 : i32, i32, i32
  }
  func.func @transform_2(%arg0: i32) -> (i32, i32) {
    %c0_i32 = arith.constant 0 : i32
    %c0_i32_0 = arith.constant 0 : i32
    %c0_i32_1 = arith.constant 0 : i32
    return %c0_i32, %c0_i32_0 : i32, i32
  }
  func.func @transform_3(%arg0: i32) -> (i32, i32) {
    %c0_i32 = arith.constant 0 : i32
    %c0_i32_0 = arith.constant 0 : i32
    %c0_i32_1 = arith.constant 0 : i32
    return %c0_i32, %c0_i32_0 : i32, i32
  }
  func.func @transform_4(%arg0: i32) -> (i32, i32) {
    %c0_i32 = arith.constant 0 : i32
    %c0_i32_0 = arith.constant 0 : i32
    return %arg0, %c0_i32 : i32, i32
  }
}

</mosaic_0001>

<sc_bundles>
// kernel: kernel.13.cloned.1.call-start
scs
__scs_entry_jumppad:
0x0: {  	(pc) =	sbr.rel $0x88, $3  }
0x1: {  	(tag) =	ssettag $0x0;
	lr =	simm.s32 $0x1  }
0x2: {  	[smem:$0x3F9A] =	sst lr;
	_ =	strace $0xD0000000  }
0x3: {  	_ = 	snop  }
0x4: {  	_ = 	snop  }
0x5: {  	_ = 	snop  }
0x6: {  	_ = 	snop  }
0x7: {  	_ = 	snop  }
__scs_overlays_trampoline_lowered:
0x8: {  	[smem:$0x3FA9] =	sst s0  }
0x9: {  	[smem:$0x3FAA] =	sst s1  }
0xa: {  	[smem:$0x3FAB] =	sst s2  }
0xb: {  	[smem:$0x3FAC] =	sst s3  }
0xc: {  	[smem:$0x3FAD] =	sst s4  }
0xd: {  	[smem:$0x3FAE] =	sst s5  }
0xe: {  	[smem:$0x3FAF] =	sst s6  }
0xf: {  	[smem:$0x3FB0] =	sst s7  }
0x10: {  	[smem:$0x3FB1] =	sst s8  }
0x11: {  	[smem:$0x3FB2] =	sst s9;
	s0 =	simm.s32 @!p0 $0x0  }
0x12: {  	s1 =	sld [smem:$0x3F98];
	s0 =	simm.s32 @p0 $0x1  }
0x13: {  	[smem:$0x3FB3] =	sst s0;
	s0 =	simm.s32 @!p1 $0x0  }
0x14: {  	s2 =	sld [smem:$0x3F97];
	s0 =	simm.s32 @p1 $0x1  }
0x15: {  	[smem:$0x3FB4] =	sst s0;
	s0 =	simm.s32 @!p2 $0x0  }
0x16: {  	s3 =	sld [smem:$0x3FDB];
	s0 =	simm.s32 @p2 $0x1  }
0x17: {  	s4 =	simm.s32 $0x1BF5;
	[smem:$0x3FB6] =	sst s0  }
0x18: {  	s0 =	sld [smem:$0x3F99];
	_ =	swait.ge [sflag:s4], $0x0  }
0x19: {  	s7 =	sld [smem:$0x3F9A]  }
0x1a: {  	s8 =	sadd.s32 $0xFFFFE003, lr  }
0x1b: {  	s9 =	sadd.s32 $0xFFFFFEF7, lr;
	s5 =	simm.s32 $0xFFFFFFFF;
	p2 =	slt.u32 s8, $0xFFFFF086  }
0x1c: {  	p1 =	slt.u32 s9, $0xF7A;
	s5 =	simm.s32 @!p2 $0x0  }
0x1d: {  	s5 =	simm.s32 @p1 $0x1;
	p0 =	seq.s32 s7, s2  }
0x1e: {  	s7 =	smul.u32 @!p0 $0xF7A, s2;
	p2 =	seq.s32 @!p0 s5, $0x0  }
0x1f: {  	s9 =	smul.u32 $0xF7A, s1;
	s8 =	simm.s32 @!p0 $0x1BF5;
	p2 =	por !p2, p0  }
0x20: {  	[sflag:s8] =	ssyncset.s32 @!p0 $0xFFFFF086;
	s6 =	sadd.s32 @!p0 s3, s7;
	s7 =	simm.s32 @!p0 $0x108  }
0x21: {  	s3 =	sadd.s32 s3, s9;
	s6 =	sadd.s32 @!p0 $0x88, s6;
	s7 =	simm.s32 @p2 $0x1082  }
0x22: {  	[simem:s7], [sflag:s8] =	dma.local @!p0 [hbm:s6], $0xF7A  }
0x23: {  	s9 =	sor.u32 $0xD0000000, s2;
	s6 =	simm.s32 $0x108;
	_ =	swait.ge @!p0 [sflag:s8], $0x0  }
0x24: {  	s3 =	sadd.s32 $0x88, s3;
	s6 =	simm.s32 @!p1 $0x1082;
	[sflag:s4] =	ssyncset.s32 $0xFFFFF086  }
0x25: {  	[simem:s6], [sflag:s4] =	dma.local [hbm:s3], $0xF7A  }
0x26: {  	[smem:$0x3F9A] =	sst s1;
	(tag) =	ssettag s2;
	_ =	strace s9  }
0x27: {  	s1 =	sld [smem:$0x3FAA]  }
0x28: {  	s2 =	sld [smem:$0x3FAB]  }
0x29: {  	s4 =	sld [smem:$0x3FAD]  }
0x2a: {  	p0 =	seq.s32 s5, $0x0;
	s5 =	sld [smem:$0x3FAE]  }
0x2b: {  	s6 =	sld [smem:$0x3FAF]  }
0x2c: {  	s7 =	sld [smem:$0x3FB0]  }
0x2d: {  	s3 =	simm.s32 $0x108;
	s8 =	sld [smem:$0x3FB1]  }
0x2e: {  	s3 =	simm.s32 @!p0 $0x1082;
	s9 =	sld [smem:$0x3FB2]  }
0x2f: {  	lr =	sadd.s32 s0, s3;
	s0 =	sld [smem:$0x3FA9]  }
0x30: {  	s3 =	sld [smem:$0x3FAC]  }
0x31: {  	[smem:$0x3FB5] =	sst s10  }
0x32: {  	s10 =	sld [smem:$0x3FB3];
	_ =	sdelay $0x3  }
0x33: {  	p0 =	seq.s32 s10, $0x1;
	s10 =	sld [smem:$0x3FB5];
	_ =	sdelay $0x3  }
0x34: {  	[smem:$0x3FB5] =	sst s10  }
0x35: {  	s10 =	sld [smem:$0x3FB4];
	_ =	sdelay $0x3  }
0x36: {  	p1 =	seq.s32 s10, $0x1;
	s10 =	sld [smem:$0x3FB5];
	_ =	sdelay $0x3  }
0x37: {  	[smem:$0x3FB5] =	sst s10  }
0x38: {  	s10 =	sld [smem:$0x3FB6]  }
0x39: {  	_ = 	snop;
	(pc) =	sbr.ind lr, $3  }
0x3a: {  	_ = 	snop  }
0x3b: {  	_ = 	snop  }
0x3c: {  	p2 =	seq.s32 s10, $0x1;
	s10 =	sld [smem:$0x3FB5]  }
0x3d: {  	_ =	shalt  }
0x3e: {  	_ =	shalt  }
0x3f: {  	_ =	shalt  }
0x40: {  	_ =	shalt  }
0x41: {  	_ =	shalt  }
0x42: {  	_ =	shalt  }
0x43: {  	_ =	shalt  }
0x44: {  	_ =	shalt  }
0x45: {  	_ =	shalt  }
0x46: {  	_ =	shalt  }
0x47: {  	_ =	shalt  }
0x48: {  	_ =	shalt  }
0x49: {  	_ =	shalt  }
0x4a: {  	_ =	shalt  }
0x4b: {  	_ =	shalt  }
0x4c: {  	_ =	shalt  }
0x4d: {  	_ =	shalt  }
0x4e: {  	_ =	shalt  }
0x4f: {  	_ =	shalt  }
0x50: {  	_ =	shalt  }
0x51: {  	_ =	shalt  }
0x52: {  	_ =	shalt  }
0x53: {  	_ =	shalt  }
0x54: {  	_ =	shalt  }
0x55: {  	_ =	shalt  }
0x56: {  	_ =	shalt  }
0x57: {  	_ =	shalt  }
0x58: {  	_ =	shalt  }
0x59: {  	_ =	shalt  }
0x5a: {  	_ =	shalt  }
0x5b: {  	_ =	shalt  }
0x5c: {  	_ =	shalt  }
0x5d: {  	_ =	shalt  }
0x5e: {  	_ =	shalt  }
0x5f: {  	_ =	shalt  }
0x60: {  	_ =	shalt  }
0x61: {  	_ =	shalt  }
0x62: {  	_ =	shalt  }
0x63: {  	_ =	shalt  }
0x64: {  	_ =	shalt  }
0x65: {  	_ =	shalt  }
0x66: {  	_ =	shalt  }
0x67: {  	_ =	shalt  }
0x68: {  	_ =	shalt  }
0x69: {  	_ =	shalt  }
0x6a: {  	_ =	shalt  }
0x6b: {  	_ =	shalt  }
0x6c: {  	_ =	shalt  }
0x6d: {  	_ =	shalt  }
0x6e: {  	_ =	shalt  }
0x6f: {  	_ =	shalt  }
0x70: {  	_ =	shalt  }
0x71: {  	_ =	shalt  }
0x72: {  	_ =	shalt  }
0x73: {  	_ =	shalt  }
0x74: {  	_ =	shalt  }
0x75: {  	_ =	shalt  }
0x76: {  	_ =	shalt  }
0x77: {  	_ =	shalt  }
0x78: {  	_ =	shalt  }
0x79: {  	_ =	shalt  }
0x7a: {  	_ =	shalt  }
0x7b: {  	_ =	shalt  }
0x7c: {  	_ =	shalt  }
0x7d: {  	_ =	shalt  }
0x7e: {  	_ =	shalt  }
0x7f: {  	_ =	shalt  }
0x80: {  	_ =	shalt  }
0x81: {  	_ =	shalt  }
0x82: {  	_ =	shalt  }
0x83: {  	_ =	shalt  }
0x84: {  	_ =	shalt  }
0x85: {  	_ =	shalt  }
0x86: {  	_ =	shalt  }
0x87: {  	_ =	shalt  }
.Lfunc_end0:
.L_simem_size_0:
called_computation_lowered:
.L_overlay_start_0:
0x88: {  	s2 =	sld [smem:$0x3FD9]  }
0x89: {  	s3 =	sld [smem:$0x3FFE];
	_ =	sdelay $0x1  }
0x8a: {  	s1 =	srdreg.scid  }
0x8b: {  	s0 =	sand.u32 $0x1, s1  }
0x8c: {  	s17 =	sshll.u32 s0, $0xA;
	s2 =	sadd.s32 s3, s2  }
0x8d: {  	s2 =	sadd.s32 s2, s17  }
0x8e: {  	[smem:$0x3FC1] =	sst s2  }
0x8f: {  	_ = 	snop  }
0x90: {  	s18 =	sld [smem:$0x3FD0];
	(tm) =	ssettm $0x1  }
0x91: {  	s19 =	sld [smem:$0x3FFB];
	_ =	sdelay $0x3  }
0x92: {  	_ =	strace s19  }
0x93: {  	s2 =	sld [smem:$0x3FFC];
	_ =	sdelay $0x3  }
0x94: {  	_ =	strace s2  }
0x95: {  	s2 =	sld [smem:$0x3FFD];
	_ =	sdelay $0x3  }
0x96: {  	_ =	strace s2  }
0x97: {  	_ =	strace $0x8FFFFFFF  }
0x98: {  	s20 =	sld [smem:$0x3FDB];
	_ =	sdelay $0x1  }
0x99: {  	s4 =	simm.s32 $_scs_section_size  }
0x9a: {  	s5 =	simm.s32 $_size__tile_overlayer_lowered;
	s6 =	simm.s32 $_tile_overlayer_lowered  }
0x9b: {  	s7 =	simm.s32 $0x1BFF;
	s21 =	sshll.u32 s6, $0x1;
	s4 =	sadd.s32 s4, s20  }
0x9c: {  	s22 =	simm.s32 $0x0;
	s5 =	sshll.u32 s5, $0x1;
	s6 =	sadd.s32 s21, s4  }
0x9d: {  	[timem:s22], [sflag:s7] =	dma.local [hbm:s6], s5  }
0x9e: {  	_ =	swait.ge [sflag:s7], s5  }
0x9f: {  	s5 =	ssub.s32 $0x0, s5;
	[sflag:s7] =	ssyncset.done $0x0  }
0xa0: {  	[sflag:s7] =	ssyncadd.s32 s5;
	_ =	sdelay $0x1  }
0xa1: {  	s23 =	simm.s32 $0x1B8B  }
0xa2: {  	_ =	swait.ge [sflag:s23], $0x1  }
0xa3: {  	[sflag:s23] =	ssyncset.done $0x0  }
0xa4: {  	[sflag:s23] =	ssyncadd.s32 $0xFFFFFFFF  }
0xa5: {  	s5 =	sld [smem:$0x0]  }
0xa6: {  	s6 =	sand.u32 $0xFFFFFFFE, s1  }
0xa7: {  	p0 =	sne.s32 s1, s6  }
0xa8: {  	s6 =	sshll.u32 @p0 s6, $0xE  }
0xa9: {  	s6 =	sadd.s32 @p0 $0x11B8D, s6;
	s7 =	sshll.u32 @p0 s5, $0x11  }
0xaa: {  	s6 =	sor.u32 @p0 s7, s6  }
0xab: {  	[sflag:s6] =	ssyncadd.remote.s32 @p0 $0x1;
	_ =	sdelay $0x1  }
0xac: {  	s6 =	simm.s32 @p0 $0x1B8D  }
0xad: {  	_ =	swait.eq @p0 [sflag:s6], $0x1  }
0xae: {  	[sflag:s6] =	ssyncadd.s32 @p0 $0xFFFFFFFF  }
0xaf: {  	s7 =	sshll.u32 @!p0 s1, $0xE  }
0xb0: {  	s7 =	sor.u32 @!p0 $0x4000, s7;
	s6 =	simm.s32 @!p0 $0x1B8D  }
0xb1: {  	s5 =	sshll.u32 @!p0 s5, $0x11;
	s7 =	sadd.s32 @!p0 $0x11B8D, s7;
	_ =	swait.eq @!p0 [sflag:s6], $0x1  }
0xb2: {  	s5 =	sor.u32 @!p0 s5, s7;
	[sflag:s6] =	ssyncadd.s32 @!p0 $0xFFFFFFFF  }
0xb3: {  	s25 =	simm.s32 $0x1B8E;
	s24 =	sld [smem:$0x3FFE];
	[sflag:s5] =	ssyncadd.remote.s32 @!p0 $0x1  }
0xb4: {  	s26 =	simm.s32 $execute0_lowered;
	[smem:$0x3FD2] =	sst s25  }
0xb5: {  	s6 =	sshll.u32 s26, $0x1;
	_ =	strace $0x8000004C;
	[dreg:$0x1] =	wrdreg $0xFFFFFFFF  }
0xb6: {  	s28 =	simm.s32 $_size_execute0_lowered;
	s4 =	sadd.s32 s4, s6;
	[dreg:$0x0] =	wrdreg $0x0  }
0xb7: {  	s6 =	sshll.u32 s28, $0x1;
	[dreg:$0x2] =	wrdreg s4  }
0xb8: {  	[dreg:$0x3] =	wrdreg s6  }
0xb9: {  	[dreg:$0x4] =	wrdreg $0xC0  }
0xba: {  	_ =	task [dreg:s22], $0x5FFFF  }
0xbb: {  	[dreg:$0x1] =	wrdreg $0xFFFFFFFF  }
0xbc: {  	[dreg:$0x0] =	wrdreg $0x60  }
0xbd: {  	[dreg:$0x2] =	wrdreg s18  }
0xbe: {  	[dreg:$0x3] =	wrdreg s24  }
0xbf: {  	[dreg:$0x4] =	wrdreg $0x0  }
0xc0: {  	[dreg:$0x5] =	wrdreg $0x9  }
0xc1: {  	_ =	task.clear_ibuf [dreg:s22], $0x6FFFF;
	_ =	strace $0x9000004C  }
0xc2: {  	s29 =	simm.s32 $0x9;
	_ =	strace $0x8000004E  }
0xc3: {  	_ =	swait.ge [sflag:s29], $0x1  }
0xc4: {  	[sflag:s29] =	ssyncadd.s32 $0xFFFFFFFF  }
0xc5: {  	_ =	strace $0x9000004E  }
0xc6: {  	_ =	sfence  }
0xc7: {  	s30 =	sld [smem:$0x0];
	_ =	sdelay $0x2  }
0xc8: {  	s31 =	sshll.u32 s1, $0xD;
	s1 =	sshrl.u32 s1, $0x2  }
0xc9: {  	s4 =	sand.u32 $0x4000, s31;
	s1 =	sadd.s32 s1, s30  }
0xca: {  	s0 =	sor.u32 s4, s0;
	s1 =	sshll.u32 s1, $0x11  }
0xcb: {  	s0 =	sor.u32 s1, s0  }
0xcc: {  	s0 =	sadd.s32 $0x8F2B, s0  }
0xcd: {  	[sflag:s0] =	ssyncadd.remote.s32 $0x1  }
0xce: {  	_ =	sfence.sel $0xFFFF  }
0xcf: {  	[dreg:$0x0] =	wrdreg $0xFFFFFFFF;
	(pc) =	sbr.abs _section_cstart, $3  }
0xd0: {  	[dreg:$0x1] =	wrdreg $0xFFFFFFFF  }
0xd1: {  	_ =	task.clear_ibuf [dreg:s22], $0x2FFFF;
	_ =	strace $0x9FFFFFFF  }
0xd2: {  	(tm) =	ssettm $0x7FFFFFFF  }
0xd3: {  	_ =	shalt  }
tec
execute0_lowered:
.L_overlay_start_1:
0x0: {  	(tag) =	ssettag $0x1  }
0x1: {  	s5 =	rddreg [dreg:$0x0]  }
0x2: {  	s1 =	srdreg.scid;
	s4 =	rddreg [dreg:$0x1]  }
0x3: {  	s0 =	stileid.u32;
	s2 =	rddreg [dreg:$0x2]  }
0x4: {  	s6 =	sand.u32 $0x1, s1;
	s22 =	sshll.u32 s0, $0x1;
	s7 =	smul.u32 $0x50000, s0  }
0x5: {  	s1 =	rddreg [dreg:$0x3];
	s14 =	smul.u32 $0x14000, s0;
	s16 =	sadd.s32 $0xD5000, s4  }
0x6: {  	s3 =	sor.u32 s6, s22;
	s9 =	ssub.s32 $0x2, s6;
	s15 =	smul.u32 $0x140000, s6  }
0x7: {  	s8 =	smul.u32 $0x2800, s3;
	s3 =	simm.s32 $0x0;
	s23 =	sshrl.u32 s9, $0x1  }
0x8: {  	s24 =	sshrl.u32 s7, $0x2;
	s17 =	sadd.s32 $0x4000, s14;
	s18 =	sadd.s32 $0x8000, s14  }
0x9: {  	s19 =	sadd.s32 $0xC000, s14;
	s21 =	sadd.s32 $0x10000, s14;
	[smem:$0x7FF] =	sst s3  }
0xa: {  	s9 =	ssub.s32 s9, s23;
	s26 =	sadd.s32 s15, s14;
	s4 =	sadd.s32 s24, s2  }
0xb: {  	s12 =	sadd.s32 s15, s17;
	s22 =	sadd.s32 s17, s2;
	s28 =	sadd.s32 s15, s18  }
0xc: {  	s20 =	sadd.s32 s15, s19;
	s30 =	sadd.s32 s15, s21;
	s23 =	sadd.s32 s18, s2  }
0xd: {  	s24 =	sadd.s32 s19, s2;
	s18 =	simm.s32 $0x1;
	s19 =	simm.s32 $0x14000  }
0xe: {  	_ =	strace $0x8000004D;
	s25 =	sshrl.u32 s8, $0x3;
	s7 =	sshrl.u32 s26, $0x3  }
0xf: {  	s8 =	smax.u32 s9, $0x1;
	s9 =	sadd.s32 $0x4000, s4;
	s10 =	sadd.s32 $0x8000, s4  }
0x10: {  	s11 =	sadd.s32 $0xC000, s4;
	s13 =	sshrl.u32 s12, $0x3;
	s12 =	sadd.s32 $0x10000, s4  }
0x11: {  	s17 =	sshrl.u32 s28, $0x3;
	s29 =	sshrl.u32 s20, $0x3;
	s31 =	sshrl.u32 s30, $0x3  }
0x12: {  	s20 =	simm.s32 $0x80;
	s22 =	sshrl.u32 s22, $0x3;
	s23 =	sshrl.u32 s23, $0x3  }
0x13: {  	s24 =	sshrl.u32 s24, $0x3;
	s5 =	sadd.s32 s5, s25;
	s7 =	sadd.s32 s16, s7  }
0x14: {  	s13 =	sadd.s32 s16, s13;
	s14 =	sadd.s32 s16, s17;
	s15 =	sadd.s32 s16, s29  }
0x15: {  	s16 =	sadd.s32 s16, s31;
	s25 =	sadd.s32 s21, s2;
	s17 =	simm.s32 $0x15400  }
0x16: {  	v0 =	vimm.f32 $0.0e+00;
	v1 =	vimm.f32 $1.000000000e+00;
	s21 =	simm.s32 $0x19400;
	s6 =	sadd.s32 $0x280, s5;
	s25 =	sshrl.u32 s25, $0x3  }
.LBB2_1:
0x17: {  	s26 =	simm.s32 $0x0;
	s28 =	simm.s32 $0x200  }
.LBB2_2:
0x18: {  	p0 =	sne.s32 s28, $0xFE00;
	[tilespmem:s26+$0x19470] =	vst v1  }
0x19: {  	[tilespmem:s26+$0x15400] =	vst v0  }
0x1a: {  	[tilespmem:s26+$0x19400] =	vst v1  }
0x1b: {  	[tilespmem:s26+$0x15410] =	vst v0  }
0x1c: {  	[tilespmem:s26+$0x19410] =	vst v1  }
0x1d: {  	[tilespmem:s26+$0x15420] =	vst v0  }
0x1e: {  	[tilespmem:s26+$0x19420] =	vst v1  }
0x1f: {  	[tilespmem:s26+$0x15430] =	vst v0  }
0x20: {  	[tilespmem:s26+$0x19430] =	vst v1  }
0x21: {  	[tilespmem:s26+$0x15440] =	vst v0  }
0x22: {  	[tilespmem:s26+$0x19440] =	vst v1  }
.Ltmp0:
0x23: {  	[tilespmem:s26+$0x15450] =	vst v0;
	(pc) =	sbr.rel @p0 .LBB2_2-.Ltmp0, $4  }
0x24: {  	[tilespmem:s26+$0x19450] =	vst v1  }
0x25: {  	[tilespmem:s26+$0x15460] =	vst v0  }
0x26: {  	[tilespmem:s26+$0x19460] =	vst v1  }
0x27: {  	[tilespmem:s26+$0x15470] =	vst v0;
	s26 =	sshra.s32 s28, $0x2;
	s28 =	sadd.s32 $0x200, s28  }
0x28: {  	[tilespmem:s26+$0x19470] =	vst v1  }
0x29: {  	[tilespmem:s26+$0x15400] =	vst v0  }
0x2a: {  	[tilespmem:s26+$0x19400] =	vst v1  }
0x2b: {  	[tilespmem:s26+$0x15410] =	vst v0  }
0x2c: {  	[tilespmem:s26+$0x19410] =	vst v1  }
0x2d: {  	[tilespmem:s26+$0x15420] =	vst v0  }
0x2e: {  	[tilespmem:s26+$0x19420] =	vst v1  }
0x2f: {  	[tilespmem:s26+$0x15430] =	vst v0  }
0x30: {  	[tilespmem:s26+$0x19430] =	vst v1  }
0x31: {  	[tilespmem:s26+$0x15440] =	vst v0  }
0x32: {  	[tilespmem:s26+$0x19440] =	vst v1  }
0x33: {  	[tilespmem:s26+$0x15450] =	vst v0  }
0x34: {  	[tilespmem:s26+$0x19450] =	vst v1  }
0x35: {  	[tilespmem:s26+$0x15460] =	vst v0  }
0x36: {  	[tilespmem:s26+$0x19460] =	vst v1  }
0x37: {  	[tilespmem:s26+$0x15470] =	vst v0  }
0x38: {  	[spmem:s4] =	stream.linear.scatter [tilespmem:s17], [sflag:$0x1], $0x4000, $0x38;
	[tilespmem:$0x1D400] =	vst v63  }
0x39: {  	_ =	swait.ge [sflag:s18], $0x4000  }
0x3a: {  	[sflag:s18] =	ssyncset.done $0x0  }
0x3b: {  	[sflag:s18] =	ssyncadd.s32 $0xFFFFC000  }
0x3c: {  	[spmem:s9] =	stream.linear.scatter [tilespmem:s17], [sflag:$0x1], $0x4000, $0x38;
	[tilespmem:$0x1D400] =	vst v63  }
0x3d: {  	_ =	swait.ge [sflag:s18], $0x4000  }
0x3e: {  	[sflag:s18] =	ssyncset.done $0x0  }
0x3f: {  	[sflag:s18] =	ssyncadd.s32 $0xFFFFC000  }
0x40: {  	[spmem:s10] =	stream.linear.scatter [tilespmem:s17], [sflag:$0x1], $0x4000, $0x38;
	[tilespmem:$0x1D400] =	vst v63  }
0x41: {  	_ =	swait.ge [sflag:s18], $0x4000  }
0x42: {  	[sflag:s18] =	ssyncset.done $0x0  }
0x43: {  	[sflag:s18] =	ssyncadd.s32 $0xFFFFC000  }
0x44: {  	[spmem:s11] =	stream.linear.scatter [tilespmem:s17], [sflag:$0x1], $0x4000, $0x38;
	[tilespmem:$0x1D400] =	vst v63  }
0x45: {  	_ =	swait.ge [sflag:s18], $0x4000  }
0x46: {  	[sflag:s18] =	ssyncset.done $0x0  }
0x47: {  	[sflag:s18] =	ssyncadd.s32 $0xFFFFC000  }
0x48: {  	[spmem:s12] =	stream.linear.scatter [tilespmem:s17], [sflag:$0x1], $0x4000, $0x38;
	[tilespmem:$0x1D400] =	vst v63  }
0x49: {  	_ =	swait.ge [sflag:s18], $0x4000  }
0x4a: {  	[sflag:s18] =	ssyncset.done $0x0  }
0x4b: {  	[sflag:s18] =	ssyncadd.s32 $0xFFFFC000  }
0x4c: {  	s30 =	simm.s32 $0x0;
	[bflag:$0x0] =	sbarrier.arrive $0xFFFF  }
0x4d: {  	[tilespmem:s19], [sflag:$0x1] =	stream.linear.gather [hbm4b:s5+s30], $0x1400, $0x38;
	[tilespmem:$0x1D400] =	vst v63  }
0x4e: {  	_ =	swait.ge [sflag:s18], $0x1400  }
0x4f: {  	[sflag:s18] =	ssyncset.done $0x0  }
0x50: {  	s31 =	simm.s32 $0x14000;
	[sflag:s18] =	ssyncadd.s32 $0xFFFFEC00  }
0x51: {  	[spmem:s2] =	stream.indirect.scatter.add.f32 [tilespmem:s21], [sflag:$0x1], $0x80, s31, s20, $0xb8;
	[tilespmem:$0x1D400] =	vst v63  }
0x52: {  	s26 =	simm.s32 $0x200;
	_ =	swait.ge [sflag:s18], $0x4000  }
.LBB2_4:
0x53: {  	s28 =	sshra.s32 s26, $0x2;
	[sflag:s18] =	ssyncset.done $0x0;
	p0 =	sne.s32 s26, $0x4E00  }
.Ltmp1:
0x54: {  	s28 =	sadd.s32 $0x14000, s28;
	[sflag:s18] =	ssyncadd.s32 $0xFFFFC000;
	(pc) =	sbr.rel @p0 .LBB2_4-.Ltmp1, $3  }
0x55: {  	[spmem:s2] =	stream.indirect.scatter.add.f32 [tilespmem:s21], [sflag:$0x1], $0x80, s28, s20, $0xb8;
	[tilespmem:$0x1D400] =	vst v63  }
0x56: {  	s26 =	sadd.s32 $0x200, s26;
	_ =	sdelay $0x1  }
0x57: {  	_ =	swait.ge [sflag:s18], $0x4000  }
0x58: {  	[sflag:s18] =	ssyncset.done $0x0  }
0x59: {  	s26 =	simm.s32 $0x0;
	[sflag:s18] =	ssyncadd.s32 $0xFFFFC000  }
0x5a: {  	[tilespmem:s19], [sflag:$0x1] =	stream.linear.gather [hbm4b:s6+s26], $0x1400, $0x38;
	[tilespmem:$0x1D400] =	vst v63  }
0x5b: {  	_ =	swait.ge [sflag:s18], $0x1400  }
0x5c: {  	[sflag:s18] =	ssyncset.done $0x0  }
0x5d: {  	s31 =	simm.s32 $0x14000;
	[sflag:s18] =	ssyncadd.s32 $0xFFFFEC00  }
0x5e: {  	[spmem:s2] =	stream.indirect.scatter.add.f32 [tilespmem:s21], [sflag:$0x1], $0x80, s31, s20, $0xb8;
	[tilespmem:$0x1D400] =	vst v63  }
0x5f: {  	s26 =	simm.s32 $0x200;
	_ =	swait.ge [sflag:s18], $0x4000  }
.LBB2_6:
0x60: {  	s28 =	sshra.s32 s26, $0x2;
	[sflag:s18] =	ssyncset.done $0x0;
	p0 =	sne.s32 s26, $0x4E00  }
.Ltmp2:
0x61: {  	s28 =	sadd.s32 $0x14000, s28;
	[sflag:s18] =	ssyncadd.s32 $0xFFFFC000;
	(pc) =	sbr.rel @p0 .LBB2_6-.Ltmp2, $3  }
0x62: {  	[spmem:s2] =	stream.indirect.scatter.add.f32 [tilespmem:s21], [sflag:$0x1], $0x80, s28, s20, $0xb8;
	[tilespmem:$0x1D400] =	vst v63  }
0x63: {  	s26 =	sadd.s32 $0x200, s26;
	_ =	sdelay $0x1  }
0x64: {  	_ =	swait.ge [sflag:s18], $0x4000  }
0x65: {  	[sflag:s18] =	ssyncset.done $0x0  }
0x66: {  	s26 =	sshll.u32 s0, $0x6;
	[sflag:s18] =	ssyncadd.s32 $0xFFFFC000  }
0x67: {  	s28 =	sshrl.u32 s4, $0x3;
	s26 =	sor.u32 $0x1C01, s26;
	[bflag:$0x0] =	sbarrier.arrive $0xFFFF  }
0x68: {  	[hbm:s7], [sflag:s26] =	dma.local [spmem:s28], $0x800  }
0x69: {  	_ =	swait.ge [sflag:s18], $0x800  }
0x6a: {  	[sflag:s18] =	ssyncset.done $0x0  }
0x6b: {  	[sflag:s18] =	ssyncadd.s32 $0xFFFFF800  }
0x6c: {  	[hbm:s13], [sflag:s26] =	dma.local [spmem:s22], $0x800  }
0x6d: {  	_ =	swait.ge [sflag:s18], $0x800  }
0x6e: {  	[sflag:s18] =	ssyncset.done $0x0  }
0x6f: {  	[sflag:s18] =	ssyncadd.s32 $0xFFFFF800  }
0x70: {  	[hbm:s14], [sflag:s26] =	dma.local [spmem:s23], $0x800  }
0x71: {  	_ =	swait.ge [sflag:s18], $0x800  }
0x72: {  	[sflag:s18] =	ssyncset.done $0x0  }
0x73: {  	[sflag:s18] =	ssyncadd.s32 $0xFFFFF800  }
0x74: {  	[hbm:s15], [sflag:s26] =	dma.local [spmem:s24], $0x800  }
0x75: {  	s3 =	sadd.s32 $0x1, s3;
	_ =	swait.ge [sflag:s18], $0x800  }
0x76: {  	p0 =	sne.s32 s3, s8;
	[sflag:s18] =	ssyncset.done $0x0  }
.Ltmp3:
0x77: {  	[sflag:s18] =	ssyncadd.s32 $0xFFFFF800;
	(pc) =	sbr.rel @p0 .LBB2_1-.Ltmp3, $4  }
0x78: {  	[hbm:s16], [sflag:s26] =	dma.local [spmem:s25], $0x800  }
0x79: {  	_ =	swait.ge [sflag:s18], $0x800  }
0x7a: {  	[sflag:s18] =	ssyncset.done $0x0  }
0x7b: {  	[sflag:s18] =	ssyncadd.s32 $0xFFFFF800  }
0x7c: {  	_ =	sfence.sel $0x180000  }
0x7d: {  	[bflag:$0x0] =	sbarrier.arrive $0xFFFF  }
0x7e: {  	p0 =	sne.s32 s0, $0x0;
	_ =	strace $0x9000004D  }
0x7f: {  	s0 =	sadd.s32 @!p0 $0x100000, s1;
	[bflag:$0x2] =	sbarrier.arrive $0xFFFF  }
0x80: {  	[sflag:s0] =	ssyncadd.tile.s32 @!p0 $0x1;
	_ =	shalt  }
.Lfunc_end2:
_tile_overlayer_lowered:
.L_overlay_start_2:
0x81: {  	(tag) =	ssettag $0x2  }
0x82: {  	s0 =	rddreg [dreg:$0x0];
	s2 =	stileid.u32  }
0x83: {  	s1 =	rddreg [dreg:$0x1];
	p0 =	sne.s32 s2, $0x0  }
0x84: {  	s3 =	rddreg [dreg:$0x2];
	[bflag:$0x3] =	sbarrier.arrive $0xFFFF;
	s2 =	simm.s32 @!p0 $0x1C01  }
0x85: {  	[timem:s3], [sflag:s2] =	dma.local @!p0 [hbm:s0], s1  }
0x86: {  	s0 =	simm.s32 @!p0 $0x1  }
0x87: {  	_ =	swait.ge @!p0 [sflag:s0], s1  }
0x88: {  	s1 =	ssub.s32 @!p0 $0x0, s1;
	[sflag:s0] =	ssyncset.done @!p0 $0x0  }
0x89: {  	[sflag:s0] =	ssyncadd.s32 @!p0 s1  }
0x8a: {  	[bflag:$0x3] =	sbarrier.arrive $0xFFFF  }
0x8b: {  	_ =	shalt  }

// kernel: kernel.16.cloned.1.call-start
scs
__scs_entry_jumppad:
0x0: {  	(pc) =	sbr.rel $0x88, $3  }
0x1: {  	(tag) =	ssettag $0x0;
	lr =	simm.s32 $0x1  }
0x2: {  	[smem:$0x3F9A] =	sst lr;
	_ =	strace $0xD0000000  }
0x3: {  	_ = 	snop  }
0x4: {  	_ = 	snop  }
0x5: {  	_ = 	snop  }
0x6: {  	_ = 	snop  }
0x7: {  	_ = 	snop  }
__scs_overlays_trampoline_lowered:
0x8: {  	[smem:$0x3FA9] =	sst s0  }
0x9: {  	[smem:$0x3FAA] =	sst s1  }
0xa: {  	[smem:$0x3FAB] =	sst s2  }
0xb: {  	[smem:$0x3FAC] =	sst s3  }
0xc: {  	[smem:$0x3FAD] =	sst s4  }
0xd: {  	[smem:$0x3FAE] =	sst s5  }
0xe: {  	[smem:$0x3FAF] =	sst s6  }
0xf: {  	[smem:$0x3FB0] =	sst s7  }
0x10: {  	[smem:$0x3FB1] =	sst s8  }
0x11: {  	[smem:$0x3FB2] =	sst s9;
	s0 =	simm.s32 @!p0 $0x0  }
0x12: {  	s1 =	sld [smem:$0x3F98];
	s0 =	simm.s32 @p0 $0x1  }
0x13: {  	[smem:$0x3FB3] =	sst s0;
	s0 =	simm.s32 @!p1 $0x0  }
0x14: {  	s2 =	sld [smem:$0x3F97];
	s0 =	simm.s32 @p1 $0x1  }
0x15: {  	[smem:$0x3FB4] =	sst s0;
	s0 =	simm.s32 @!p2 $0x0  }
0x16: {  	s3 =	sld [smem:$0x3FDB];
	s0 =	simm.s32 @p2 $0x1  }
0x17: {  	s4 =	simm.s32 $0x1BF5;
	[smem:$0x3FB6] =	sst s0  }
0x18: {  	s0 =	sld [smem:$0x3F99];
	_ =	swait.ge [sflag:s4], $0x0  }
0x19: {  	s7 =	sld [smem:$0x3F9A]  }
0x1a: {  	s8 =	sadd.s32 $0xFFFFE003, lr  }
0x1b: {  	s9 =	sadd.s32 $0xFFFFFEF7, lr;
	s5 =	simm.s32 $0xFFFFFFFF;
	p2 =	slt.u32 s8, $0xFFFFF086  }
0x1c: {  	p1 =	slt.u32 s9, $0xF7A;
	s5 =	simm.s32 @!p2 $0x0  }
0x1d: {  	s5 =	simm.s32 @p1 $0x1;
	p0 =	seq.s32 s7, s2  }
0x1e: {  	s7 =	smul.u32 @!p0 $0xF7A, s2;
	p2 =	seq.s32 @!p0 s5, $0x0  }
0x1f: {  	s9 =	smul.u32 $0xF7A, s1;
	s8 =	simm.s32 @!p0 $0x1BF5;
	p2 =	por !p2, p0  }
0x20: {  	[sflag:s8] =	ssyncset.s32 @!p0 $0xFFFFF086;
	s6 =	sadd.s32 @!p0 s3, s7;
	s7 =	simm.s32 @!p0 $0x108  }
0x21: {  	s3 =	sadd.s32 s3, s9;
	s6 =	sadd.s32 @!p0 $0x88, s6;
	s7 =	simm.s32 @p2 $0x1082  }
0x22: {  	[simem:s7], [sflag:s8] =	dma.local @!p0 [hbm:s6], $0xF7A  }
0x23: {  	s9 =	sor.u32 $0xD0000000, s2;
	s6 =	simm.s32 $0x108;
	_ =	swait.ge @!p0 [sflag:s8], $0x0  }
0x24: {  	s3 =	sadd.s32 $0x88, s3;
	s6 =	simm.s32 @!p1 $0x1082;
	[sflag:s4] =	ssyncset.s32 $0xFFFFF086  }
0x25: {  	[simem:s6], [sflag:s4] =	dma.local [hbm:s3], $0xF7A  }
0x26: {  	[smem:$0x3F9A] =	sst s1;
	(tag) =	ssettag s2;
	_ =	strace s9  }
0x27: {  	s1 =	sld [smem:$0x3FAA]  }
0x28: {  	s2 =	sld [smem:$0x3FAB]  }
0x29: {  	s4 =	sld [smem:$0x3FAD]  }
0x2a: {  	p0 =	seq.s32 s5, $0x0;
	s5 =	sld [smem:$0x3FAE]  }
0x2b: {  	s6 =	sld [smem:$0x3FAF]  }
0x2c: {  	s7 =	sld [smem:$0x3FB0]  }
0x2d: {  	s3 =	simm.s32 $0x108;
	s8 =	sld [smem:$0x3FB1]  }
0x2e: {  	s3 =	simm.s32 @!p0 $0x1082;
	s9 =	sld [smem:$0x3FB2]  }
0x2f: {  	lr =	sadd.s32 s0, s3;
	s0 =	sld [smem:$0x3FA9]  }
0x30: {  	s3 =	sld [smem:$0x3FAC]  }
0x31: {  	[smem:$0x3FB5] =	sst s10  }
0x32: {  	s10 =	sld [smem:$0x3FB3];
	_ =	sdelay $0x3  }
0x33: {  	p0 =	seq.s32 s10, $0x1;
	s10 =	sld [smem:$0x3FB5];
	_ =	sdelay $0x3  }
0x34: {  	[smem:$0x3FB5] =	sst s10  }
0x35: {  	s10 =	sld [smem:$0x3FB4];
	_ =	sdelay $0x3  }
0x36: {  	p1 =	seq.s32 s10, $0x1;
	s10 =	sld [smem:$0x3FB5];
	_ =	sdelay $0x3  }
0x37: {  	[smem:$0x3FB5] =	sst s10  }
0x38: {  	s10 =	sld [smem:$0x3FB6]  }
0x39: {  	_ = 	snop;
	(pc) =	sbr.ind lr, $3  }
0x3a: {  	_ = 	snop  }
0x3b: {  	_ = 	snop  }
0x3c: {  	p2 =	seq.s32 s10, $0x1;
	s10 =	sld [smem:$0x3FB5]  }
0x3d: {  	_ =	shalt  }
0x3e: {  	_ =	shalt  }
0x3f: {  	_ =	shalt  }
0x40: {  	_ =	shalt  }
0x41: {  	_ =	shalt  }
0x42: {  	_ =	shalt  }
0x43: {  	_ =	shalt  }
0x44: {  	_ =	shalt  }
0x45: {  	_ =	shalt  }
0x46: {  	_ =	shalt  }
0x47: {  	_ =	shalt  }
0x48: {  	_ =	shalt  }
0x49: {  	_ =	shalt  }
0x4a: {  	_ =	shalt  }
0x4b: {  	_ =	shalt  }
0x4c: {  	_ =	shalt  }
0x4d: {  	_ =	shalt  }
0x4e: {  	_ =	shalt  }
0x4f: {  	_ =	shalt  }
0x50: {  	_ =	shalt  }
0x51: {  	_ =	shalt  }
0x52: {  	_ =	shalt  }
0x53: {  	_ =	shalt  }
0x54: {  	_ =	shalt  }
0x55: {  	_ =	shalt  }
0x56: {  	_ =	shalt  }
0x57: {  	_ =	shalt  }
0x58: {  	_ =	shalt  }
0x59: {  	_ =	shalt  }
0x5a: {  	_ =	shalt  }
0x5b: {  	_ =	shalt  }
0x5c: {  	_ =	shalt  }
0x5d: {  	_ =	shalt  }
0x5e: {  	_ =	shalt  }
0x5f: {  	_ =	shalt  }
0x60: {  	_ =	shalt  }
0x61: {  	_ =	shalt  }
0x62: {  	_ =	shalt  }
0x63: {  	_ =	shalt  }
0x64: {  	_ =	shalt  }
0x65: {  	_ =	shalt  }
0x66: {  	_ =	shalt  }
0x67: {  	_ =	shalt  }
0x68: {  	_ =	shalt  }
0x69: {  	_ =	shalt  }
0x6a: {  	_ =	shalt  }
0x6b: {  	_ =	shalt  }
0x6c: {  	_ =	shalt  }
0x6d: {  	_ =	shalt  }
0x6e: {  	_ =	shalt  }
0x6f: {  	_ =	shalt  }
0x70: {  	_ =	shalt  }
0x71: {  	_ =	shalt  }
0x72: {  	_ =	shalt  }
0x73: {  	_ =	shalt  }
0x74: {  	_ =	shalt  }
0x75: {  	_ =	shalt  }
0x76: {  	_ =	shalt  }
0x77: {  	_ =	shalt  }
0x78: {  	_ =	shalt  }
0x79: {  	_ =	shalt  }
0x7a: {  	_ =	shalt  }
0x7b: {  	_ =	shalt  }
0x7c: {  	_ =	shalt  }
0x7d: {  	_ =	shalt  }
0x7e: {  	_ =	shalt  }
0x7f: {  	_ =	shalt  }
0x80: {  	_ =	shalt  }
0x81: {  	_ =	shalt  }
0x82: {  	_ =	shalt  }
0x83: {  	_ =	shalt  }
0x84: {  	_ =	shalt  }
0x85: {  	_ =	shalt  }
0x86: {  	_ =	shalt  }
0x87: {  	_ =	shalt  }
.Lfunc_end0:
.L_simem_size_0:
called_computation.1_lowered:
.L_overlay_start_0:
0x88: {  	s2 =	sld [smem:$0x3FD9]  }
0x89: {  	s3 =	sld [smem:$0x3FFE];
	_ =	sdelay $0x1  }
0x8a: {  	s1 =	srdreg.scid  }
0x8b: {  	s0 =	sand.u32 $0x1, s1  }
0x8c: {  	s17 =	sshll.u32 s0, $0xA;
	s2 =	sadd.s32 s3, s2  }
0x8d: {  	s2 =	sadd.s32 s2, s17  }
0x8e: {  	[smem:$0x3FC1] =	sst s2  }
0x8f: {  	_ = 	snop  }
0x90: {  	(tm) =	ssettm $0x1  }
0x91: {  	s18 =	sld [smem:$0x3FFB];
	_ =	sdelay $0x3  }
0x92: {  	_ =	strace s18  }
0x93: {  	s2 =	sld [smem:$0x3FFC];
	_ =	sdelay $0x3  }
0x94: {  	_ =	strace s2  }
0x95: {  	s2 =	sld [smem:$0x3FFD];
	_ =	sdelay $0x3  }
0x96: {  	_ =	strace s2  }
0x97: {  	_ =	strace $0x8FFFFFFF  }
0x98: {  	s19 =	sld [smem:$0x3FDB];
	_ =	sdelay $0x1  }
0x99: {  	s20 =	simm.s32 $_scs_section_size  }
0x9a: {  	s4 =	simm.s32 $_size__tile_overlayer_lowered;
	s5 =	simm.s32 $_tile_overlayer_lowered  }
0x9b: {  	s6 =	simm.s32 $0x1BFF;
	s21 =	sshll.u32 s5, $0x1;
	s3 =	sadd.s32 s20, s19  }
0x9c: {  	s22 =	simm.s32 $0x0;
	s4 =	sshll.u32 s4, $0x1;
	s5 =	sadd.s32 s21, s3  }
0x9d: {  	[timem:s22], [sflag:s6] =	dma.local [hbm:s5], s4  }
0x9e: {  	_ =	swait.ge [sflag:s6], s4  }
0x9f: {  	s4 =	ssub.s32 $0x0, s4;
	[sflag:s6] =	ssyncset.done $0x0  }
0xa0: {  	[sflag:s6] =	ssyncadd.s32 s4;
	_ =	sdelay $0x1  }
0xa1: {  	s23 =	simm.s32 $0x1B8B  }
0xa2: {  	_ =	swait.ge [sflag:s23], $0x1  }
0xa3: {  	[sflag:s23] =	ssyncset.done $0x0  }
0xa4: {  	[sflag:s23] =	ssyncadd.s32 $0xFFFFFFFF  }
0xa5: {  	s4 =	sld [smem:$0x0]  }
0xa6: {  	s5 =	sand.u32 $0xFFFFFFFE, s1  }
0xa7: {  	p0 =	sne.s32 s1, s5  }
0xa8: {  	s5 =	sshll.u32 @p0 s5, $0xE  }
0xa9: {  	s5 =	sadd.s32 @p0 $0x11B8D, s5;
	s6 =	sshll.u32 @p0 s4, $0x11  }
0xaa: {  	s5 =	sor.u32 @p0 s6, s5  }
0xab: {  	[sflag:s5] =	ssyncadd.remote.s32 @p0 $0x1;
	_ =	sdelay $0x1  }
0xac: {  	s5 =	simm.s32 @p0 $0x1B8D  }
0xad: {  	_ =	swait.eq @p0 [sflag:s5], $0x1  }
0xae: {  	[sflag:s5] =	ssyncadd.s32 @p0 $0xFFFFFFFF  }
0xaf: {  	s6 =	sshll.u32 @!p0 s1, $0xE  }
0xb0: {  	s6 =	sor.u32 @!p0 $0x4000, s6;
	s5 =	simm.s32 @!p0 $0x1B8D  }
0xb1: {  	s4 =	sshll.u32 @!p0 s4, $0x11;
	s6 =	sadd.s32 @!p0 $0x11B8D, s6;
	_ =	swait.eq @!p0 [sflag:s5], $0x1  }
0xb2: {  	s4 =	sor.u32 @!p0 s4, s6;
	[sflag:s5] =	ssyncadd.s32 @!p0 $0xFFFFFFFF  }
0xb3: {  	s25 =	simm.s32 $0x1B8E;
	s24 =	sld [smem:$0x3FFE];
	[sflag:s4] =	ssyncadd.remote.s32 @!p0 $0x1  }
0xb4: {  	s26 =	simm.s32 $execute0_lowered;
	[smem:$0x3FD2] =	sst s25  }
0xb5: {  	s5 =	sshll.u32 s26, $0x1;
	_ =	strace $0x80000049;
	[dreg:$0x1] =	wrdreg $0xFFFFFFFF  }
0xb6: {  	s28 =	simm.s32 $_size_execute0_lowered;
	s3 =	sadd.s32 s3, s5;
	[dreg:$0x0] =	wrdreg $0x0  }
0xb7: {  	s5 =	sshll.u32 s28, $0x1;
	[dreg:$0x2] =	wrdreg s3  }
0xb8: {  	[dreg:$0x3] =	wrdreg s5  }
0xb9: {  	[dreg:$0x4] =	wrdreg $0xC0  }
0xba: {  	_ =	task [dreg:s22], $0x5FFFF  }
0xbb: {  	[dreg:$0x1] =	wrdreg $0xFFFFFFFF  }
0xbc: {  	[dreg:$0x0] =	wrdreg $0x60  }
0xbd: {  	[dreg:$0x2] =	wrdreg s24  }
0xbe: {  	[dreg:$0x3] =	wrdreg $0x0  }
0xbf: {  	[dreg:$0x4] =	wrdreg $0xA  }
0xc0: {  	_ =	task.clear_ibuf [dreg:s22], $0x5FFFF;
	_ =	strace $0x90000049  }
0xc1: {  	s29 =	simm.s32 $0xA;
	_ =	strace $0x8000004B  }
0xc2: {  	_ =	swait.ge [sflag:s29], $0x1  }
0xc3: {  	[sflag:s29] =	ssyncadd.s32 $0xFFFFFFFF  }
0xc4: {  	_ =	strace $0x9000004B  }
0xc5: {  	_ =	sfence  }
0xc6: {  	s30 =	sld [smem:$0x0];
	_ =	sdelay $0x2  }
0xc7: {  	s31 =	sshll.u32 s1, $0xD;
	s1 =	sshrl.u32 s1, $0x2  }
0xc8: {  	s4 =	sand.u32 $0x4000, s31;
	s1 =	sadd.s32 s1, s30  }
0xc9: {  	s0 =	sor.u32 s4, s0;
	s1 =	sshll.u32 s1, $0x11  }
0xca: {  	s0 =	sor.u32 s1, s0  }
0xcb: {  	s0 =	sadd.s32 $0x8F2B, s0  }
0xcc: {  	[sflag:s0] =	ssyncadd.remote.s32 $0x1  }
0xcd: {  	_ =	sfence.sel $0xFFFF  }
0xce: {  	[dreg:$0x0] =	wrdreg $0xFFFFFFFF;
	(pc) =	sbr.abs _section_cstart, $3  }
0xcf: {  	[dreg:$0x1] =	wrdreg $0xFFFFFFFF  }
0xd0: {  	_ =	task.clear_ibuf [dreg:s22], $0x2FFFF;
	_ =	strace $0x9FFFFFFF  }
0xd1: {  	(tm) =	ssettm $0x7FFFFFFF  }
tec
execute0_lowered:
.L_overlay_start_1:
0x0: {  	(tag) =	ssettag $0x1  }
0x1: {  	s1 =	srdreg.scid;
	s4 =	rddreg [dreg:$0x0]  }
0x2: {  	s0 =	stileid.u32;
	s2 =	rddreg [dreg:$0x1];
	s3 =	simm.s32 $0x0  }
0x3: {  	s5 =	sand.u32 $0x1, s1;
	s1 =	rddreg [dreg:$0x2];
	s7 =	smul.u32 $0x50000, s0  }
0x4: {  	s23 =	sshll.u32 s0, $0x1;
	[smem:$0x7FF] =	sst s3;
	s14 =	smul.u32 $0x14000, s0  }
0x5: {  	s16 =	sadd.s32 $0x85000, s4;
	s6 =	sor.u32 s5, s23;
	s15 =	smul.u32 $0x140000, s5  }
0x6: {  	_ =	strace $0x8000004A;
	s5 =	ssub.s32 $0x2, s5;
	s6 =	smul.u32 $0x2800, s6  }
0x7: {  	s24 =	sshrl.u32 s5, $0x1;
	s25 =	sshrl.u32 s7, $0x2;
	s17 =	sadd.s32 $0x4000, s14  }
0x8: {  	s18 =	sadd.s32 $0x8000, s14;
	s19 =	sadd.s32 $0xC000, s14;
	s21 =	sadd.s32 $0x10000, s14  }
0x9: {  	s8 =	ssub.s32 s5, s24;
	s26 =	sadd.s32 s15, s14;
	s12 =	sadd.s32 s15, s17  }
0xa: {  	s22 =	sadd.s32 s17, s2;
	s28 =	sadd.s32 s15, s18;
	s20 =	sadd.s32 s15, s19  }
0xb: {  	s30 =	sadd.s32 s15, s21;
	s23 =	sadd.s32 s18, s2;
	s24 =	sadd.s32 s19, s2  }
0xc: {  	s18 =	simm.s32 $0x1;
	s19 =	simm.s32 $0x14000;
	s6 =	sshrl.u32 s6, $0x3  }
0xd: {  	s7 =	sshrl.u32 s26, $0x3;
	s8 =	smax.u32 s8, $0x1;
	s13 =	sshrl.u32 s12, $0x3  }
0xe: {  	s17 =	sshrl.u32 s28, $0x3;
	s29 =	sshrl.u32 s20, $0x3;
	s31 =	sshrl.u32 s30, $0x3  }
0xf: {  	s20 =	simm.s32 $0x80;
	s22 =	sshrl.u32 s22, $0x3;
	s23 =	sshrl.u32 s23, $0x3  }
0x10: {  	s24 =	sshrl.u32 s24, $0x3;
	s6 =	sadd.s32 s6, s4;
	s4 =	sadd.s32 s25, s2  }
0x11: {  	s7 =	sadd.s32 s16, s7;
	s13 =	sadd.s32 s16, s13;
	s14 =	sadd.s32 s16, s17  }
0x12: {  	s15 =	sadd.s32 s16, s29;
	s16 =	sadd.s32 s16, s31;
	s25 =	sadd.s32 s21, s2  }
0x13: {  	s17 =	simm.s32 $0x15400;
	s21 =	simm.s32 $0x19400;
	s5 =	sadd.s32 $0x3000, s6  }
0x14: {  	s6 =	sadd.s32 $0x3280, s6;
	s9 =	sadd.s32 $0x4000, s4;
	s10 =	sadd.s32 $0x8000, s4  }
0x15: {  	v0 =	vimm.f32 $0.0e+00;
	v1 =	vimm.f32 $1.000000000e+00;
	s11 =	sadd.s32 $0xC000, s4;
	s12 =	sadd.s32 $0x10000, s4;
	s25 =	sshrl.u32 s25, $0x3  }
.LBB2_1:
0x16: {  	s26 =	simm.s32 $0x0;
	s28 =	simm.s32 $0x200  }
.LBB2_2:
0x17: {  	p0 =	sne.s32 s28, $0xFE00;
	[tilespmem:s26+$0x19470] =	vst v1  }
0x18: {  	[tilespmem:s26+$0x15400] =	vst v0  }
0x19: {  	[tilespmem:s26+$0x19400] =	vst v1  }
0x1a: {  	[tilespmem:s26+$0x15410] =	vst v0  }
0x1b: {  	[tilespmem:s26+$0x19410] =	vst v1  }
0x1c: {  	[tilespmem:s26+$0x15420] =	vst v0  }
0x1d: {  	[tilespmem:s26+$0x19420] =	vst v1  }
0x1e: {  	[tilespmem:s26+$0x15430] =	vst v0  }
0x1f: {  	[tilespmem:s26+$0x19430] =	vst v1  }
0x20: {  	[tilespmem:s26+$0x15440] =	vst v0  }
0x21: {  	[tilespmem:s26+$0x19440] =	vst v1  }
.Ltmp0:
0x22: {  	[tilespmem:s26+$0x15450] =	vst v0;
	(pc) =	sbr.rel @p0 .LBB2_2-.Ltmp0, $4  }
0x23: {  	[tilespmem:s26+$0x19450] =	vst v1  }
0x24: {  	[tilespmem:s26+$0x15460] =	vst v0  }
0x25: {  	[tilespmem:s26+$0x19460] =	vst v1  }
0x26: {  	[tilespmem:s26+$0x15470] =	vst v0;
	s26 =	sshra.s32 s28, $0x2;
	s28 =	sadd.s32 $0x200, s28  }
0x27: {  	[tilespmem:s26+$0x19470] =	vst v1  }
0x28: {  	[tilespmem:s26+$0x15400] =	vst v0  }
0x29: {  	[tilespmem:s26+$0x19400] =	vst v1  }
0x2a: {  	[tilespmem:s26+$0x15410] =	vst v0  }
0x2b: {  	[tilespmem:s26+$0x19410] =	vst v1  }
0x2c: {  	[tilespmem:s26+$0x15420] =	vst v0  }
0x2d: {  	[tilespmem:s26+$0x19420] =	vst v1  }
0x2e: {  	[tilespmem:s26+$0x15430] =	vst v0  }
0x2f: {  	[tilespmem:s26+$0x19430] =	vst v1  }
0x30: {  	[tilespmem:s26+$0x15440] =	vst v0  }
0x31: {  	[tilespmem:s26+$0x19440] =	vst v1  }
0x32: {  	[tilespmem:s26+$0x15450] =	vst v0  }
0x33: {  	[tilespmem:s26+$0x19450] =	vst v1  }
0x34: {  	[tilespmem:s26+$0x15460] =	vst v0  }
0x35: {  	[tilespmem:s26+$0x19460] =	vst v1  }
0x36: {  	[tilespmem:s26+$0x15470] =	vst v0  }
0x37: {  	[spmem:s4] =	stream.linear.scatter [tilespmem:s17], [sflag:$0x1], $0x4000, $0x38;
	[tilespmem:$0x1D400] =	vst v63  }
0x38: {  	_ =	swait.ge [sflag:s18], $0x4000  }
0x39: {  	[sflag:s18] =	ssyncset.done $0x0  }
0x3a: {  	[sflag:s18] =	ssyncadd.s32 $0xFFFFC000  }
0x3b: {  	[spmem:s9] =	stream.linear.scatter [tilespmem:s17], [sflag:$0x1], $0x4000, $0x38;
	[tilespmem:$0x1D400] =	vst v63  }
0x3c: {  	_ =	swait.ge [sflag:s18], $0x4000  }
0x3d: {  	[sflag:s18] =	ssyncset.done $0x0  }
0x3e: {  	[sflag:s18] =	ssyncadd.s32 $0xFFFFC000  }
0x3f: {  	[spmem:s10] =	stream.linear.scatter [tilespmem:s17], [sflag:$0x1], $0x4000, $0x38;
	[tilespmem:$0x1D400] =	vst v63  }
0x40: {  	_ =	swait.ge [sflag:s18], $0x4000  }
0x41: {  	[sflag:s18] =	ssyncset.done $0x0  }
0x42: {  	[sflag:s18] =	ssyncadd.s32 $0xFFFFC000  }
0x43: {  	[spmem:s11] =	stream.linear.scatter [tilespmem:s17], [sflag:$0x1], $0x4000, $0x38;
	[tilespmem:$0x1D400] =	vst v63  }
0x44: {  	_ =	swait.ge [sflag:s18], $0x4000  }
0x45: {  	[sflag:s18] =	ssyncset.done $0x0  }
0x46: {  	[sflag:s18] =	ssyncadd.s32 $0xFFFFC000  }
0x47: {  	[spmem:s12] =	stream.linear.scatter [tilespmem:s17], [sflag:$0x1], $0x4000, $0x38;
	[tilespmem:$0x1D400] =	vst v63  }
0x48: {  	_ =	swait.ge [sflag:s18], $0x4000  }
0x49: {  	[sflag:s18] =	ssyncset.done $0x0  }
0x4a: {  	[sflag:s18] =	ssyncadd.s32 $0xFFFFC000  }
0x4b: {  	s30 =	simm.s32 $0x0;
	[bflag:$0x0] =	sbarrier.arrive $0xFFFF  }
0x4c: {  	[tilespmem:s19], [sflag:$0x1] =	stream.linear.gather [hbm4b:s5+s30], $0x1400, $0x38;
	[tilespmem:$0x1D400] =	vst v63  }
0x4d: {  	_ =	swait.ge [sflag:s18], $0x1400  }
0x4e: {  	[sflag:s18] =	ssyncset.done $0x0  }
0x4f: {  	s31 =	simm.s32 $0x14000;
	[sflag:s18] =	ssyncadd.s32 $0xFFFFEC00  }
0x50: {  	[spmem:s2] =	stream.indirect.scatter.add.f32 [tilespmem:s21], [sflag:$0x1], $0x80, s31, s20, $0xb8;
	[tilespmem:$0x1D400] =	vst v63  }
0x51: {  	s26 =	simm.s32 $0x200;
	_ =	swait.ge [sflag:s18], $0x4000  }
.LBB2_4:
0x52: {  	s28 =	sshra.s32 s26, $0x2;
	[sflag:s18] =	ssyncset.done $0x0;
	p0 =	sne.s32 s26, $0x4E00  }
.Ltmp1:
0x53: {  	s28 =	sadd.s32 $0x14000, s28;
	[sflag:s18] =	ssyncadd.s32 $0xFFFFC000;
	(pc) =	sbr.rel @p0 .LBB2_4-.Ltmp1, $3  }
0x54: {  	[spmem:s2] =	stream.indirect.scatter.add.f32 [tilespmem:s21], [sflag:$0x1], $0x80, s28, s20, $0xb8;
	[tilespmem:$0x1D400] =	vst v63  }
0x55: {  	s26 =	sadd.s32 $0x200, s26;
	_ =	sdelay $0x1  }
0x56: {  	_ =	swait.ge [sflag:s18], $0x4000  }
0x57: {  	[sflag:s18] =	ssyncset.done $0x0  }
0x58: {  	s26 =	simm.s32 $0x0;
	[sflag:s18] =	ssyncadd.s32 $0xFFFFC000  }
0x59: {  	[tilespmem:s19], [sflag:$0x1] =	stream.linear.gather [hbm4b:s6+s26], $0x1400, $0x38;
	[tilespmem:$0x1D400] =	vst v63  }
0x5a: {  	_ =	swait.ge [sflag:s18], $0x1400  }
0x5b: {  	[sflag:s18] =	ssyncset.done $0x0  }
0x5c: {  	s31 =	simm.s32 $0x14000;
	[sflag:s18] =	ssyncadd.s32 $0xFFFFEC00  }
0x5d: {  	[spmem:s2] =	stream.indirect.scatter.add.f32 [tilespmem:s21], [sflag:$0x1], $0x80, s31, s20, $0xb8;
	[tilespmem:$0x1D400] =	vst v63  }
0x5e: {  	s26 =	simm.s32 $0x200;
	_ =	swait.ge [sflag:s18], $0x4000  }
.LBB2_6:
0x5f: {  	s28 =	sshra.s32 s26, $0x2;
	[sflag:s18] =	ssyncset.done $0x0;
	p0 =	sne.s32 s26, $0x4E00  }
.Ltmp2:
0x60: {  	s28 =	sadd.s32 $0x14000, s28;
	[sflag:s18] =	ssyncadd.s32 $0xFFFFC000;
	(pc) =	sbr.rel @p0 .LBB2_6-.Ltmp2, $3  }
0x61: {  	[spmem:s2] =	stream.indirect.scatter.add.f32 [tilespmem:s21], [sflag:$0x1], $0x80, s28, s20, $0xb8;
	[tilespmem:$0x1D400] =	vst v63  }
0x62: {  	s26 =	sadd.s32 $0x200, s26;
	_ =	sdelay $0x1  }
0x63: {  	_ =	swait.ge [sflag:s18], $0x4000  }
0x64: {  	[sflag:s18] =	ssyncset.done $0x0  }
0x65: {  	s26 =	sshll.u32 s0, $0x6;
	[sflag:s18] =	ssyncadd.s32 $0xFFFFC000  }
0x66: {  	s28 =	sshrl.u32 s4, $0x3;
	s26 =	sor.u32 $0x1C01, s26;
	[bflag:$0x0] =	sbarrier.arrive $0xFFFF  }
0x67: {  	[hbm:s7], [sflag:s26] =	dma.local [spmem:s28], $0x800  }
0x68: {  	_ =	swait.ge [sflag:s18], $0x800  }
0x69: {  	[sflag:s18] =	ssyncset.done $0x0  }
0x6a: {  	[sflag:s18] =	ssyncadd.s32 $0xFFFFF800  }
0x6b: {  	[hbm:s13], [sflag:s26] =	dma.local [spmem:s22], $0x800  }
0x6c: {  	_ =	swait.ge [sflag:s18], $0x800  }
0x6d: {  	[sflag:s18] =	ssyncset.done $0x0  }
0x6e: {  	[sflag:s18] =	ssyncadd.s32 $0xFFFFF800  }
0x6f: {  	[hbm:s14], [sflag:s26] =	dma.local [spmem:s23], $0x800  }
0x70: {  	_ =	swait.ge [sflag:s18], $0x800  }
0x71: {  	[sflag:s18] =	ssyncset.done $0x0  }
0x72: {  	[sflag:s18] =	ssyncadd.s32 $0xFFFFF800  }
0x73: {  	[hbm:s15], [sflag:s26] =	dma.local [spmem:s24], $0x800  }
0x74: {  	s3 =	sadd.s32 $0x1, s3;
	_ =	swait.ge [sflag:s18], $0x800  }
0x75: {  	p0 =	sne.s32 s3, s8;
	[sflag:s18] =	ssyncset.done $0x0  }
.Ltmp3:
0x76: {  	[sflag:s18] =	ssyncadd.s32 $0xFFFFF800;
	(pc) =	sbr.rel @p0 .LBB2_1-.Ltmp3, $4  }
0x77: {  	[hbm:s16], [sflag:s26] =	dma.local [spmem:s25], $0x800  }
0x78: {  	_ =	swait.ge [sflag:s18], $0x800  }
0x79: {  	[sflag:s18] =	ssyncset.done $0x0  }
0x7a: {  	[sflag:s18] =	ssyncadd.s32 $0xFFFFF800  }
0x7b: {  	_ =	sfence.sel $0x180000  }
0x7c: {  	[bflag:$0x0] =	sbarrier.arrive $0xFFFF  }
0x7d: {  	p0 =	sne.s32 s0, $0x0;
	_ =	strace $0x9000004A  }
0x7e: {  	s0 =	sadd.s32 @!p0 $0x100000, s1;
	[bflag:$0x2] =	sbarrier.arrive $0xFFFF  }
0x7f: {  	[sflag:s0] =	ssyncadd.tile.s32 @!p0 $0x1;
	_ =	shalt  }
.Lfunc_end2:
_tile_overlayer_lowered:
.L_overlay_start_2:
0x80: {  	(tag) =	ssettag $0x2  }
0x81: {  	s0 =	rddreg [dreg:$0x0];
	s2 =	stileid.u32  }
0x82: {  	s1 =	rddreg [dreg:$0x1];
	p0 =	sne.s32 s2, $0x0  }
0x83: {  	s3 =	rddreg [dreg:$0x2];
	[bflag:$0x3] =	sbarrier.arrive $0xFFFF;
	s2 =	simm.s32 @!p0 $0x1C01  }
0x84: {  	[timem:s3], [sflag:s2] =	dma.local @!p0 [hbm:s0], s1  }
0x85: {  	s0 =	simm.s32 @!p0 $0x1  }
0x86: {  	_ =	swait.ge @!p0 [sflag:s0], s1  }
0x87: {  	s1 =	ssub.s32 @!p0 $0x0, s1;
	[sflag:s0] =	ssyncset.done @!p0 $0x0  }
0x88: {  	[sflag:s0] =	ssyncadd.s32 @!p0 s1  }
0x89: {  	[bflag:$0x3] =	sbarrier.arrive $0xFFFF  }
0x8a: {  	_ =	shalt  }

// kernel: kernel.19.cloned.1.call-start
scs
__scs_entry_jumppad:
0x0: {  	(pc) =	sbr.rel $0x88, $3  }
0x1: {  	(tag) =	ssettag $0x0;
	lr =	simm.s32 $0x1  }
0x2: {  	[smem:$0x3F9A] =	sst lr;
	_ =	strace $0xD0000000  }
0x3: {  	_ = 	snop  }
0x4: {  	_ = 	snop  }
0x5: {  	_ = 	snop  }
0x6: {  	_ = 	snop  }
0x7: {  	_ = 	snop  }
__scs_overlays_trampoline_lowered:
0x8: {  	[smem:$0x3FA9] =	sst s0  }
0x9: {  	[smem:$0x3FAA] =	sst s1  }
0xa: {  	[smem:$0x3FAB] =	sst s2  }
0xb: {  	[smem:$0x3FAC] =	sst s3  }
0xc: {  	[smem:$0x3FAD] =	sst s4  }
0xd: {  	[smem:$0x3FAE] =	sst s5  }
0xe: {  	[smem:$0x3FAF] =	sst s6  }
0xf: {  	[smem:$0x3FB0] =	sst s7  }
0x10: {  	[smem:$0x3FB1] =	sst s8  }
0x11: {  	[smem:$0x3FB2] =	sst s9;
	s0 =	simm.s32 @!p0 $0x0  }
0x12: {  	s1 =	sld [smem:$0x3F98];
	s0 =	simm.s32 @p0 $0x1  }
0x13: {  	[smem:$0x3FB3] =	sst s0;
	s0 =	simm.s32 @!p1 $0x0  }
0x14: {  	s2 =	sld [smem:$0x3F97];
	s0 =	simm.s32 @p1 $0x1  }
0x15: {  	[smem:$0x3FB4] =	sst s0;
	s0 =	simm.s32 @!p2 $0x0  }
0x16: {  	s3 =	sld [smem:$0x3FDB];
	s0 =	simm.s32 @p2 $0x1  }
0x17: {  	s4 =	simm.s32 $0x1BF5;
	[smem:$0x3FB6] =	sst s0  }
0x18: {  	s0 =	sld [smem:$0x3F99];
	_ =	swait.ge [sflag:s4], $0x0  }
0x19: {  	s7 =	sld [smem:$0x3F9A]  }
0x1a: {  	s8 =	sadd.s32 $0xFFFFE003, lr  }
0x1b: {  	s9 =	sadd.s32 $0xFFFFFEF7, lr;
	s5 =	simm.s32 $0xFFFFFFFF;
	p2 =	slt.u32 s8, $0xFFFFF086  }
0x1c: {  	p1 =	slt.u32 s9, $0xF7A;
	s5 =	simm.s32 @!p2 $0x0  }
0x1d: {  	s5 =	simm.s32 @p1 $0x1;
	p0 =	seq.s32 s7, s2  }
0x1e: {  	s7 =	smul.u32 @!p0 $0xF7A, s2;
	p2 =	seq.s32 @!p0 s5, $0x0  }
0x1f: {  	s9 =	smul.u32 $0xF7A, s1;
	s8 =	simm.s32 @!p0 $0x1BF5;
	p2 =	por !p2, p0  }
0x20: {  	[sflag:s8] =	ssyncset.s32 @!p0 $0xFFFFF086;
	s6 =	sadd.s32 @!p0 s3, s7;
	s7 =	simm.s32 @!p0 $0x108  }
0x21: {  	s3 =	sadd.s32 s3, s9;
	s6 =	sadd.s32 @!p0 $0x88, s6;
	s7 =	simm.s32 @p2 $0x1082  }
0x22: {  	[simem:s7], [sflag:s8] =	dma.local @!p0 [hbm:s6], $0xF7A  }
0x23: {  	s9 =	sor.u32 $0xD0000000, s2;
	s6 =	simm.s32 $0x108;
	_ =	swait.ge @!p0 [sflag:s8], $0x0  }
0x24: {  	s3 =	sadd.s32 $0x88, s3;
	s6 =	simm.s32 @!p1 $0x1082;
	[sflag:s4] =	ssyncset.s32 $0xFFFFF086  }
0x25: {  	[simem:s6], [sflag:s4] =	dma.local [hbm:s3], $0xF7A  }
0x26: {  	[smem:$0x3F9A] =	sst s1;
	(tag) =	ssettag s2;
	_ =	strace s9  }
0x27: {  	s1 =	sld [smem:$0x3FAA]  }
0x28: {  	s2 =	sld [smem:$0x3FAB]  }
0x29: {  	s4 =	sld [smem:$0x3FAD]  }
0x2a: {  	p0 =	seq.s32 s5, $0x0;
	s5 =	sld [smem:$0x3FAE]  }
0x2b: {  	s6 =	sld [smem:$0x3FAF]  }
0x2c: {  	s7 =	sld [smem:$0x3FB0]  }
0x2d: {  	s3 =	simm.s32 $0x108;
	s8 =	sld [smem:$0x3FB1]  }
0x2e: {  	s3 =	simm.s32 @!p0 $0x1082;
	s9 =	sld [smem:$0x3FB2]  }
0x2f: {  	lr =	sadd.s32 s0, s3;
	s0 =	sld [smem:$0x3FA9]  }
0x30: {  	s3 =	sld [smem:$0x3FAC]  }
0x31: {  	[smem:$0x3FB5] =	sst s10  }
0x32: {  	s10 =	sld [smem:$0x3FB3];
	_ =	sdelay $0x3  }
0x33: {  	p0 =	seq.s32 s10, $0x1;
	s10 =	sld [smem:$0x3FB5];
	_ =	sdelay $0x3  }
0x34: {  	[smem:$0x3FB5] =	sst s10  }
0x35: {  	s10 =	sld [smem:$0x3FB4];
	_ =	sdelay $0x3  }
0x36: {  	p1 =	seq.s32 s10, $0x1;
	s10 =	sld [smem:$0x3FB5];
	_ =	sdelay $0x3  }
0x37: {  	[smem:$0x3FB5] =	sst s10  }
0x38: {  	s10 =	sld [smem:$0x3FB6]  }
0x39: {  	_ = 	snop;
	(pc) =	sbr.ind lr, $3  }
0x3a: {  	_ = 	snop  }
0x3b: {  	_ = 	snop  }
0x3c: {  	p2 =	seq.s32 s10, $0x1;
	s10 =	sld [smem:$0x3FB5]  }
0x3d: {  	_ =	shalt  }
0x3e: {  	_ =	shalt  }
0x3f: {  	_ =	shalt  }
0x40: {  	_ =	shalt  }
0x41: {  	_ =	shalt  }
0x42: {  	_ =	shalt  }
0x43: {  	_ =	shalt  }
0x44: {  	_ =	shalt  }
0x45: {  	_ =	shalt  }
0x46: {  	_ =	shalt  }
0x47: {  	_ =	shalt  }
0x48: {  	_ =	shalt  }
0x49: {  	_ =	shalt  }
0x4a: {  	_ =	shalt  }
0x4b: {  	_ =	shalt  }
0x4c: {  	_ =	shalt  }
0x4d: {  	_ =	shalt  }
0x4e: {  	_ =	shalt  }
0x4f: {  	_ =	shalt  }
0x50: {  	_ =	shalt  }
0x51: {  	_ =	shalt  }
0x52: {  	_ =	shalt  }
0x53: {  	_ =	shalt  }
0x54: {  	_ =	shalt  }
0x55: {  	_ =	shalt  }
0x56: {  	_ =	shalt  }
0x57: {  	_ =	shalt  }
0x58: {  	_ =	shalt  }
0x59: {  	_ =	shalt  }
0x5a: {  	_ =	shalt  }
0x5b: {  	_ =	shalt  }
0x5c: {  	_ =	shalt  }
0x5d: {  	_ =	shalt  }
0x5e: {  	_ =	shalt  }
0x5f: {  	_ =	shalt  }
0x60: {  	_ =	shalt  }
0x61: {  	_ =	shalt  }
0x62: {  	_ =	shalt  }
0x63: {  	_ =	shalt  }
0x64: {  	_ =	shalt  }
0x65: {  	_ =	shalt  }
0x66: {  	_ =	shalt  }
0x67: {  	_ =	shalt  }
0x68: {  	_ =	shalt  }
0x69: {  	_ =	shalt  }
0x6a: {  	_ =	shalt  }
0x6b: {  	_ =	shalt  }
0x6c: {  	_ =	shalt  }
0x6d: {  	_ =	shalt  }
0x6e: {  	_ =	shalt  }
0x6f: {  	_ =	shalt  }
0x70: {  	_ =	shalt  }
0x71: {  	_ =	shalt  }
0x72: {  	_ =	shalt  }
0x73: {  	_ =	shalt  }
0x74: {  	_ =	shalt  }
0x75: {  	_ =	shalt  }
0x76: {  	_ =	shalt  }
0x77: {  	_ =	shalt  }
0x78: {  	_ =	shalt  }
0x79: {  	_ =	shalt  }
0x7a: {  	_ =	shalt  }
0x7b: {  	_ =	shalt  }
0x7c: {  	_ =	shalt  }
0x7d: {  	_ =	shalt  }
0x7e: {  	_ =	shalt  }
0x7f: {  	_ =	shalt  }
0x80: {  	_ =	shalt  }
0x81: {  	_ =	shalt  }
0x82: {  	_ =	shalt  }
0x83: {  	_ =	shalt  }
0x84: {  	_ =	shalt  }
0x85: {  	_ =	shalt  }
0x86: {  	_ =	shalt  }
0x87: {  	_ =	shalt  }
.Lfunc_end0:
.L_simem_size_0:
called_computation.2_lowered:
.L_overlay_start_0:
0x88: {  	s2 =	sld [smem:$0x3FD9]  }
0x89: {  	s3 =	sld [smem:$0x3FFE];
	_ =	sdelay $0x1  }
0x8a: {  	s1 =	srdreg.scid  }
0x8b: {  	s0 =	sand.u32 $0x1, s1  }
0x8c: {  	s17 =	sshll.u32 s0, $0xA;
	s2 =	sadd.s32 s3, s2  }
0x8d: {  	s2 =	sadd.s32 s2, s17  }
0x8e: {  	[smem:$0x3FC1] =	sst s2  }
0x8f: {  	_ = 	snop  }
0x90: {  	s2 =	sld [smem:$0x3FD0];
	(tm) =	ssettm $0x1  }
0x91: {  	s18 =	sld [smem:$0x3FFB];
	_ =	sdelay $0x3  }
0x92: {  	_ =	strace s18  }
0x93: {  	s3 =	sld [smem:$0x3FFC];
	_ =	sdelay $0x3  }
0x94: {  	_ =	strace s3  }
0x95: {  	s3 =	sld [smem:$0x3FFD];
	_ =	sdelay $0x3  }
0x96: {  	_ =	strace s3  }
0x97: {  	_ =	strace $0x8FFFFFFF  }
0x98: {  	s19 =	sld [smem:$0x3FDB];
	_ =	sdelay $0x1  }
0x99: {  	s4 =	simm.s32 $_scs_section_size  }
0x9a: {  	s5 =	simm.s32 $_size__tile_overlayer_lowered;
	s6 =	simm.s32 $_tile_overlayer_lowered  }
0x9b: {  	s22 =	simm.s32 $0x1BFF;
	s21 =	sshll.u32 s6, $0x1;
	s3 =	sadd.s32 s4, s19  }
0x9c: {  	s7 =	simm.s32 $0x0;
	s20 =	sshll.u32 s5, $0x1;
	s5 =	sadd.s32 s21, s3  }
0x9d: {  	[timem:s7], [sflag:s22] =	dma.local [hbm:s5], s20  }
0x9e: {  	_ =	swait.ge [sflag:s22], s20  }
0x9f: {  	s4 =	ssub.s32 $0x0, s20;
	[sflag:s22] =	ssyncset.done $0x0  }
0xa0: {  	[sflag:s22] =	ssyncadd.s32 s4;
	_ =	sdelay $0x1  }
0xa1: {  	s23 =	simm.s32 $0x1B8B  }
0xa2: {  	_ =	swait.ge [sflag:s23], $0x1  }
0xa3: {  	[sflag:s23] =	ssyncset.done $0x0  }
0xa4: {  	s25 =	simm.s32 $0x1B8E;
	s24 =	sld [smem:$0x3FFE];
	[sflag:s23] =	ssyncadd.s32 $0xFFFFFFFF  }
0xa5: {  	s26 =	simm.s32 $execute0_lowered;
	[smem:$0x3FD2] =	sst s25  }
0xa6: {  	s5 =	sshll.u32 s26, $0x1;
	_ =	strace $0x80000046;
	[dreg:$0x1] =	wrdreg $0xFFFFFFFF  }
0xa7: {  	s28 =	simm.s32 $_size_execute0_lowered;
	s3 =	sadd.s32 s3, s5;
	[dreg:$0x0] =	wrdreg $0x0  }
0xa8: {  	s5 =	sshll.u32 s28, $0x1;
	[dreg:$0x2] =	wrdreg s3  }
0xa9: {  	[dreg:$0x3] =	wrdreg s5  }
0xaa: {  	[dreg:$0x4] =	wrdreg $0xC0  }
0xab: {  	_ =	task [dreg:s7], $0x5FFFF  }
0xac: {  	[dreg:$0x1] =	wrdreg $0xFFFFFFFF  }
0xad: {  	[dreg:$0x0] =	wrdreg $0x60  }
0xae: {  	[dreg:$0x2] =	wrdreg s24  }
0xaf: {  	[dreg:$0x3] =	wrdreg s2  }
0xb0: {  	[dreg:$0x4] =	wrdreg $0x0  }
0xb1: {  	[dreg:$0x5] =	wrdreg $0xB  }
0xb2: {  	_ =	task.clear_ibuf [dreg:s7], $0x6FFFF;
	_ =	strace $0x90000046  }
0xb3: {  	s29 =	simm.s32 $0xB;
	_ =	strace $0x80000048  }
0xb4: {  	_ =	swait.ge [sflag:s29], $0x1  }
0xb5: {  	[sflag:s29] =	ssyncadd.s32 $0xFFFFFFFF  }
0xb6: {  	_ =	strace $0x90000048  }
0xb7: {  	_ =	sfence  }
0xb8: {  	s30 =	sld [smem:$0x0];
	_ =	sdelay $0x2  }
0xb9: {  	s31 =	sshll.u32 s1, $0xD;
	s1 =	sshrl.u32 s1, $0x2  }
0xba: {  	s3 =	sand.u32 $0x4000, s31;
	s1 =	sadd.s32 s1, s30  }
0xbb: {  	s0 =	sor.u32 s3, s0;
	s1 =	sshll.u32 s1, $0x11  }
0xbc: {  	s0 =	sor.u32 s1, s0  }
0xbd: {  	s0 =	sadd.s32 $0x8F2B, s0  }
0xbe: {  	[sflag:s0] =	ssyncadd.remote.s32 $0x1  }
0xbf: {  	_ =	sfence.sel $0xFFFF  }
0xc0: {  	[dreg:$0x0] =	wrdreg $0xFFFFFFFF;
	(pc) =	sbr.abs _section_cstart, $3  }
0xc1: {  	[dreg:$0x1] =	wrdreg $0xFFFFFFFF  }
0xc2: {  	_ =	task.clear_ibuf [dreg:s7], $0x2FFFF;
	_ =	strace $0x9FFFFFFF  }
0xc3: {  	(tm) =	ssettm $0x7FFFFFFF  }
tec
execute0_lowered:
.L_overlay_start_1:
0x0: {  	(tag) =	ssettag $0x1  }
0x1: {  	s0 =	rddreg [dreg:$0x0]  }
0x2: {  	s1 =	rddreg [dreg:$0x1]  }
0x3: {  	s2 =	rddreg [dreg:$0x2];
	s3 =	simm.s32 $0x0;
	s4 =	srdreg.scid  }
0x4: {  	s10 =	stileid.u32;
	s28 =	simm.s32 $0x15400;
	s29 =	simm.s32 $0x80  }
0x5: {  	s30 =	simm.s32 $0x14080;
	s31 =	simm.s32 $0x1A800;
	[smem:$0x7FF] =	sst s3  }
0x6: {  	s5 =	sand.u32 $0x1, s4;
	s22 =	sshll.u32 s10, $0x1;
	s7 =	smul.u32 $0x50000, s10  }
0x7: {  	s4 =	sadd.s32 $0xD000, s0;
	s8 =	sadd.s32 $0x3000, s0;
	s17 =	smul.u32 $0x14000, s10  }
0x8: {  	s0 =	sadd.s32 $0x35000, s0;
	s6 =	sor.u32 s5, s22;
	s18 =	smul.u32 $0x140000, s5  }
0x9: {  	_ =	strace $0x80000047;
	s9 =	ssub.s32 $0x2, s5;
	s6 =	smul.u32 $0x2800, s6  }
0xa: {  	s23 =	sshrl.u32 s9, $0x1;
	s7 =	sshrl.u32 s7, $0x2;
	s19 =	sadd.s32 $0x8000, s17  }
0xb: {  	s21 =	sadd.s32 $0xC000, s17;
	s9 =	ssub.s32 s9, s23;
	s5 =	sadd.s32 s7, s2  }
0xc: {  	s10 =	sadd.s32 s18, s17;
	s20 =	sadd.s32 s18, s19;
	s22 =	sadd.s32 s18, s21  }
0xd: {  	s6 =	sshrl.u32 s6, $0x3;
	s26 =	sshrl.u32 s10, $0x3;
	s10 =	sadd.s32 $0x4000, s17  }
0xe: {  	s11 =	smax.u32 s9, $0x1;
	s12 =	sadd.s32 $0x4000, s5;
	s13 =	sadd.s32 $0x8000, s5  }
0xf: {  	s14 =	sadd.s32 $0xC000, s5;
	s15 =	sadd.s32 $0x10000, s5;
	s7 =	sshrl.u32 s20, $0x3  }
0x10: {  	s20 =	sadd.s32 $0x10000, s17;
	s23 =	sshrl.u32 s22, $0x3;
	s24 =	sadd.s32 s1, s6  }
0x11: {  	s25 =	sadd.s32 $0x280, s6;
	s6 =	sadd.s32 s8, s6;
	s16 =	sadd.s32 s18, s10  }
0x12: {  	s17 =	sadd.s32 s0, s7;
	s7 =	simm.s32 $0x16780;
	[dreg:$0x4] =	wrdreg s24  }
0x13: {  	[dreg:$0x5] =	wrdreg s6;
	s1 =	sadd.s32 s1, s25;
	s8 =	sadd.s32 s8, s25  }
0x14: {  	s6 =	sshrl.u32 s16, $0x3;
	s24 =	sadd.s32 s18, s20;
	[dreg:$0x6] =	wrdreg s1  }
0x15: {  	s18 =	sadd.s32 s0, s23;
	[dreg:$0x7] =	wrdreg s8;
	s1 =	sadd.s32 s0, s26  }
0x16: {  	s16 =	sadd.s32 s0, s6;
	s6 =	sadd.s32 s19, s2;
	s25 =	sshrl.u32 s24, $0x3  }
0x17: {  	s8 =	sadd.s32 s21, s2;
	s26 =	sadd.s32 s20, s2;
	s20 =	simm.s32 $0x16800  }
0x18: {  	s21 =	simm.s32 $0x3;
	[dreg:$0x8] =	wrdreg s1;
	s1 =	sadd.s32 s10, s2  }
0x19: {  	s19 =	sadd.s32 s0, s25;
	s23 =	sshrl.u32 s6, $0x3;
	s24 =	sshrl.u32 s8, $0x3  }
0x1a: {  	s25 =	sshrl.u32 s26, $0x3;
	s26 =	simm.s32 $0x14000;
	s0 =	simm.s32 $0x1  }
0x1b: {  	v0 =	vimm.f32 $0.0e+00;
	s6 =	simm.s32 $0x16700;
	s22 =	sshrl.u32 s1, $0x3;
	s1 =	simm.s32 $0x2  }
.LBB2_1:
0x1c: {  	s8 =	simm.s32 $0x0;
	s9 =	simm.s32 $0x200  }
.LBB2_2:
0x1d: {  	p0 =	sne.s32 s9, $0xFE00;
	[tilespmem:s8+$0x16870] =	vst v0  }
0x1e: {  	[tilespmem:s8+$0x16800] =	vst v0  }
0x1f: {  	[tilespmem:s8+$0x16810] =	vst v0  }
.Ltmp0:
0x20: {  	[tilespmem:s8+$0x16820] =	vst v0;
	(pc) =	sbr.rel @p0 .LBB2_2-.Ltmp0, $4  }
0x21: {  	[tilespmem:s8+$0x16830] =	vst v0  }
0x22: {  	[tilespmem:s8+$0x16840] =	vst v0  }
0x23: {  	[tilespmem:s8+$0x16850] =	vst v0  }
0x24: {  	[tilespmem:s8+$0x16860] =	vst v0;
	s8 =	sshra.s32 s9, $0x2;
	s9 =	sadd.s32 $0x200, s9  }
0x25: {  	[tilespmem:s8+$0x16870] =	vst v0  }
0x26: {  	[tilespmem:s8+$0x16800] =	vst v0  }
0x27: {  	[tilespmem:s8+$0x16810] =	vst v0  }
0x28: {  	[tilespmem:s8+$0x16820] =	vst v0  }
0x29: {  	[tilespmem:s8+$0x16830] =	vst v0  }
0x2a: {  	[tilespmem:s8+$0x16840] =	vst v0  }
0x2b: {  	[tilespmem:s8+$0x16850] =	vst v0  }
0x2c: {  	[tilespmem:s8+$0x16860] =	vst v0  }
0x2d: {  	[spmem:s5] =	stream.linear.scatter [tilespmem:s20], [sflag:$0x3], $0x4000, $0x38;
	[tilespmem:$0x1E800] =	vst v63  }
0x2e: {  	_ =	swait.ge [sflag:s21], $0x4000  }
0x2f: {  	[sflag:s21] =	ssyncset.done $0x0  }
0x30: {  	[sflag:s21] =	ssyncadd.s32 $0xFFFFC000  }
0x31: {  	[spmem:s12] =	stream.linear.scatter [tilespmem:s20], [sflag:$0x3], $0x4000, $0x38;
	[tilespmem:$0x1E800] =	vst v63  }
0x32: {  	_ =	swait.ge [sflag:s21], $0x4000  }
0x33: {  	[sflag:s21] =	ssyncset.done $0x0  }
0x34: {  	[sflag:s21] =	ssyncadd.s32 $0xFFFFC000  }
0x35: {  	[spmem:s13] =	stream.linear.scatter [tilespmem:s20], [sflag:$0x3], $0x4000, $0x38;
	[tilespmem:$0x1E800] =	vst v63  }
0x36: {  	_ =	swait.ge [sflag:s21], $0x4000  }
0x37: {  	[sflag:s21] =	ssyncset.done $0x0  }
0x38: {  	[sflag:s21] =	ssyncadd.s32 $0xFFFFC000  }
0x39: {  	[spmem:s14] =	stream.linear.scatter [tilespmem:s20], [sflag:$0x3], $0x4000, $0x38;
	[tilespmem:$0x1E800] =	vst v63  }
0x3a: {  	_ =	swait.ge [sflag:s21], $0x4000  }
0x3b: {  	[sflag:s21] =	ssyncset.done $0x0  }
0x3c: {  	[sflag:s21] =	ssyncadd.s32 $0xFFFFC000  }
0x3d: {  	[spmem:s15] =	stream.linear.scatter [tilespmem:s20], [sflag:$0x3], $0x4000, $0x38;
	[tilespmem:$0x1E800] =	vst v63  }
0x3e: {  	_ =	swait.ge [sflag:s21], $0x4000  }
0x3f: {  	[sflag:s21] =	ssyncset.done $0x0  }
0x40: {  	[sflag:s21] =	ssyncadd.s32 $0xFFFFC000  }
0x41: {  	[bflag:$0x0] =	sbarrier.arrive $0xFFFF  }
0x42: {  	s8 =	simm.s32 $0x0;
	s9 =	rddreg [dreg:$0x4]  }
0x43: {  	[tilespmem:s26], [sflag:$0x3] =	stream.linear.gather [hbm4b:s9+s8], $0x1400, $0x38;
	[tilespmem:$0x1E800] =	vst v63  }
0x44: {  	_ =	swait.ge [sflag:s21], $0x1400  }
0x45: {  	[sflag:s21] =	ssyncset.done $0x0  }
0x46: {  	s10 =	rddreg [dreg:$0x5];
	[sflag:s21] =	ssyncadd.s32 $0xFFFFEC00  }
0x47: {  	[tilespmem:s28], [sflag:$0x3] =	stream.linear.gather [hbm4b:s10+s8], $0x1400, $0x38;
	[tilespmem:$0x1E800] =	vst v63  }
0x48: {  	_ =	swait.ge [sflag:s21], $0x1400  }
0x49: {  	[sflag:s21] =	ssyncset.done $0x0  }
0x4a: {  	[sflag:s21] =	ssyncadd.s32 $0xFFFFEC00  }
0x4b: {  	[tilespmem:s20], [sflag:$0x1] =	stream.indirect.gather [hbm4b:s4+s29], $0x80, s26, s29, $0xb8;
	[tilespmem:$0x1E800] =	vst v63  }
0x4c: {  	_ = 	snop  }
0x4d: {  	[tilespmem:s31], [sflag:$0x2] =	stream.indirect.gather [hbm4b:s4+s29], $0x80, s30, s29, $0xb8;
	[tilespmem:$0x1E800] =	vst v63  }
0x4e: {  	_ =	swait.ge [sflag:s0], $0x4000  }
0x4f: {  	[sflag:s0] =	ssyncset.done $0x0  }
0x50: {  	s10 =	simm.s32 $0x15400;
	[sflag:s0] =	ssyncadd.s32 $0xFFFFC000  }
0x51: {  	[spmem:s2] =	stream.indirect.scatter.add.f32 [tilespmem:s20], [sflag:$0x3], $0x80, s10, s29, $0xb8;
	[tilespmem:$0x1E800] =	vst v63  }
0x52: {  	_ =	swait.ge [sflag:s21], $0x4000  }
0x53: {  	[sflag:s21] =	ssyncset.done $0x0  }
0x54: {  	s9 =	simm.s32 $0x14100;
	[sflag:s21] =	ssyncadd.s32 $0xFFFFC000  }
0x55: {  	[tilespmem:s20], [sflag:$0x1] =	stream.indirect.gather [hbm4b:s4+s29], $0x80, s9, s29, $0xb8;
	[tilespmem:$0x1E800] =	vst v63  }
0x56: {  	_ =	swait.ge [sflag:s1], $0x4000  }
0x57: {  	[sflag:s1] =	ssyncset.done $0x0  }
0x58: {  	s10 =	simm.s32 $0x15480;
	[sflag:s1] =	ssyncadd.s32 $0xFFFFC000  }
0x59: {  	[spmem:s2] =	stream.indirect.scatter.add.f32 [tilespmem:s31], [sflag:$0x3], $0x80, s10, s29, $0xb8;
	[tilespmem:$0x1E800] =	vst v63  }
0x5a: {  	_ =	swait.ge [sflag:s21], $0x4000  }
0x5b: {  	[sflag:s21] =	ssyncset.done $0x0  }
0x5c: {  	s8 =	simm.s32 $0x400;
	s9 =	simm.s32 $0x14180;
	[sflag:s21] =	ssyncadd.s32 $0xFFFFC000  }
.LBB2_4:
0x5d: {  	[tilespmem:s31], [sflag:$0x2] =	stream.indirect.gather [hbm4b:s4+s29], $0x80, s9, s29, $0xb8;
	[tilespmem:$0x1E800] =	vst v63  }
0x5e: {  	s9 =	smov.u32 s8  }
0x5f: {  	p0 =	sne.s32 s8, $0x4800;
	s8 =	sadd.s32 $0x400, s8;
	_ =	swait.ge [sflag:s0], $0x4000  }
0x60: {  	s9 =	sshra.s32 s9, $0x2;
	[sflag:s0] =	ssyncset.done $0x0  }
0x61: {  	s10 =	sadd.s32 $0x15400, s9;
	[sflag:s0] =	ssyncadd.s32 $0xFFFFC000  }
0x62: {  	[spmem:s2] =	stream.indirect.scatter.add.f32 [tilespmem:s20], [sflag:$0x3], $0x80, s10, s29, $0xb8;
	[tilespmem:$0x1E800] =	vst v63  }
0x63: {  	_ =	swait.ge [sflag:s21], $0x4000  }
0x64: {  	[sflag:s21] =	ssyncset.done $0x0  }
0x65: {  	s10 =	sadd.s32 $0x14100, s9;
	[sflag:s21] =	ssyncadd.s32 $0xFFFFC000  }
0x66: {  	[tilespmem:s20], [sflag:$0x1] =	stream.indirect.gather [hbm4b:s4+s29], $0x80, s10, s29, $0xb8;
	[tilespmem:$0x1E800] =	vst v63  }
0x67: {  	_ =	swait.ge [sflag:s1], $0x4000  }
0x68: {  	[sflag:s1] =	ssyncset.done $0x0  }
.Ltmp1:
0x69: {  	s10 =	sadd.s32 $0x15480, s9;
	[sflag:s1] =	ssyncadd.s32 $0xFFFFC000;
	(pc) =	sbr.rel @p0 .LBB2_4-.Ltmp1, $4  }
0x6a: {  	[spmem:s2] =	stream.indirect.scatter.add.f32 [tilespmem:s31], [sflag:$0x3], $0x80, s10, s29, $0xb8;
	[tilespmem:$0x1E800] =	vst v63  }
0x6b: {  	_ =	swait.ge [sflag:s21], $0x4000  }
0x6c: {  	[sflag:s21] =	ssyncset.done $0x0  }
0x6d: {  	s9 =	sadd.s32 $0x14180, s9;
	[sflag:s21] =	ssyncadd.s32 $0xFFFFC000  }
0x6e: {  	[tilespmem:s31], [sflag:$0x2] =	stream.indirect.gather [hbm4b:s4+s29], $0x80, s9, s29, $0xb8;
	[tilespmem:$0x1E800] =	vst v63  }
0x6f: {  	_ =	swait.ge [sflag:s0], $0x4000  }
0x70: {  	[sflag:s0] =	ssyncset.done $0x0  }
0x71: {  	[sflag:s0] =	ssyncadd.s32 $0xFFFFC000  }
0x72: {  	[spmem:s2] =	stream.indirect.scatter.add.f32 [tilespmem:s20], [sflag:$0x3], $0x80, s6, s29, $0xb8;
	[tilespmem:$0x1E800] =	vst v63  }
0x73: {  	_ =	swait.ge [sflag:s21], $0x4000  }
0x74: {  	[sflag:s21] =	ssyncset.done $0x0  }
0x75: {  	[sflag:s21] =	ssyncadd.s32 $0xFFFFC000  }
0x76: {  	_ =	swait.ge [sflag:s1], $0x4000  }
0x77: {  	[sflag:s1] =	ssyncset.done $0x0  }
0x78: {  	[sflag:s1] =	ssyncadd.s32 $0xFFFFC000  }
0x79: {  	[spmem:s2] =	stream.indirect.scatter.add.f32 [tilespmem:s31], [sflag:$0x3], $0x80, s7, s29, $0xb8;
	[tilespmem:$0x1E800] =	vst v63  }
0x7a: {  	_ =	swait.ge [sflag:s21], $0x4000  }
0x7b: {  	[sflag:s21] =	ssyncset.done $0x0  }
0x7c: {  	s8 =	simm.s32 $0x0;
	s10 =	rddreg [dreg:$0x6];
	[sflag:s21] =	ssyncadd.s32 $0xFFFFC000  }
0x7d: {  	[tilespmem:s26], [sflag:$0x3] =	stream.linear.gather [hbm4b:s10+s8], $0x1400, $0x38;
	[tilespmem:$0x1E800] =	vst v63  }
0x7e: {  	_ =	swait.ge [sflag:s21], $0x1400  }
0x7f: {  	[sflag:s21] =	ssyncset.done $0x0  }
0x80: {  	s10 =	rddreg [dreg:$0x7];
	[sflag:s21] =	ssyncadd.s32 $0xFFFFEC00  }
0x81: {  	[tilespmem:s28], [sflag:$0x3] =	stream.linear.gather [hbm4b:s10+s8], $0x1400, $0x38;
	[tilespmem:$0x1E800] =	vst v63  }
0x82: {  	_ =	swait.ge [sflag:s21], $0x1400  }
0x83: {  	[sflag:s21] =	ssyncset.done $0x0  }
0x84: {  	[sflag:s21] =	ssyncadd.s32 $0xFFFFEC00  }
0x85: {  	[tilespmem:s20], [sflag:$0x1] =	stream.indirect.gather [hbm4b:s4+s29], $0x80, s26, s29, $0xb8;
	[tilespmem:$0x1E800] =	vst v63  }
0x86: {  	_ = 	snop  }
0x87: {  	[tilespmem:s31], [sflag:$0x2] =	stream.indirect.gather [hbm4b:s4+s29], $0x80, s30, s29, $0xb8;
	[tilespmem:$0x1E800] =	vst v63  }
0x88: {  	_ =	swait.ge [sflag:s0], $0x4000  }
0x89: {  	[sflag:s0] =	ssyncset.done $0x0  }
0x8a: {  	s10 =	simm.s32 $0x15400;
	[sflag:s0] =	ssyncadd.s32 $0xFFFFC000  }
0x8b: {  	[spmem:s2] =	stream.indirect.scatter.add.f32 [tilespmem:s20], [sflag:$0x3], $0x80, s10, s29, $0xb8;
	[tilespmem:$0x1E800] =	vst v63  }
0x8c: {  	_ =	swait.ge [sflag:s21], $0x4000  }
0x8d: {  	[sflag:s21] =	ssyncset.done $0x0  }
0x8e: {  	s9 =	simm.s32 $0x14100;
	[sflag:s21] =	ssyncadd.s32 $0xFFFFC000  }
0x8f: {  	[tilespmem:s20], [sflag:$0x1] =	stream.indirect.gather [hbm4b:s4+s29], $0x80, s9, s29, $0xb8;
	[tilespmem:$0x1E800] =	vst v63  }
0x90: {  	_ =	swait.ge [sflag:s1], $0x4000  }
0x91: {  	[sflag:s1] =	ssyncset.done $0x0  }
0x92: {  	s10 =	simm.s32 $0x15480;
	[sflag:s1] =	ssyncadd.s32 $0xFFFFC000  }
0x93: {  	[spmem:s2] =	stream.indirect.scatter.add.f32 [tilespmem:s31], [sflag:$0x3], $0x80, s10, s29, $0xb8;
	[tilespmem:$0x1E800] =	vst v63  }
0x94: {  	_ =	swait.ge [sflag:s21], $0x4000  }
0x95: {  	[sflag:s21] =	ssyncset.done $0x0  }
0x96: {  	s8 =	simm.s32 $0x400;
	s9 =	simm.s32 $0x14180;
	[sflag:s21] =	ssyncadd.s32 $0xFFFFC000  }
.LBB2_6:
0x97: {  	[tilespmem:s31], [sflag:$0x2] =	stream.indirect.gather [hbm4b:s4+s29], $0x80, s9, s29, $0xb8;
	[tilespmem:$0x1E800] =	vst v63  }
0x98: {  	s9 =	smov.u32 s8  }
0x99: {  	p0 =	sne.s32 s8, $0x4800;
	s8 =	sadd.s32 $0x400, s8;
	_ =	swait.ge [sflag:s0], $0x4000  }
0x9a: {  	s9 =	sshra.s32 s9, $0x2;
	[sflag:s0] =	ssyncset.done $0x0  }
0x9b: {  	s10 =	sadd.s32 $0x15400, s9;
	[sflag:s0] =	ssyncadd.s32 $0xFFFFC000  }
0x9c: {  	[spmem:s2] =	stream.indirect.scatter.add.f32 [tilespmem:s20], [sflag:$0x3], $0x80, s10, s29, $0xb8;
	[tilespmem:$0x1E800] =	vst v63  }
0x9d: {  	_ =	swait.ge [sflag:s21], $0x4000  }
0x9e: {  	[sflag:s21] =	ssyncset.done $0x0  }
0x9f: {  	s10 =	sadd.s32 $0x14100, s9;
	[sflag:s21] =	ssyncadd.s32 $0xFFFFC000  }
0xa0: {  	[tilespmem:s20], [sflag:$0x1] =	stream.indirect.gather [hbm4b:s4+s29], $0x80, s10, s29, $0xb8;
	[tilespmem:$0x1E800] =	vst v63  }
0xa1: {  	_ =	swait.ge [sflag:s1], $0x4000  }
0xa2: {  	[sflag:s1] =	ssyncset.done $0x0  }
.Ltmp2:
0xa3: {  	s10 =	sadd.s32 $0x15480, s9;
	[sflag:s1] =	ssyncadd.s32 $0xFFFFC000;
	(pc) =	sbr.rel @p0 .LBB2_6-.Ltmp2, $4  }
0xa4: {  	[spmem:s2] =	stream.indirect.scatter.add.f32 [tilespmem:s31], [sflag:$0x3], $0x80, s10, s29, $0xb8;
	[tilespmem:$0x1E800] =	vst v63  }
0xa5: {  	_ =	swait.ge [sflag:s21], $0x4000  }
0xa6: {  	[sflag:s21] =	ssyncset.done $0x0  }
0xa7: {  	s9 =	sadd.s32 $0x14180, s9;
	[sflag:s21] =	ssyncadd.s32 $0xFFFFC000  }
0xa8: {  	[tilespmem:s31], [sflag:$0x2] =	stream.indirect.gather [hbm4b:s4+s29], $0x80, s9, s29, $0xb8;
	[tilespmem:$0x1E800] =	vst v63  }
0xa9: {  	_ =	swait.ge [sflag:s0], $0x4000  }
0xaa: {  	[sflag:s0] =	ssyncset.done $0x0  }
0xab: {  	[sflag:s0] =	ssyncadd.s32 $0xFFFFC000  }
0xac: {  	[spmem:s2] =	stream.indirect.scatter.add.f32 [tilespmem:s20], [sflag:$0x3], $0x80, s6, s29, $0xb8;
	[tilespmem:$0x1E800] =	vst v63  }
0xad: {  	_ =	swait.ge [sflag:s21], $0x4000  }
0xae: {  	[sflag:s21] =	ssyncset.done $0x0  }
0xaf: {  	[sflag:s21] =	ssyncadd.s32 $0xFFFFC000  }
0xb0: {  	_ =	swait.ge [sflag:s1], $0x4000  }
0xb1: {  	[sflag:s1] =	ssyncset.done $0x0  }
0xb2: {  	[sflag:s1] =	ssyncadd.s32 $0xFFFFC000  }
0xb3: {  	[spmem:s2] =	stream.indirect.scatter.add.f32 [tilespmem:s31], [sflag:$0x3], $0x80, s7, s29, $0xb8;
	[tilespmem:$0x1E800] =	vst v63  }
0xb4: {  	_ =	swait.ge [sflag:s21], $0x4000  }
0xb5: {  	[sflag:s21] =	ssyncset.done $0x0  }
0xb6: {  	s8 =	stileid.u32;
	[sflag:s21] =	ssyncadd.s32 $0xFFFFC000  }
0xb7: {  	s8 =	sshll.u32 s8, $0x6;
	[bflag:$0x0] =	sbarrier.arrive $0xFFFF  }
0xb8: {  	s9 =	sshrl.u32 s5, $0x3;
	s8 =	sor.u32 $0x1C03, s8;
	s10 =	rddreg [dreg:$0x8]  }
0xb9: {  	[hbm:s10], [sflag:s8] =	dma.local [spmem:s9], $0x800  }
0xba: {  	_ =	swait.ge [sflag:s21], $0x800  }
0xbb: {  	[sflag:s21] =	ssyncset.done $0x0  }
0xbc: {  	[sflag:s21] =	ssyncadd.s32 $0xFFFFF800  }
0xbd: {  	[hbm:s16], [sflag:s8] =	dma.local [spmem:s22], $0x800  }
0xbe: {  	_ =	swait.ge [sflag:s21], $0x800  }
0xbf: {  	[sflag:s21] =	ssyncset.done $0x0  }
0xc0: {  	[sflag:s21] =	ssyncadd.s32 $0xFFFFF800  }
0xc1: {  	[hbm:s17], [sflag:s8] =	dma.local [spmem:s23], $0x800  }
0xc2: {  	_ =	swait.ge [sflag:s21], $0x800  }
0xc3: {  	[sflag:s21] =	ssyncset.done $0x0  }
0xc4: {  	[sflag:s21] =	ssyncadd.s32 $0xFFFFF800  }
0xc5: {  	[hbm:s18], [sflag:s8] =	dma.local [spmem:s24], $0x800  }
0xc6: {  	s3 =	sadd.s32 $0x1, s3;
	_ =	swait.ge [sflag:s21], $0x800  }
0xc7: {  	p0 =	sne.s32 s3, s11;
	[sflag:s21] =	ssyncset.done $0x0  }
.Ltmp3:
0xc8: {  	[sflag:s21] =	ssyncadd.s32 $0xFFFFF800;
	(pc) =	sbr.rel @p0 .LBB2_1-.Ltmp3, $4  }
0xc9: {  	[hbm:s19], [sflag:s8] =	dma.local [spmem:s25], $0x800  }
0xca: {  	_ =	swait.ge [sflag:s21], $0x800  }
0xcb: {  	[sflag:s21] =	ssyncset.done $0x0  }
0xcc: {  	[sflag:s21] =	ssyncadd.s32 $0xFFFFF800  }
0xcd: {  	_ =	sfence.sel $0x180000  }
0xce: {  	[bflag:$0x0] =	sbarrier.arrive $0xFFFF  }
0xcf: {  	_ =	strace $0x90000047  }
0xd0: {  	s0 =	stileid.u32;
	[bflag:$0x2] =	sbarrier.arrive $0xFFFF  }
0xd1: {  	p0 =	sne.s32 s0, $0x0;
	s0 =	rddreg [dreg:$0x3]  }
0xd2: {  	s0 =	sadd.s32 @!p0 $0x100000, s0  }
0xd3: {  	[sflag:s0] =	ssyncadd.tile.s32 @!p0 $0x1;
	_ =	shalt  }
.Lfunc_end2:
_tile_overlayer_lowered:
.L_overlay_start_2:
0xd4: {  	(tag) =	ssettag $0x2  }
0xd5: {  	s0 =	rddreg [dreg:$0x0];
	s2 =	stileid.u32  }
0xd6: {  	s1 =	rddreg [dreg:$0x1];
	p0 =	sne.s32 s2, $0x0  }
0xd7: {  	s3 =	rddreg [dreg:$0x2];
	[bflag:$0x3] =	sbarrier.arrive $0xFFFF;
	s2 =	simm.s32 @!p0 $0x1C03  }
0xd8: {  	[timem:s3], [sflag:s2] =	dma.local @!p0 [hbm:s0], s1  }
0xd9: {  	s0 =	simm.s32 @!p0 $0x3  }
0xda: {  	_ =	swait.ge @!p0 [sflag:s0], s1  }
0xdb: {  	s1 =	ssub.s32 @!p0 $0x0, s1;
	[sflag:s0] =	ssyncset.done @!p0 $0x0  }
0xdc: {  	[sflag:s0] =	ssyncadd.s32 @!p0 s1  }
0xdd: {  	[bflag:$0x3] =	sbarrier.arrive $0xFFFF  }
0xde: {  	_ =	shalt  }

// kernel: kernel.22.cloned.1.call-start
scs
__scs_entry_jumppad:
0x0: {  	(pc) =	sbr.rel $0x88, $3  }
0x1: {  	(tag) =	ssettag $0x0;
	lr =	simm.s32 $0x1  }
0x2: {  	[smem:$0x3F9A] =	sst lr;
	_ =	strace $0xD0000000  }
0x3: {  	_ = 	snop  }
0x4: {  	_ = 	snop  }
0x5: {  	_ = 	snop  }
0x6: {  	_ = 	snop  }
0x7: {  	_ = 	snop  }
__scs_overlays_trampoline_lowered:
0x8: {  	[smem:$0x3FA9] =	sst s0  }
0x9: {  	[smem:$0x3FAA] =	sst s1  }
0xa: {  	[smem:$0x3FAB] =	sst s2  }
0xb: {  	[smem:$0x3FAC] =	sst s3  }
0xc: {  	[smem:$0x3FAD] =	sst s4  }
0xd: {  	[smem:$0x3FAE] =	sst s5  }
0xe: {  	[smem:$0x3FAF] =	sst s6  }
0xf: {  	[smem:$0x3FB0] =	sst s7  }
0x10: {  	[smem:$0x3FB1] =	sst s8  }
0x11: {  	[smem:$0x3FB2] =	sst s9;
	s0 =	simm.s32 @!p0 $0x0  }
0x12: {  	s1 =	sld [smem:$0x3F98];
	s0 =	simm.s32 @p0 $0x1  }
0x13: {  	[smem:$0x3FB3] =	sst s0;
	s0 =	simm.s32 @!p1 $0x0  }
0x14: {  	s2 =	sld [smem:$0x3F97];
	s0 =	simm.s32 @p1 $0x1  }
0x15: {  	[smem:$0x3FB4] =	sst s0;
	s0 =	simm.s32 @!p2 $0x0  }
0x16: {  	s3 =	sld [smem:$0x3FDB];
	s0 =	simm.s32 @p2 $0x1  }
0x17: {  	s4 =	simm.s32 $0x1BF5;
	[smem:$0x3FB6] =	sst s0  }
0x18: {  	s0 =	sld [smem:$0x3F99];
	_ =	swait.ge [sflag:s4], $0x0  }
0x19: {  	s7 =	sld [smem:$0x3F9A]  }
0x1a: {  	s8 =	sadd.s32 $0xFFFFE003, lr  }
0x1b: {  	s9 =	sadd.s32 $0xFFFFFEF7, lr;
	s5 =	simm.s32 $0xFFFFFFFF;
	p2 =	slt.u32 s8, $0xFFFFF086  }
0x1c: {  	p1 =	slt.u32 s9, $0xF7A;
	s5 =	simm.s32 @!p2 $0x0  }
0x1d: {  	s5 =	simm.s32 @p1 $0x1;
	p0 =	seq.s32 s7, s2  }
0x1e: {  	s7 =	smul.u32 @!p0 $0xF7A, s2;
	p2 =	seq.s32 @!p0 s5, $0x0  }
0x1f: {  	s9 =	smul.u32 $0xF7A, s1;
	s8 =	simm.s32 @!p0 $0x1BF5;
	p2 =	por !p2, p0  }
0x20: {  	[sflag:s8] =	ssyncset.s32 @!p0 $0xFFFFF086;
	s6 =	sadd.s32 @!p0 s3, s7;
	s7 =	simm.s32 @!p0 $0x108  }
0x21: {  	s3 =	sadd.s32 s3, s9;
	s6 =	sadd.s32 @!p0 $0x88, s6;
	s7 =	simm.s32 @p2 $0x1082  }
0x22: {  	[simem:s7], [sflag:s8] =	dma.local @!p0 [hbm:s6], $0xF7A  }
0x23: {  	s9 =	sor.u32 $0xD0000000, s2;
	s6 =	simm.s32 $0x108;
	_ =	swait.ge @!p0 [sflag:s8], $0x0  }
0x24: {  	s3 =	sadd.s32 $0x88, s3;
	s6 =	simm.s32 @!p1 $0x1082;
	[sflag:s4] =	ssyncset.s32 $0xFFFFF086  }
0x25: {  	[simem:s6], [sflag:s4] =	dma.local [hbm:s3], $0xF7A  }
0x26: {  	[smem:$0x3F9A] =	sst s1;
	(tag) =	ssettag s2;
	_ =	strace s9  }
0x27: {  	s1 =	sld [smem:$0x3FAA]  }
0x28: {  	s2 =	sld [smem:$0x3FAB]  }
0x29: {  	s4 =	sld [smem:$0x3FAD]  }
0x2a: {  	p0 =	seq.s32 s5, $0x0;
	s5 =	sld [smem:$0x3FAE]  }
0x2b: {  	s6 =	sld [smem:$0x3FAF]  }
0x2c: {  	s7 =	sld [smem:$0x3FB0]  }
0x2d: {  	s3 =	simm.s32 $0x108;
	s8 =	sld [smem:$0x3FB1]  }
0x2e: {  	s3 =	simm.s32 @!p0 $0x1082;
	s9 =	sld [smem:$0x3FB2]  }
0x2f: {  	lr =	sadd.s32 s0, s3;
	s0 =	sld [smem:$0x3FA9]  }
0x30: {  	s3 =	sld [smem:$0x3FAC]  }
0x31: {  	[smem:$0x3FB5] =	sst s10  }
0x32: {  	s10 =	sld [smem:$0x3FB3];
	_ =	sdelay $0x3  }
0x33: {  	p0 =	seq.s32 s10, $0x1;
	s10 =	sld [smem:$0x3FB5];
	_ =	sdelay $0x3  }
0x34: {  	[smem:$0x3FB5] =	sst s10  }
0x35: {  	s10 =	sld [smem:$0x3FB4];
	_ =	sdelay $0x3  }
0x36: {  	p1 =	seq.s32 s10, $0x1;
	s10 =	sld [smem:$0x3FB5];
	_ =	sdelay $0x3  }
0x37: {  	[smem:$0x3FB5] =	sst s10  }
0x38: {  	s10 =	sld [smem:$0x3FB6]  }
0x39: {  	_ = 	snop;
	(pc) =	sbr.ind lr, $3  }
0x3a: {  	_ = 	snop  }
0x3b: {  	_ = 	snop  }
0x3c: {  	p2 =	seq.s32 s10, $0x1;
	s10 =	sld [smem:$0x3FB5]  }
0x3d: {  	_ =	shalt  }
0x3e: {  	_ =	shalt  }
0x3f: {  	_ =	shalt  }
0x40: {  	_ =	shalt  }
0x41: {  	_ =	shalt  }
0x42: {  	_ =	shalt  }
0x43: {  	_ =	shalt  }
0x44: {  	_ =	shalt  }
0x45: {  	_ =	shalt  }
0x46: {  	_ =	shalt  }
0x47: {  	_ =	shalt  }
0x48: {  	_ =	shalt  }
0x49: {  	_ =	shalt  }
0x4a: {  	_ =	shalt  }
0x4b: {  	_ =	shalt  }
0x4c: {  	_ =	shalt  }
0x4d: {  	_ =	shalt  }
0x4e: {  	_ =	shalt  }
0x4f: {  	_ =	shalt  }
0x50: {  	_ =	shalt  }
0x51: {  	_ =	shalt  }
0x52: {  	_ =	shalt  }
0x53: {  	_ =	shalt  }
0x54: {  	_ =	shalt  }
0x55: {  	_ =	shalt  }
0x56: {  	_ =	shalt  }
0x57: {  	_ =	shalt  }
0x58: {  	_ =	shalt  }
0x59: {  	_ =	shalt  }
0x5a: {  	_ =	shalt  }
0x5b: {  	_ =	shalt  }
0x5c: {  	_ =	shalt  }
0x5d: {  	_ =	shalt  }
0x5e: {  	_ =	shalt  }
0x5f: {  	_ =	shalt  }
0x60: {  	_ =	shalt  }
0x61: {  	_ =	shalt  }
0x62: {  	_ =	shalt  }
0x63: {  	_ =	shalt  }
0x64: {  	_ =	shalt  }
0x65: {  	_ =	shalt  }
0x66: {  	_ =	shalt  }
0x67: {  	_ =	shalt  }
0x68: {  	_ =	shalt  }
0x69: {  	_ =	shalt  }
0x6a: {  	_ =	shalt  }
0x6b: {  	_ =	shalt  }
0x6c: {  	_ =	shalt  }
0x6d: {  	_ =	shalt  }
0x6e: {  	_ =	shalt  }
0x6f: {  	_ =	shalt  }
0x70: {  	_ =	shalt  }
0x71: {  	_ =	shalt  }
0x72: {  	_ =	shalt  }
0x73: {  	_ =	shalt  }
0x74: {  	_ =	shalt  }
0x75: {  	_ =	shalt  }
0x76: {  	_ =	shalt  }
0x77: {  	_ =	shalt  }
0x78: {  	_ =	shalt  }
0x79: {  	_ =	shalt  }
0x7a: {  	_ =	shalt  }
0x7b: {  	_ =	shalt  }
0x7c: {  	_ =	shalt  }
0x7d: {  	_ =	shalt  }
0x7e: {  	_ =	shalt  }
0x7f: {  	_ =	shalt  }
0x80: {  	_ =	shalt  }
0x81: {  	_ =	shalt  }
0x82: {  	_ =	shalt  }
0x83: {  	_ =	shalt  }
0x84: {  	_ =	shalt  }
0x85: {  	_ =	shalt  }
0x86: {  	_ =	shalt  }
0x87: {  	_ =	shalt  }
.Lfunc_end0:
.L_simem_size_0:
called_computation.3_lowered:
.L_overlay_start_0:
0x88: {  	s2 =	sld [smem:$0x3FD9]  }
0x89: {  	s3 =	sld [smem:$0x3FFE];
	_ =	sdelay $0x1  }
0x8a: {  	s1 =	srdreg.scid  }
0x8b: {  	s0 =	sand.u32 $0x1, s1  }
0x8c: {  	s17 =	sshll.u32 s0, $0xA;
	s2 =	sadd.s32 s3, s2  }
0x8d: {  	s2 =	sadd.s32 s2, s17  }
0x8e: {  	[smem:$0x3FC1] =	sst s2  }
0x8f: {  	_ = 	snop  }
0x90: {  	s18 =	sld [smem:$0x3FD0];
	(tm) =	ssettm $0x1  }
0x91: {  	s19 =	sld [smem:$0x3FFB];
	_ =	sdelay $0x3  }
0x92: {  	_ =	strace s19  }
0x93: {  	s2 =	sld [smem:$0x3FFC];
	_ =	sdelay $0x3  }
0x94: {  	_ =	strace s2  }
0x95: {  	s2 =	sld [smem:$0x3FFD];
	_ =	sdelay $0x3  }
0x96: {  	_ =	strace s2  }
0x97: {  	_ =	strace $0x8FFFFFFF  }
0x98: {  	s20 =	sld [smem:$0x3FDB];
	_ =	sdelay $0x1  }
0x99: {  	s4 =	simm.s32 $_scs_section_size  }
0x9a: {  	s5 =	simm.s32 $_size__tile_overlayer_lowered;
	s6 =	simm.s32 $_tile_overlayer_lowered  }
0x9b: {  	s7 =	simm.s32 $0x1BFF;
	s21 =	sshll.u32 s6, $0x1;
	s4 =	sadd.s32 s4, s20  }
0x9c: {  	s22 =	simm.s32 $0x0;
	s5 =	sshll.u32 s5, $0x1;
	s6 =	sadd.s32 s21, s4  }
0x9d: {  	[timem:s22], [sflag:s7] =	dma.local [hbm:s6], s5  }
0x9e: {  	_ =	swait.ge [sflag:s7], s5  }
0x9f: {  	s5 =	ssub.s32 $0x0, s5;
	[sflag:s7] =	ssyncset.done $0x0  }
0xa0: {  	[sflag:s7] =	ssyncadd.s32 s5;
	_ =	sdelay $0x1  }
0xa1: {  	s23 =	simm.s32 $0x1B8B  }
0xa2: {  	_ =	swait.ge [sflag:s23], $0x1  }
0xa3: {  	[sflag:s23] =	ssyncset.done $0x0  }
0xa4: {  	[sflag:s23] =	ssyncadd.s32 $0xFFFFFFFF  }
0xa5: {  	s5 =	sld [smem:$0x0]  }
0xa6: {  	s6 =	sand.u32 $0xFFFFFFFE, s1  }
0xa7: {  	p0 =	sne.s32 s1, s6  }
0xa8: {  	s6 =	sshll.u32 @p0 s6, $0xE  }
0xa9: {  	s6 =	sadd.s32 @p0 $0x11B8D, s6;
	s7 =	sshll.u32 @p0 s5, $0x11  }
0xaa: {  	s6 =	sor.u32 @p0 s7, s6  }
0xab: {  	[sflag:s6] =	ssyncadd.remote.s32 @p0 $0x1;
	_ =	sdelay $0x1  }
0xac: {  	s6 =	simm.s32 @p0 $0x1B8D  }
0xad: {  	_ =	swait.eq @p0 [sflag:s6], $0x1  }
0xae: {  	[sflag:s6] =	ssyncadd.s32 @p0 $0xFFFFFFFF  }
0xaf: {  	s7 =	sshll.u32 @!p0 s1, $0xE  }
0xb0: {  	s7 =	sor.u32 @!p0 $0x4000, s7;
	s6 =	simm.s32 @!p0 $0x1B8D  }
0xb1: {  	s5 =	sshll.u32 @!p0 s5, $0x11;
	s7 =	sadd.s32 @!p0 $0x11B8D, s7;
	_ =	swait.eq @!p0 [sflag:s6], $0x1  }
0xb2: {  	s5 =	sor.u32 @!p0 s5, s7;
	[sflag:s6] =	ssyncadd.s32 @!p0 $0xFFFFFFFF  }
0xb3: {  	s25 =	simm.s32 $0x1B8E;
	s24 =	sld [smem:$0x3FFE];
	[sflag:s5] =	ssyncadd.remote.s32 @!p0 $0x1  }
0xb4: {  	s26 =	simm.s32 $execute0_lowered;
	[smem:$0x3FD2] =	sst s25  }
0xb5: {  	s6 =	sshll.u32 s26, $0x1;
	_ =	strace $0x8000004F;
	[dreg:$0x1] =	wrdreg $0xFFFFFFFF  }
0xb6: {  	s28 =	simm.s32 $_size_execute0_lowered;
	s4 =	sadd.s32 s4, s6;
	[dreg:$0x0] =	wrdreg $0x0  }
0xb7: {  	s6 =	sshll.u32 s28, $0x1;
	[dreg:$0x2] =	wrdreg s4  }
0xb8: {  	[dreg:$0x3] =	wrdreg s6  }
0xb9: {  	[dreg:$0x4] =	wrdreg $0xC0  }
0xba: {  	_ =	task [dreg:s22], $0x5FFFF  }
0xbb: {  	[dreg:$0x1] =	wrdreg $0xFFFFFFFF  }
0xbc: {  	[dreg:$0x0] =	wrdreg $0x60  }
0xbd: {  	[dreg:$0x2] =	wrdreg s24  }
0xbe: {  	[dreg:$0x3] =	wrdreg s18  }
0xbf: {  	[dreg:$0x4] =	wrdreg $0x0  }
0xc0: {  	[dreg:$0x5] =	wrdreg $0xA  }
0xc1: {  	_ =	task.clear_ibuf [dreg:s22], $0x6FFFF;
	_ =	strace $0x9000004F  }
0xc2: {  	s29 =	simm.s32 $0xA;
	_ =	strace $0x80000051  }
0xc3: {  	_ =	swait.ge [sflag:s29], $0x1  }
0xc4: {  	[sflag:s29] =	ssyncadd.s32 $0xFFFFFFFF  }
0xc5: {  	_ =	strace $0x90000051  }
0xc6: {  	_ =	sfence  }
0xc7: {  	s30 =	sld [smem:$0x0];
	_ =	sdelay $0x2  }
0xc8: {  	s31 =	sshll.u32 s1, $0xD;
	s1 =	sshrl.u32 s1, $0x2  }
0xc9: {  	s4 =	sand.u32 $0x4000, s31;
	s1 =	sadd.s32 s1, s30  }
0xca: {  	s0 =	sor.u32 s4, s0;
	s1 =	sshll.u32 s1, $0x11  }
0xcb: {  	s0 =	sor.u32 s1, s0  }
0xcc: {  	s0 =	sadd.s32 $0x8F2B, s0  }
0xcd: {  	[sflag:s0] =	ssyncadd.remote.s32 $0x1  }
0xce: {  	_ =	sfence.sel $0xFFFF  }
0xcf: {  	[dreg:$0x0] =	wrdreg $0xFFFFFFFF;
	(pc) =	sbr.abs _section_cstart, $3  }
0xd0: {  	[dreg:$0x1] =	wrdreg $0xFFFFFFFF  }
0xd1: {  	_ =	task.clear_ibuf [dreg:s22], $0x2FFFF;
	_ =	strace $0x9FFFFFFF  }
0xd2: {  	(tm) =	ssettm $0x7FFFFFFF  }
0xd3: {  	_ =	shalt  }
tec
execute0_lowered:
.L_overlay_start_1:
0x0: {  	(tag) =	ssettag $0x1  }
0x1: {  	s0 =	rddreg [dreg:$0x0]  }
0x2: {  	s1 =	rddreg [dreg:$0x1]  }
0x3: {  	s2 =	rddreg [dreg:$0x2];
	s3 =	simm.s32 $0x0;
	s4 =	srdreg.scid  }
0x4: {  	s10 =	stileid.u32;
	s28 =	simm.s32 $0x15400;
	s29 =	simm.s32 $0x80  }
0x5: {  	s30 =	simm.s32 $0x14080;
	s31 =	simm.s32 $0x1A800;
	[smem:$0x7FF] =	sst s3  }
0x6: {  	s5 =	sand.u32 $0x1, s4;
	s21 =	sshll.u32 s10, $0x1;
	s7 =	smul.u32 $0x50000, s10  }
0x7: {  	s4 =	sadd.s32 $0xD000, s0;
	s8 =	sadd.s32 $0x3000, s0;
	s17 =	smul.u32 $0x14000, s10  }
0x8: {  	s0 =	sadd.s32 $0x35000, s0;
	s6 =	sor.u32 s5, s21;
	s18 =	smul.u32 $0x140000, s5  }
0x9: {  	_ =	strace $0x80000050;
	s9 =	ssub.s32 $0x2, s5;
	s6 =	smul.u32 $0x2800, s6  }
0xa: {  	s22 =	sshrl.u32 s9, $0x1;
	s7 =	sshrl.u32 s7, $0x2;
	s19 =	sadd.s32 $0x8000, s17  }
0xb: {  	s21 =	sadd.s32 $0xC000, s17;
	s9 =	ssub.s32 s9, s22;
	s5 =	sadd.s32 s7, s2  }
0xc: {  	s10 =	sadd.s32 s18, s17;
	s20 =	sadd.s32 s18, s19;
	s22 =	sadd.s32 s18, s21  }
0xd: {  	s6 =	sshrl.u32 s6, $0x3;
	s26 =	sshrl.u32 s10, $0x3;
	s10 =	sadd.s32 $0x4000, s17  }
0xe: {  	s11 =	smax.u32 s9, $0x1;
	s12 =	sadd.s32 $0x4000, s5;
	s13 =	sadd.s32 $0x8000, s5  }
0xf: {  	s14 =	sadd.s32 $0xC000, s5;
	s15 =	sadd.s32 $0x10000, s5;
	s7 =	sshrl.u32 s20, $0x3  }
0x10: {  	s20 =	sadd.s32 $0x10000, s17;
	s23 =	sadd.s32 s8, s6;
	s24 =	sadd.s32 $0x280, s6  }
0x11: {  	s6 =	sadd.s32 s1, s6;
	s16 =	sadd.s32 s18, s10;
	[dreg:$0x4] =	wrdreg s23  }
0x12: {  	s17 =	sadd.s32 s0, s7;
	s7 =	simm.s32 $0x16780;
	[dreg:$0x5] =	wrdreg s6  }
0x13: {  	s25 =	sadd.s32 s8, s24;
	s1 =	sadd.s32 s1, s24;
	s8 =	sadd.s32 s0, s26  }
0x14: {  	s6 =	sshrl.u32 s16, $0x3;
	s23 =	sshrl.u32 s22, $0x3;
	[dreg:$0x6] =	wrdreg s25  }
0x15: {  	s24 =	sadd.s32 s18, s20;
	s26 =	sadd.s32 s20, s2;
	[dreg:$0x7] =	wrdreg s1  }
0x16: {  	s20 =	simm.s32 $0x16800;
	[dreg:$0x8] =	wrdreg s8;
	s16 =	sadd.s32 s0, s6  }
0x17: {  	s1 =	sadd.s32 s10, s2;
	s6 =	sadd.s32 s19, s2;
	s18 =	sadd.s32 s0, s23  }
0x18: {  	s25 =	sshrl.u32 s24, $0x3;
	s8 =	sadd.s32 s21, s2;
	s21 =	simm.s32 $0x3  }
0x19: {  	s19 =	sadd.s32 s0, s25;
	s22 =	sshrl.u32 s1, $0x3;
	s23 =	sshrl.u32 s6, $0x3  }
0x1a: {  	s24 =	sshrl.u32 s8, $0x3;
	s25 =	sshrl.u32 s26, $0x3;
	s26 =	simm.s32 $0x14000  }
0x1b: {  	v0 =	vimm.f32 $0.0e+00;
	s0 =	simm.s32 $0x1;
	s1 =	simm.s32 $0x2;
	s6 =	simm.s32 $0x16700  }
.LBB2_1:
0x1c: {  	s8 =	simm.s32 $0x0;
	s9 =	simm.s32 $0x200  }
.LBB2_2:
0x1d: {  	p0 =	sne.s32 s9, $0xFE00;
	[tilespmem:s8+$0x16870] =	vst v0  }
0x1e: {  	[tilespmem:s8+$0x16800] =	vst v0  }
0x1f: {  	[tilespmem:s8+$0x16810] =	vst v0  }
.Ltmp0:
0x20: {  	[tilespmem:s8+$0x16820] =	vst v0;
	(pc) =	sbr.rel @p0 .LBB2_2-.Ltmp0, $4  }
0x21: {  	[tilespmem:s8+$0x16830] =	vst v0  }
0x22: {  	[tilespmem:s8+$0x16840] =	vst v0  }
0x23: {  	[tilespmem:s8+$0x16850] =	vst v0  }
0x24: {  	[tilespmem:s8+$0x16860] =	vst v0;
	s8 =	sshra.s32 s9, $0x2;
	s9 =	sadd.s32 $0x200, s9  }
0x25: {  	[tilespmem:s8+$0x16870] =	vst v0  }
0x26: {  	[tilespmem:s8+$0x16800] =	vst v0  }
0x27: {  	[tilespmem:s8+$0x16810] =	vst v0  }
0x28: {  	[tilespmem:s8+$0x16820] =	vst v0  }
0x29: {  	[tilespmem:s8+$0x16830] =	vst v0  }
0x2a: {  	[tilespmem:s8+$0x16840] =	vst v0  }
0x2b: {  	[tilespmem:s8+$0x16850] =	vst v0  }
0x2c: {  	[tilespmem:s8+$0x16860] =	vst v0  }
0x2d: {  	[spmem:s5] =	stream.linear.scatter [tilespmem:s20], [sflag:$0x3], $0x4000, $0x38;
	[tilespmem:$0x1E800] =	vst v63  }
0x2e: {  	_ =	swait.ge [sflag:s21], $0x4000  }
0x2f: {  	[sflag:s21] =	ssyncset.done $0x0  }
0x30: {  	[sflag:s21] =	ssyncadd.s32 $0xFFFFC000  }
0x31: {  	[spmem:s12] =	stream.linear.scatter [tilespmem:s20], [sflag:$0x3], $0x4000, $0x38;
	[tilespmem:$0x1E800] =	vst v63  }
0x32: {  	_ =	swait.ge [sflag:s21], $0x4000  }
0x33: {  	[sflag:s21] =	ssyncset.done $0x0  }
0x34: {  	[sflag:s21] =	ssyncadd.s32 $0xFFFFC000  }
0x35: {  	[spmem:s13] =	stream.linear.scatter [tilespmem:s20], [sflag:$0x3], $0x4000, $0x38;
	[tilespmem:$0x1E800] =	vst v63  }
0x36: {  	_ =	swait.ge [sflag:s21], $0x4000  }
0x37: {  	[sflag:s21] =	ssyncset.done $0x0  }
0x38: {  	[sflag:s21] =	ssyncadd.s32 $0xFFFFC000  }
0x39: {  	[spmem:s14] =	stream.linear.scatter [tilespmem:s20], [sflag:$0x3], $0x4000, $0x38;
	[tilespmem:$0x1E800] =	vst v63  }
0x3a: {  	_ =	swait.ge [sflag:s21], $0x4000  }
0x3b: {  	[sflag:s21] =	ssyncset.done $0x0  }
0x3c: {  	[sflag:s21] =	ssyncadd.s32 $0xFFFFC000  }
0x3d: {  	[spmem:s15] =	stream.linear.scatter [tilespmem:s20], [sflag:$0x3], $0x4000, $0x38;
	[tilespmem:$0x1E800] =	vst v63  }
0x3e: {  	_ =	swait.ge [sflag:s21], $0x4000  }
0x3f: {  	[sflag:s21] =	ssyncset.done $0x0  }
0x40: {  	[sflag:s21] =	ssyncadd.s32 $0xFFFFC000  }
0x41: {  	[bflag:$0x0] =	sbarrier.arrive $0xFFFF  }
0x42: {  	s8 =	simm.s32 $0x0;
	s9 =	rddreg [dreg:$0x4]  }
0x43: {  	[tilespmem:s26], [sflag:$0x3] =	stream.linear.gather [hbm4b:s9+s8], $0x1400, $0x38;
	[tilespmem:$0x1E800] =	vst v63  }
0x44: {  	_ =	swait.ge [sflag:s21], $0x1400  }
0x45: {  	[sflag:s21] =	ssyncset.done $0x0  }
0x46: {  	s10 =	rddreg [dreg:$0x5];
	[sflag:s21] =	ssyncadd.s32 $0xFFFFEC00  }
0x47: {  	[tilespmem:s28], [sflag:$0x3] =	stream.linear.gather [hbm4b:s10+s8], $0x1400, $0x38;
	[tilespmem:$0x1E800] =	vst v63  }
0x48: {  	_ =	swait.ge [sflag:s21], $0x1400  }
0x49: {  	[sflag:s21] =	ssyncset.done $0x0  }
0x4a: {  	[sflag:s21] =	ssyncadd.s32 $0xFFFFEC00  }
0x4b: {  	[tilespmem:s20], [sflag:$0x1] =	stream.indirect.gather [hbm4b:s4+s29], $0x80, s26, s29, $0xb8;
	[tilespmem:$0x1E800] =	vst v63  }
0x4c: {  	_ = 	snop  }
0x4d: {  	[tilespmem:s31], [sflag:$0x2] =	stream.indirect.gather [hbm4b:s4+s29], $0x80, s30, s29, $0xb8;
	[tilespmem:$0x1E800] =	vst v63  }
0x4e: {  	_ =	swait.ge [sflag:s0], $0x4000  }
0x4f: {  	[sflag:s0] =	ssyncset.done $0x0  }
0x50: {  	s10 =	simm.s32 $0x15400;
	[sflag:s0] =	ssyncadd.s32 $0xFFFFC000  }
0x51: {  	[spmem:s2] =	stream.indirect.scatter.add.f32 [tilespmem:s20], [sflag:$0x3], $0x80, s10, s29, $0xb8;
	[tilespmem:$0x1E800] =	vst v63  }
0x52: {  	_ =	swait.ge [sflag:s21], $0x4000  }
0x53: {  	[sflag:s21] =	ssyncset.done $0x0  }
0x54: {  	s9 =	simm.s32 $0x14100;
	[sflag:s21] =	ssyncadd.s32 $0xFFFFC000  }
0x55: {  	[tilespmem:s20], [sflag:$0x1] =	stream.indirect.gather [hbm4b:s4+s29], $0x80, s9, s29, $0xb8;
	[tilespmem:$0x1E800] =	vst v63  }
0x56: {  	_ =	swait.ge [sflag:s1], $0x4000  }
0x57: {  	[sflag:s1] =	ssyncset.done $0x0  }
0x58: {  	s10 =	simm.s32 $0x15480;
	[sflag:s1] =	ssyncadd.s32 $0xFFFFC000  }
0x59: {  	[spmem:s2] =	stream.indirect.scatter.add.f32 [tilespmem:s31], [sflag:$0x3], $0x80, s10, s29, $0xb8;
	[tilespmem:$0x1E800] =	vst v63  }
0x5a: {  	_ =	swait.ge [sflag:s21], $0x4000  }
0x5b: {  	[sflag:s21] =	ssyncset.done $0x0  }
0x5c: {  	s8 =	simm.s32 $0x400;
	s9 =	simm.s32 $0x14180;
	[sflag:s21] =	ssyncadd.s32 $0xFFFFC000  }
.LBB2_4:
0x5d: {  	[tilespmem:s31], [sflag:$0x2] =	stream.indirect.gather [hbm4b:s4+s29], $0x80, s9, s29, $0xb8;
	[tilespmem:$0x1E800] =	vst v63  }
0x5e: {  	s9 =	smov.u32 s8  }
0x5f: {  	p0 =	sne.s32 s8, $0x4800;
	s8 =	sadd.s32 $0x400, s8;
	_ =	swait.ge [sflag:s0], $0x4000  }
0x60: {  	s9 =	sshra.s32 s9, $0x2;
	[sflag:s0] =	ssyncset.done $0x0  }
0x61: {  	s10 =	sadd.s32 $0x15400, s9;
	[sflag:s0] =	ssyncadd.s32 $0xFFFFC000  }
0x62: {  	[spmem:s2] =	stream.indirect.scatter.add.f32 [tilespmem:s20], [sflag:$0x3], $0x80, s10, s29, $0xb8;
	[tilespmem:$0x1E800] =	vst v63  }
0x63: {  	_ =	swait.ge [sflag:s21], $0x4000  }
0x64: {  	[sflag:s21] =	ssyncset.done $0x0  }
0x65: {  	s10 =	sadd.s32 $0x14100, s9;
	[sflag:s21] =	ssyncadd.s32 $0xFFFFC000  }
0x66: {  	[tilespmem:s20], [sflag:$0x1] =	stream.indirect.gather [hbm4b:s4+s29], $0x80, s10, s29, $0xb8;
	[tilespmem:$0x1E800] =	vst v63  }
0x67: {  	_ =	swait.ge [sflag:s1], $0x4000  }
0x68: {  	[sflag:s1] =	ssyncset.done $0x0  }
.Ltmp1:
0x69: {  	s10 =	sadd.s32 $0x15480, s9;
	[sflag:s1] =	ssyncadd.s32 $0xFFFFC000;
	(pc) =	sbr.rel @p0 .LBB2_4-.Ltmp1, $4  }
0x6a: {  	[spmem:s2] =	stream.indirect.scatter.add.f32 [tilespmem:s31], [sflag:$0x3], $0x80, s10, s29, $0xb8;
	[tilespmem:$0x1E800] =	vst v63  }
0x6b: {  	_ =	swait.ge [sflag:s21], $0x4000  }
0x6c: {  	[sflag:s21] =	ssyncset.done $0x0  }
0x6d: {  	s9 =	sadd.s32 $0x14180, s9;
	[sflag:s21] =	ssyncadd.s32 $0xFFFFC000  }
0x6e: {  	[tilespmem:s31], [sflag:$0x2] =	stream.indirect.gather [hbm4b:s4+s29], $0x80, s9, s29, $0xb8;
	[tilespmem:$0x1E800] =	vst v63  }
0x6f: {  	_ =	swait.ge [sflag:s0], $0x4000  }
0x70: {  	[sflag:s0] =	ssyncset.done $0x0  }
0x71: {  	[sflag:s0] =	ssyncadd.s32 $0xFFFFC000  }
0x72: {  	[spmem:s2] =	stream.indirect.scatter.add.f32 [tilespmem:s20], [sflag:$0x3], $0x80, s6, s29, $0xb8;
	[tilespmem:$0x1E800] =	vst v63  }
0x73: {  	_ =	swait.ge [sflag:s21], $0x4000  }
0x74: {  	[sflag:s21] =	ssyncset.done $0x0  }
0x75: {  	[sflag:s21] =	ssyncadd.s32 $0xFFFFC000  }
0x76: {  	_ =	swait.ge [sflag:s1], $0x4000  }
0x77: {  	[sflag:s1] =	ssyncset.done $0x0  }
0x78: {  	[sflag:s1] =	ssyncadd.s32 $0xFFFFC000  }
0x79: {  	[spmem:s2] =	stream.indirect.scatter.add.f32 [tilespmem:s31], [sflag:$0x3], $0x80, s7, s29, $0xb8;
	[tilespmem:$0x1E800] =	vst v63  }
0x7a: {  	_ =	swait.ge [sflag:s21], $0x4000  }
0x7b: {  	[sflag:s21] =	ssyncset.done $0x0  }
0x7c: {  	s8 =	simm.s32 $0x0;
	s10 =	rddreg [dreg:$0x6];
	[sflag:s21] =	ssyncadd.s32 $0xFFFFC000  }
0x7d: {  	[tilespmem:s26], [sflag:$0x3] =	stream.linear.gather [hbm4b:s10+s8], $0x1400, $0x38;
	[tilespmem:$0x1E800] =	vst v63  }
0x7e: {  	_ =	swait.ge [sflag:s21], $0x1400  }
0x7f: {  	[sflag:s21] =	ssyncset.done $0x0  }
0x80: {  	s10 =	rddreg [dreg:$0x7];
	[sflag:s21] =	ssyncadd.s32 $0xFFFFEC00  }
0x81: {  	[tilespmem:s28], [sflag:$0x3] =	stream.linear.gather [hbm4b:s10+s8], $0x1400, $0x38;
	[tilespmem:$0x1E800] =	vst v63  }
0x82: {  	_ =	swait.ge [sflag:s21], $0x1400  }
0x83: {  	[sflag:s21] =	ssyncset.done $0x0  }
0x84: {  	[sflag:s21] =	ssyncadd.s32 $0xFFFFEC00  }
0x85: {  	[tilespmem:s20], [sflag:$0x1] =	stream.indirect.gather [hbm4b:s4+s29], $0x80, s26, s29, $0xb8;
	[tilespmem:$0x1E800] =	vst v63  }
0x86: {  	_ = 	snop  }
0x87: {  	[tilespmem:s31], [sflag:$0x2] =	stream.indirect.gather [hbm4b:s4+s29], $0x80, s30, s29, $0xb8;
	[tilespmem:$0x1E800] =	vst v63  }
0x88: {  	_ =	swait.ge [sflag:s0], $0x4000  }
0x89: {  	[sflag:s0] =	ssyncset.done $0x0  }
0x8a: {  	s10 =	simm.s32 $0x15400;
	[sflag:s0] =	ssyncadd.s32 $0xFFFFC000  }
0x8b: {  	[spmem:s2] =	stream.indirect.scatter.add.f32 [tilespmem:s20], [sflag:$0x3], $0x80, s10, s29, $0xb8;
	[tilespmem:$0x1E800] =	vst v63  }
0x8c: {  	_ =	swait.ge [sflag:s21], $0x4000  }
0x8d: {  	[sflag:s21] =	ssyncset.done $0x0  }
0x8e: {  	s9 =	simm.s32 $0x14100;
	[sflag:s21] =	ssyncadd.s32 $0xFFFFC000  }
0x8f: {  	[tilespmem:s20], [sflag:$0x1] =	stream.indirect.gather [hbm4b:s4+s29], $0x80, s9, s29, $0xb8;
	[tilespmem:$0x1E800] =	vst v63  }
0x90: {  	_ =	swait.ge [sflag:s1], $0x4000  }
0x91: {  	[sflag:s1] =	ssyncset.done $0x0  }
0x92: {  	s10 =	simm.s32 $0x15480;
	[sflag:s1] =	ssyncadd.s32 $0xFFFFC000  }
0x93: {  	[spmem:s2] =	stream.indirect.scatter.add.f32 [tilespmem:s31], [sflag:$0x3], $0x80, s10, s29, $0xb8;
	[tilespmem:$0x1E800] =	vst v63  }
0x94: {  	_ =	swait.ge [sflag:s21], $0x4000  }
0x95: {  	[sflag:s21] =	ssyncset.done $0x0  }
0x96: {  	s8 =	simm.s32 $0x400;
	s9 =	simm.s32 $0x14180;
	[sflag:s21] =	ssyncadd.s32 $0xFFFFC000  }
.LBB2_6:
0x97: {  	[tilespmem:s31], [sflag:$0x2] =	stream.indirect.gather [hbm4b:s4+s29], $0x80, s9, s29, $0xb8;
	[tilespmem:$0x1E800] =	vst v63  }
0x98: {  	s9 =	smov.u32 s8  }
0x99: {  	p0 =	sne.s32 s8, $0x4800;
	s8 =	sadd.s32 $0x400, s8;
	_ =	swait.ge [sflag:s0], $0x4000  }
0x9a: {  	s9 =	sshra.s32 s9, $0x2;
	[sflag:s0] =	ssyncset.done $0x0  }
0x9b: {  	s10 =	sadd.s32 $0x15400, s9;
	[sflag:s0] =	ssyncadd.s32 $0xFFFFC000  }
0x9c: {  	[spmem:s2] =	stream.indirect.scatter.add.f32 [tilespmem:s20], [sflag:$0x3], $0x80, s10, s29, $0xb8;
	[tilespmem:$0x1E800] =	vst v63  }
0x9d: {  	_ =	swait.ge [sflag:s21], $0x4000  }
0x9e: {  	[sflag:s21] =	ssyncset.done $0x0  }
0x9f: {  	s10 =	sadd.s32 $0x14100, s9;
	[sflag:s21] =	ssyncadd.s32 $0xFFFFC000  }
0xa0: {  	[tilespmem:s20], [sflag:$0x1] =	stream.indirect.gather [hbm4b:s4+s29], $0x80, s10, s29, $0xb8;
	[tilespmem:$0x1E800] =	vst v63  }
0xa1: {  	_ =	swait.ge [sflag:s1], $0x4000  }
0xa2: {  	[sflag:s1] =	ssyncset.done $0x0  }
.Ltmp2:
0xa3: {  	s10 =	sadd.s32 $0x15480, s9;
	[sflag:s1] =	ssyncadd.s32 $0xFFFFC000;
	(pc) =	sbr.rel @p0 .LBB2_6-.Ltmp2, $4  }
0xa4: {  	[spmem:s2] =	stream.indirect.scatter.add.f32 [tilespmem:s31], [sflag:$0x3], $0x80, s10, s29, $0xb8;
	[tilespmem:$0x1E800] =	vst v63  }
0xa5: {  	_ =	swait.ge [sflag:s21], $0x4000  }
0xa6: {  	[sflag:s21] =	ssyncset.done $0x0  }
0xa7: {  	s9 =	sadd.s32 $0x14180, s9;
	[sflag:s21] =	ssyncadd.s32 $0xFFFFC000  }
0xa8: {  	[tilespmem:s31], [sflag:$0x2] =	stream.indirect.gather [hbm4b:s4+s29], $0x80, s9, s29, $0xb8;
	[tilespmem:$0x1E800] =	vst v63  }
0xa9: {  	_ =	swait.ge [sflag:s0], $0x4000  }
0xaa: {  	[sflag:s0] =	ssyncset.done $0x0  }
0xab: {  	[sflag:s0] =	ssyncadd.s32 $0xFFFFC000  }
0xac: {  	[spmem:s2] =	stream.indirect.scatter.add.f32 [tilespmem:s20], [sflag:$0x3], $0x80, s6, s29, $0xb8;
	[tilespmem:$0x1E800] =	vst v63  }
0xad: {  	_ =	swait.ge [sflag:s21], $0x4000  }
0xae: {  	[sflag:s21] =	ssyncset.done $0x0  }
0xaf: {  	[sflag:s21] =	ssyncadd.s32 $0xFFFFC000  }
0xb0: {  	_ =	swait.ge [sflag:s1], $0x4000  }
0xb1: {  	[sflag:s1] =	ssyncset.done $0x0  }
0xb2: {  	[sflag:s1] =	ssyncadd.s32 $0xFFFFC000  }
0xb3: {  	[spmem:s2] =	stream.indirect.scatter.add.f32 [tilespmem:s31], [sflag:$0x3], $0x80, s7, s29, $0xb8;
	[tilespmem:$0x1E800] =	vst v63  }
0xb4: {  	_ =	swait.ge [sflag:s21], $0x4000  }
0xb5: {  	[sflag:s21] =	ssyncset.done $0x0  }
0xb6: {  	s8 =	stileid.u32;
	[sflag:s21] =	ssyncadd.s32 $0xFFFFC000  }
0xb7: {  	s8 =	sshll.u32 s8, $0x6;
	[bflag:$0x0] =	sbarrier.arrive $0xFFFF  }
0xb8: {  	s9 =	sshrl.u32 s5, $0x3;
	s8 =	sor.u32 $0x1C03, s8;
	s10 =	rddreg [dreg:$0x8]  }
0xb9: {  	[hbm:s10], [sflag:s8] =	dma.local [spmem:s9], $0x800  }
0xba: {  	_ =	swait.ge [sflag:s21], $0x800  }
0xbb: {  	[sflag:s21] =	ssyncset.done $0x0  }
0xbc: {  	[sflag:s21] =	ssyncadd.s32 $0xFFFFF800  }
0xbd: {  	[hbm:s16], [sflag:s8] =	dma.local [spmem:s22], $0x800  }
0xbe: {  	_ =	swait.ge [sflag:s21], $0x800  }
0xbf: {  	[sflag:s21] =	ssyncset.done $0x0  }
0xc0: {  	[sflag:s21] =	ssyncadd.s32 $0xFFFFF800  }
0xc1: {  	[hbm:s17], [sflag:s8] =	dma.local [spmem:s23], $0x800  }
0xc2: {  	_ =	swait.ge [sflag:s21], $0x800  }
0xc3: {  	[sflag:s21] =	ssyncset.done $0x0  }
0xc4: {  	[sflag:s21] =	ssyncadd.s32 $0xFFFFF800  }
0xc5: {  	[hbm:s18], [sflag:s8] =	dma.local [spmem:s24], $0x800  }
0xc6: {  	s3 =	sadd.s32 $0x1, s3;
	_ =	swait.ge [sflag:s21], $0x800  }
0xc7: {  	p0 =	sne.s32 s3, s11;
	[sflag:s21] =	ssyncset.done $0x0  }
.Ltmp3:
0xc8: {  	[sflag:s21] =	ssyncadd.s32 $0xFFFFF800;
	(pc) =	sbr.rel @p0 .LBB2_1-.Ltmp3, $4  }
0xc9: {  	[hbm:s19], [sflag:s8] =	dma.local [spmem:s25], $0x800  }
0xca: {  	_ =	swait.ge [sflag:s21], $0x800  }
0xcb: {  	[sflag:s21] =	ssyncset.done $0x0  }
0xcc: {  	[sflag:s21] =	ssyncadd.s32 $0xFFFFF800  }
0xcd: {  	_ =	sfence.sel $0x180000  }
0xce: {  	[bflag:$0x0] =	sbarrier.arrive $0xFFFF  }
0xcf: {  	_ =	strace $0x90000050  }
0xd0: {  	s0 =	stileid.u32;
	[bflag:$0x2] =	sbarrier.arrive $0xFFFF  }
0xd1: {  	p0 =	sne.s32 s0, $0x0;
	s0 =	rddreg [dreg:$0x3]  }
0xd2: {  	s0 =	sadd.s32 @!p0 $0x100000, s0  }
0xd3: {  	[sflag:s0] =	ssyncadd.tile.s32 @!p0 $0x1;
	_ =	shalt  }
.Lfunc_end2:
_tile_overlayer_lowered:
.L_overlay_start_2:
0xd4: {  	(tag) =	ssettag $0x2  }
0xd5: {  	s0 =	rddreg [dreg:$0x0];
	s2 =	stileid.u32  }
0xd6: {  	s1 =	rddreg [dreg:$0x1];
	p0 =	sne.s32 s2, $0x0  }
0xd7: {  	s3 =	rddreg [dreg:$0x2];
	[bflag:$0x3] =	sbarrier.arrive $0xFFFF;
	s2 =	simm.s32 @!p0 $0x1C03  }
0xd8: {  	[timem:s3], [sflag:s2] =	dma.local @!p0 [hbm:s0], s1  }
0xd9: {  	s0 =	simm.s32 @!p0 $0x3  }
0xda: {  	_ =	swait.ge @!p0 [sflag:s0], s1  }
0xdb: {  	s1 =	ssub.s32 @!p0 $0x0, s1;
	[sflag:s0] =	ssyncset.done @!p0 $0x0  }
0xdc: {  	[sflag:s0] =	ssyncadd.s32 @!p0 s1  }
0xdd: {  	[bflag:$0x3] =	sbarrier.arrive $0xFFFF  }
0xde: {  	_ =	shalt  }

// kernel: kernel.25.cloned.1.call-start
scs
__scs_entry_jumppad:
0x0: {  	(pc) =	sbr.rel $0x88, $3  }
0x1: {  	(tag) =	ssettag $0x0;
	lr =	simm.s32 $0x1  }
0x2: {  	[smem:$0x3F9A] =	sst lr;
	_ =	strace $0xD0000000  }
0x3: {  	_ = 	snop  }
0x4: {  	_ = 	snop  }
0x5: {  	_ = 	snop  }
0x6: {  	_ = 	snop  }
0x7: {  	_ = 	snop  }
__scs_overlays_trampoline_lowered:
0x8: {  	[smem:$0x3FA9] =	sst s0  }
0x9: {  	[smem:$0x3FAA] =	sst s1  }
0xa: {  	[smem:$0x3FAB] =	sst s2  }
0xb: {  	[smem:$0x3FAC] =	sst s3  }
0xc: {  	[smem:$0x3FAD] =	sst s4  }
0xd: {  	[smem:$0x3FAE] =	sst s5  }
0xe: {  	[smem:$0x3FAF] =	sst s6  }
0xf: {  	[smem:$0x3FB0] =	sst s7  }
0x10: {  	[smem:$0x3FB1] =	sst s8  }
0x11: {  	[smem:$0x3FB2] =	sst s9;
	s0 =	simm.s32 @!p0 $0x0  }
0x12: {  	s1 =	sld [smem:$0x3F98];
	s0 =	simm.s32 @p0 $0x1  }
0x13: {  	[smem:$0x3FB3] =	sst s0;
	s0 =	simm.s32 @!p1 $0x0  }
0x14: {  	s2 =	sld [smem:$0x3F97];
	s0 =	simm.s32 @p1 $0x1  }
0x15: {  	[smem:$0x3FB4] =	sst s0;
	s0 =	simm.s32 @!p2 $0x0  }
0x16: {  	s3 =	sld [smem:$0x3FDB];
	s0 =	simm.s32 @p2 $0x1  }
0x17: {  	s4 =	simm.s32 $0x1BF5;
	[smem:$0x3FB6] =	sst s0  }
0x18: {  	s0 =	sld [smem:$0x3F99];
	_ =	swait.ge [sflag:s4], $0x0  }
0x19: {  	s7 =	sld [smem:$0x3F9A]  }
0x1a: {  	s8 =	sadd.s32 $0xFFFFE003, lr  }
0x1b: {  	s9 =	sadd.s32 $0xFFFFFEF7, lr;
	s5 =	simm.s32 $0xFFFFFFFF;
	p2 =	slt.u32 s8, $0xFFFFF086  }
0x1c: {  	p1 =	slt.u32 s9, $0xF7A;
	s5 =	simm.s32 @!p2 $0x0  }
0x1d: {  	s5 =	simm.s32 @p1 $0x1;
	p0 =	seq.s32 s7, s2  }
0x1e: {  	s7 =	smul.u32 @!p0 $0xF7A, s2;
	p2 =	seq.s32 @!p0 s5, $0x0  }
0x1f: {  	s9 =	smul.u32 $0xF7A, s1;
	s8 =	simm.s32 @!p0 $0x1BF5;
	p2 =	por !p2, p0  }
0x20: {  	[sflag:s8] =	ssyncset.s32 @!p0 $0xFFFFF086;
	s6 =	sadd.s32 @!p0 s3, s7;
	s7 =	simm.s32 @!p0 $0x108  }
0x21: {  	s3 =	sadd.s32 s3, s9;
	s6 =	sadd.s32 @!p0 $0x88, s6;
	s7 =	simm.s32 @p2 $0x1082  }
0x22: {  	[simem:s7], [sflag:s8] =	dma.local @!p0 [hbm:s6], $0xF7A  }
0x23: {  	s9 =	sor.u32 $0xD0000000, s2;
	s6 =	simm.s32 $0x108;
	_ =	swait.ge @!p0 [sflag:s8], $0x0  }
0x24: {  	s3 =	sadd.s32 $0x88, s3;
	s6 =	simm.s32 @!p1 $0x1082;
	[sflag:s4] =	ssyncset.s32 $0xFFFFF086  }
0x25: {  	[simem:s6], [sflag:s4] =	dma.local [hbm:s3], $0xF7A  }
0x26: {  	[smem:$0x3F9A] =	sst s1;
	(tag) =	ssettag s2;
	_ =	strace s9  }
0x27: {  	s1 =	sld [smem:$0x3FAA]  }
0x28: {  	s2 =	sld [smem:$0x3FAB]  }
0x29: {  	s4 =	sld [smem:$0x3FAD]  }
0x2a: {  	p0 =	seq.s32 s5, $0x0;
	s5 =	sld [smem:$0x3FAE]  }
0x2b: {  	s6 =	sld [smem:$0x3FAF]  }
0x2c: {  	s7 =	sld [smem:$0x3FB0]  }
0x2d: {  	s3 =	simm.s32 $0x108;
	s8 =	sld [smem:$0x3FB1]  }
0x2e: {  	s3 =	simm.s32 @!p0 $0x1082;
	s9 =	sld [smem:$0x3FB2]  }
0x2f: {  	lr =	sadd.s32 s0, s3;
	s0 =	sld [smem:$0x3FA9]  }
0x30: {  	s3 =	sld [smem:$0x3FAC]  }
0x31: {  	[smem:$0x3FB5] =	sst s10  }
0x32: {  	s10 =	sld [smem:$0x3FB3];
	_ =	sdelay $0x3  }
0x33: {  	p0 =	seq.s32 s10, $0x1;
	s10 =	sld [smem:$0x3FB5];
	_ =	sdelay $0x3  }
0x34: {  	[smem:$0x3FB5] =	sst s10  }
0x35: {  	s10 =	sld [smem:$0x3FB4];
	_ =	sdelay $0x3  }
0x36: {  	p1 =	seq.s32 s10, $0x1;
	s10 =	sld [smem:$0x3FB5];
	_ =	sdelay $0x3  }
0x37: {  	[smem:$0x3FB5] =	sst s10  }
0x38: {  	s10 =	sld [smem:$0x3FB6]  }
0x39: {  	_ = 	snop;
	(pc) =	sbr.ind lr, $3  }
0x3a: {  	_ = 	snop  }
0x3b: {  	_ = 	snop  }
0x3c: {  	p2 =	seq.s32 s10, $0x1;
	s10 =	sld [smem:$0x3FB5]  }
0x3d: {  	_ =	shalt  }
0x3e: {  	_ =	shalt  }
0x3f: {  	_ =	shalt  }
0x40: {  	_ =	shalt  }
0x41: {  	_ =	shalt  }
0x42: {  	_ =	shalt  }
0x43: {  	_ =	shalt  }
0x44: {  	_ =	shalt  }
0x45: {  	_ =	shalt  }
0x46: {  	_ =	shalt  }
0x47: {  	_ =	shalt  }
0x48: {  	_ =	shalt  }
0x49: {  	_ =	shalt  }
0x4a: {  	_ =	shalt  }
0x4b: {  	_ =	shalt  }
0x4c: {  	_ =	shalt  }
0x4d: {  	_ =	shalt  }
0x4e: {  	_ =	shalt  }
0x4f: {  	_ =	shalt  }
0x50: {  	_ =	shalt  }
0x51: {  	_ =	shalt  }
0x52: {  	_ =	shalt  }
0x53: {  	_ =	shalt  }
0x54: {  	_ =	shalt  }
0x55: {  	_ =	shalt  }
0x56: {  	_ =	shalt  }
0x57: {  	_ =	shalt  }
0x58: {  	_ =	shalt  }
0x59: {  	_ =	shalt  }
0x5a: {  	_ =	shalt  }
0x5b: {  	_ =	shalt  }
0x5c: {  	_ =	shalt  }
0x5d: {  	_ =	shalt  }
0x5e: {  	_ =	shalt  }
0x5f: {  	_ =	shalt  }
0x60: {  	_ =	shalt  }
0x61: {  	_ =	shalt  }
0x62: {  	_ =	shalt  }
0x63: {  	_ =	shalt  }
0x64: {  	_ =	shalt  }
0x65: {  	_ =	shalt  }
0x66: {  	_ =	shalt  }
0x67: {  	_ =	shalt  }
0x68: {  	_ =	shalt  }
0x69: {  	_ =	shalt  }
0x6a: {  	_ =	shalt  }
0x6b: {  	_ =	shalt  }
0x6c: {  	_ =	shalt  }
0x6d: {  	_ =	shalt  }
0x6e: {  	_ =	shalt  }
0x6f: {  	_ =	shalt  }
0x70: {  	_ =	shalt  }
0x71: {  	_ =	shalt  }
0x72: {  	_ =	shalt  }
0x73: {  	_ =	shalt  }
0x74: {  	_ =	shalt  }
0x75: {  	_ =	shalt  }
0x76: {  	_ =	shalt  }
0x77: {  	_ =	shalt  }
0x78: {  	_ =	shalt  }
0x79: {  	_ =	shalt  }
0x7a: {  	_ =	shalt  }
0x7b: {  	_ =	shalt  }
0x7c: {  	_ =	shalt  }
0x7d: {  	_ =	shalt  }
0x7e: {  	_ =	shalt  }
0x7f: {  	_ =	shalt  }
0x80: {  	_ =	shalt  }
0x81: {  	_ =	shalt  }
0x82: {  	_ =	shalt  }
0x83: {  	_ =	shalt  }
0x84: {  	_ =	shalt  }
0x85: {  	_ =	shalt  }
0x86: {  	_ =	shalt  }
0x87: {  	_ =	shalt  }
.Lfunc_end0:
.L_simem_size_0:
called_computation.4_lowered:
.L_overlay_start_0:
0x88: {  	s2 =	sld [smem:$0x3FD9]  }
0x89: {  	s3 =	sld [smem:$0x3FFE];
	_ =	sdelay $0x1  }
0x8a: {  	s1 =	srdreg.scid  }
0x8b: {  	s0 =	sand.u32 $0x1, s1  }
0x8c: {  	s17 =	sshll.u32 s0, $0xA;
	s2 =	sadd.s32 s3, s2  }
0x8d: {  	s2 =	sadd.s32 s2, s17  }
0x8e: {  	[smem:$0x3FC1] =	sst s2  }
0x8f: {  	_ = 	snop  }
0x90: {  	s2 =	sld [smem:$0x3FD0];
	(tm) =	ssettm $0x1  }
0x91: {  	s18 =	sld [smem:$0x3FFB];
	_ =	sdelay $0x3  }
0x92: {  	_ =	strace s18  }
0x93: {  	s3 =	sld [smem:$0x3FFC];
	_ =	sdelay $0x3  }
0x94: {  	_ =	strace s3  }
0x95: {  	s3 =	sld [smem:$0x3FFD];
	_ =	sdelay $0x3  }
0x96: {  	_ =	strace s3  }
0x97: {  	_ =	strace $0x8FFFFFFF  }
0x98: {  	s19 =	sld [smem:$0x3FDB];
	_ =	sdelay $0x1  }
0x99: {  	s4 =	simm.s32 $_scs_section_size  }
0x9a: {  	s5 =	simm.s32 $_size__tile_overlayer_lowered;
	s6 =	simm.s32 $_tile_overlayer_lowered  }
0x9b: {  	s22 =	simm.s32 $0x1BFF;
	s21 =	sshll.u32 s6, $0x1;
	s3 =	sadd.s32 s4, s19  }
0x9c: {  	s7 =	simm.s32 $0x0;
	s20 =	sshll.u32 s5, $0x1;
	s5 =	sadd.s32 s21, s3  }
0x9d: {  	[timem:s7], [sflag:s22] =	dma.local [hbm:s5], s20  }
0x9e: {  	_ =	swait.ge [sflag:s22], s20  }
0x9f: {  	s4 =	ssub.s32 $0x0, s20;
	[sflag:s22] =	ssyncset.done $0x0  }
0xa0: {  	[sflag:s22] =	ssyncadd.s32 s4;
	_ =	sdelay $0x1  }
0xa1: {  	s23 =	simm.s32 $0x1B8B  }
0xa2: {  	_ =	swait.ge [sflag:s23], $0x1  }
0xa3: {  	[sflag:s23] =	ssyncset.done $0x0  }
0xa4: {  	s25 =	simm.s32 $0x1B8E;
	s24 =	sld [smem:$0x3FFE];
	[sflag:s23] =	ssyncadd.s32 $0xFFFFFFFF  }
0xa5: {  	s26 =	simm.s32 $execute0_lowered;
	[smem:$0x3FD2] =	sst s25  }
0xa6: {  	s5 =	sshll.u32 s26, $0x1;
	_ =	strace $0x80000052;
	[dreg:$0x1] =	wrdreg $0xFFFFFFFF  }
0xa7: {  	s28 =	simm.s32 $_size_execute0_lowered;
	s3 =	sadd.s32 s3, s5;
	[dreg:$0x0] =	wrdreg $0x0  }
0xa8: {  	s5 =	sshll.u32 s28, $0x1;
	[dreg:$0x2] =	wrdreg s3  }
0xa9: {  	[dreg:$0x3] =	wrdreg s5  }
0xaa: {  	[dreg:$0x4] =	wrdreg $0xC0  }
0xab: {  	_ =	task [dreg:s7], $0x5FFFF  }
0xac: {  	[dreg:$0x1] =	wrdreg $0xFFFFFFFF  }
0xad: {  	[dreg:$0x0] =	wrdreg $0x60  }
0xae: {  	[dreg:$0x2] =	wrdreg s24  }
0xaf: {  	[dreg:$0x3] =	wrdreg s2  }
0xb0: {  	[dreg:$0x4] =	wrdreg $0x0  }
0xb1: {  	[dreg:$0x5] =	wrdreg $0x9  }
0xb2: {  	_ =	task.clear_ibuf [dreg:s7], $0x6FFFF;
	_ =	strace $0x90000052  }
0xb3: {  	s29 =	simm.s32 $0x9;
	_ =	strace $0x80000054  }
0xb4: {  	_ =	swait.ge [sflag:s29], $0x1  }
0xb5: {  	[sflag:s29] =	ssyncadd.s32 $0xFFFFFFFF  }
0xb6: {  	_ =	strace $0x90000054  }
0xb7: {  	_ =	sfence  }
0xb8: {  	s30 =	sld [smem:$0x0];
	_ =	sdelay $0x2  }
0xb9: {  	s31 =	sshll.u32 s1, $0xD;
	s1 =	sshrl.u32 s1, $0x2  }
0xba: {  	s3 =	sand.u32 $0x4000, s31;
	s1 =	sadd.s32 s1, s30  }
0xbb: {  	s0 =	sor.u32 s3, s0;
	s1 =	sshll.u32 s1, $0x11  }
0xbc: {  	s0 =	sor.u32 s1, s0  }
0xbd: {  	s0 =	sadd.s32 $0x8F2B, s0  }
0xbe: {  	[sflag:s0] =	ssyncadd.remote.s32 $0x1  }
0xbf: {  	_ =	sfence.sel $0xFFFF  }
0xc0: {  	[dreg:$0x0] =	wrdreg $0xFFFFFFFF;
	(pc) =	sbr.abs _section_cstart, $3  }
0xc1: {  	[dreg:$0x1] =	wrdreg $0xFFFFFFFF  }
0xc2: {  	_ =	task.clear_ibuf [dreg:s7], $0x2FFFF;
	_ =	strace $0x9FFFFFFF  }
0xc3: {  	(tm) =	ssettm $0x7FFFFFFF  }
tec
execute0_lowered:
.L_overlay_start_1:
0x0: {  	(tag) =	ssettag $0x1  }
0x1: {  	s0 =	rddreg [dreg:$0x0]  }
0x2: {  	s1 =	rddreg [dreg:$0x1]  }
0x3: {  	s2 =	rddreg [dreg:$0x2];
	s3 =	simm.s32 $0x0;
	s4 =	srdreg.scid  }
0x4: {  	s10 =	stileid.u32;
	s28 =	simm.s32 $0x15400;
	s29 =	simm.s32 $0x80  }
0x5: {  	s30 =	simm.s32 $0x14080;
	s31 =	simm.s32 $0x1A800;
	[smem:$0x7FF] =	sst s3  }
0x6: {  	s5 =	sand.u32 $0x1, s4;
	s22 =	sshll.u32 s10, $0x1;
	s7 =	smul.u32 $0x50000, s10  }
0x7: {  	s4 =	sadd.s32 $0xD000, s0;
	s8 =	sadd.s32 $0x3000, s0;
	s17 =	smul.u32 $0x14000, s10  }
0x8: {  	s0 =	sadd.s32 $0x35000, s0;
	s6 =	sor.u32 s5, s22;
	s18 =	smul.u32 $0x140000, s5  }
0x9: {  	_ =	strace $0x80000053;
	s9 =	ssub.s32 $0x2, s5;
	s6 =	smul.u32 $0x2800, s6  }
0xa: {  	s23 =	sshrl.u32 s9, $0x1;
	s7 =	sshrl.u32 s7, $0x2;
	s19 =	sadd.s32 $0x8000, s17  }
0xb: {  	s21 =	sadd.s32 $0xC000, s17;
	s9 =	ssub.s32 s9, s23;
	s5 =	sadd.s32 s7, s2  }
0xc: {  	s10 =	sadd.s32 s18, s17;
	s20 =	sadd.s32 s18, s19;
	s22 =	sadd.s32 s18, s21  }
0xd: {  	s6 =	sshrl.u32 s6, $0x3;
	s26 =	sshrl.u32 s10, $0x3;
	s10 =	sadd.s32 $0x4000, s17  }
0xe: {  	s11 =	smax.u32 s9, $0x1;
	s12 =	sadd.s32 $0x4000, s5;
	s13 =	sadd.s32 $0x8000, s5  }
0xf: {  	s14 =	sadd.s32 $0xC000, s5;
	s15 =	sadd.s32 $0x10000, s5;
	s7 =	sshrl.u32 s20, $0x3  }
0x10: {  	s20 =	sadd.s32 $0x10000, s17;
	s23 =	sshrl.u32 s22, $0x3;
	s24 =	sadd.s32 s1, s6  }
0x11: {  	s25 =	sadd.s32 $0x280, s6;
	s6 =	sadd.s32 s8, s6;
	s16 =	sadd.s32 s18, s10  }
0x12: {  	s17 =	sadd.s32 s0, s7;
	s7 =	simm.s32 $0x16780;
	[dreg:$0x4] =	wrdreg s24  }
0x13: {  	[dreg:$0x5] =	wrdreg s6;
	s1 =	sadd.s32 s1, s25;
	s8 =	sadd.s32 s8, s25  }
0x14: {  	s6 =	sshrl.u32 s16, $0x3;
	s24 =	sadd.s32 s18, s20;
	[dreg:$0x6] =	wrdreg s1  }
0x15: {  	s18 =	sadd.s32 s0, s23;
	[dreg:$0x7] =	wrdreg s8;
	s1 =	sadd.s32 s0, s26  }
0x16: {  	s16 =	sadd.s32 s0, s6;
	s6 =	sadd.s32 s19, s2;
	s25 =	sshrl.u32 s24, $0x3  }
0x17: {  	s8 =	sadd.s32 s21, s2;
	s26 =	sadd.s32 s20, s2;
	s20 =	simm.s32 $0x16800  }
0x18: {  	s21 =	simm.s32 $0x3;
	[dreg:$0x8] =	wrdreg s1;
	s1 =	sadd.s32 s10, s2  }
0x19: {  	s19 =	sadd.s32 s0, s25;
	s23 =	sshrl.u32 s6, $0x3;
	s24 =	sshrl.u32 s8, $0x3  }
0x1a: {  	s25 =	sshrl.u32 s26, $0x3;
	s26 =	simm.s32 $0x14000;
	s0 =	simm.s32 $0x1  }
0x1b: {  	v0 =	vimm.f32 $0.0e+00;
	s6 =	simm.s32 $0x16700;
	s22 =	sshrl.u32 s1, $0x3;
	s1 =	simm.s32 $0x2  }
.LBB2_1:
0x1c: {  	s8 =	simm.s32 $0x0;
	s9 =	simm.s32 $0x200  }
.LBB2_2:
0x1d: {  	p0 =	sne.s32 s9, $0xFE00;
	[tilespmem:s8+$0x16870] =	vst v0  }
0x1e: {  	[tilespmem:s8+$0x16800] =	vst v0  }
0x1f: {  	[tilespmem:s8+$0x16810] =	vst v0  }
.Ltmp0:
0x20: {  	[tilespmem:s8+$0x16820] =	vst v0;
	(pc) =	sbr.rel @p0 .LBB2_2-.Ltmp0, $4  }
0x21: {  	[tilespmem:s8+$0x16830] =	vst v0  }
0x22: {  	[tilespmem:s8+$0x16840] =	vst v0  }
0x23: {  	[tilespmem:s8+$0x16850] =	vst v0  }
0x24: {  	[tilespmem:s8+$0x16860] =	vst v0;
	s8 =	sshra.s32 s9, $0x2;
	s9 =	sadd.s32 $0x200, s9  }
0x25: {  	[tilespmem:s8+$0x16870] =	vst v0  }
0x26: {  	[tilespmem:s8+$0x16800] =	vst v0  }
0x27: {  	[tilespmem:s8+$0x16810] =	vst v0  }
0x28: {  	[tilespmem:s8+$0x16820] =	vst v0  }
0x29: {  	[tilespmem:s8+$0x16830] =	vst v0  }
0x2a: {  	[tilespmem:s8+$0x16840] =	vst v0  }
0x2b: {  	[tilespmem:s8+$0x16850] =	vst v0  }
0x2c: {  	[tilespmem:s8+$0x16860] =	vst v0  }
0x2d: {  	[spmem:s5] =	stream.linear.scatter [tilespmem:s20], [sflag:$0x3], $0x4000, $0x38;
	[tilespmem:$0x1E800] =	vst v63  }
0x2e: {  	_ =	swait.ge [sflag:s21], $0x4000  }
0x2f: {  	[sflag:s21] =	ssyncset.done $0x0  }
0x30: {  	[sflag:s21] =	ssyncadd.s32 $0xFFFFC000  }
0x31: {  	[spmem:s12] =	stream.linear.scatter [tilespmem:s20], [sflag:$0x3], $0x4000, $0x38;
	[tilespmem:$0x1E800] =	vst v63  }
0x32: {  	_ =	swait.ge [sflag:s21], $0x4000  }
0x33: {  	[sflag:s21] =	ssyncset.done $0x0  }
0x34: {  	[sflag:s21] =	ssyncadd.s32 $0xFFFFC000  }
0x35: {  	[spmem:s13] =	stream.linear.scatter [tilespmem:s20], [sflag:$0x3], $0x4000, $0x38;
	[tilespmem:$0x1E800] =	vst v63  }
0x36: {  	_ =	swait.ge [sflag:s21], $0x4000  }
0x37: {  	[sflag:s21] =	ssyncset.done $0x0  }
0x38: {  	[sflag:s21] =	ssyncadd.s32 $0xFFFFC000  }
0x39: {  	[spmem:s14] =	stream.linear.scatter [tilespmem:s20], [sflag:$0x3], $0x4000, $0x38;
	[tilespmem:$0x1E800] =	vst v63  }
0x3a: {  	_ =	swait.ge [sflag:s21], $0x4000  }
0x3b: {  	[sflag:s21] =	ssyncset.done $0x0  }
0x3c: {  	[sflag:s21] =	ssyncadd.s32 $0xFFFFC000  }
0x3d: {  	[spmem:s15] =	stream.linear.scatter [tilespmem:s20], [sflag:$0x3], $0x4000, $0x38;
	[tilespmem:$0x1E800] =	vst v63  }
0x3e: {  	_ =	swait.ge [sflag:s21], $0x4000  }
0x3f: {  	[sflag:s21] =	ssyncset.done $0x0  }
0x40: {  	[sflag:s21] =	ssyncadd.s32 $0xFFFFC000  }
0x41: {  	[bflag:$0x0] =	sbarrier.arrive $0xFFFF  }
0x42: {  	s8 =	simm.s32 $0x0;
	s9 =	rddreg [dreg:$0x4]  }
0x43: {  	[tilespmem:s26], [sflag:$0x3] =	stream.linear.gather [hbm4b:s9+s8], $0x1400, $0x38;
	[tilespmem:$0x1E800] =	vst v63  }
0x44: {  	_ =	swait.ge [sflag:s21], $0x1400  }
0x45: {  	[sflag:s21] =	ssyncset.done $0x0  }
0x46: {  	s10 =	rddreg [dreg:$0x5];
	[sflag:s21] =	ssyncadd.s32 $0xFFFFEC00  }
0x47: {  	[tilespmem:s28], [sflag:$0x3] =	stream.linear.gather [hbm4b:s10+s8], $0x1400, $0x38;
	[tilespmem:$0x1E800] =	vst v63  }
0x48: {  	_ =	swait.ge [sflag:s21], $0x1400  }
0x49: {  	[sflag:s21] =	ssyncset.done $0x0  }
0x4a: {  	[sflag:s21] =	ssyncadd.s32 $0xFFFFEC00  }
0x4b: {  	[tilespmem:s20], [sflag:$0x1] =	stream.indirect.gather [hbm4b:s4+s29], $0x80, s26, s29, $0xb8;
	[tilespmem:$0x1E800] =	vst v63  }
0x4c: {  	_ = 	snop  }
0x4d: {  	[tilespmem:s31], [sflag:$0x2] =	stream.indirect.gather [hbm4b:s4+s29], $0x80, s30, s29, $0xb8;
	[tilespmem:$0x1E800] =	vst v63  }
0x4e: {  	_ =	swait.ge [sflag:s0], $0x4000  }
0x4f: {  	[sflag:s0] =	ssyncset.done $0x0  }
0x50: {  	s10 =	simm.s32 $0x15400;
	[sflag:s0] =	ssyncadd.s32 $0xFFFFC000  }
0x51: {  	[spmem:s2] =	stream.indirect.scatter.add.f32 [tilespmem:s20], [sflag:$0x3], $0x80, s10, s29, $0xb8;
	[tilespmem:$0x1E800] =	vst v63  }
0x52: {  	_ =	swait.ge [sflag:s21], $0x4000  }
0x53: {  	[sflag:s21] =	ssyncset.done $0x0  }
0x54: {  	s9 =	simm.s32 $0x14100;
	[sflag:s21] =	ssyncadd.s32 $0xFFFFC000  }
0x55: {  	[tilespmem:s20], [sflag:$0x1] =	stream.indirect.gather [hbm4b:s4+s29], $0x80, s9, s29, $0xb8;
	[tilespmem:$0x1E800] =	vst v63  }
0x56: {  	_ =	swait.ge [sflag:s1], $0x4000  }
0x57: {  	[sflag:s1] =	ssyncset.done $0x0  }
0x58: {  	s10 =	simm.s32 $0x15480;
	[sflag:s1] =	ssyncadd.s32 $0xFFFFC000  }
0x59: {  	[spmem:s2] =	stream.indirect.scatter.add.f32 [tilespmem:s31], [sflag:$0x3], $0x80, s10, s29, $0xb8;
	[tilespmem:$0x1E800] =	vst v63  }
0x5a: {  	_ =	swait.ge [sflag:s21], $0x4000  }
0x5b: {  	[sflag:s21] =	ssyncset.done $0x0  }
0x5c: {  	s8 =	simm.s32 $0x400;
	s9 =	simm.s32 $0x14180;
	[sflag:s21] =	ssyncadd.s32 $0xFFFFC000  }
.LBB2_4:
0x5d: {  	[tilespmem:s31], [sflag:$0x2] =	stream.indirect.gather [hbm4b:s4+s29], $0x80, s9, s29, $0xb8;
	[tilespmem:$0x1E800] =	vst v63  }
0x5e: {  	s9 =	smov.u32 s8  }
0x5f: {  	p0 =	sne.s32 s8, $0x4800;
	s8 =	sadd.s32 $0x400, s8;
	_ =	swait.ge [sflag:s0], $0x4000  }
0x60: {  	s9 =	sshra.s32 s9, $0x2;
	[sflag:s0] =	ssyncset.done $0x0  }
0x61: {  	s10 =	sadd.s32 $0x15400, s9;
	[sflag:s0] =	ssyncadd.s32 $0xFFFFC000  }
0x62: {  	[spmem:s2] =	stream.indirect.scatter.add.f32 [tilespmem:s20], [sflag:$0x3], $0x80, s10, s29, $0xb8;
	[tilespmem:$0x1E800] =	vst v63  }
0x63: {  	_ =	swait.ge [sflag:s21], $0x4000  }
0x64: {  	[sflag:s21] =	ssyncset.done $0x0  }
0x65: {  	s10 =	sadd.s32 $0x14100, s9;
	[sflag:s21] =	ssyncadd.s32 $0xFFFFC000  }
0x66: {  	[tilespmem:s20], [sflag:$0x1] =	stream.indirect.gather [hbm4b:s4+s29], $0x80, s10, s29, $0xb8;
	[tilespmem:$0x1E800] =	vst v63  }
0x67: {  	_ =	swait.ge [sflag:s1], $0x4000  }
0x68: {  	[sflag:s1] =	ssyncset.done $0x0  }
.Ltmp1:
0x69: {  	s10 =	sadd.s32 $0x15480, s9;
	[sflag:s1] =	ssyncadd.s32 $0xFFFFC000;
	(pc) =	sbr.rel @p0 .LBB2_4-.Ltmp1, $4  }
0x6a: {  	[spmem:s2] =	stream.indirect.scatter.add.f32 [tilespmem:s31], [sflag:$0x3], $0x80, s10, s29, $0xb8;
	[tilespmem:$0x1E800] =	vst v63  }
0x6b: {  	_ =	swait.ge [sflag:s21], $0x4000  }
0x6c: {  	[sflag:s21] =	ssyncset.done $0x0  }
0x6d: {  	s9 =	sadd.s32 $0x14180, s9;
	[sflag:s21] =	ssyncadd.s32 $0xFFFFC000  }
0x6e: {  	[tilespmem:s31], [sflag:$0x2] =	stream.indirect.gather [hbm4b:s4+s29], $0x80, s9, s29, $0xb8;
	[tilespmem:$0x1E800] =	vst v63  }
0x6f: {  	_ =	swait.ge [sflag:s0], $0x4000  }
0x70: {  	[sflag:s0] =	ssyncset.done $0x0  }
0x71: {  	[sflag:s0] =	ssyncadd.s32 $0xFFFFC000  }
0x72: {  	[spmem:s2] =	stream.indirect.scatter.add.f32 [tilespmem:s20], [sflag:$0x3], $0x80, s6, s29, $0xb8;
	[tilespmem:$0x1E800] =	vst v63  }
0x73: {  	_ =	swait.ge [sflag:s21], $0x4000  }
0x74: {  	[sflag:s21] =	ssyncset.done $0x0  }
0x75: {  	[sflag:s21] =	ssyncadd.s32 $0xFFFFC000  }
0x76: {  	_ =	swait.ge [sflag:s1], $0x4000  }
0x77: {  	[sflag:s1] =	ssyncset.done $0x0  }
0x78: {  	[sflag:s1] =	ssyncadd.s32 $0xFFFFC000  }
0x79: {  	[spmem:s2] =	stream.indirect.scatter.add.f32 [tilespmem:s31], [sflag:$0x3], $0x80, s7, s29, $0xb8;
	[tilespmem:$0x1E800] =	vst v63  }
0x7a: {  	_ =	swait.ge [sflag:s21], $0x4000  }
0x7b: {  	[sflag:s21] =	ssyncset.done $0x0  }
0x7c: {  	s8 =	simm.s32 $0x0;
	s10 =	rddreg [dreg:$0x6];
	[sflag:s21] =	ssyncadd.s32 $0xFFFFC000  }
0x7d: {  	[tilespmem:s26], [sflag:$0x3] =	stream.linear.gather [hbm4b:s10+s8], $0x1400, $0x38;
	[tilespmem:$0x1E800] =	vst v63  }
0x7e: {  	_ =	swait.ge [sflag:s21], $0x1400  }
0x7f: {  	[sflag:s21] =	ssyncset.done $0x0  }
0x80: {  	s10 =	rddreg [dreg:$0x7];
	[sflag:s21] =	ssyncadd.s32 $0xFFFFEC00  }
0x81: {  	[tilespmem:s28], [sflag:$0x3] =	stream.linear.gather [hbm4b:s10+s8], $0x1400, $0x38;
	[tilespmem:$0x1E800] =	vst v63  }
0x82: {  	_ =	swait.ge [sflag:s21], $0x1400  }
0x83: {  	[sflag:s21] =	ssyncset.done $0x0  }
0x84: {  	[sflag:s21] =	ssyncadd.s32 $0xFFFFEC00  }
0x85: {  	[tilespmem:s20], [sflag:$0x1] =	stream.indirect.gather [hbm4b:s4+s29], $0x80, s26, s29, $0xb8;
	[tilespmem:$0x1E800] =	vst v63  }
0x86: {  	_ = 	snop  }
0x87: {  	[tilespmem:s31], [sflag:$0x2] =	stream.indirect.gather [hbm4b:s4+s29], $0x80, s30, s29, $0xb8;
	[tilespmem:$0x1E800] =	vst v63  }
0x88: {  	_ =	swait.ge [sflag:s0], $0x4000  }
0x89: {  	[sflag:s0] =	ssyncset.done $0x0  }
0x8a: {  	s10 =	simm.s32 $0x15400;
	[sflag:s0] =	ssyncadd.s32 $0xFFFFC000  }
0x8b: {  	[spmem:s2] =	stream.indirect.scatter.add.f32 [tilespmem:s20], [sflag:$0x3], $0x80, s10, s29, $0xb8;
	[tilespmem:$0x1E800] =	vst v63  }
0x8c: {  	_ =	swait.ge [sflag:s21], $0x4000  }
0x8d: {  	[sflag:s21] =	ssyncset.done $0x0  }
0x8e: {  	s9 =	simm.s32 $0x14100;
	[sflag:s21] =	ssyncadd.s32 $0xFFFFC000  }
0x8f: {  	[tilespmem:s20], [sflag:$0x1] =	stream.indirect.gather [hbm4b:s4+s29], $0x80, s9, s29, $0xb8;
	[tilespmem:$0x1E800] =	vst v63  }
0x90: {  	_ =	swait.ge [sflag:s1], $0x4000  }
0x91: {  	[sflag:s1] =	ssyncset.done $0x0  }
0x92: {  	s10 =	simm.s32 $0x15480;
	[sflag:s1] =	ssyncadd.s32 $0xFFFFC000  }
0x93: {  	[spmem:s2] =	stream.indirect.scatter.add.f32 [tilespmem:s31], [sflag:$0x3], $0x80, s10, s29, $0xb8;
	[tilespmem:$0x1E800] =	vst v63  }
0x94: {  	_ =	swait.ge [sflag:s21], $0x4000  }
0x95: {  	[sflag:s21] =	ssyncset.done $0x0  }
0x96: {  	s8 =	simm.s32 $0x400;
	s9 =	simm.s32 $0x14180;
	[sflag:s21] =	ssyncadd.s32 $0xFFFFC000  }
.LBB2_6:
0x97: {  	[tilespmem:s31], [sflag:$0x2] =	stream.indirect.gather [hbm4b:s4+s29], $0x80, s9, s29, $0xb8;
	[tilespmem:$0x1E800] =	vst v63  }
0x98: {  	s9 =	smov.u32 s8  }
0x99: {  	p0 =	sne.s32 s8, $0x4800;
	s8 =	sadd.s32 $0x400, s8;
	_ =	swait.ge [sflag:s0], $0x4000  }
0x9a: {  	s9 =	sshra.s32 s9, $0x2;
	[sflag:s0] =	ssyncset.done $0x0  }
0x9b: {  	s10 =	sadd.s32 $0x15400, s9;
	[sflag:s0] =	ssyncadd.s32 $0xFFFFC000  }
0x9c: {  	[spmem:s2] =	stream.indirect.scatter.add.f32 [tilespmem:s20], [sflag:$0x3], $0x80, s10, s29, $0xb8;
	[tilespmem:$0x1E800] =	vst v63  }
0x9d: {  	_ =	swait.ge [sflag:s21], $0x4000  }
0x9e: {  	[sflag:s21] =	ssyncset.done $0x0  }
0x9f: {  	s10 =	sadd.s32 $0x14100, s9;
	[sflag:s21] =	ssyncadd.s32 $0xFFFFC000  }
0xa0: {  	[tilespmem:s20], [sflag:$0x1] =	stream.indirect.gather [hbm4b:s4+s29], $0x80, s10, s29, $0xb8;
	[tilespmem:$0x1E800] =	vst v63  }
0xa1: {  	_ =	swait.ge [sflag:s1], $0x4000  }
0xa2: {  	[sflag:s1] =	ssyncset.done $0x0  }
.Ltmp2:
0xa3: {  	s10 =	sadd.s32 $0x15480, s9;
	[sflag:s1] =	ssyncadd.s32 $0xFFFFC000;
	(pc) =	sbr.rel @p0 .LBB2_6-.Ltmp2, $4  }
0xa4: {  	[spmem:s2] =	stream.indirect.scatter.add.f32 [tilespmem:s31], [sflag:$0x3], $0x80, s10, s29, $0xb8;
	[tilespmem:$0x1E800] =	vst v63  }
0xa5: {  	_ =	swait.ge [sflag:s21], $0x4000  }
0xa6: {  	[sflag:s21] =	ssyncset.done $0x0  }
0xa7: {  	s9 =	sadd.s32 $0x14180, s9;
	[sflag:s21] =	ssyncadd.s32 $0xFFFFC000  }
0xa8: {  	[tilespmem:s31], [sflag:$0x2] =	stream.indirect.gather [hbm4b:s4+s29], $0x80, s9, s29, $0xb8;
	[tilespmem:$0x1E800] =	vst v63  }
0xa9: {  	_ =	swait.ge [sflag:s0], $0x4000  }
0xaa: {  	[sflag:s0] =	ssyncset.done $0x0  }
0xab: {  	[sflag:s0] =	ssyncadd.s32 $0xFFFFC000  }
0xac: {  	[spmem:s2] =	stream.indirect.scatter.add.f32 [tilespmem:s20], [sflag:$0x3], $0x80, s6, s29, $0xb8;
	[tilespmem:$0x1E800] =	vst v63  }
0xad: {  	_ =	swait.ge [sflag:s21], $0x4000  }
0xae: {  	[sflag:s21] =	ssyncset.done $0x0  }
0xaf: {  	[sflag:s21] =	ssyncadd.s32 $0xFFFFC000  }
0xb0: {  	_ =	swait.ge [sflag:s1], $0x4000  }
0xb1: {  	[sflag:s1] =	ssyncset.done $0x0  }
0xb2: {  	[sflag:s1] =	ssyncadd.s32 $0xFFFFC000  }
0xb3: {  	[spmem:s2] =	stream.indirect.scatter.add.f32 [tilespmem:s31], [sflag:$0x3], $0x80, s7, s29, $0xb8;
	[tilespmem:$0x1E800] =	vst v63  }
0xb4: {  	_ =	swait.ge [sflag:s21], $0x4000  }
0xb5: {  	[sflag:s21] =	ssyncset.done $0x0  }
0xb6: {  	s8 =	stileid.u32;
	[sflag:s21] =	ssyncadd.s32 $0xFFFFC000  }
0xb7: {  	s8 =	sshll.u32 s8, $0x6;
	[bflag:$0x0] =	sbarrier.arrive $0xFFFF  }
0xb8: {  	s9 =	sshrl.u32 s5, $0x3;
	s8 =	sor.u32 $0x1C03, s8;
	s10 =	rddreg [dreg:$0x8]  }
0xb9: {  	[hbm:s10], [sflag:s8] =	dma.local [spmem:s9], $0x800  }
0xba: {  	_ =	swait.ge [sflag:s21], $0x800  }
0xbb: {  	[sflag:s21] =	ssyncset.done $0x0  }
0xbc: {  	[sflag:s21] =	ssyncadd.s32 $0xFFFFF800  }
0xbd: {  	[hbm:s16], [sflag:s8] =	dma.local [spmem:s22], $0x800  }
0xbe: {  	_ =	swait.ge [sflag:s21], $0x800  }
0xbf: {  	[sflag:s21] =	ssyncset.done $0x0  }
0xc0: {  	[sflag:s21] =	ssyncadd.s32 $0xFFFFF800  }
0xc1: {  	[hbm:s17], [sflag:s8] =	dma.local [spmem:s23], $0x800  }
0xc2: {  	_ =	swait.ge [sflag:s21], $0x800  }
0xc3: {  	[sflag:s21] =	ssyncset.done $0x0  }
0xc4: {  	[sflag:s21] =	ssyncadd.s32 $0xFFFFF800  }
0xc5: {  	[hbm:s18], [sflag:s8] =	dma.local [spmem:s24], $0x800  }
0xc6: {  	s3 =	sadd.s32 $0x1, s3;
	_ =	swait.ge [sflag:s21], $0x800  }
0xc7: {  	p0 =	sne.s32 s3, s11;
	[sflag:s21] =	ssyncset.done $0x0  }
.Ltmp3:
0xc8: {  	[sflag:s21] =	ssyncadd.s32 $0xFFFFF800;
	(pc) =	sbr.rel @p0 .LBB2_1-.Ltmp3, $4  }
0xc9: {  	[hbm:s19], [sflag:s8] =	dma.local [spmem:s25], $0x800  }
0xca: {  	_ =	swait.ge [sflag:s21], $0x800  }
0xcb: {  	[sflag:s21] =	ssyncset.done $0x0  }
0xcc: {  	[sflag:s21] =	ssyncadd.s32 $0xFFFFF800  }
0xcd: {  	_ =	sfence.sel $0x180000  }
0xce: {  	[bflag:$0x0] =	sbarrier.arrive $0xFFFF  }
0xcf: {  	_ =	strace $0x90000053  }
0xd0: {  	s0 =	stileid.u32;
	[bflag:$0x2] =	sbarrier.arrive $0xFFFF  }
0xd1: {  	p0 =	sne.s32 s0, $0x0;
	s0 =	rddreg [dreg:$0x3]  }
0xd2: {  	s0 =	sadd.s32 @!p0 $0x100000, s0  }
0xd3: {  	[sflag:s0] =	ssyncadd.tile.s32 @!p0 $0x1;
	_ =	shalt  }
.Lfunc_end2:
_tile_overlayer_lowered:
.L_overlay_start_2:
0xd4: {  	(tag) =	ssettag $0x2  }
0xd5: {  	s0 =	rddreg [dreg:$0x0];
	s2 =	stileid.u32  }
0xd6: {  	s1 =	rddreg [dreg:$0x1];
	p0 =	sne.s32 s2, $0x0  }
0xd7: {  	s3 =	rddreg [dreg:$0x2];
	[bflag:$0x3] =	sbarrier.arrive $0xFFFF;
	s2 =	simm.s32 @!p0 $0x1C03  }
0xd8: {  	[timem:s3], [sflag:s2] =	dma.local @!p0 [hbm:s0], s1  }
0xd9: {  	s0 =	simm.s32 @!p0 $0x3  }
0xda: {  	_ =	swait.ge @!p0 [sflag:s0], s1  }
0xdb: {  	s1 =	ssub.s32 @!p0 $0x0, s1;
	[sflag:s0] =	ssyncset.done @!p0 $0x0  }
0xdc: {  	[sflag:s0] =	ssyncadd.s32 @!p0 s1  }
0xdd: {  	[bflag:$0x3] =	sbarrier.arrive $0xFFFF  }
0xde: {  	_ =	shalt  }

// kernel: kernel.28.cloned.1.call-start
scs
__scs_entry_jumppad:
0x0: {  	(pc) =	sbr.rel $0x88, $3  }
0x1: {  	(tag) =	ssettag $0x0;
	lr =	simm.s32 $0x1  }
0x2: {  	[smem:$0x3F9A] =	sst lr;
	_ =	strace $0xD0000000  }
0x3: {  	_ = 	snop  }
0x4: {  	_ = 	snop  }
0x5: {  	_ = 	snop  }
0x6: {  	_ = 	snop  }
0x7: {  	_ = 	snop  }
__scs_overlays_trampoline_lowered:
0x8: {  	[smem:$0x3FA9] =	sst s0  }
0x9: {  	[smem:$0x3FAA] =	sst s1  }
0xa: {  	[smem:$0x3FAB] =	sst s2  }
0xb: {  	[smem:$0x3FAC] =	sst s3  }
0xc: {  	[smem:$0x3FAD] =	sst s4  }
0xd: {  	[smem:$0x3FAE] =	sst s5  }
0xe: {  	[smem:$0x3FAF] =	sst s6  }
0xf: {  	[smem:$0x3FB0] =	sst s7  }
0x10: {  	[smem:$0x3FB1] =	sst s8  }
0x11: {  	[smem:$0x3FB2] =	sst s9;
	s0 =	simm.s32 @!p0 $0x0  }
0x12: {  	s1 =	sld [smem:$0x3F98];
	s0 =	simm.s32 @p0 $0x1  }
0x13: {  	[smem:$0x3FB3] =	sst s0;
	s0 =	simm.s32 @!p1 $0x0  }
0x14: {  	s2 =	sld [smem:$0x3F97];
	s0 =	simm.s32 @p1 $0x1  }
0x15: {  	[smem:$0x3FB4] =	sst s0;
	s0 =	simm.s32 @!p2 $0x0  }
0x16: {  	s3 =	sld [smem:$0x3FDB];
	s0 =	simm.s32 @p2 $0x1  }
0x17: {  	s4 =	simm.s32 $0x1BF5;
	[smem:$0x3FB6] =	sst s0  }
0x18: {  	s0 =	sld [smem:$0x3F99];
	_ =	swait.ge [sflag:s4], $0x0  }
0x19: {  	s7 =	sld [smem:$0x3F9A]  }
0x1a: {  	s8 =	sadd.s32 $0xFFFFE003, lr  }
0x1b: {  	s9 =	sadd.s32 $0xFFFFFEF7, lr;
	s5 =	simm.s32 $0xFFFFFFFF;
	p2 =	slt.u32 s8, $0xFFFFF086  }
0x1c: {  	p1 =	slt.u32 s9, $0xF7A;
	s5 =	simm.s32 @!p2 $0x0  }
0x1d: {  	s5 =	simm.s32 @p1 $0x1;
	p0 =	seq.s32 s7, s2  }
0x1e: {  	s7 =	smul.u32 @!p0 $0xF7A, s2;
	p2 =	seq.s32 @!p0 s5, $0x0  }
0x1f: {  	s9 =	smul.u32 $0xF7A, s1;
	s8 =	simm.s32 @!p0 $0x1BF5;
	p2 =	por !p2, p0  }
0x20: {  	[sflag:s8] =	ssyncset.s32 @!p0 $0xFFFFF086;
	s6 =	sadd.s32 @!p0 s3, s7;
	s7 =	simm.s32 @!p0 $0x108  }
0x21: {  	s3 =	sadd.s32 s3, s9;
	s6 =	sadd.s32 @!p0 $0x88, s6;
	s7 =	simm.s32 @p2 $0x1082  }
0x22: {  	[simem:s7], [sflag:s8] =	dma.local @!p0 [hbm:s6], $0xF7A  }
0x23: {  	s9 =	sor.u32 $0xD0000000, s2;
	s6 =	simm.s32 $0x108;
	_ =	swait.ge @!p0 [sflag:s8], $0x0  }
0x24: {  	s3 =	sadd.s32 $0x88, s3;
	s6 =	simm.s32 @!p1 $0x1082;
	[sflag:s4] =	ssyncset.s32 $0xFFFFF086  }
0x25: {  	[simem:s6], [sflag:s4] =	dma.local [hbm:s3], $0xF7A  }
0x26: {  	[smem:$0x3F9A] =	sst s1;
	(tag) =	ssettag s2;
	_ =	strace s9  }
0x27: {  	s1 =	sld [smem:$0x3FAA]  }
0x28: {  	s2 =	sld [smem:$0x3FAB]  }
0x29: {  	s4 =	sld [smem:$0x3FAD]  }
0x2a: {  	p0 =	seq.s32 s5, $0x0;
	s5 =	sld [smem:$0x3FAE]  }
0x2b: {  	s6 =	sld [smem:$0x3FAF]  }
0x2c: {  	s7 =	sld [smem:$0x3FB0]  }
0x2d: {  	s3 =	simm.s32 $0x108;
	s8 =	sld [smem:$0x3FB1]  }
0x2e: {  	s3 =	simm.s32 @!p0 $0x1082;
	s9 =	sld [smem:$0x3FB2]  }
0x2f: {  	lr =	sadd.s32 s0, s3;
	s0 =	sld [smem:$0x3FA9]  }
0x30: {  	s3 =	sld [smem:$0x3FAC]  }
0x31: {  	[smem:$0x3FB5] =	sst s10  }
0x32: {  	s10 =	sld [smem:$0x3FB3];
	_ =	sdelay $0x3  }
0x33: {  	p0 =	seq.s32 s10, $0x1;
	s10 =	sld [smem:$0x3FB5];
	_ =	sdelay $0x3  }
0x34: {  	[smem:$0x3FB5] =	sst s10  }
0x35: {  	s10 =	sld [smem:$0x3FB4];
	_ =	sdelay $0x3  }
0x36: {  	p1 =	seq.s32 s10, $0x1;
	s10 =	sld [smem:$0x3FB5];
	_ =	sdelay $0x3  }
0x37: {  	[smem:$0x3FB5] =	sst s10  }
0x38: {  	s10 =	sld [smem:$0x3FB6]  }
0x39: {  	_ = 	snop;
	(pc) =	sbr.ind lr, $3  }
0x3a: {  	_ = 	snop  }
0x3b: {  	_ = 	snop  }
0x3c: {  	p2 =	seq.s32 s10, $0x1;
	s10 =	sld [smem:$0x3FB5]  }
0x3d: {  	_ =	shalt  }
0x3e: {  	_ =	shalt  }
0x3f: {  	_ =	shalt  }
0x40: {  	_ =	shalt  }
0x41: {  	_ =	shalt  }
0x42: {  	_ =	shalt  }
0x43: {  	_ =	shalt  }
0x44: {  	_ =	shalt  }
0x45: {  	_ =	shalt  }
0x46: {  	_ =	shalt  }
0x47: {  	_ =	shalt  }
0x48: {  	_ =	shalt  }
0x49: {  	_ =	shalt  }
0x4a: {  	_ =	shalt  }
0x4b: {  	_ =	shalt  }
0x4c: {  	_ =	shalt  }
0x4d: {  	_ =	shalt  }
0x4e: {  	_ =	shalt  }
0x4f: {  	_ =	shalt  }
0x50: {  	_ =	shalt  }
0x51: {  	_ =	shalt  }
0x52: {  	_ =	shalt  }
0x53: {  	_ =	shalt  }
0x54: {  	_ =	shalt  }
0x55: {  	_ =	shalt  }
0x56: {  	_ =	shalt  }
0x57: {  	_ =	shalt  }
0x58: {  	_ =	shalt  }
0x59: {  	_ =	shalt  }
0x5a: {  	_ =	shalt  }
0x5b: {  	_ =	shalt  }
0x5c: {  	_ =	shalt  }
0x5d: {  	_ =	shalt  }
0x5e: {  	_ =	shalt  }
0x5f: {  	_ =	shalt  }
0x60: {  	_ =	shalt  }
0x61: {  	_ =	shalt  }
0x62: {  	_ =	shalt  }
0x63: {  	_ =	shalt  }
0x64: {  	_ =	shalt  }
0x65: {  	_ =	shalt  }
0x66: {  	_ =	shalt  }
0x67: {  	_ =	shalt  }
0x68: {  	_ =	shalt  }
0x69: {  	_ =	shalt  }
0x6a: {  	_ =	shalt  }
0x6b: {  	_ =	shalt  }
0x6c: {  	_ =	shalt  }
0x6d: {  	_ =	shalt  }
0x6e: {  	_ =	shalt  }
0x6f: {  	_ =	shalt  }
0x70: {  	_ =	shalt  }
0x71: {  	_ =	shalt  }
0x72: {  	_ =	shalt  }
0x73: {  	_ =	shalt  }
0x74: {  	_ =	shalt  }
0x75: {  	_ =	shalt  }
0x76: {  	_ =	shalt  }
0x77: {  	_ =	shalt  }
0x78: {  	_ =	shalt  }
0x79: {  	_ =	shalt  }
0x7a: {  	_ =	shalt  }
0x7b: {  	_ =	shalt  }
0x7c: {  	_ =	shalt  }
0x7d: {  	_ =	shalt  }
0x7e: {  	_ =	shalt  }
0x7f: {  	_ =	shalt  }
0x80: {  	_ =	shalt  }
0x81: {  	_ =	shalt  }
0x82: {  	_ =	shalt  }
0x83: {  	_ =	shalt  }
0x84: {  	_ =	shalt  }
0x85: {  	_ =	shalt  }
0x86: {  	_ =	shalt  }
0x87: {  	_ =	shalt  }
.Lfunc_end0:
.L_simem_size_0:
called_computation.5_lowered:
.L_overlay_start_0:
0x88: {  	s2 =	sld [smem:$0x3FD9]  }
0x89: {  	s3 =	sld [smem:$0x3FFE];
	_ =	sdelay $0x1  }
0x8a: {  	s1 =	srdreg.scid  }
0x8b: {  	s0 =	sand.u32 $0x1, s1  }
0x8c: {  	s17 =	sshll.u32 s0, $0xA;
	s2 =	sadd.s32 s3, s2  }
0x8d: {  	s2 =	sadd.s32 s2, s17  }
0x8e: {  	[smem:$0x3FC1] =	sst s2  }
0x8f: {  	_ = 	snop  }
0x90: {  	s2 =	sld [smem:$0x3FD0];
	(tm) =	ssettm $0x1  }
0x91: {  	s18 =	sld [smem:$0x3FFB];
	_ =	sdelay $0x3  }
0x92: {  	_ =	strace s18  }
0x93: {  	s3 =	sld [smem:$0x3FFC];
	_ =	sdelay $0x3  }
0x94: {  	_ =	strace s3  }
0x95: {  	s3 =	sld [smem:$0x3FFD];
	_ =	sdelay $0x3  }
0x96: {  	_ =	strace s3  }
0x97: {  	_ =	strace $0x8FFFFFFF  }
0x98: {  	s19 =	sld [smem:$0x3FDB];
	_ =	sdelay $0x1  }
0x99: {  	s4 =	simm.s32 $_scs_section_size  }
0x9a: {  	s5 =	simm.s32 $_size__tile_overlayer_lowered;
	s6 =	simm.s32 $_tile_overlayer_lowered  }
0x9b: {  	s22 =	simm.s32 $0x1BFF;
	s21 =	sshll.u32 s6, $0x1;
	s3 =	sadd.s32 s4, s19  }
0x9c: {  	s7 =	simm.s32 $0x0;
	s20 =	sshll.u32 s5, $0x1;
	s5 =	sadd.s32 s21, s3  }
0x9d: {  	[timem:s7], [sflag:s22] =	dma.local [hbm:s5], s20  }
0x9e: {  	_ =	swait.ge [sflag:s22], s20  }
0x9f: {  	s4 =	ssub.s32 $0x0, s20;
	[sflag:s22] =	ssyncset.done $0x0  }
0xa0: {  	[sflag:s22] =	ssyncadd.s32 s4;
	_ =	sdelay $0x1  }
0xa1: {  	s23 =	simm.s32 $0x1B8B  }
0xa2: {  	_ =	swait.ge [sflag:s23], $0x1  }
0xa3: {  	[sflag:s23] =	ssyncset.done $0x0  }
0xa4: {  	s25 =	simm.s32 $0x1B8E;
	s24 =	sld [smem:$0x3FFE];
	[sflag:s23] =	ssyncadd.s32 $0xFFFFFFFF  }
0xa5: {  	s26 =	simm.s32 $execute0_lowered;
	[smem:$0x3FD2] =	sst s25  }
0xa6: {  	s5 =	sshll.u32 s26, $0x1;
	_ =	strace $0x80000055;
	[dreg:$0x1] =	wrdreg $0xFFFFFFFF  }
0xa7: {  	s28 =	simm.s32 $_size_execute0_lowered;
	s3 =	sadd.s32 s3, s5;
	[dreg:$0x0] =	wrdreg $0x0  }
0xa8: {  	s5 =	sshll.u32 s28, $0x1;
	[dreg:$0x2] =	wrdreg s3  }
0xa9: {  	[dreg:$0x3] =	wrdreg s5  }
0xaa: {  	[dreg:$0x4] =	wrdreg $0xC0  }
0xab: {  	_ =	task [dreg:s7], $0x5FFFF  }
0xac: {  	[dreg:$0x1] =	wrdreg $0xFFFFFFFF  }
0xad: {  	[dreg:$0x0] =	wrdreg $0x60  }
0xae: {  	[dreg:$0x2] =	wrdreg s24  }
0xaf: {  	[dreg:$0x3] =	wrdreg s2  }
0xb0: {  	[dreg:$0x4] =	wrdreg $0x0  }
0xb1: {  	[dreg:$0x5] =	wrdreg $0x9  }
0xb2: {  	_ =	task.clear_ibuf [dreg:s7], $0x6FFFF;
	_ =	strace $0x90000055  }
0xb3: {  	s29 =	simm.s32 $0x9;
	_ =	strace $0x80000057  }
0xb4: {  	_ =	swait.ge [sflag:s29], $0x1  }
0xb5: {  	[sflag:s29] =	ssyncadd.s32 $0xFFFFFFFF  }
0xb6: {  	_ =	strace $0x90000057  }
0xb7: {  	_ =	sfence  }
0xb8: {  	s30 =	sld [smem:$0x0];
	_ =	sdelay $0x2  }
0xb9: {  	s31 =	sshll.u32 s1, $0xD;
	s1 =	sshrl.u32 s1, $0x2  }
0xba: {  	s3 =	sand.u32 $0x4000, s31;
	s1 =	sadd.s32 s1, s30  }
0xbb: {  	s0 =	sor.u32 s3, s0;
	s1 =	sshll.u32 s1, $0x11  }
0xbc: {  	s0 =	sor.u32 s1, s0  }
0xbd: {  	s0 =	sadd.s32 $0x8F2B, s0  }
0xbe: {  	[sflag:s0] =	ssyncadd.remote.s32 $0x1  }
0xbf: {  	_ =	sfence.sel $0xFFFF  }
0xc0: {  	[dreg:$0x0] =	wrdreg $0xFFFFFFFF;
	(pc) =	sbr.abs _section_cstart, $3  }
0xc1: {  	[dreg:$0x1] =	wrdreg $0xFFFFFFFF  }
0xc2: {  	_ =	task.clear_ibuf [dreg:s7], $0x2FFFF;
	_ =	strace $0x9FFFFFFF  }
0xc3: {  	(tm) =	ssettm $0x7FFFFFFF  }
tec
execute0_lowered:
.L_overlay_start_1:
0x0: {  	(tag) =	ssettag $0x1  }
0x1: {  	s0 =	rddreg [dreg:$0x0]  }
0x2: {  	s1 =	rddreg [dreg:$0x1]  }
0x3: {  	s2 =	rddreg [dreg:$0x2];
	s3 =	simm.s32 $0x0;
	s4 =	srdreg.scid  }
0x4: {  	s10 =	stileid.u32;
	s28 =	simm.s32 $0x15400;
	s29 =	simm.s32 $0x80  }
0x5: {  	s30 =	simm.s32 $0x14080;
	s31 =	simm.s32 $0x1A800;
	[smem:$0x7FF] =	sst s3  }
0x6: {  	s5 =	sand.u32 $0x1, s4;
	s21 =	sshll.u32 s10, $0x1;
	s7 =	smul.u32 $0x50000, s10  }
0x7: {  	s4 =	sadd.s32 $0xD000, s0;
	s8 =	sadd.s32 $0x3000, s0;
	s17 =	smul.u32 $0x14000, s10  }
0x8: {  	s0 =	sadd.s32 $0x35000, s0;
	s6 =	sor.u32 s5, s21;
	s18 =	smul.u32 $0x140000, s5  }
0x9: {  	_ =	strace $0x80000056;
	s9 =	ssub.s32 $0x2, s5;
	s6 =	smul.u32 $0x2800, s6  }
0xa: {  	s22 =	sshrl.u32 s9, $0x1;
	s7 =	sshrl.u32 s7, $0x2;
	s19 =	sadd.s32 $0x8000, s17  }
0xb: {  	s21 =	sadd.s32 $0xC000, s17;
	s9 =	ssub.s32 s9, s22;
	s5 =	sadd.s32 s7, s2  }
0xc: {  	s10 =	sadd.s32 s18, s17;
	s20 =	sadd.s32 s18, s19;
	s22 =	sadd.s32 s18, s21  }
0xd: {  	s6 =	sshrl.u32 s6, $0x3;
	s26 =	sshrl.u32 s10, $0x3;
	s10 =	sadd.s32 $0x4000, s17  }
0xe: {  	s11 =	smax.u32 s9, $0x1;
	s12 =	sadd.s32 $0x4000, s5;
	s13 =	sadd.s32 $0x8000, s5  }
0xf: {  	s14 =	sadd.s32 $0xC000, s5;
	s15 =	sadd.s32 $0x10000, s5;
	s7 =	sshrl.u32 s20, $0x3  }
0x10: {  	s20 =	sadd.s32 $0x10000, s17;
	s23 =	sadd.s32 s8, s6;
	s24 =	sadd.s32 $0x280, s6  }
0x11: {  	s6 =	sadd.s32 s1, s6;
	s16 =	sadd.s32 s18, s10;
	[dreg:$0x4] =	wrdreg s23  }
0x12: {  	s17 =	sadd.s32 s0, s7;
	s7 =	simm.s32 $0x16780;
	[dreg:$0x5] =	wrdreg s6  }
0x13: {  	s25 =	sadd.s32 s8, s24;
	s1 =	sadd.s32 s1, s24;
	s8 =	sadd.s32 s0, s26  }
0x14: {  	s6 =	sshrl.u32 s16, $0x3;
	s23 =	sshrl.u32 s22, $0x3;
	[dreg:$0x6] =	wrdreg s25  }
0x15: {  	s24 =	sadd.s32 s18, s20;
	s26 =	sadd.s32 s20, s2;
	[dreg:$0x7] =	wrdreg s1  }
0x16: {  	s20 =	simm.s32 $0x16800;
	[dreg:$0x8] =	wrdreg s8;
	s16 =	sadd.s32 s0, s6  }
0x17: {  	s1 =	sadd.s32 s10, s2;
	s6 =	sadd.s32 s19, s2;
	s18 =	sadd.s32 s0, s23  }
0x18: {  	s25 =	sshrl.u32 s24, $0x3;
	s8 =	sadd.s32 s21, s2;
	s21 =	simm.s32 $0x3  }
0x19: {  	s19 =	sadd.s32 s0, s25;
	s22 =	sshrl.u32 s1, $0x3;
	s23 =	sshrl.u32 s6, $0x3  }
0x1a: {  	s24 =	sshrl.u32 s8, $0x3;
	s25 =	sshrl.u32 s26, $0x3;
	s26 =	simm.s32 $0x14000  }
0x1b: {  	v0 =	vimm.f32 $0.0e+00;
	s0 =	simm.s32 $0x1;
	s1 =	simm.s32 $0x2;
	s6 =	simm.s32 $0x16700  }
.LBB2_1:
0x1c: {  	s8 =	simm.s32 $0x0;
	s9 =	simm.s32 $0x200  }
.LBB2_2:
0x1d: {  	p0 =	sne.s32 s9, $0xFE00;
	[tilespmem:s8+$0x16870] =	vst v0  }
0x1e: {  	[tilespmem:s8+$0x16800] =	vst v0  }
0x1f: {  	[tilespmem:s8+$0x16810] =	vst v0  }
.Ltmp0:
0x20: {  	[tilespmem:s8+$0x16820] =	vst v0;
	(pc) =	sbr.rel @p0 .LBB2_2-.Ltmp0, $4  }
0x21: {  	[tilespmem:s8+$0x16830] =	vst v0  }
0x22: {  	[tilespmem:s8+$0x16840] =	vst v0  }
0x23: {  	[tilespmem:s8+$0x16850] =	vst v0  }
0x24: {  	[tilespmem:s8+$0x16860] =	vst v0;
	s8 =	sshra.s32 s9, $0x2;
	s9 =	sadd.s32 $0x200, s9  }
0x25: {  	[tilespmem:s8+$0x16870] =	vst v0  }
0x26: {  	[tilespmem:s8+$0x16800] =	vst v0  }
0x27: {  	[tilespmem:s8+$0x16810] =	vst v0  }
0x28: {  	[tilespmem:s8+$0x16820] =	vst v0  }
0x29: {  	[tilespmem:s8+$0x16830] =	vst v0  }
0x2a: {  	[tilespmem:s8+$0x16840] =	vst v0  }
0x2b: {  	[tilespmem:s8+$0x16850] =	vst v0  }
0x2c: {  	[tilespmem:s8+$0x16860] =	vst v0  }
0x2d: {  	[spmem:s5] =	stream.linear.scatter [tilespmem:s20], [sflag:$0x3], $0x4000, $0x38;
	[tilespmem:$0x1E800] =	vst v63  }
0x2e: {  	_ =	swait.ge [sflag:s21], $0x4000  }
0x2f: {  	[sflag:s21] =	ssyncset.done $0x0  }
0x30: {  	[sflag:s21] =	ssyncadd.s32 $0xFFFFC000  }
0x31: {  	[spmem:s12] =	stream.linear.scatter [tilespmem:s20], [sflag:$0x3], $0x4000, $0x38;
	[tilespmem:$0x1E800] =	vst v63  }
0x32: {  	_ =	swait.ge [sflag:s21], $0x4000  }
0x33: {  	[sflag:s21] =	ssyncset.done $0x0  }
0x34: {  	[sflag:s21] =	ssyncadd.s32 $0xFFFFC000  }
0x35: {  	[spmem:s13] =	stream.linear.scatter [tilespmem:s20], [sflag:$0x3], $0x4000, $0x38;
	[tilespmem:$0x1E800] =	vst v63  }
0x36: {  	_ =	swait.ge [sflag:s21], $0x4000  }
0x37: {  	[sflag:s21] =	ssyncset.done $0x0  }
0x38: {  	[sflag:s21] =	ssyncadd.s32 $0xFFFFC000  }
0x39: {  	[spmem:s14] =	stream.linear.scatter [tilespmem:s20], [sflag:$0x3], $0x4000, $0x38;
	[tilespmem:$0x1E800] =	vst v63  }
0x3a: {  	_ =	swait.ge [sflag:s21], $0x4000  }
0x3b: {  	[sflag:s21] =	ssyncset.done $0x0  }
0x3c: {  	[sflag:s21] =	ssyncadd.s32 $0xFFFFC000  }
0x3d: {  	[spmem:s15] =	stream.linear.scatter [tilespmem:s20], [sflag:$0x3], $0x4000, $0x38;
	[tilespmem:$0x1E800] =	vst v63  }
0x3e: {  	_ =	swait.ge [sflag:s21], $0x4000  }
0x3f: {  	[sflag:s21] =	ssyncset.done $0x0  }
0x40: {  	[sflag:s21] =	ssyncadd.s32 $0xFFFFC000  }
0x41: {  	[bflag:$0x0] =	sbarrier.arrive $0xFFFF  }
0x42: {  	s8 =	simm.s32 $0x0;
	s9 =	rddreg [dreg:$0x4]  }
0x43: {  	[tilespmem:s26], [sflag:$0x3] =	stream.linear.gather [hbm4b:s9+s8], $0x1400, $0x38;
	[tilespmem:$0x1E800] =	vst v63  }
0x44: {  	_ =	swait.ge [sflag:s21], $0x1400  }
0x45: {  	[sflag:s21] =	ssyncset.done $0x0  }
0x46: {  	s10 =	rddreg [dreg:$0x5];
	[sflag:s21] =	ssyncadd.s32 $0xFFFFEC00  }
0x47: {  	[tilespmem:s28], [sflag:$0x3] =	stream.linear.gather [hbm4b:s10+s8], $0x1400, $0x38;
	[tilespmem:$0x1E800] =	vst v63  }
0x48: {  	_ =	swait.ge [sflag:s21], $0x1400  }
0x49: {  	[sflag:s21] =	ssyncset.done $0x0  }
0x4a: {  	[sflag:s21] =	ssyncadd.s32 $0xFFFFEC00  }
0x4b: {  	[tilespmem:s20], [sflag:$0x1] =	stream.indirect.gather [hbm4b:s4+s29], $0x80, s26, s29, $0xb8;
	[tilespmem:$0x1E800] =	vst v63  }
0x4c: {  	_ = 	snop  }
0x4d: {  	[tilespmem:s31], [sflag:$0x2] =	stream.indirect.gather [hbm4b:s4+s29], $0x80, s30, s29, $0xb8;
	[tilespmem:$0x1E800] =	vst v63  }
0x4e: {  	_ =	swait.ge [sflag:s0], $0x4000  }
0x4f: {  	[sflag:s0] =	ssyncset.done $0x0  }
0x50: {  	s10 =	simm.s32 $0x15400;
	[sflag:s0] =	ssyncadd.s32 $0xFFFFC000  }
0x51: {  	[spmem:s2] =	stream.indirect.scatter.add.f32 [tilespmem:s20], [sflag:$0x3], $0x80, s10, s29, $0xb8;
	[tilespmem:$0x1E800] =	vst v63  }
0x52: {  	_ =	swait.ge [sflag:s21], $0x4000  }
0x53: {  	[sflag:s21] =	ssyncset.done $0x0  }
0x54: {  	s9 =	simm.s32 $0x14100;
	[sflag:s21] =	ssyncadd.s32 $0xFFFFC000  }
0x55: {  	[tilespmem:s20], [sflag:$0x1] =	stream.indirect.gather [hbm4b:s4+s29], $0x80, s9, s29, $0xb8;
	[tilespmem:$0x1E800] =	vst v63  }
0x56: {  	_ =	swait.ge [sflag:s1], $0x4000  }
0x57: {  	[sflag:s1] =	ssyncset.done $0x0  }
0x58: {  	s10 =	simm.s32 $0x15480;
	[sflag:s1] =	ssyncadd.s32 $0xFFFFC000  }
0x59: {  	[spmem:s2] =	stream.indirect.scatter.add.f32 [tilespmem:s31], [sflag:$0x3], $0x80, s10, s29, $0xb8;
	[tilespmem:$0x1E800] =	vst v63  }
0x5a: {  	_ =	swait.ge [sflag:s21], $0x4000  }
0x5b: {  	[sflag:s21] =	ssyncset.done $0x0  }
0x5c: {  	s8 =	simm.s32 $0x400;
	s9 =	simm.s32 $0x14180;
	[sflag:s21] =	ssyncadd.s32 $0xFFFFC000  }
.LBB2_4:
0x5d: {  	[tilespmem:s31], [sflag:$0x2] =	stream.indirect.gather [hbm4b:s4+s29], $0x80, s9, s29, $0xb8;
	[tilespmem:$0x1E800] =	vst v63  }
0x5e: {  	s9 =	smov.u32 s8  }
0x5f: {  	p0 =	sne.s32 s8, $0x4800;
	s8 =	sadd.s32 $0x400, s8;
	_ =	swait.ge [sflag:s0], $0x4000  }
0x60: {  	s9 =	sshra.s32 s9, $0x2;
	[sflag:s0] =	ssyncset.done $0x0  }
0x61: {  	s10 =	sadd.s32 $0x15400, s9;
	[sflag:s0] =	ssyncadd.s32 $0xFFFFC000  }
0x62: {  	[spmem:s2] =	stream.indirect.scatter.add.f32 [tilespmem:s20], [sflag:$0x3], $0x80, s10, s29, $0xb8;
	[tilespmem:$0x1E800] =	vst v63  }
0x63: {  	_ =	swait.ge [sflag:s21], $0x4000  }
0x64: {  	[sflag:s21] =	ssyncset.done $0x0  }
0x65: {  	s10 =	sadd.s32 $0x14100, s9;
	[sflag:s21] =	ssyncadd.s32 $0xFFFFC000  }
0x66: {  	[tilespmem:s20], [sflag:$0x1] =	stream.indirect.gather [hbm4b:s4+s29], $0x80, s10, s29, $0xb8;
	[tilespmem:$0x1E800] =	vst v63  }
0x67: {  	_ =	swait.ge [sflag:s1], $0x4000  }
0x68: {  	[sflag:s1] =	ssyncset.done $0x0  }
.Ltmp1:
0x69: {  	s10 =	sadd.s32 $0x15480, s9;
	[sflag:s1] =	ssyncadd.s32 $0xFFFFC000;
	(pc) =	sbr.rel @p0 .LBB2_4-.Ltmp1, $4  }
0x6a: {  	[spmem:s2] =	stream.indirect.scatter.add.f32 [tilespmem:s31], [sflag:$0x3], $0x80, s10, s29, $0xb8;
	[tilespmem:$0x1E800] =	vst v63  }
0x6b: {  	_ =	swait.ge [sflag:s21], $0x4000  }
0x6c: {  	[sflag:s21] =	ssyncset.done $0x0  }
0x6d: {  	s9 =	sadd.s32 $0x14180, s9;
	[sflag:s21] =	ssyncadd.s32 $0xFFFFC000  }
0x6e: {  	[tilespmem:s31], [sflag:$0x2] =	stream.indirect.gather [hbm4b:s4+s29], $0x80, s9, s29, $0xb8;
	[tilespmem:$0x1E800] =	vst v63  }
0x6f: {  	_ =	swait.ge [sflag:s0], $0x4000  }
0x70: {  	[sflag:s0] =	ssyncset.done $0x0  }
0x71: {  	[sflag:s0] =	ssyncadd.s32 $0xFFFFC000  }
0x72: {  	[spmem:s2] =	stream.indirect.scatter.add.f32 [tilespmem:s20], [sflag:$0x3], $0x80, s6, s29, $0xb8;
	[tilespmem:$0x1E800] =	vst v63  }
0x73: {  	_ =	swait.ge [sflag:s21], $0x4000  }
0x74: {  	[sflag:s21] =	ssyncset.done $0x0  }
0x75: {  	[sflag:s21] =	ssyncadd.s32 $0xFFFFC000  }
0x76: {  	_ =	swait.ge [sflag:s1], $0x4000  }
0x77: {  	[sflag:s1] =	ssyncset.done $0x0  }
0x78: {  	[sflag:s1] =	ssyncadd.s32 $0xFFFFC000  }
0x79: {  	[spmem:s2] =	stream.indirect.scatter.add.f32 [tilespmem:s31], [sflag:$0x3], $0x80, s7, s29, $0xb8;
	[tilespmem:$0x1E800] =	vst v63  }
0x7a: {  	_ =	swait.ge [sflag:s21], $0x4000  }
0x7b: {  	[sflag:s21] =	ssyncset.done $0x0  }
0x7c: {  	s8 =	simm.s32 $0x0;
	s10 =	rddreg [dreg:$0x6];
	[sflag:s21] =	ssyncadd.s32 $0xFFFFC000  }
0x7d: {  	[tilespmem:s26], [sflag:$0x3] =	stream.linear.gather [hbm4b:s10+s8], $0x1400, $0x38;
	[tilespmem:$0x1E800] =	vst v63  }
0x7e: {  	_ =	swait.ge [sflag:s21], $0x1400  }
0x7f: {  	[sflag:s21] =	ssyncset.done $0x0  }
0x80: {  	s10 =	rddreg [dreg:$0x7];
	[sflag:s21] =	ssyncadd.s32 $0xFFFFEC00  }
0x81: {  	[tilespmem:s28], [sflag:$0x3] =	stream.linear.gather [hbm4b:s10+s8], $0x1400, $0x38;
	[tilespmem:$0x1E800] =	vst v63  }
0x82: {  	_ =	swait.ge [sflag:s21], $0x1400  }
0x83: {  	[sflag:s21] =	ssyncset.done $0x0  }
0x84: {  	[sflag:s21] =	ssyncadd.s32 $0xFFFFEC00  }
0x85: {  	[tilespmem:s20], [sflag:$0x1] =	stream.indirect.gather [hbm4b:s4+s29], $0x80, s26, s29, $0xb8;
	[tilespmem:$0x1E800] =	vst v63  }
0x86: {  	_ = 	snop  }
0x87: {  	[tilespmem:s31], [sflag:$0x2] =	stream.indirect.gather [hbm4b:s4+s29], $0x80, s30, s29, $0xb8;
	[tilespmem:$0x1E800] =	vst v63  }
0x88: {  	_ =	swait.ge [sflag:s0], $0x4000  }
0x89: {  	[sflag:s0] =	ssyncset.done $0x0  }
0x8a: {  	s10 =	simm.s32 $0x15400;
	[sflag:s0] =	ssyncadd.s32 $0xFFFFC000  }
0x8b: {  	[spmem:s2] =	stream.indirect.scatter.add.f32 [tilespmem:s20], [sflag:$0x3], $0x80, s10, s29, $0xb8;
	[tilespmem:$0x1E800] =	vst v63  }
0x8c: {  	_ =	swait.ge [sflag:s21], $0x4000  }
0x8d: {  	[sflag:s21] =	ssyncset.done $0x0  }
0x8e: {  	s9 =	simm.s32 $0x14100;
	[sflag:s21] =	ssyncadd.s32 $0xFFFFC000  }
0x8f: {  	[tilespmem:s20], [sflag:$0x1] =	stream.indirect.gather [hbm4b:s4+s29], $0x80, s9, s29, $0xb8;
	[tilespmem:$0x1E800] =	vst v63  }
0x90: {  	_ =	swait.ge [sflag:s1], $0x4000  }
0x91: {  	[sflag:s1] =	ssyncset.done $0x0  }
0x92: {  	s10 =	simm.s32 $0x15480;
	[sflag:s1] =	ssyncadd.s32 $0xFFFFC000  }
0x93: {  	[spmem:s2] =	stream.indirect.scatter.add.f32 [tilespmem:s31], [sflag:$0x3], $0x80, s10, s29, $0xb8;
	[tilespmem:$0x1E800] =	vst v63  }
0x94: {  	_ =	swait.ge [sflag:s21], $0x4000  }
0x95: {  	[sflag:s21] =	ssyncset.done $0x0  }
0x96: {  	s8 =	simm.s32 $0x400;
	s9 =	simm.s32 $0x14180;
	[sflag:s21] =	ssyncadd.s32 $0xFFFFC000  }
.LBB2_6:
0x97: {  	[tilespmem:s31], [sflag:$0x2] =	stream.indirect.gather [hbm4b:s4+s29], $0x80, s9, s29, $0xb8;
	[tilespmem:$0x1E800] =	vst v63  }
0x98: {  	s9 =	smov.u32 s8  }
0x99: {  	p0 =	sne.s32 s8, $0x4800;
	s8 =	sadd.s32 $0x400, s8;
	_ =	swait.ge [sflag:s0], $0x4000  }
0x9a: {  	s9 =	sshra.s32 s9, $0x2;
	[sflag:s0] =	ssyncset.done $0x0  }
0x9b: {  	s10 =	sadd.s32 $0x15400, s9;
	[sflag:s0] =	ssyncadd.s32 $0xFFFFC000  }
0x9c: {  	[spmem:s2] =	stream.indirect.scatter.add.f32 [tilespmem:s20], [sflag:$0x3], $0x80, s10, s29, $0xb8;
	[tilespmem:$0x1E800] =	vst v63  }
0x9d: {  	_ =	swait.ge [sflag:s21], $0x4000  }
0x9e: {  	[sflag:s21] =	ssyncset.done $0x0  }
0x9f: {  	s10 =	sadd.s32 $0x14100, s9;
	[sflag:s21] =	ssyncadd.s32 $0xFFFFC000  }
0xa0: {  	[tilespmem:s20], [sflag:$0x1] =	stream.indirect.gather [hbm4b:s4+s29], $0x80, s10, s29, $0xb8;
	[tilespmem:$0x1E800] =	vst v63  }
0xa1: {  	_ =	swait.ge [sflag:s1], $0x4000  }
0xa2: {  	[sflag:s1] =	ssyncset.done $0x0  }
.Ltmp2:
0xa3: {  	s10 =	sadd.s32 $0x15480, s9;
	[sflag:s1] =	ssyncadd.s32 $0xFFFFC000;
	(pc) =	sbr.rel @p0 .LBB2_6-.Ltmp2, $4  }
0xa4: {  	[spmem:s2] =	stream.indirect.scatter.add.f32 [tilespmem:s31], [sflag:$0x3], $0x80, s10, s29, $0xb8;
	[tilespmem:$0x1E800] =	vst v63  }
0xa5: {  	_ =	swait.ge [sflag:s21], $0x4000  }
0xa6: {  	[sflag:s21] =	ssyncset.done $0x0  }
0xa7: {  	s9 =	sadd.s32 $0x14180, s9;
	[sflag:s21] =	ssyncadd.s32 $0xFFFFC000  }
0xa8: {  	[tilespmem:s31], [sflag:$0x2] =	stream.indirect.gather [hbm4b:s4+s29], $0x80, s9, s29, $0xb8;
	[tilespmem:$0x1E800] =	vst v63  }
0xa9: {  	_ =	swait.ge [sflag:s0], $0x4000  }
0xaa: {  	[sflag:s0] =	ssyncset.done $0x0  }
0xab: {  	[sflag:s0] =	ssyncadd.s32 $0xFFFFC000  }
0xac: {  	[spmem:s2] =	stream.indirect.scatter.add.f32 [tilespmem:s20], [sflag:$0x3], $0x80, s6, s29, $0xb8;
	[tilespmem:$0x1E800] =	vst v63  }
0xad: {  	_ =	swait.ge [sflag:s21], $0x4000  }
0xae: {  	[sflag:s21] =	ssyncset.done $0x0  }
0xaf: {  	[sflag:s21] =	ssyncadd.s32 $0xFFFFC000  }
0xb0: {  	_ =	swait.ge [sflag:s1], $0x4000  }
0xb1: {  	[sflag:s1] =	ssyncset.done $0x0  }
0xb2: {  	[sflag:s1] =	ssyncadd.s32 $0xFFFFC000  }
0xb3: {  	[spmem:s2] =	stream.indirect.scatter.add.f32 [tilespmem:s31], [sflag:$0x3], $0x80, s7, s29, $0xb8;
	[tilespmem:$0x1E800] =	vst v63  }
0xb4: {  	_ =	swait.ge [sflag:s21], $0x4000  }
0xb5: {  	[sflag:s21] =	ssyncset.done $0x0  }
0xb6: {  	s8 =	stileid.u32;
	[sflag:s21] =	ssyncadd.s32 $0xFFFFC000  }
0xb7: {  	s8 =	sshll.u32 s8, $0x6;
	[bflag:$0x0] =	sbarrier.arrive $0xFFFF  }
0xb8: {  	s9 =	sshrl.u32 s5, $0x3;
	s8 =	sor.u32 $0x1C03, s8;
	s10 =	rddreg [dreg:$0x8]  }
0xb9: {  	[hbm:s10], [sflag:s8] =	dma.local [spmem:s9], $0x800  }
0xba: {  	_ =	swait.ge [sflag:s21], $0x800  }
0xbb: {  	[sflag:s21] =	ssyncset.done $0x0  }
0xbc: {  	[sflag:s21] =	ssyncadd.s32 $0xFFFFF800  }
0xbd: {  	[hbm:s16], [sflag:s8] =	dma.local [spmem:s22], $0x800  }
0xbe: {  	_ =	swait.ge [sflag:s21], $0x800  }
0xbf: {  	[sflag:s21] =	ssyncset.done $0x0  }
0xc0: {  	[sflag:s21] =	ssyncadd.s32 $0xFFFFF800  }
0xc1: {  	[hbm:s17], [sflag:s8] =	dma.local [spmem:s23], $0x800  }
0xc2: {  	_ =	swait.ge [sflag:s21], $0x800  }
0xc3: {  	[sflag:s21] =	ssyncset.done $0x0  }
0xc4: {  	[sflag:s21] =	ssyncadd.s32 $0xFFFFF800  }
0xc5: {  	[hbm:s18], [sflag:s8] =	dma.local [spmem:s24], $0x800  }
0xc6: {  	s3 =	sadd.s32 $0x1, s3;
	_ =	swait.ge [sflag:s21], $0x800  }
0xc7: {  	p0 =	sne.s32 s3, s11;
	[sflag:s21] =	ssyncset.done $0x0  }
.Ltmp3:
0xc8: {  	[sflag:s21] =	ssyncadd.s32 $0xFFFFF800;
	(pc) =	sbr.rel @p0 .LBB2_1-.Ltmp3, $4  }
0xc9: {  	[hbm:s19], [sflag:s8] =	dma.local [spmem:s25], $0x800  }
0xca: {  	_ =	swait.ge [sflag:s21], $0x800  }
0xcb: {  	[sflag:s21] =	ssyncset.done $0x0  }
0xcc: {  	[sflag:s21] =	ssyncadd.s32 $0xFFFFF800  }
0xcd: {  	_ =	sfence.sel $0x180000  }
0xce: {  	[bflag:$0x0] =	sbarrier.arrive $0xFFFF  }
0xcf: {  	_ =	strace $0x90000056  }
0xd0: {  	s0 =	stileid.u32;
	[bflag:$0x2] =	sbarrier.arrive $0xFFFF  }
0xd1: {  	p0 =	sne.s32 s0, $0x0;
	s0 =	rddreg [dreg:$0x3]  }
0xd2: {  	s0 =	sadd.s32 @!p0 $0x100000, s0  }
0xd3: {  	[sflag:s0] =	ssyncadd.tile.s32 @!p0 $0x1;
	_ =	shalt  }
.Lfunc_end2:
_tile_overlayer_lowered:
.L_overlay_start_2:
0xd4: {  	(tag) =	ssettag $0x2  }
0xd5: {  	s0 =	rddreg [dreg:$0x0];
	s2 =	stileid.u32  }
0xd6: {  	s1 =	rddreg [dreg:$0x1];
	p0 =	sne.s32 s2, $0x0  }
0xd7: {  	s3 =	rddreg [dreg:$0x2];
	[bflag:$0x3] =	sbarrier.arrive $0xFFFF;
	s2 =	simm.s32 @!p0 $0x1C03  }
0xd8: {  	[timem:s3], [sflag:s2] =	dma.local @!p0 [hbm:s0], s1  }
0xd9: {  	s0 =	simm.s32 @!p0 $0x3  }
0xda: {  	_ =	swait.ge @!p0 [sflag:s0], s1  }
0xdb: {  	s1 =	ssub.s32 @!p0 $0x0, s1;
	[sflag:s0] =	ssyncset.done @!p0 $0x0  }
0xdc: {  	[sflag:s0] =	ssyncadd.s32 @!p0 s1  }
0xdd: {  	[bflag:$0x3] =	sbarrier.arrive $0xFFFF  }
0xde: {  	_ =	shalt  }

</sc_bundles>
